<compile_context>
chip_gen: v7x
topology: tpu7x:2x2x1
jax: 0.10.2.dev20260603
libtpu: 0.0.44.dev20260713+nightly
codegen_flags: <defaults>
</compile_context>

<pallas_src>
import functools

import jax
import jax.numpy as jnp
from jax import lax
from jax.experimental import pallas as pl
from jax.experimental.pallas import tpu as pltpu
from jax.experimental.pallas import tpu_sc as plsc

B, T, F = 1024, 50, 26
VOCAB, D = 1000, 16
L = 16
FH = F // 2
TH = T // 2
KH = FH * D
NG = 128 // L


def _make_gather():
    mesh = plsc.VectorSubcoreMesh(core_axis_name="c", subcore_axis_name="s")

    @functools.partial(
        pl.kernel,
        mesh=mesh,
        out_type=jax.ShapeDtypeStruct((T, F * D, B), jnp.float32),
        scratch_types=[
            pltpu.VMEM((VOCAB * D,), jnp.float32),
            pltpu.VMEM((FH, 128), jnp.int32),
            pltpu.VMEM((FH, 128), jnp.int32),
            pltpu.VMEM((KH, 128), jnp.float32),
            pltpu.VMEM((KH, 128), jnp.float32),
            pltpu.SemaphoreType.DMA,
            pltpu.SemaphoreType.DMA,
            pltpu.SemaphoreType.DMA,
            pltpu.SemaphoreType.DMA,
            pltpu.SemaphoreType.DMA,
        ],
        compiler_params=pltpu.CompilerParams(use_tc_tiling_on_sc=True,
                                             needs_layout_passes=False),
    )
    def gather_kernel(x_hbm, table_hbm, out_hbm, table_v, xin0, xin1,
                      slab0, slab1, tsem, isem0, isem1, wsem0, wsem1):
        wid = lax.axis_index("s") * 2 + lax.axis_index("c")
        bt = lax.rem(wid, 8)
        kh = lax.rem(wid // 8, 2)
        tg = wid // 16
        bq = bt * 128
        f0 = kh * FH
        k0 = kh * KH
        t0 = tg * TH
        xins = (xin0, xin1)
        slabs = (slab0, slab1)
        isems = (isem0, isem1)
        wsems = (wsem0, wsem1)

        def stage_in(t, u):
            return pltpu.async_copy(
                x_hbm.at[pl.ds(f0, FH), t, pl.ds(bq, 128)], xins[u],
                isems[u])

        def stage_out(t, u):
            return pltpu.async_copy(
                slabs[u], out_hbm.at[t, pl.ds(k0, KH), pl.ds(bq, 128)],
                wsems[u])

        tcopy = pltpu.async_copy(table_hbm, table_v, tsem)
        icopies = [stage_in(t0 + u, u) for u in range(2)]
        tcopy.wait()

        def gather_t(xin, slab):
            @plsc.parallel_loop(0, FH * NG, unroll=2)
            def unit(m):
                f = m >> 3
                g = lax.rem(m, NG)
                a0 = xin[f, pl.ds(g * L, L)] * D
                for c in range(D):
                    slab[f * D + c, pl.ds(g * L, L)] = (
                        plsc.load_gather(table_v, [a0 + c]))

        for u in range(2):
            icopies[u].wait()
            gather_t(xins[u], slabs[u])
            stage_in(t0 + u + 2, u)
            stage_out(t0 + u, u)

        def pair(i, carry):
            for u in range(2):
                t = t0 + 2 * i + u
                pltpu.make_async_copy(
                    slabs[u], out_hbm.at[t, pl.ds(k0, KH), pl.ds(bq, 128)],
                    wsems[u]).wait()
                pltpu.make_async_copy(
                    x_hbm.at[pl.ds(f0, FH), t, pl.ds(bq, 128)], xins[u],
                    isems[u]).wait()
                gather_t(xins[u], slabs[u])
                stage_in(t0 + lax.rem(2 * i + u + 2, TH), u)
                stage_out(t, u)
            return carry

        lax.fori_loop(1, TH // 2, pair, 0)

        tl = t0 + TH - 1
        pltpu.make_async_copy(
            slabs[0], out_hbm.at[tl, pl.ds(k0, KH), pl.ds(bq, 128)],
            wsems[0]).wait()
        pltpu.make_async_copy(
            x_hbm.at[pl.ds(f0, FH), tl, pl.ds(bq, 128)], xins[0],
            isems[0]).wait()
        gather_t(xins[0], slabs[0])
        stage_out(tl, 0)

        for u in range(2):
            pltpu.make_async_copy(
                slabs[u], out_hbm.at[t0, pl.ds(k0, KH), pl.ds(bq, 128)],
                wsems[u]).wait()
        pltpu.make_async_copy(
            x_hbm.at[pl.ds(f0, FH), t0, pl.ds(bq, 128)], xins[1],
            isems[1]).wait()

    return gather_kernel


_gather = _make_gather()


def kernel(x, vec_of_char):
    xt = jnp.transpose(x, (2, 1, 0))
    out_t = _gather(xt, vec_of_char.reshape(VOCAB * D))
    return jnp.transpose(out_t, (2, 0, 1))

# --- scband reference (transcript-rebuilt; emitter-appended) ---
"""Pipeline reference for scband-char-to-vector-layer1-26233660244450 (READ-ONLY COPY).

The authoritative reference and input builder live on the scoring server;
editing this copy changes nothing except your own understanding.
"""

import jax, jax.numpy as jnp
import numpy as np

B, T, F = 1024, 50, 26
VOCAB, D = 1000, 16

def setup_inputs(seed: int = 0) -> dict:
    key = jax.random.key(seed)
    k1, k2 = jax.random.split(key)
    x = jax.random.randint(k1, (B, T, F), 0, VOCAB, dtype=jnp.int64 if jax.config.jax_enable_x64 else jnp.int32)
    vec_of_char = jax.random.normal(k2, (VOCAB, D), dtype=jnp.float32)
    return {"x": x, "vec_of_char": vec_of_char}

def reference(x, vec_of_char):
    # Original torch module: for each (batch, timestep), gather the char vector
    # for each of the F feature indices and concatenate along the feature axis,
    # producing [B, T, F*D]. Equivalent to a gather + reshape.
    gathered = jnp.take(vec_of_char, x, axis=0)  # [B, T, F, D]
    out = gathered.reshape(x.shape[0], x.shape[1], x.shape[2] * vec_of_char.shape[1])
    return out

if __name__ == "__main__":
    import jax
    _d = setup_inputs()
    print(jax.jit(kernel)(*tuple(_d.values())))

</pallas_src>

<mosaic_0001>
#map = affine_map<(d0, d1) -> (0, 0, 0)>
#map1 = affine_map<(d0, d1) -> (0)>
module attributes {stable_mosaic.version = 14 : i64} {
  func.func @gather_kernel(%arg0: i32, %arg1: i32, %arg2: memref<26x50x1024xi32, #tpu.memory_space<hbm>>, %arg3: memref<16000xf32, #tpu.memory_space<hbm>>, %arg4: memref<50x416x1024xf32, #tpu.memory_space<hbm>>, %arg5: memref<16000xf32, #tpu.memory_space<vmem>>, %arg6: memref<13x128xi32, #tpu.memory_space<vmem>>, %arg7: memref<13x128xi32, #tpu.memory_space<vmem>>, %arg8: memref<208x128xf32, #tpu.memory_space<vmem>>, %arg9: memref<208x128xf32, #tpu.memory_space<vmem>>, %arg10: memref<!tpu.dma_semaphore, #tpu.memory_space<semaphore_mem>>, %arg11: memref<!tpu.dma_semaphore, #tpu.memory_space<semaphore_mem>>, %arg12: memref<!tpu.dma_semaphore, #tpu.memory_space<semaphore_mem>>, %arg13: memref<!tpu.dma_semaphore, #tpu.memory_space<semaphore_mem>>, %arg14: memref<!tpu.dma_semaphore, #tpu.memory_space<semaphore_mem>>) attributes {dimension_semantics = [#tpu.dimension_semantics<core_parallel>, #tpu.dimension_semantics<subcore_parallel>], iteration_bounds = array<i64: 2, 16>, scalar_prefetch = 0 : i64, scratch_operands = 10 : i64, tpu.core_type = #tpu.core_type<sc_vector_subcore>, window_params = [{transform_indices = #map}, {transform_indices = #map1}, {transform_indices = #map}]} {
    %mul3A = arith.constant 2 : i32
    %mul3A_0 = arith.muli %arg1, %mul3A : i32
    %add3A = arith.addi %mul3A_0, %arg0 : i32
    %rem3A = arith.constant 8 : i32
    %rem3A_1 = arith.remsi %add3A, %rem3A : i32
    %jit3A = arith.constant 8 : i32
    %div3A = arith.divsi %add3A, %jit3A : i32
    %sign3A = arith.constant 0 : i32
    %sign3A_2 = arith.cmpi sgt, %add3A, %sign3A : i32
    %sign3A_3 = arith.extui %sign3A_2 : i1 to i32
    %sign3A_4 = arith.constant 0 : i32
    %sign3A_5 = arith.cmpi slt, %add3A, %sign3A_4 : i32
    %sign3A_6 = arith.extui %sign3A_5 : i1 to i32
    %sign3A_7 = arith.subi %sign3A_3, %sign3A_6 : i32
    %sign3A_8 = arith.constant 0 : i32
    %sign3A_9 = arith.cmpi sgt, %jit3A, %sign3A_8 : i32
    %sign3A_10 = arith.extui %sign3A_9 : i1 to i32
    %sign3A_11 = arith.constant 0 : i32
    %sign3A_12 = arith.cmpi slt, %jit3A, %sign3A_11 : i32
    %sign3A_13 = arith.extui %sign3A_12 : i1 to i32
    %sign3A_14 = arith.subi %sign3A_10, %sign3A_13 : i32
    %ne3A = arith.cmpi ne, %sign3A_7, %sign3A_14 : i32
    %rem3A_15 = arith.remsi %add3A, %jit3A : i32
    %ne3A_16 = arith.constant 0 : i32
    %ne3A_17 = arith.cmpi ne, %rem3A_15, %ne3A_16 : i32
    %and3A = arith.andi %ne3A, %ne3A_17 : i1
    %sub3A = arith.constant 1 : i32
    %sub3A_18 = arith.subi %div3A, %sub3A : i32
    %select_n3A = arith.select %and3A, %sub3A_18, %div3A : i32
    %rem3A_19 = arith.constant 2 : i32
    %rem3A_20 = arith.remsi %select_n3A, %rem3A_19 : i32
    %jit3A_21 = arith.constant 16 : i32
    %div3A_22 = arith.divsi %add3A, %jit3A_21 : i32
    %sign3A_23 = arith.constant 0 : i32
    %sign3A_24 = arith.cmpi sgt, %add3A, %sign3A_23 : i32
    %sign3A_25 = arith.extui %sign3A_24 : i1 to i32
    %sign3A_26 = arith.constant 0 : i32
    %sign3A_27 = arith.cmpi slt, %add3A, %sign3A_26 : i32
    %sign3A_28 = arith.extui %sign3A_27 : i1 to i32
    %sign3A_29 = arith.subi %sign3A_25, %sign3A_28 : i32
    %sign3A_30 = arith.constant 0 : i32
    %sign3A_31 = arith.cmpi sgt, %jit3A_21, %sign3A_30 : i32
    %sign3A_32 = arith.extui %sign3A_31 : i1 to i32
    %sign3A_33 = arith.constant 0 : i32
    %sign3A_34 = arith.cmpi slt, %jit3A_21, %sign3A_33 : i32
    %sign3A_35 = arith.extui %sign3A_34 : i1 to i32
    %sign3A_36 = arith.subi %sign3A_32, %sign3A_35 : i32
    %ne3A_37 = arith.cmpi ne, %sign3A_29, %sign3A_36 : i32
    %rem3A_38 = arith.remsi %add3A, %jit3A_21 : i32
    %ne3A_39 = arith.constant 0 : i32
    %ne3A_40 = arith.cmpi ne, %rem3A_38, %ne3A_39 : i32
    %and3A_41 = arith.andi %ne3A_37, %ne3A_40 : i1
    %sub3A_42 = arith.constant 1 : i32
    %sub3A_43 = arith.subi %div3A_22, %sub3A_42 : i32
    %select_n3A_44 = arith.select %and3A_41, %sub3A_43, %div3A_22 : i32
    %mul3A_45 = arith.constant 128 : i32
    %mul3A_46 = arith.muli %rem3A_1, %mul3A_45 : i32
    %mul3A_47 = arith.constant 13 : i32
    %mul3A_48 = arith.muli %rem3A_20, %mul3A_47 : i32
    %mul3A_49 = arith.constant 208 : i32
    %mul3A_50 = arith.muli %rem3A_20, %mul3A_49 : i32
    %mul3A_51 = arith.constant 25 : i32
    %mul3A_52 = arith.muli %select_n3A_44, %mul3A_51 : i32
    tpu.enqueue_dma source(%arg3 : memref<16000xf32, #tpu.memory_space<hbm>>) target(%arg5 : memref<16000xf32, #tpu.memory_space<vmem>>) target_semaphore(%arg10 : memref<!tpu.dma_semaphore, #tpu.memory_space<semaphore_mem>>)
    %add3A_53 = arith.constant 0 : i32
    %add3A_54 = arith.addi %mul3A_52, %add3A_53 : i32
    %dma_start3A = tpu.memref_slice %arg2[%mul3A_48, %add3A_54, %mul3A_46] : memref<26x50x1024xi32, #tpu.memory_space<hbm>> -> memref<13x1x128xi32, #tpu.memory_space<hbm>>
    %dma_start3A_55 = tpu.memref_squeeze %dma_start3A : memref<13x1x128xi32, #tpu.memory_space<hbm>> -> memref<13x128xi32, #tpu.memory_space<hbm>>
    %dma_start3A_56 = tpu.memref_slice %arg2[%mul3A_48, %add3A_54, %mul3A_46] : memref<26x50x1024xi32, #tpu.memory_space<hbm>> -> memref<13x1x128xi32, #tpu.memory_space<hbm>>
    %dma_start3A_57 = tpu.memref_squeeze %dma_start3A_56 : memref<13x1x128xi32, #tpu.memory_space<hbm>> -> memref<13x128xi32, #tpu.memory_space<hbm>>
    tpu.enqueue_dma source(%dma_start3A_57 : memref<13x128xi32, #tpu.memory_space<hbm>>) target(%arg6 : memref<13x128xi32, #tpu.memory_space<vmem>>) target_semaphore(%arg11 : memref<!tpu.dma_semaphore, #tpu.memory_space<semaphore_mem>>)
    %add3A_58 = arith.constant 1 : i32
    %add3A_59 = arith.addi %mul3A_52, %add3A_58 : i32
    %dma_start3A_60 = tpu.memref_slice %arg2[%mul3A_48, %add3A_59, %mul3A_46] : memref<26x50x1024xi32, #tpu.memory_space<hbm>> -> memref<13x1x128xi32, #tpu.memory_space<hbm>>
    %dma_start3A_61 = tpu.memref_squeeze %dma_start3A_60 : memref<13x1x128xi32, #tpu.memory_space<hbm>> -> memref<13x128xi32, #tpu.memory_space<hbm>>
    %dma_start3A_62 = tpu.memref_slice %arg2[%mul3A_48, %add3A_59, %mul3A_46] : memref<26x50x1024xi32, #tpu.memory_space<hbm>> -> memref<13x1x128xi32, #tpu.memory_space<hbm>>
    %dma_start3A_63 = tpu.memref_squeeze %dma_start3A_62 : memref<13x1x128xi32, #tpu.memory_space<hbm>> -> memref<13x128xi32, #tpu.memory_space<hbm>>
    tpu.enqueue_dma source(%dma_start3A_63 : memref<13x128xi32, #tpu.memory_space<hbm>>) target(%arg7 : memref<13x128xi32, #tpu.memory_space<vmem>>) target_semaphore(%arg12 : memref<!tpu.dma_semaphore, #tpu.memory_space<semaphore_mem>>)
    tpu.wait_dma2 semaphore(%arg10 : memref<!tpu.dma_semaphore, #tpu.memory_space<semaphore_mem>>) src(%arg3 : memref<16000xf32, #tpu.memory_space<hbm>>) dst(%arg5 : memref<16000xf32, #tpu.memory_space<vmem>>)
    %dma_wait3A = tpu.memref_slice %arg2[%mul3A_48, %add3A_54, %mul3A_46] : memref<26x50x1024xi32, #tpu.memory_space<hbm>> -> memref<13x1x128xi32, #tpu.memory_space<hbm>>
    %dma_wait3A_64 = tpu.memref_squeeze %dma_wait3A : memref<13x1x128xi32, #tpu.memory_space<hbm>> -> memref<13x128xi32, #tpu.memory_space<hbm>>
    %dma_wait3A_65 = tpu.memref_slice %arg2[%mul3A_48, %add3A_54, %mul3A_46] : memref<26x50x1024xi32, #tpu.memory_space<hbm>> -> memref<13x1x128xi32, #tpu.memory_space<hbm>>
    %dma_wait3A_66 = tpu.memref_squeeze %dma_wait3A_65 : memref<13x1x128xi32, #tpu.memory_space<hbm>> -> memref<13x128xi32, #tpu.memory_space<hbm>>
    tpu.wait_dma2 semaphore(%arg11 : memref<!tpu.dma_semaphore, #tpu.memory_space<semaphore_mem>>) src(%dma_wait3A_66 : memref<13x128xi32, #tpu.memory_space<hbm>>) dst(%arg6 : memref<13x128xi32, #tpu.memory_space<vmem>>)
    %parallel_loop3A = arith.constant 0 : i32
    %parallel_loop3A_67 = arith.constant 104 : i32
    %parallel_loop3A_68 = arith.constant 1 : i32
    scf.for %parallel_loop3A_140 = %parallel_loop3A to %parallel_loop3A_67 step %parallel_loop3A_68  : i32 {
      %parallel_loop3A_141 = arith.constant 3 : i32
      %parallel_loop3A_142 = arith.shrsi %parallel_loop3A_140, %parallel_loop3A_141 : i32
      %parallel_loop3A_143 = arith.constant 8 : i32
      %parallel_loop3A_144 = arith.remsi %parallel_loop3A_140, %parallel_loop3A_143 : i32
      %parallel_loop3A_145 = arith.constant 16 : i32
      %parallel_loop3A_146 = arith.muli %parallel_loop3A_144, %parallel_loop3A_145 : i32
      %parallel_loop3A_147 = arith.index_cast %parallel_loop3A_142 : i32 to index
      %parallel_loop3A_148 = arith.index_cast %parallel_loop3A_146 : i32 to index
      %parallel_loop3A_149 = tpu.vector_load %arg6[%parallel_loop3A_147, %parallel_loop3A_148] {strides = array<i32>} : memref<13x128xi32, #tpu.memory_space<vmem>>, vector<16xi32>,
      %parallel_loop3A_150 = arith.constant 16 : i32
      %parallel_loop3A_151 = vector.broadcast %parallel_loop3A_150 : i32 to vector<16xi32>
      %parallel_loop3A_152 = arith.muli %parallel_loop3A_149, %parallel_loop3A_151 : vector<16xi32>
      %parallel_loop3A_153 = arith.constant 0 : i32
      %parallel_loop3A_154 = vector.broadcast %parallel_loop3A_153 : i32 to vector<16xi32>
      %parallel_loop3A_155 = arith.addi %parallel_loop3A_152, %parallel_loop3A_154 : vector<16xi32>
      %parallel_loop3A_156 = tpu.vector_load_idx %arg5[%parallel_loop3A_155] : memref<16000xf32, #tpu.memory_space<vmem>>[vector<16xi32>], vector<16xf32>,
      %parallel_loop3A_157 = arith.constant 16 : i32
      %parallel_loop3A_158 = arith.muli %parallel_loop3A_142, %parallel_loop3A_157 : i32
      %parallel_loop3A_159 = arith.constant 0 : i32
      %parallel_loop3A_160 = arith.addi %parallel_loop3A_158, %parallel_loop3A_159 : i32
      %parallel_loop3A_161 = arith.constant 16 : i32
      %parallel_loop3A_162 = arith.muli %parallel_loop3A_144, %parallel_loop3A_161 : i32
      %parallel_loop3A_163 = arith.index_cast %parallel_loop3A_160 : i32 to index
      %parallel_loop3A_164 = arith.index_cast %parallel_loop3A_162 : i32 to index
      %parallel_loop3A_165 = tpu.vector_load %arg8[%parallel_loop3A_163, %parallel_loop3A_164] {strides = array<i32>} : memref<208x128xf32, #tpu.memory_space<vmem>>, vector<16xf32>,
      tpu.vector_store %arg8[%parallel_loop3A_163, %parallel_loop3A_164], %parallel_loop3A_156 {strides = array<i32>} : memref<208x128xf32, #tpu.memory_space<vmem>>, vector<16xf32>,
      %parallel_loop3A_166 = arith.constant 1 : i32
      %parallel_loop3A_167 = vector.broadcast %parallel_loop3A_166 : i32 to vector<16xi32>
      %parallel_loop3A_168 = arith.addi %parallel_loop3A_152, %parallel_loop3A_167 : vector<16xi32>
      %parallel_loop3A_169 = tpu.vector_load_idx %arg5[%parallel_loop3A_168] : memref<16000xf32, #tpu.memory_space<vmem>>[vector<16xi32>], vector<16xf32>,
      %parallel_loop3A_170 = arith.constant 16 : i32
      %parallel_loop3A_171 = arith.muli %parallel_loop3A_142, %parallel_loop3A_170 : i32
      %parallel_loop3A_172 = arith.constant 1 : i32
      %parallel_loop3A_173 = arith.addi %parallel_loop3A_171, %parallel_loop3A_172 : i32
      %parallel_loop3A_174 = arith.constant 16 : i32
      %parallel_loop3A_175 = arith.muli %parallel_loop3A_144, %parallel_loop3A_174 : i32
      %parallel_loop3A_176 = arith.index_cast %parallel_loop3A_173 : i32 to index
      %parallel_loop3A_177 = arith.index_cast %parallel_loop3A_175 : i32 to index
      %parallel_loop3A_178 = tpu.vector_load %arg8[%parallel_loop3A_176, %parallel_loop3A_177] {strides = array<i32>} : memref<208x128xf32, #tpu.memory_space<vmem>>, vector<16xf32>,
      tpu.vector_store %arg8[%parallel_loop3A_176, %parallel_loop3A_177], %parallel_loop3A_169 {strides = array<i32>} : memref<208x128xf32, #tpu.memory_space<vmem>>, vector<16xf32>,
      %parallel_loop3A_179 = arith.constant 2 : i32
      %parallel_loop3A_180 = vector.broadcast %parallel_loop3A_179 : i32 to vector<16xi32>
      %parallel_loop3A_181 = arith.addi %parallel_loop3A_152, %parallel_loop3A_180 : vector<16xi32>
      %parallel_loop3A_182 = tpu.vector_load_idx %arg5[%parallel_loop3A_181] : memref<16000xf32, #tpu.memory_space<vmem>>[vector<16xi32>], vector<16xf32>,
      %parallel_loop3A_183 = arith.constant 16 : i32
      %parallel_loop3A_184 = arith.muli %parallel_loop3A_142, %parallel_loop3A_183 : i32
      %parallel_loop3A_185 = arith.constant 2 : i32
      %parallel_loop3A_186 = arith.addi %parallel_loop3A_184, %parallel_loop3A_185 : i32
      %parallel_loop3A_187 = arith.constant 16 : i32
      %parallel_loop3A_188 = arith.muli %parallel_loop3A_144, %parallel_loop3A_187 : i32
      %parallel_loop3A_189 = arith.index_cast %parallel_loop3A_186 : i32 to index
      %parallel_loop3A_190 = arith.index_cast %parallel_loop3A_188 : i32 to index
      %parallel_loop3A_191 = tpu.vector_load %arg8[%parallel_loop3A_189, %parallel_loop3A_190] {strides = array<i32>} : memref<208x128xf32, #tpu.memory_space<vmem>>, vector<16xf32>,
      tpu.vector_store %arg8[%parallel_loop3A_189, %parallel_loop3A_190], %parallel_loop3A_182 {strides = array<i32>} : memref<208x128xf32, #tpu.memory_space<vmem>>, vector<16xf32>,
      %parallel_loop3A_192 = arith.constant 3 : i32
      %parallel_loop3A_193 = vector.broadcast %parallel_loop3A_192 : i32 to vector<16xi32>
      %parallel_loop3A_194 = arith.addi %parallel_loop3A_152, %parallel_loop3A_193 : vector<16xi32>
      %parallel_loop3A_195 = tpu.vector_load_idx %arg5[%parallel_loop3A_194] : memref<16000xf32, #tpu.memory_space<vmem>>[vector<16xi32>], vector<16xf32>,
      %parallel_loop3A_196 = arith.constant 16 : i32
      %parallel_loop3A_197 = arith.muli %parallel_loop3A_142, %parallel_loop3A_196 : i32
      %parallel_loop3A_198 = arith.constant 3 : i32
      %parallel_loop3A_199 = arith.addi %parallel_loop3A_197, %parallel_loop3A_198 : i32
      %parallel_loop3A_200 = arith.constant 16 : i32
      %parallel_loop3A_201 = arith.muli %parallel_loop3A_144, %parallel_loop3A_200 : i32
      %parallel_loop3A_202 = arith.index_cast %parallel_loop3A_199 : i32 to index
      %parallel_loop3A_203 = arith.index_cast %parallel_loop3A_201 : i32 to index
      %parallel_loop3A_204 = tpu.vector_load %arg8[%parallel_loop3A_202, %parallel_loop3A_203] {strides = array<i32>} : memref<208x128xf32, #tpu.memory_space<vmem>>, vector<16xf32>,
      tpu.vector_store %arg8[%parallel_loop3A_202, %parallel_loop3A_203], %parallel_loop3A_195 {strides = array<i32>} : memref<208x128xf32, #tpu.memory_space<vmem>>, vector<16xf32>,
      %parallel_loop3A_205 = arith.constant 4 : i32
      %parallel_loop3A_206 = vector.broadcast %parallel_loop3A_205 : i32 to vector<16xi32>
      %parallel_loop3A_207 = arith.addi %parallel_loop3A_152, %parallel_loop3A_206 : vector<16xi32>
      %parallel_loop3A_208 = tpu.vector_load_idx %arg5[%parallel_loop3A_207] : memref<16000xf32, #tpu.memory_space<vmem>>[vector<16xi32>], vector<16xf32>,
      %parallel_loop3A_209 = arith.constant 16 : i32
      %parallel_loop3A_210 = arith.muli %parallel_loop3A_142, %parallel_loop3A_209 : i32
      %parallel_loop3A_211 = arith.constant 4 : i32
      %parallel_loop3A_212 = arith.addi %parallel_loop3A_210, %parallel_loop3A_211 : i32
      %parallel_loop3A_213 = arith.constant 16 : i32
      %parallel_loop3A_214 = arith.muli %parallel_loop3A_144, %parallel_loop3A_213 : i32
      %parallel_loop3A_215 = arith.index_cast %parallel_loop3A_212 : i32 to index
      %parallel_loop3A_216 = arith.index_cast %parallel_loop3A_214 : i32 to index
      %parallel_loop3A_217 = tpu.vector_load %arg8[%parallel_loop3A_215, %parallel_loop3A_216] {strides = array<i32>} : memref<208x128xf32, #tpu.memory_space<vmem>>, vector<16xf32>,
      tpu.vector_store %arg8[%parallel_loop3A_215, %parallel_loop3A_216], %parallel_loop3A_208 {strides = array<i32>} : memref<208x128xf32, #tpu.memory_space<vmem>>, vector<16xf32>,
      %parallel_loop3A_218 = arith.constant 5 : i32
      %parallel_loop3A_219 = vector.broadcast %parallel_loop3A_218 : i32 to vector<16xi32>
      %parallel_loop3A_220 = arith.addi %parallel_loop3A_152, %parallel_loop3A_219 : vector<16xi32>
      %parallel_loop3A_221 = tpu.vector_load_idx %arg5[%parallel_loop3A_220] : memref<16000xf32, #tpu.memory_space<vmem>>[vector<16xi32>], vector<16xf32>,
      %parallel_loop3A_222 = arith.constant 16 : i32
      %parallel_loop3A_223 = arith.muli %parallel_loop3A_142, %parallel_loop3A_222 : i32
      %parallel_loop3A_224 = arith.constant 5 : i32
      %parallel_loop3A_225 = arith.addi %parallel_loop3A_223, %parallel_loop3A_224 : i32
      %parallel_loop3A_226 = arith.constant 16 : i32
      %parallel_loop3A_227 = arith.muli %parallel_loop3A_144, %parallel_loop3A_226 : i32
      %parallel_loop3A_228 = arith.index_cast %parallel_loop3A_225 : i32 to index
      %parallel_loop3A_229 = arith.index_cast %parallel_loop3A_227 : i32 to index
      %parallel_loop3A_230 = tpu.vector_load %arg8[%parallel_loop3A_228, %parallel_loop3A_229] {strides = array<i32>} : memref<208x128xf32, #tpu.memory_space<vmem>>, vector<16xf32>,
      tpu.vector_store %arg8[%parallel_loop3A_228, %parallel_loop3A_229], %parallel_loop3A_221 {strides = array<i32>} : memref<208x128xf32, #tpu.memory_space<vmem>>, vector<16xf32>,
      %parallel_loop3A_231 = arith.constant 6 : i32
      %parallel_loop3A_232 = vector.broadcast %parallel_loop3A_231 : i32 to vector<16xi32>
      %parallel_loop3A_233 = arith.addi %parallel_loop3A_152, %parallel_loop3A_232 : vector<16xi32>
      %parallel_loop3A_234 = tpu.vector_load_idx %arg5[%parallel_loop3A_233] : memref<16000xf32, #tpu.memory_space<vmem>>[vector<16xi32>], vector<16xf32>,
      %parallel_loop3A_235 = arith.constant 16 : i32
      %parallel_loop3A_236 = arith.muli %parallel_loop3A_142, %parallel_loop3A_235 : i32
      %parallel_loop3A_237 = arith.constant 6 : i32
      %parallel_loop3A_238 = arith.addi %parallel_loop3A_236, %parallel_loop3A_237 : i32
      %parallel_loop3A_239 = arith.constant 16 : i32
      %parallel_loop3A_240 = arith.muli %parallel_loop3A_144, %parallel_loop3A_239 : i32
      %parallel_loop3A_241 = arith.index_cast %parallel_loop3A_238 : i32 to index
      %parallel_loop3A_242 = arith.index_cast %parallel_loop3A_240 : i32 to index
      %parallel_loop3A_243 = tpu.vector_load %arg8[%parallel_loop3A_241, %parallel_loop3A_242] {strides = array<i32>} : memref<208x128xf32, #tpu.memory_space<vmem>>, vector<16xf32>,
      tpu.vector_store %arg8[%parallel_loop3A_241, %parallel_loop3A_242], %parallel_loop3A_234 {strides = array<i32>} : memref<208x128xf32, #tpu.memory_space<vmem>>, vector<16xf32>,
      %parallel_loop3A_244 = arith.constant 7 : i32
      %parallel_loop3A_245 = vector.broadcast %parallel_loop3A_244 : i32 to vector<16xi32>
      %parallel_loop3A_246 = arith.addi %parallel_loop3A_152, %parallel_loop3A_245 : vector<16xi32>
      %parallel_loop3A_247 = tpu.vector_load_idx %arg5[%parallel_loop3A_246] : memref<16000xf32, #tpu.memory_space<vmem>>[vector<16xi32>], vector<16xf32>,
      %parallel_loop3A_248 = arith.constant 16 : i32
      %parallel_loop3A_249 = arith.muli %parallel_loop3A_142, %parallel_loop3A_248 : i32
      %parallel_loop3A_250 = arith.constant 7 : i32
      %parallel_loop3A_251 = arith.addi %parallel_loop3A_249, %parallel_loop3A_250 : i32
      %parallel_loop3A_252 = arith.constant 16 : i32
      %parallel_loop3A_253 = arith.muli %parallel_loop3A_144, %parallel_loop3A_252 : i32
      %parallel_loop3A_254 = arith.index_cast %parallel_loop3A_251 : i32 to index
      %parallel_loop3A_255 = arith.index_cast %parallel_loop3A_253 : i32 to index
      %parallel_loop3A_256 = tpu.vector_load %arg8[%parallel_loop3A_254, %parallel_loop3A_255] {strides = array<i32>} : memref<208x128xf32, #tpu.memory_space<vmem>>, vector<16xf32>,
      tpu.vector_store %arg8[%parallel_loop3A_254, %parallel_loop3A_255], %parallel_loop3A_247 {strides = array<i32>} : memref<208x128xf32, #tpu.memory_space<vmem>>, vector<16xf32>,
      %parallel_loop3A_257 = arith.constant 8 : i32
      %parallel_loop3A_258 = vector.broadcast %parallel_loop3A_257 : i32 to vector<16xi32>
      %parallel_loop3A_259 = arith.addi %parallel_loop3A_152, %parallel_loop3A_258 : vector<16xi32>
      %parallel_loop3A_260 = tpu.vector_load_idx %arg5[%parallel_loop3A_259] : memref<16000xf32, #tpu.memory_space<vmem>>[vector<16xi32>], vector<16xf32>,
      %parallel_loop3A_261 = arith.constant 16 : i32
      %parallel_loop3A_262 = arith.muli %parallel_loop3A_142, %parallel_loop3A_261 : i32
      %parallel_loop3A_263 = arith.constant 8 : i32
      %parallel_loop3A_264 = arith.addi %parallel_loop3A_262, %parallel_loop3A_263 : i32
      %parallel_loop3A_265 = arith.constant 16 : i32
      %parallel_loop3A_266 = arith.muli %parallel_loop3A_144, %parallel_loop3A_265 : i32
      %parallel_loop3A_267 = arith.index_cast %parallel_loop3A_264 : i32 to index
      %parallel_loop3A_268 = arith.index_cast %parallel_loop3A_266 : i32 to index
      %parallel_loop3A_269 = tpu.vector_load %arg8[%parallel_loop3A_267, %parallel_loop3A_268] {strides = array<i32>} : memref<208x128xf32, #tpu.memory_space<vmem>>, vector<16xf32>,
      tpu.vector_store %arg8[%parallel_loop3A_267, %parallel_loop3A_268], %parallel_loop3A_260 {strides = array<i32>} : memref<208x128xf32, #tpu.memory_space<vmem>>, vector<16xf32>,
      %parallel_loop3A_270 = arith.constant 9 : i32
      %parallel_loop3A_271 = vector.broadcast %parallel_loop3A_270 : i32 to vector<16xi32>
      %parallel_loop3A_272 = arith.addi %parallel_loop3A_152, %parallel_loop3A_271 : vector<16xi32>
      %parallel_loop3A_273 = tpu.vector_load_idx %arg5[%parallel_loop3A_272] : memref<16000xf32, #tpu.memory_space<vmem>>[vector<16xi32>], vector<16xf32>,
      %parallel_loop3A_274 = arith.constant 16 : i32
      %parallel_loop3A_275 = arith.muli %parallel_loop3A_142, %parallel_loop3A_274 : i32
      %parallel_loop3A_276 = arith.constant 9 : i32
      %parallel_loop3A_277 = arith.addi %parallel_loop3A_275, %parallel_loop3A_276 : i32
      %parallel_loop3A_278 = arith.constant 16 : i32
      %parallel_loop3A_279 = arith.muli %parallel_loop3A_144, %parallel_loop3A_278 : i32
      %parallel_loop3A_280 = arith.index_cast %parallel_loop3A_277 : i32 to index
      %parallel_loop3A_281 = arith.index_cast %parallel_loop3A_279 : i32 to index
      %parallel_loop3A_282 = tpu.vector_load %arg8[%parallel_loop3A_280, %parallel_loop3A_281] {strides = array<i32>} : memref<208x128xf32, #tpu.memory_space<vmem>>, vector<16xf32>,
      tpu.vector_store %arg8[%parallel_loop3A_280, %parallel_loop3A_281], %parallel_loop3A_273 {strides = array<i32>} : memref<208x128xf32, #tpu.memory_space<vmem>>, vector<16xf32>,
      %parallel_loop3A_283 = arith.constant 10 : i32
      %parallel_loop3A_284 = vector.broadcast %parallel_loop3A_283 : i32 to vector<16xi32>
      %parallel_loop3A_285 = arith.addi %parallel_loop3A_152, %parallel_loop3A_284 : vector<16xi32>
      %parallel_loop3A_286 = tpu.vector_load_idx %arg5[%parallel_loop3A_285] : memref<16000xf32, #tpu.memory_space<vmem>>[vector<16xi32>], vector<16xf32>,
      %parallel_loop3A_287 = arith.constant 16 : i32
      %parallel_loop3A_288 = arith.muli %parallel_loop3A_142, %parallel_loop3A_287 : i32
      %parallel_loop3A_289 = arith.constant 10 : i32
      %parallel_loop3A_290 = arith.addi %parallel_loop3A_288, %parallel_loop3A_289 : i32
      %parallel_loop3A_291 = arith.constant 16 : i32
      %parallel_loop3A_292 = arith.muli %parallel_loop3A_144, %parallel_loop3A_291 : i32
      %parallel_loop3A_293 = arith.index_cast %parallel_loop3A_290 : i32 to index
      %parallel_loop3A_294 = arith.index_cast %parallel_loop3A_292 : i32 to index
      %parallel_loop3A_295 = tpu.vector_load %arg8[%parallel_loop3A_293, %parallel_loop3A_294] {strides = array<i32>} : memref<208x128xf32, #tpu.memory_space<vmem>>, vector<16xf32>,
      tpu.vector_store %arg8[%parallel_loop3A_293, %parallel_loop3A_294], %parallel_loop3A_286 {strides = array<i32>} : memref<208x128xf32, #tpu.memory_space<vmem>>, vector<16xf32>,
      %parallel_loop3A_296 = arith.constant 11 : i32
      %parallel_loop3A_297 = vector.broadcast %parallel_loop3A_296 : i32 to vector<16xi32>
      %parallel_loop3A_298 = arith.addi %parallel_loop3A_152, %parallel_loop3A_297 : vector<16xi32>
      %parallel_loop3A_299 = tpu.vector_load_idx %arg5[%parallel_loop3A_298] : memref<16000xf32, #tpu.memory_space<vmem>>[vector<16xi32>], vector<16xf32>,
      %parallel_loop3A_300 = arith.constant 16 : i32
      %parallel_loop3A_301 = arith.muli %parallel_loop3A_142, %parallel_loop3A_300 : i32
      %parallel_loop3A_302 = arith.constant 11 : i32
      %parallel_loop3A_303 = arith.addi %parallel_loop3A_301, %parallel_loop3A_302 : i32
      %parallel_loop3A_304 = arith.constant 16 : i32
      %parallel_loop3A_305 = arith.muli %parallel_loop3A_144, %parallel_loop3A_304 : i32
      %parallel_loop3A_306 = arith.index_cast %parallel_loop3A_303 : i32 to index
      %parallel_loop3A_307 = arith.index_cast %parallel_loop3A_305 : i32 to index
      %parallel_loop3A_308 = tpu.vector_load %arg8[%parallel_loop3A_306, %parallel_loop3A_307] {strides = array<i32>} : memref<208x128xf32, #tpu.memory_space<vmem>>, vector<16xf32>,
      tpu.vector_store %arg8[%parallel_loop3A_306, %parallel_loop3A_307], %parallel_loop3A_299 {strides = array<i32>} : memref<208x128xf32, #tpu.memory_space<vmem>>, vector<16xf32>,
      %parallel_loop3A_309 = arith.constant 12 : i32
      %parallel_loop3A_310 = vector.broadcast %parallel_loop3A_309 : i32 to vector<16xi32>
      %parallel_loop3A_311 = arith.addi %parallel_loop3A_152, %parallel_loop3A_310 : vector<16xi32>
      %parallel_loop3A_312 = tpu.vector_load_idx %arg5[%parallel_loop3A_311] : memref<16000xf32, #tpu.memory_space<vmem>>[vector<16xi32>], vector<16xf32>,
      %parallel_loop3A_313 = arith.constant 16 : i32
      %parallel_loop3A_314 = arith.muli %parallel_loop3A_142, %parallel_loop3A_313 : i32
      %parallel_loop3A_315 = arith.constant 12 : i32
      %parallel_loop3A_316 = arith.addi %parallel_loop3A_314, %parallel_loop3A_315 : i32
      %parallel_loop3A_317 = arith.constant 16 : i32
      %parallel_loop3A_318 = arith.muli %parallel_loop3A_144, %parallel_loop3A_317 : i32
      %parallel_loop3A_319 = arith.index_cast %parallel_loop3A_316 : i32 to index
      %parallel_loop3A_320 = arith.index_cast %parallel_loop3A_318 : i32 to index
      %parallel_loop3A_321 = tpu.vector_load %arg8[%parallel_loop3A_319, %parallel_loop3A_320] {strides = array<i32>} : memref<208x128xf32, #tpu.memory_space<vmem>>, vector<16xf32>,
      tpu.vector_store %arg8[%parallel_loop3A_319, %parallel_loop3A_320], %parallel_loop3A_312 {strides = array<i32>} : memref<208x128xf32, #tpu.memory_space<vmem>>, vector<16xf32>,
      %parallel_loop3A_322 = arith.constant 13 : i32
      %parallel_loop3A_323 = vector.broadcast %parallel_loop3A_322 : i32 to vector<16xi32>
      %parallel_loop3A_324 = arith.addi %parallel_loop3A_152, %parallel_loop3A_323 : vector<16xi32>
      %parallel_loop3A_325 = tpu.vector_load_idx %arg5[%parallel_loop3A_324] : memref<16000xf32, #tpu.memory_space<vmem>>[vector<16xi32>], vector<16xf32>,
      %parallel_loop3A_326 = arith.constant 16 : i32
      %parallel_loop3A_327 = arith.muli %parallel_loop3A_142, %parallel_loop3A_326 : i32
      %parallel_loop3A_328 = arith.constant 13 : i32
      %parallel_loop3A_329 = arith.addi %parallel_loop3A_327, %parallel_loop3A_328 : i32
      %parallel_loop3A_330 = arith.constant 16 : i32
      %parallel_loop3A_331 = arith.muli %parallel_loop3A_144, %parallel_loop3A_330 : i32
      %parallel_loop3A_332 = arith.index_cast %parallel_loop3A_329 : i32 to index
      %parallel_loop3A_333 = arith.index_cast %parallel_loop3A_331 : i32 to index
      %parallel_loop3A_334 = tpu.vector_load %arg8[%parallel_loop3A_332, %parallel_loop3A_333] {strides = array<i32>} : memref<208x128xf32, #tpu.memory_space<vmem>>, vector<16xf32>,
      tpu.vector_store %arg8[%parallel_loop3A_332, %parallel_loop3A_333], %parallel_loop3A_325 {strides = array<i32>} : memref<208x128xf32, #tpu.memory_space<vmem>>, vector<16xf32>,
      %parallel_loop3A_335 = arith.constant 14 : i32
      %parallel_loop3A_336 = vector.broadcast %parallel_loop3A_335 : i32 to vector<16xi32>
      %parallel_loop3A_337 = arith.addi %parallel_loop3A_152, %parallel_loop3A_336 : vector<16xi32>
      %parallel_loop3A_338 = tpu.vector_load_idx %arg5[%parallel_loop3A_337] : memref<16000xf32, #tpu.memory_space<vmem>>[vector<16xi32>], vector<16xf32>,
      %parallel_loop3A_339 = arith.constant 16 : i32
      %parallel_loop3A_340 = arith.muli %parallel_loop3A_142, %parallel_loop3A_339 : i32
      %parallel_loop3A_341 = arith.constant 14 : i32
      %parallel_loop3A_342 = arith.addi %parallel_loop3A_340, %parallel_loop3A_341 : i32
      %parallel_loop3A_343 = arith.constant 16 : i32
      %parallel_loop3A_344 = arith.muli %parallel_loop3A_144, %parallel_loop3A_343 : i32
      %parallel_loop3A_345 = arith.index_cast %parallel_loop3A_342 : i32 to index
      %parallel_loop3A_346 = arith.index_cast %parallel_loop3A_344 : i32 to index
      %parallel_loop3A_347 = tpu.vector_load %arg8[%parallel_loop3A_345, %parallel_loop3A_346] {strides = array<i32>} : memref<208x128xf32, #tpu.memory_space<vmem>>, vector<16xf32>,
      tpu.vector_store %arg8[%parallel_loop3A_345, %parallel_loop3A_346], %parallel_loop3A_338 {strides = array<i32>} : memref<208x128xf32, #tpu.memory_space<vmem>>, vector<16xf32>,
      %parallel_loop3A_348 = arith.constant 15 : i32
      %parallel_loop3A_349 = vector.broadcast %parallel_loop3A_348 : i32 to vector<16xi32>
      %parallel_loop3A_350 = arith.addi %parallel_loop3A_152, %parallel_loop3A_349 : vector<16xi32>
      %parallel_loop3A_351 = tpu.vector_load_idx %arg5[%parallel_loop3A_350] : memref<16000xf32, #tpu.memory_space<vmem>>[vector<16xi32>], vector<16xf32>,
      %parallel_loop3A_352 = arith.constant 16 : i32
      %parallel_loop3A_353 = arith.muli %parallel_loop3A_142, %parallel_loop3A_352 : i32
      %parallel_loop3A_354 = arith.constant 15 : i32
      %parallel_loop3A_355 = arith.addi %parallel_loop3A_353, %parallel_loop3A_354 : i32
      %parallel_loop3A_356 = arith.constant 16 : i32
      %parallel_loop3A_357 = arith.muli %parallel_loop3A_144, %parallel_loop3A_356 : i32
      %parallel_loop3A_358 = arith.index_cast %parallel_loop3A_355 : i32 to index
      %parallel_loop3A_359 = arith.index_cast %parallel_loop3A_357 : i32 to index
      %parallel_loop3A_360 = tpu.vector_load %arg8[%parallel_loop3A_358, %parallel_loop3A_359] {strides = array<i32>} : memref<208x128xf32, #tpu.memory_space<vmem>>, vector<16xf32>,
      tpu.vector_store %arg8[%parallel_loop3A_358, %parallel_loop3A_359], %parallel_loop3A_351 {strides = array<i32>} : memref<208x128xf32, #tpu.memory_space<vmem>>, vector<16xf32>,
    } {sc.loop_unroll_factor = 2 : i64, sc.parallel_access}
    %add3A_69 = arith.constant 0 : i32
    %add3A_70 = arith.addi %mul3A_52, %add3A_69 : i32
    %add3A_71 = arith.constant 2 : i32
    %add3A_72 = arith.addi %add3A_70, %add3A_71 : i32
    %dma_start3A_73 = tpu.memref_slice %arg2[%mul3A_48, %add3A_72, %mul3A_46] : memref<26x50x1024xi32, #tpu.memory_space<hbm>> -> memref<13x1x128xi32, #tpu.memory_space<hbm>>
    %dma_start3A_74 = tpu.memref_squeeze %dma_start3A_73 : memref<13x1x128xi32, #tpu.memory_space<hbm>> -> memref<13x128xi32, #tpu.memory_space<hbm>>
    %dma_start3A_75 = tpu.memref_slice %arg2[%mul3A_48, %add3A_72, %mul3A_46] : memref<26x50x1024xi32, #tpu.memory_space<hbm>> -> memref<13x1x128xi32, #tpu.memory_space<hbm>>
    %dma_start3A_76 = tpu.memref_squeeze %dma_start3A_75 : memref<13x1x128xi32, #tpu.memory_space<hbm>> -> memref<13x128xi32, #tpu.memory_space<hbm>>
    tpu.enqueue_dma source(%dma_start3A_76 : memref<13x128xi32, #tpu.memory_space<hbm>>) target(%arg6 : memref<13x128xi32, #tpu.memory_space<vmem>>) target_semaphore(%arg11 : memref<!tpu.dma_semaphore, #tpu.memory_space<semaphore_mem>>)
    %add3A_77 = arith.constant 0 : i32
    %add3A_78 = arith.addi %mul3A_52, %add3A_77 : i32
    %dma_start3A_79 = tpu.memref_slice %arg4[%add3A_78, %mul3A_50, %mul3A_46] : memref<50x416x1024xf32, #tpu.memory_space<hbm>> -> memref<1x208x128xf32, #tpu.memory_space<hbm>>
    %dma_start3A_80 = tpu.memref_squeeze %dma_start3A_79 : memref<1x208x128xf32, #tpu.memory_space<hbm>> -> memref<208x128xf32, #tpu.memory_space<hbm>>
    %dma_start3A_81 = tpu.memref_slice %arg4[%add3A_78, %mul3A_50, %mul3A_46] : memref<50x416x1024xf32, #tpu.memory_space<hbm>> -> memref<1x208x128xf32, #tpu.memory_space<hbm>>
    %dma_start3A_82 = tpu.memref_squeeze %dma_start3A_81 : memref<1x208x128xf32, #tpu.memory_space<hbm>> -> memref<208x128xf32, #tpu.memory_space<hbm>>
    tpu.enqueue_dma source(%arg8 : memref<208x128xf32, #tpu.memory_space<vmem>>) target(%dma_start3A_82 : memref<208x128xf32, #tpu.memory_space<hbm>>) target_semaphore(%arg13 : memref<!tpu.dma_semaphore, #tpu.memory_space<semaphore_mem>>)
    %dma_wait3A_83 = tpu.memref_slice %arg2[%mul3A_48, %add3A_59, %mul3A_46] : memref<26x50x1024xi32, #tpu.memory_space<hbm>> -> memref<13x1x128xi32, #tpu.memory_space<hbm>>
    %dma_wait3A_84 = tpu.memref_squeeze %dma_wait3A_83 : memref<13x1x128xi32, #tpu.memory_space<hbm>> -> memref<13x128xi32, #tpu.memory_space<hbm>>
    %dma_wait3A_85 = tpu.memref_slice %arg2[%mul3A_48, %add3A_59, %mul3A_46] : memref<26x50x1024xi32, #tpu.memory_space<hbm>> -> memref<13x1x128xi32, #tpu.memory_space<hbm>>
    %dma_wait3A_86 = tpu.memref_squeeze %dma_wait3A_85 : memref<13x1x128xi32, #tpu.memory_space<hbm>> -> memref<13x128xi32, #tpu.memory_space<hbm>>
    tpu.wait_dma2 semaphore(%arg12 : memref<!tpu.dma_semaphore, #tpu.memory_space<semaphore_mem>>) src(%dma_wait3A_86 : memref<13x128xi32, #tpu.memory_space<hbm>>) dst(%arg7 : memref<13x128xi32, #tpu.memory_space<vmem>>)
    %parallel_loop3A_87 = arith.constant 0 : i32
    %parallel_loop3A_88 = arith.constant 104 : i32
    %parallel_loop3A_89 = arith.constant 1 : i32
    scf.for %parallel_loop3A_140 = %parallel_loop3A_87 to %parallel_loop3A_88 step %parallel_loop3A_89  : i32 {
      %parallel_loop3A_141 = arith.constant 3 : i32
      %parallel_loop3A_142 = arith.shrsi %parallel_loop3A_140, %parallel_loop3A_141 : i32
      %parallel_loop3A_143 = arith.constant 8 : i32
      %parallel_loop3A_144 = arith.remsi %parallel_loop3A_140, %parallel_loop3A_143 : i32
      %parallel_loop3A_145 = arith.constant 16 : i32
      %parallel_loop3A_146 = arith.muli %parallel_loop3A_144, %parallel_loop3A_145 : i32
      %parallel_loop3A_147 = arith.index_cast %parallel_loop3A_142 : i32 to index
      %parallel_loop3A_148 = arith.index_cast %parallel_loop3A_146 : i32 to index
      %parallel_loop3A_149 = tpu.vector_load %arg7[%parallel_loop3A_147, %parallel_loop3A_148] {strides = array<i32>} : memref<13x128xi32, #tpu.memory_space<vmem>>, vector<16xi32>,
      %parallel_loop3A_150 = arith.constant 16 : i32
      %parallel_loop3A_151 = vector.broadcast %parallel_loop3A_150 : i32 to vector<16xi32>
      %parallel_loop3A_152 = arith.muli %parallel_loop3A_149, %parallel_loop3A_151 : vector<16xi32>
      %parallel_loop3A_153 = arith.constant 0 : i32
      %parallel_loop3A_154 = vector.broadcast %parallel_loop3A_153 : i32 to vector<16xi32>
      %parallel_loop3A_155 = arith.addi %parallel_loop3A_152, %parallel_loop3A_154 : vector<16xi32>
      %parallel_loop3A_156 = tpu.vector_load_idx %arg5[%parallel_loop3A_155] : memref<16000xf32, #tpu.memory_space<vmem>>[vector<16xi32>], vector<16xf32>,
      %parallel_loop3A_157 = arith.constant 16 : i32
      %parallel_loop3A_158 = arith.muli %parallel_loop3A_142, %parallel_loop3A_157 : i32
      %parallel_loop3A_159 = arith.constant 0 : i32
      %parallel_loop3A_160 = arith.addi %parallel_loop3A_158, %parallel_loop3A_159 : i32
      %parallel_loop3A_161 = arith.constant 16 : i32
      %parallel_loop3A_162 = arith.muli %parallel_loop3A_144, %parallel_loop3A_161 : i32
      %parallel_loop3A_163 = arith.index_cast %parallel_loop3A_160 : i32 to index
      %parallel_loop3A_164 = arith.index_cast %parallel_loop3A_162 : i32 to index
      %parallel_loop3A_165 = tpu.vector_load %arg9[%parallel_loop3A_163, %parallel_loop3A_164] {strides = array<i32>} : memref<208x128xf32, #tpu.memory_space<vmem>>, vector<16xf32>,
      tpu.vector_store %arg9[%parallel_loop3A_163, %parallel_loop3A_164], %parallel_loop3A_156 {strides = array<i32>} : memref<208x128xf32, #tpu.memory_space<vmem>>, vector<16xf32>,
      %parallel_loop3A_166 = arith.constant 1 : i32
      %parallel_loop3A_167 = vector.broadcast %parallel_loop3A_166 : i32 to vector<16xi32>
      %parallel_loop3A_168 = arith.addi %parallel_loop3A_152, %parallel_loop3A_167 : vector<16xi32>
      %parallel_loop3A_169 = tpu.vector_load_idx %arg5[%parallel_loop3A_168] : memref<16000xf32, #tpu.memory_space<vmem>>[vector<16xi32>], vector<16xf32>,
      %parallel_loop3A_170 = arith.constant 16 : i32
      %parallel_loop3A_171 = arith.muli %parallel_loop3A_142, %parallel_loop3A_170 : i32
      %parallel_loop3A_172 = arith.constant 1 : i32
      %parallel_loop3A_173 = arith.addi %parallel_loop3A_171, %parallel_loop3A_172 : i32
      %parallel_loop3A_174 = arith.constant 16 : i32
      %parallel_loop3A_175 = arith.muli %parallel_loop3A_144, %parallel_loop3A_174 : i32
      %parallel_loop3A_176 = arith.index_cast %parallel_loop3A_173 : i32 to index
      %parallel_loop3A_177 = arith.index_cast %parallel_loop3A_175 : i32 to index
      %parallel_loop3A_178 = tpu.vector_load %arg9[%parallel_loop3A_176, %parallel_loop3A_177] {strides = array<i32>} : memref<208x128xf32, #tpu.memory_space<vmem>>, vector<16xf32>,
      tpu.vector_store %arg9[%parallel_loop3A_176, %parallel_loop3A_177], %parallel_loop3A_169 {strides = array<i32>} : memref<208x128xf32, #tpu.memory_space<vmem>>, vector<16xf32>,
      %parallel_loop3A_179 = arith.constant 2 : i32
      %parallel_loop3A_180 = vector.broadcast %parallel_loop3A_179 : i32 to vector<16xi32>
      %parallel_loop3A_181 = arith.addi %parallel_loop3A_152, %parallel_loop3A_180 : vector<16xi32>
      %parallel_loop3A_182 = tpu.vector_load_idx %arg5[%parallel_loop3A_181] : memref<16000xf32, #tpu.memory_space<vmem>>[vector<16xi32>], vector<16xf32>,
      %parallel_loop3A_183 = arith.constant 16 : i32
      %parallel_loop3A_184 = arith.muli %parallel_loop3A_142, %parallel_loop3A_183 : i32
      %parallel_loop3A_185 = arith.constant 2 : i32
      %parallel_loop3A_186 = arith.addi %parallel_loop3A_184, %parallel_loop3A_185 : i32
      %parallel_loop3A_187 = arith.constant 16 : i32
      %parallel_loop3A_188 = arith.muli %parallel_loop3A_144, %parallel_loop3A_187 : i32
      %parallel_loop3A_189 = arith.index_cast %parallel_loop3A_186 : i32 to index
      %parallel_loop3A_190 = arith.index_cast %parallel_loop3A_188 : i32 to index
      %parallel_loop3A_191 = tpu.vector_load %arg9[%parallel_loop3A_189, %parallel_loop3A_190] {strides = array<i32>} : memref<208x128xf32, #tpu.memory_space<vmem>>, vector<16xf32>,
      tpu.vector_store %arg9[%parallel_loop3A_189, %parallel_loop3A_190], %parallel_loop3A_182 {strides = array<i32>} : memref<208x128xf32, #tpu.memory_space<vmem>>, vector<16xf32>,
      %parallel_loop3A_192 = arith.constant 3 : i32
      %parallel_loop3A_193 = vector.broadcast %parallel_loop3A_192 : i32 to vector<16xi32>
      %parallel_loop3A_194 = arith.addi %parallel_loop3A_152, %parallel_loop3A_193 : vector<16xi32>
      %parallel_loop3A_195 = tpu.vector_load_idx %arg5[%parallel_loop3A_194] : memref<16000xf32, #tpu.memory_space<vmem>>[vector<16xi32>], vector<16xf32>,
      %parallel_loop3A_196 = arith.constant 16 : i32
      %parallel_loop3A_197 = arith.muli %parallel_loop3A_142, %parallel_loop3A_196 : i32
      %parallel_loop3A_198 = arith.constant 3 : i32
      %parallel_loop3A_199 = arith.addi %parallel_loop3A_197, %parallel_loop3A_198 : i32
      %parallel_loop3A_200 = arith.constant 16 : i32
      %parallel_loop3A_201 = arith.muli %parallel_loop3A_144, %parallel_loop3A_200 : i32
      %parallel_loop3A_202 = arith.index_cast %parallel_loop3A_199 : i32 to index
      %parallel_loop3A_203 = arith.index_cast %parallel_loop3A_201 : i32 to index
      %parallel_loop3A_204 = tpu.vector_load %arg9[%parallel_loop3A_202, %parallel_loop3A_203] {strides = array<i32>} : memref<208x128xf32, #tpu.memory_space<vmem>>, vector<16xf32>,
      tpu.vector_store %arg9[%parallel_loop3A_202, %parallel_loop3A_203], %parallel_loop3A_195 {strides = array<i32>} : memref<208x128xf32, #tpu.memory_space<vmem>>, vector<16xf32>,
      %parallel_loop3A_205 = arith.constant 4 : i32
      %parallel_loop3A_206 = vector.broadcast %parallel_loop3A_205 : i32 to vector<16xi32>
      %parallel_loop3A_207 = arith.addi %parallel_loop3A_152, %parallel_loop3A_206 : vector<16xi32>
      %parallel_loop3A_208 = tpu.vector_load_idx %arg5[%parallel_loop3A_207] : memref<16000xf32, #tpu.memory_space<vmem>>[vector<16xi32>], vector<16xf32>,
      %parallel_loop3A_209 = arith.constant 16 : i32
      %parallel_loop3A_210 = arith.muli %parallel_loop3A_142, %parallel_loop3A_209 : i32
      %parallel_loop3A_211 = arith.constant 4 : i32
      %parallel_loop3A_212 = arith.addi %parallel_loop3A_210, %parallel_loop3A_211 : i32
      %parallel_loop3A_213 = arith.constant 16 : i32
      %parallel_loop3A_214 = arith.muli %parallel_loop3A_144, %parallel_loop3A_213 : i32
      %parallel_loop3A_215 = arith.index_cast %parallel_loop3A_212 : i32 to index
      %parallel_loop3A_216 = arith.index_cast %parallel_loop3A_214 : i32 to index
      %parallel_loop3A_217 = tpu.vector_load %arg9[%parallel_loop3A_215, %parallel_loop3A_216] {strides = array<i32>} : memref<208x128xf32, #tpu.memory_space<vmem>>, vector<16xf32>,
      tpu.vector_store %arg9[%parallel_loop3A_215, %parallel_loop3A_216], %parallel_loop3A_208 {strides = array<i32>} : memref<208x128xf32, #tpu.memory_space<vmem>>, vector<16xf32>,
      %parallel_loop3A_218 = arith.constant 5 : i32
      %parallel_loop3A_219 = vector.broadcast %parallel_loop3A_218 : i32 to vector<16xi32>
      %parallel_loop3A_220 = arith.addi %parallel_loop3A_152, %parallel_loop3A_219 : vector<16xi32>
      %parallel_loop3A_221 = tpu.vector_load_idx %arg5[%parallel_loop3A_220] : memref<16000xf32, #tpu.memory_space<vmem>>[vector<16xi32>], vector<16xf32>,
      %parallel_loop3A_222 = arith.constant 16 : i32
      %parallel_loop3A_223 = arith.muli %parallel_loop3A_142, %parallel_loop3A_222 : i32
      %parallel_loop3A_224 = arith.constant 5 : i32
      %parallel_loop3A_225 = arith.addi %parallel_loop3A_223, %parallel_loop3A_224 : i32
      %parallel_loop3A_226 = arith.constant 16 : i32
      %parallel_loop3A_227 = arith.muli %parallel_loop3A_144, %parallel_loop3A_226 : i32
      %parallel_loop3A_228 = arith.index_cast %parallel_loop3A_225 : i32 to index
      %parallel_loop3A_229 = arith.index_cast %parallel_loop3A_227 : i32 to index
      %parallel_loop3A_230 = tpu.vector_load %arg9[%parallel_loop3A_228, %parallel_loop3A_229] {strides = array<i32>} : memref<208x128xf32, #tpu.memory_space<vmem>>, vector<16xf32>,
      tpu.vector_store %arg9[%parallel_loop3A_228, %parallel_loop3A_229], %parallel_loop3A_221 {strides = array<i32>} : memref<208x128xf32, #tpu.memory_space<vmem>>, vector<16xf32>,
      %parallel_loop3A_231 = arith.constant 6 : i32
      %parallel_loop3A_232 = vector.broadcast %parallel_loop3A_231 : i32 to vector<16xi32>
      %parallel_loop3A_233 = arith.addi %parallel_loop3A_152, %parallel_loop3A_232 : vector<16xi32>
      %parallel_loop3A_234 = tpu.vector_load_idx %arg5[%parallel_loop3A_233] : memref<16000xf32, #tpu.memory_space<vmem>>[vector<16xi32>], vector<16xf32>,
      %parallel_loop3A_235 = arith.constant 16 : i32
      %parallel_loop3A_236 = arith.muli %parallel_loop3A_142, %parallel_loop3A_235 : i32
      %parallel_loop3A_237 = arith.constant 6 : i32
      %parallel_loop3A_238 = arith.addi %parallel_loop3A_236, %parallel_loop3A_237 : i32
      %parallel_loop3A_239 = arith.constant 16 : i32
      %parallel_loop3A_240 = arith.muli %parallel_loop3A_144, %parallel_loop3A_239 : i32
      %parallel_loop3A_241 = arith.index_cast %parallel_loop3A_238 : i32 to index
      %parallel_loop3A_242 = arith.index_cast %parallel_loop3A_240 : i32 to index
      %parallel_loop3A_243 = tpu.vector_load %arg9[%parallel_loop3A_241, %parallel_loop3A_242] {strides = array<i32>} : memref<208x128xf32, #tpu.memory_space<vmem>>, vector<16xf32>,
      tpu.vector_store %arg9[%parallel_loop3A_241, %parallel_loop3A_242], %parallel_loop3A_234 {strides = array<i32>} : memref<208x128xf32, #tpu.memory_space<vmem>>, vector<16xf32>,
      %parallel_loop3A_244 = arith.constant 7 : i32
      %parallel_loop3A_245 = vector.broadcast %parallel_loop3A_244 : i32 to vector<16xi32>
      %parallel_loop3A_246 = arith.addi %parallel_loop3A_152, %parallel_loop3A_245 : vector<16xi32>
      %parallel_loop3A_247 = tpu.vector_load_idx %arg5[%parallel_loop3A_246] : memref<16000xf32, #tpu.memory_space<vmem>>[vector<16xi32>], vector<16xf32>,
      %parallel_loop3A_248 = arith.constant 16 : i32
      %parallel_loop3A_249 = arith.muli %parallel_loop3A_142, %parallel_loop3A_248 : i32
      %parallel_loop3A_250 = arith.constant 7 : i32
      %parallel_loop3A_251 = arith.addi %parallel_loop3A_249, %parallel_loop3A_250 : i32
      %parallel_loop3A_252 = arith.constant 16 : i32
      %parallel_loop3A_253 = arith.muli %parallel_loop3A_144, %parallel_loop3A_252 : i32
      %parallel_loop3A_254 = arith.index_cast %parallel_loop3A_251 : i32 to index
      %parallel_loop3A_255 = arith.index_cast %parallel_loop3A_253 : i32 to index
      %parallel_loop3A_256 = tpu.vector_load %arg9[%parallel_loop3A_254, %parallel_loop3A_255] {strides = array<i32>} : memref<208x128xf32, #tpu.memory_space<vmem>>, vector<16xf32>,
      tpu.vector_store %arg9[%parallel_loop3A_254, %parallel_loop3A_255], %parallel_loop3A_247 {strides = array<i32>} : memref<208x128xf32, #tpu.memory_space<vmem>>, vector<16xf32>,
      %parallel_loop3A_257 = arith.constant 8 : i32
      %parallel_loop3A_258 = vector.broadcast %parallel_loop3A_257 : i32 to vector<16xi32>
      %parallel_loop3A_259 = arith.addi %parallel_loop3A_152, %parallel_loop3A_258 : vector<16xi32>
      %parallel_loop3A_260 = tpu.vector_load_idx %arg5[%parallel_loop3A_259] : memref<16000xf32, #tpu.memory_space<vmem>>[vector<16xi32>], vector<16xf32>,
      %parallel_loop3A_261 = arith.constant 16 : i32
      %parallel_loop3A_262 = arith.muli %parallel_loop3A_142, %parallel_loop3A_261 : i32
      %parallel_loop3A_263 = arith.constant 8 : i32
      %parallel_loop3A_264 = arith.addi %parallel_loop3A_262, %parallel_loop3A_263 : i32
      %parallel_loop3A_265 = arith.constant 16 : i32
      %parallel_loop3A_266 = arith.muli %parallel_loop3A_144, %parallel_loop3A_265 : i32
      %parallel_loop3A_267 = arith.index_cast %parallel_loop3A_264 : i32 to index
      %parallel_loop3A_268 = arith.index_cast %parallel_loop3A_266 : i32 to index
      %parallel_loop3A_269 = tpu.vector_load %arg9[%parallel_loop3A_267, %parallel_loop3A_268] {strides = array<i32>} : memref<208x128xf32, #tpu.memory_space<vmem>>, vector<16xf32>,
      tpu.vector_store %arg9[%parallel_loop3A_267, %parallel_loop3A_268], %parallel_loop3A_260 {strides = array<i32>} : memref<208x128xf32, #tpu.memory_space<vmem>>, vector<16xf32>,
      %parallel_loop3A_270 = arith.constant 9 : i32
      %parallel_loop3A_271 = vector.broadcast %parallel_loop3A_270 : i32 to vector<16xi32>
      %parallel_loop3A_272 = arith.addi %parallel_loop3A_152, %parallel_loop3A_271 : vector<16xi32>
      %parallel_loop3A_273 = tpu.vector_load_idx %arg5[%parallel_loop3A_272] : memref<16000xf32, #tpu.memory_space<vmem>>[vector<16xi32>], vector<16xf32>,
      %parallel_loop3A_274 = arith.constant 16 : i32
      %parallel_loop3A_275 = arith.muli %parallel_loop3A_142, %parallel_loop3A_274 : i32
      %parallel_loop3A_276 = arith.constant 9 : i32
      %parallel_loop3A_277 = arith.addi %parallel_loop3A_275, %parallel_loop3A_276 : i32
      %parallel_loop3A_278 = arith.constant 16 : i32
      %parallel_loop3A_279 = arith.muli %parallel_loop3A_144, %parallel_loop3A_278 : i32
      %parallel_loop3A_280 = arith.index_cast %parallel_loop3A_277 : i32 to index
      %parallel_loop3A_281 = arith.index_cast %parallel_loop3A_279 : i32 to index
      %parallel_loop3A_282 = tpu.vector_load %arg9[%parallel_loop3A_280, %parallel_loop3A_281] {strides = array<i32>} : memref<208x128xf32, #tpu.memory_space<vmem>>, vector<16xf32>,
      tpu.vector_store %arg9[%parallel_loop3A_280, %parallel_loop3A_281], %parallel_loop3A_273 {strides = array<i32>} : memref<208x128xf32, #tpu.memory_space<vmem>>, vector<16xf32>,
      %parallel_loop3A_283 = arith.constant 10 : i32
      %parallel_loop3A_284 = vector.broadcast %parallel_loop3A_283 : i32 to vector<16xi32>
      %parallel_loop3A_285 = arith.addi %parallel_loop3A_152, %parallel_loop3A_284 : vector<16xi32>
      %parallel_loop3A_286 = tpu.vector_load_idx %arg5[%parallel_loop3A_285] : memref<16000xf32, #tpu.memory_space<vmem>>[vector<16xi32>], vector<16xf32>,
      %parallel_loop3A_287 = arith.constant 16 : i32
      %parallel_loop3A_288 = arith.muli %parallel_loop3A_142, %parallel_loop3A_287 : i32
      %parallel_loop3A_289 = arith.constant 10 : i32
      %parallel_loop3A_290 = arith.addi %parallel_loop3A_288, %parallel_loop3A_289 : i32
      %parallel_loop3A_291 = arith.constant 16 : i32
      %parallel_loop3A_292 = arith.muli %parallel_loop3A_144, %parallel_loop3A_291 : i32
      %parallel_loop3A_293 = arith.index_cast %parallel_loop3A_290 : i32 to index
      %parallel_loop3A_294 = arith.index_cast %parallel_loop3A_292 : i32 to index
      %parallel_loop3A_295 = tpu.vector_load %arg9[%parallel_loop3A_293, %parallel_loop3A_294] {strides = array<i32>} : memref<208x128xf32, #tpu.memory_space<vmem>>, vector<16xf32>,
      tpu.vector_store %arg9[%parallel_loop3A_293, %parallel_loop3A_294], %parallel_loop3A_286 {strides = array<i32>} : memref<208x128xf32, #tpu.memory_space<vmem>>, vector<16xf32>,
      %parallel_loop3A_296 = arith.constant 11 : i32
      %parallel_loop3A_297 = vector.broadcast %parallel_loop3A_296 : i32 to vector<16xi32>
      %parallel_loop3A_298 = arith.addi %parallel_loop3A_152, %parallel_loop3A_297 : vector<16xi32>
      %parallel_loop3A_299 = tpu.vector_load_idx %arg5[%parallel_loop3A_298] : memref<16000xf32, #tpu.memory_space<vmem>>[vector<16xi32>], vector<16xf32>,
      %parallel_loop3A_300 = arith.constant 16 : i32
      %parallel_loop3A_301 = arith.muli %parallel_loop3A_142, %parallel_loop3A_300 : i32
      %parallel_loop3A_302 = arith.constant 11 : i32
      %parallel_loop3A_303 = arith.addi %parallel_loop3A_301, %parallel_loop3A_302 : i32
      %parallel_loop3A_304 = arith.constant 16 : i32
      %parallel_loop3A_305 = arith.muli %parallel_loop3A_144, %parallel_loop3A_304 : i32
      %parallel_loop3A_306 = arith.index_cast %parallel_loop3A_303 : i32 to index
      %parallel_loop3A_307 = arith.index_cast %parallel_loop3A_305 : i32 to index
      %parallel_loop3A_308 = tpu.vector_load %arg9[%parallel_loop3A_306, %parallel_loop3A_307] {strides = array<i32>} : memref<208x128xf32, #tpu.memory_space<vmem>>, vector<16xf32>,
      tpu.vector_store %arg9[%parallel_loop3A_306, %parallel_loop3A_307], %parallel_loop3A_299 {strides = array<i32>} : memref<208x128xf32, #tpu.memory_space<vmem>>, vector<16xf32>,
      %parallel_loop3A_309 = arith.constant 12 : i32
      %parallel_loop3A_310 = vector.broadcast %parallel_loop3A_309 : i32 to vector<16xi32>
      %parallel_loop3A_311 = arith.addi %parallel_loop3A_152, %parallel_loop3A_310 : vector<16xi32>
      %parallel_loop3A_312 = tpu.vector_load_idx %arg5[%parallel_loop3A_311] : memref<16000xf32, #tpu.memory_space<vmem>>[vector<16xi32>], vector<16xf32>,
      %parallel_loop3A_313 = arith.constant 16 : i32
      %parallel_loop3A_314 = arith.muli %parallel_loop3A_142, %parallel_loop3A_313 : i32
      %parallel_loop3A_315 = arith.constant 12 : i32
      %parallel_loop3A_316 = arith.addi %parallel_loop3A_314, %parallel_loop3A_315 : i32
      %parallel_loop3A_317 = arith.constant 16 : i32
      %parallel_loop3A_318 = arith.muli %parallel_loop3A_144, %parallel_loop3A_317 : i32
      %parallel_loop3A_319 = arith.index_cast %parallel_loop3A_316 : i32 to index
      %parallel_loop3A_320 = arith.index_cast %parallel_loop3A_318 : i32 to index
      %parallel_loop3A_321 = tpu.vector_load %arg9[%parallel_loop3A_319, %parallel_loop3A_320] {strides = array<i32>} : memref<208x128xf32, #tpu.memory_space<vmem>>, vector<16xf32>,
      tpu.vector_store %arg9[%parallel_loop3A_319, %parallel_loop3A_320], %parallel_loop3A_312 {strides = array<i32>} : memref<208x128xf32, #tpu.memory_space<vmem>>, vector<16xf32>,
      %parallel_loop3A_322 = arith.constant 13 : i32
      %parallel_loop3A_323 = vector.broadcast %parallel_loop3A_322 : i32 to vector<16xi32>
      %parallel_loop3A_324 = arith.addi %parallel_loop3A_152, %parallel_loop3A_323 : vector<16xi32>
      %parallel_loop3A_325 = tpu.vector_load_idx %arg5[%parallel_loop3A_324] : memref<16000xf32, #tpu.memory_space<vmem>>[vector<16xi32>], vector<16xf32>,
      %parallel_loop3A_326 = arith.constant 16 : i32
      %parallel_loop3A_327 = arith.muli %parallel_loop3A_142, %parallel_loop3A_326 : i32
      %parallel_loop3A_328 = arith.constant 13 : i32
      %parallel_loop3A_329 = arith.addi %parallel_loop3A_327, %parallel_loop3A_328 : i32
      %parallel_loop3A_330 = arith.constant 16 : i32
      %parallel_loop3A_331 = arith.muli %parallel_loop3A_144, %parallel_loop3A_330 : i32
      %parallel_loop3A_332 = arith.index_cast %parallel_loop3A_329 : i32 to index
      %parallel_loop3A_333 = arith.index_cast %parallel_loop3A_331 : i32 to index
      %parallel_loop3A_334 = tpu.vector_load %arg9[%parallel_loop3A_332, %parallel_loop3A_333] {strides = array<i32>} : memref<208x128xf32, #tpu.memory_space<vmem>>, vector<16xf32>,
      tpu.vector_store %arg9[%parallel_loop3A_332, %parallel_loop3A_333], %parallel_loop3A_325 {strides = array<i32>} : memref<208x128xf32, #tpu.memory_space<vmem>>, vector<16xf32>,
      %parallel_loop3A_335 = arith.constant 14 : i32
      %parallel_loop3A_336 = vector.broadcast %parallel_loop3A_335 : i32 to vector<16xi32>
      %parallel_loop3A_337 = arith.addi %parallel_loop3A_152, %parallel_loop3A_336 : vector<16xi32>
      %parallel_loop3A_338 = tpu.vector_load_idx %arg5[%parallel_loop3A_337] : memref<16000xf32, #tpu.memory_space<vmem>>[vector<16xi32>], vector<16xf32>,
      %parallel_loop3A_339 = arith.constant 16 : i32
      %parallel_loop3A_340 = arith.muli %parallel_loop3A_142, %parallel_loop3A_339 : i32
      %parallel_loop3A_341 = arith.constant 14 : i32
      %parallel_loop3A_342 = arith.addi %parallel_loop3A_340, %parallel_loop3A_341 : i32
      %parallel_loop3A_343 = arith.constant 16 : i32
      %parallel_loop3A_344 = arith.muli %parallel_loop3A_144, %parallel_loop3A_343 : i32
      %parallel_loop3A_345 = arith.index_cast %parallel_loop3A_342 : i32 to index
      %parallel_loop3A_346 = arith.index_cast %parallel_loop3A_344 : i32 to index
      %parallel_loop3A_347 = tpu.vector_load %arg9[%parallel_loop3A_345, %parallel_loop3A_346] {strides = array<i32>} : memref<208x128xf32, #tpu.memory_space<vmem>>, vector<16xf32>,
      tpu.vector_store %arg9[%parallel_loop3A_345, %parallel_loop3A_346], %parallel_loop3A_338 {strides = array<i32>} : memref<208x128xf32, #tpu.memory_space<vmem>>, vector<16xf32>,
      %parallel_loop3A_348 = arith.constant 15 : i32
      %parallel_loop3A_349 = vector.broadcast %parallel_loop3A_348 : i32 to vector<16xi32>
      %parallel_loop3A_350 = arith.addi %parallel_loop3A_152, %parallel_loop3A_349 : vector<16xi32>
      %parallel_loop3A_351 = tpu.vector_load_idx %arg5[%parallel_loop3A_350] : memref<16000xf32, #tpu.memory_space<vmem>>[vector<16xi32>], vector<16xf32>,
      %parallel_loop3A_352 = arith.constant 16 : i32
      %parallel_loop3A_353 = arith.muli %parallel_loop3A_142, %parallel_loop3A_352 : i32
      %parallel_loop3A_354 = arith.constant 15 : i32
      %parallel_loop3A_355 = arith.addi %parallel_loop3A_353, %parallel_loop3A_354 : i32
      %parallel_loop3A_356 = arith.constant 16 : i32
      %parallel_loop3A_357 = arith.muli %parallel_loop3A_144, %parallel_loop3A_356 : i32
      %parallel_loop3A_358 = arith.index_cast %parallel_loop3A_355 : i32 to index
      %parallel_loop3A_359 = arith.index_cast %parallel_loop3A_357 : i32 to index
      %parallel_loop3A_360 = tpu.vector_load %arg9[%parallel_loop3A_358, %parallel_loop3A_359] {strides = array<i32>} : memref<208x128xf32, #tpu.memory_space<vmem>>, vector<16xf32>,
      tpu.vector_store %arg9[%parallel_loop3A_358, %parallel_loop3A_359], %parallel_loop3A_351 {strides = array<i32>} : memref<208x128xf32, #tpu.memory_space<vmem>>, vector<16xf32>,
    } {sc.loop_unroll_factor = 2 : i64, sc.parallel_access}
    %add3A_90 = arith.constant 1 : i32
    %add3A_91 = arith.addi %mul3A_52, %add3A_90 : i32
    %add3A_92 = arith.constant 2 : i32
    %add3A_93 = arith.addi %add3A_91, %add3A_92 : i32
    %dma_start3A_94 = tpu.memref_slice %arg2[%mul3A_48, %add3A_93, %mul3A_46] : memref<26x50x1024xi32, #tpu.memory_space<hbm>> -> memref<13x1x128xi32, #tpu.memory_space<hbm>>
    %dma_start3A_95 = tpu.memref_squeeze %dma_start3A_94 : memref<13x1x128xi32, #tpu.memory_space<hbm>> -> memref<13x128xi32, #tpu.memory_space<hbm>>
    %dma_start3A_96 = tpu.memref_slice %arg2[%mul3A_48, %add3A_93, %mul3A_46] : memref<26x50x1024xi32, #tpu.memory_space<hbm>> -> memref<13x1x128xi32, #tpu.memory_space<hbm>>
    %dma_start3A_97 = tpu.memref_squeeze %dma_start3A_96 : memref<13x1x128xi32, #tpu.memory_space<hbm>> -> memref<13x128xi32, #tpu.memory_space<hbm>>
    tpu.enqueue_dma source(%dma_start3A_97 : memref<13x128xi32, #tpu.memory_space<hbm>>) target(%arg7 : memref<13x128xi32, #tpu.memory_space<vmem>>) target_semaphore(%arg12 : memref<!tpu.dma_semaphore, #tpu.memory_space<semaphore_mem>>)
    %add3A_98 = arith.constant 1 : i32
    %add3A_99 = arith.addi %mul3A_52, %add3A_98 : i32
    %dma_start3A_100 = tpu.memref_slice %arg4[%add3A_99, %mul3A_50, %mul3A_46] : memref<50x416x1024xf32, #tpu.memory_space<hbm>> -> memref<1x208x128xf32, #tpu.memory_space<hbm>>
    %dma_start3A_101 = tpu.memref_squeeze %dma_start3A_100 : memref<1x208x128xf32, #tpu.memory_space<hbm>> -> memref<208x128xf32, #tpu.memory_space<hbm>>
    %dma_start3A_102 = tpu.memref_slice %arg4[%add3A_99, %mul3A_50, %mul3A_46] : memref<50x416x1024xf32, #tpu.memory_space<hbm>> -> memref<1x208x128xf32, #tpu.memory_space<hbm>>
    %dma_start3A_103 = tpu.memref_squeeze %dma_start3A_102 : memref<1x208x128xf32, #tpu.memory_space<hbm>> -> memref<208x128xf32, #tpu.memory_space<hbm>>
    tpu.enqueue_dma source(%arg9 : memref<208x128xf32, #tpu.memory_space<vmem>>) target(%dma_start3A_103 : memref<208x128xf32, #tpu.memory_space<hbm>>) target_semaphore(%arg14 : memref<!tpu.dma_semaphore, #tpu.memory_space<semaphore_mem>>)
    %scan3A = arith.constant 0 : i32
    %scan3A_104 = arith.constant 1 : i32
    %scan3A_105 = arith.constant 11 : i32
    %scan3A_106 = arith.addi %scan3A_104, %scan3A_105 : i32
    %scan3A_107 = arith.constant 1 : i32
    scf.for %scan3A_140 = %scan3A_104 to %scan3A_106 step %scan3A_107  : i32 {
      %mul3A_141 = arith.constant 2 : i32
      %mul3A_142 = arith.muli %mul3A_141, %scan3A_140 : i32
      %add3A_143 = arith.addi %mul3A_52, %mul3A_142 : i32
      %add3A_144 = arith.constant 0 : i32
      %add3A_145 = arith.addi %add3A_143, %add3A_144 : i32
      %dma_wait3A_146 = tpu.memref_slice %arg4[%add3A_145, %mul3A_50, %mul3A_46] : memref<50x416x1024xf32, #tpu.memory_space<hbm>> -> memref<1x208x128xf32, #tpu.memory_space<hbm>>
      %dma_wait3A_147 = tpu.memref_squeeze %dma_wait3A_146 : memref<1x208x128xf32, #tpu.memory_space<hbm>> -> memref<208x128xf32, #tpu.memory_space<hbm>>
      %dma_wait3A_148 = tpu.memref_slice %arg4[%add3A_145, %mul3A_50, %mul3A_46] : memref<50x416x1024xf32, #tpu.memory_space<hbm>> -> memref<1x208x128xf32, #tpu.memory_space<hbm>>
      %dma_wait3A_149 = tpu.memref_squeeze %dma_wait3A_148 : memref<1x208x128xf32, #tpu.memory_space<hbm>> -> memref<208x128xf32, #tpu.memory_space<hbm>>
      tpu.wait_dma2 semaphore(%arg13 : memref<!tpu.dma_semaphore, #tpu.memory_space<semaphore_mem>>) src(%arg8 : memref<208x128xf32, #tpu.memory_space<vmem>>) dst(%dma_wait3A_149 : memref<208x128xf32, #tpu.memory_space<hbm>>)
      %dma_wait3A_150 = tpu.memref_slice %arg2[%mul3A_48, %add3A_145, %mul3A_46] : memref<26x50x1024xi32, #tpu.memory_space<hbm>> -> memref<13x1x128xi32, #tpu.memory_space<hbm>>
      %dma_wait3A_151 = tpu.memref_squeeze %dma_wait3A_150 : memref<13x1x128xi32, #tpu.memory_space<hbm>> -> memref<13x128xi32, #tpu.memory_space<hbm>>
      %dma_wait3A_152 = tpu.memref_slice %arg2[%mul3A_48, %add3A_145, %mul3A_46] : memref<26x50x1024xi32, #tpu.memory_space<hbm>> -> memref<13x1x128xi32, #tpu.memory_space<hbm>>
      %dma_wait3A_153 = tpu.memref_squeeze %dma_wait3A_152 : memref<13x1x128xi32, #tpu.memory_space<hbm>> -> memref<13x128xi32, #tpu.memory_space<hbm>>
      tpu.wait_dma2 semaphore(%arg11 : memref<!tpu.dma_semaphore, #tpu.memory_space<semaphore_mem>>) src(%dma_wait3A_153 : memref<13x128xi32, #tpu.memory_space<hbm>>) dst(%arg6 : memref<13x128xi32, #tpu.memory_space<vmem>>)
      %parallel_loop3A_154 = arith.constant 0 : i32
      %parallel_loop3A_155 = arith.constant 104 : i32
      %parallel_loop3A_156 = arith.constant 1 : i32
      scf.for %parallel_loop3A_207 = %parallel_loop3A_154 to %parallel_loop3A_155 step %parallel_loop3A_156  : i32 {
        %parallel_loop3A_208 = arith.constant 3 : i32
        %parallel_loop3A_209 = arith.shrsi %parallel_loop3A_207, %parallel_loop3A_208 : i32
        %parallel_loop3A_210 = arith.constant 8 : i32
        %parallel_loop3A_211 = arith.remsi %parallel_loop3A_207, %parallel_loop3A_210 : i32
        %parallel_loop3A_212 = arith.constant 16 : i32
        %parallel_loop3A_213 = arith.muli %parallel_loop3A_211, %parallel_loop3A_212 : i32
        %parallel_loop3A_214 = arith.index_cast %parallel_loop3A_209 : i32 to index
        %parallel_loop3A_215 = arith.index_cast %parallel_loop3A_213 : i32 to index
        %parallel_loop3A_216 = tpu.vector_load %arg6[%parallel_loop3A_214, %parallel_loop3A_215] {strides = array<i32>} : memref<13x128xi32, #tpu.memory_space<vmem>>, vector<16xi32>,
        %parallel_loop3A_217 = arith.constant 16 : i32
        %parallel_loop3A_218 = vector.broadcast %parallel_loop3A_217 : i32 to vector<16xi32>
        %parallel_loop3A_219 = arith.muli %parallel_loop3A_216, %parallel_loop3A_218 : vector<16xi32>
        %parallel_loop3A_220 = arith.constant 0 : i32
        %parallel_loop3A_221 = vector.broadcast %parallel_loop3A_220 : i32 to vector<16xi32>
        %parallel_loop3A_222 = arith.addi %parallel_loop3A_219, %parallel_loop3A_221 : vector<16xi32>
        %parallel_loop3A_223 = tpu.vector_load_idx %arg5[%parallel_loop3A_222] : memref<16000xf32, #tpu.memory_space<vmem>>[vector<16xi32>], vector<16xf32>,
        %parallel_loop3A_224 = arith.constant 16 : i32
        %parallel_loop3A_225 = arith.muli %parallel_loop3A_209, %parallel_loop3A_224 : i32
        %parallel_loop3A_226 = arith.constant 0 : i32
        %parallel_loop3A_227 = arith.addi %parallel_loop3A_225, %parallel_loop3A_226 : i32
        %parallel_loop3A_228 = arith.constant 16 : i32
        %parallel_loop3A_229 = arith.muli %parallel_loop3A_211, %parallel_loop3A_228 : i32
        %parallel_loop3A_230 = arith.index_cast %parallel_loop3A_227 : i32 to index
        %parallel_loop3A_231 = arith.index_cast %parallel_loop3A_229 : i32 to index
        %parallel_loop3A_232 = tpu.vector_load %arg8[%parallel_loop3A_230, %parallel_loop3A_231] {strides = array<i32>} : memref<208x128xf32, #tpu.memory_space<vmem>>, vector<16xf32>,
        tpu.vector_store %arg8[%parallel_loop3A_230, %parallel_loop3A_231], %parallel_loop3A_223 {strides = array<i32>} : memref<208x128xf32, #tpu.memory_space<vmem>>, vector<16xf32>,
        %parallel_loop3A_233 = arith.constant 1 : i32
        %parallel_loop3A_234 = vector.broadcast %parallel_loop3A_233 : i32 to vector<16xi32>
        %parallel_loop3A_235 = arith.addi %parallel_loop3A_219, %parallel_loop3A_234 : vector<16xi32>
        %parallel_loop3A_236 = tpu.vector_load_idx %arg5[%parallel_loop3A_235] : memref<16000xf32, #tpu.memory_space<vmem>>[vector<16xi32>], vector<16xf32>,
        %parallel_loop3A_237 = arith.constant 16 : i32
        %parallel_loop3A_238 = arith.muli %parallel_loop3A_209, %parallel_loop3A_237 : i32
        %parallel_loop3A_239 = arith.constant 1 : i32
        %parallel_loop3A_240 = arith.addi %parallel_loop3A_238, %parallel_loop3A_239 : i32
        %parallel_loop3A_241 = arith.constant 16 : i32
        %parallel_loop3A_242 = arith.muli %parallel_loop3A_211, %parallel_loop3A_241 : i32
        %parallel_loop3A_243 = arith.index_cast %parallel_loop3A_240 : i32 to index
        %parallel_loop3A_244 = arith.index_cast %parallel_loop3A_242 : i32 to index
        %parallel_loop3A_245 = tpu.vector_load %arg8[%parallel_loop3A_243, %parallel_loop3A_244] {strides = array<i32>} : memref<208x128xf32, #tpu.memory_space<vmem>>, vector<16xf32>,
        tpu.vector_store %arg8[%parallel_loop3A_243, %parallel_loop3A_244], %parallel_loop3A_236 {strides = array<i32>} : memref<208x128xf32, #tpu.memory_space<vmem>>, vector<16xf32>,
        %parallel_loop3A_246 = arith.constant 2 : i32
        %parallel_loop3A_247 = vector.broadcast %parallel_loop3A_246 : i32 to vector<16xi32>
        %parallel_loop3A_248 = arith.addi %parallel_loop3A_219, %parallel_loop3A_247 : vector<16xi32>
        %parallel_loop3A_249 = tpu.vector_load_idx %arg5[%parallel_loop3A_248] : memref<16000xf32, #tpu.memory_space<vmem>>[vector<16xi32>], vector<16xf32>,
        %parallel_loop3A_250 = arith.constant 16 : i32
        %parallel_loop3A_251 = arith.muli %parallel_loop3A_209, %parallel_loop3A_250 : i32
        %parallel_loop3A_252 = arith.constant 2 : i32
        %parallel_loop3A_253 = arith.addi %parallel_loop3A_251, %parallel_loop3A_252 : i32
        %parallel_loop3A_254 = arith.constant 16 : i32
        %parallel_loop3A_255 = arith.muli %parallel_loop3A_211, %parallel_loop3A_254 : i32
        %parallel_loop3A_256 = arith.index_cast %parallel_loop3A_253 : i32 to index
        %parallel_loop3A_257 = arith.index_cast %parallel_loop3A_255 : i32 to index
        %parallel_loop3A_258 = tpu.vector_load %arg8[%parallel_loop3A_256, %parallel_loop3A_257] {strides = array<i32>} : memref<208x128xf32, #tpu.memory_space<vmem>>, vector<16xf32>,
        tpu.vector_store %arg8[%parallel_loop3A_256, %parallel_loop3A_257], %parallel_loop3A_249 {strides = array<i32>} : memref<208x128xf32, #tpu.memory_space<vmem>>, vector<16xf32>,
        %parallel_loop3A_259 = arith.constant 3 : i32
        %parallel_loop3A_260 = vector.broadcast %parallel_loop3A_259 : i32 to vector<16xi32>
        %parallel_loop3A_261 = arith.addi %parallel_loop3A_219, %parallel_loop3A_260 : vector<16xi32>
        %parallel_loop3A_262 = tpu.vector_load_idx %arg5[%parallel_loop3A_261] : memref<16000xf32, #tpu.memory_space<vmem>>[vector<16xi32>], vector<16xf32>,
        %parallel_loop3A_263 = arith.constant 16 : i32
        %parallel_loop3A_264 = arith.muli %parallel_loop3A_209, %parallel_loop3A_263 : i32
        %parallel_loop3A_265 = arith.constant 3 : i32
        %parallel_loop3A_266 = arith.addi %parallel_loop3A_264, %parallel_loop3A_265 : i32
        %parallel_loop3A_267 = arith.constant 16 : i32
        %parallel_loop3A_268 = arith.muli %parallel_loop3A_211, %parallel_loop3A_267 : i32
        %parallel_loop3A_269 = arith.index_cast %parallel_loop3A_266 : i32 to index
        %parallel_loop3A_270 = arith.index_cast %parallel_loop3A_268 : i32 to index
        %parallel_loop3A_271 = tpu.vector_load %arg8[%parallel_loop3A_269, %parallel_loop3A_270] {strides = array<i32>} : memref<208x128xf32, #tpu.memory_space<vmem>>, vector<16xf32>,
        tpu.vector_store %arg8[%parallel_loop3A_269, %parallel_loop3A_270], %parallel_loop3A_262 {strides = array<i32>} : memref<208x128xf32, #tpu.memory_space<vmem>>, vector<16xf32>,
        %parallel_loop3A_272 = arith.constant 4 : i32
        %parallel_loop3A_273 = vector.broadcast %parallel_loop3A_272 : i32 to vector<16xi32>
        %parallel_loop3A_274 = arith.addi %parallel_loop3A_219, %parallel_loop3A_273 : vector<16xi32>
        %parallel_loop3A_275 = tpu.vector_load_idx %arg5[%parallel_loop3A_274] : memref<16000xf32, #tpu.memory_space<vmem>>[vector<16xi32>], vector<16xf32>,
        %parallel_loop3A_276 = arith.constant 16 : i32
        %parallel_loop3A_277 = arith.muli %parallel_loop3A_209, %parallel_loop3A_276 : i32
        %parallel_loop3A_278 = arith.constant 4 : i32
        %parallel_loop3A_279 = arith.addi %parallel_loop3A_277, %parallel_loop3A_278 : i32
        %parallel_loop3A_280 = arith.constant 16 : i32
        %parallel_loop3A_281 = arith.muli %parallel_loop3A_211, %parallel_loop3A_280 : i32
        %parallel_loop3A_282 = arith.index_cast %parallel_loop3A_279 : i32 to index
        %parallel_loop3A_283 = arith.index_cast %parallel_loop3A_281 : i32 to index
        %parallel_loop3A_284 = tpu.vector_load %arg8[%parallel_loop3A_282, %parallel_loop3A_283] {strides = array<i32>} : memref<208x128xf32, #tpu.memory_space<vmem>>, vector<16xf32>,
        tpu.vector_store %arg8[%parallel_loop3A_282, %parallel_loop3A_283], %parallel_loop3A_275 {strides = array<i32>} : memref<208x128xf32, #tpu.memory_space<vmem>>, vector<16xf32>,
        %parallel_loop3A_285 = arith.constant 5 : i32
        %parallel_loop3A_286 = vector.broadcast %parallel_loop3A_285 : i32 to vector<16xi32>
        %parallel_loop3A_287 = arith.addi %parallel_loop3A_219, %parallel_loop3A_286 : vector<16xi32>
        %parallel_loop3A_288 = tpu.vector_load_idx %arg5[%parallel_loop3A_287] : memref<16000xf32, #tpu.memory_space<vmem>>[vector<16xi32>], vector<16xf32>,
        %parallel_loop3A_289 = arith.constant 16 : i32
        %parallel_loop3A_290 = arith.muli %parallel_loop3A_209, %parallel_loop3A_289 : i32
        %parallel_loop3A_291 = arith.constant 5 : i32
        %parallel_loop3A_292 = arith.addi %parallel_loop3A_290, %parallel_loop3A_291 : i32
        %parallel_loop3A_293 = arith.constant 16 : i32
        %parallel_loop3A_294 = arith.muli %parallel_loop3A_211, %parallel_loop3A_293 : i32
        %parallel_loop3A_295 = arith.index_cast %parallel_loop3A_292 : i32 to index
        %parallel_loop3A_296 = arith.index_cast %parallel_loop3A_294 : i32 to index
        %parallel_loop3A_297 = tpu.vector_load %arg8[%parallel_loop3A_295, %parallel_loop3A_296] {strides = array<i32>} : memref<208x128xf32, #tpu.memory_space<vmem>>, vector<16xf32>,
        tpu.vector_store %arg8[%parallel_loop3A_295, %parallel_loop3A_296], %parallel_loop3A_288 {strides = array<i32>} : memref<208x128xf32, #tpu.memory_space<vmem>>, vector<16xf32>,
        %parallel_loop3A_298 = arith.constant 6 : i32
        %parallel_loop3A_299 = vector.broadcast %parallel_loop3A_298 : i32 to vector<16xi32>
        %parallel_loop3A_300 = arith.addi %parallel_loop3A_219, %parallel_loop3A_299 : vector<16xi32>
        %parallel_loop3A_301 = tpu.vector_load_idx %arg5[%parallel_loop3A_300] : memref<16000xf32, #tpu.memory_space<vmem>>[vector<16xi32>], vector<16xf32>,
        %parallel_loop3A_302 = arith.constant 16 : i32
        %parallel_loop3A_303 = arith.muli %parallel_loop3A_209, %parallel_loop3A_302 : i32
        %parallel_loop3A_304 = arith.constant 6 : i32
        %parallel_loop3A_305 = arith.addi %parallel_loop3A_303, %parallel_loop3A_304 : i32
        %parallel_loop3A_306 = arith.constant 16 : i32
        %parallel_loop3A_307 = arith.muli %parallel_loop3A_211, %parallel_loop3A_306 : i32
        %parallel_loop3A_308 = arith.index_cast %parallel_loop3A_305 : i32 to index
        %parallel_loop3A_309 = arith.index_cast %parallel_loop3A_307 : i32 to index
        %parallel_loop3A_310 = tpu.vector_load %arg8[%parallel_loop3A_308, %parallel_loop3A_309] {strides = array<i32>} : memref<208x128xf32, #tpu.memory_space<vmem>>, vector<16xf32>,
        tpu.vector_store %arg8[%parallel_loop3A_308, %parallel_loop3A_309], %parallel_loop3A_301 {strides = array<i32>} : memref<208x128xf32, #tpu.memory_space<vmem>>, vector<16xf32>,
        %parallel_loop3A_311 = arith.constant 7 : i32
        %parallel_loop3A_312 = vector.broadcast %parallel_loop3A_311 : i32 to vector<16xi32>
        %parallel_loop3A_313 = arith.addi %parallel_loop3A_219, %parallel_loop3A_312 : vector<16xi32>
        %parallel_loop3A_314 = tpu.vector_load_idx %arg5[%parallel_loop3A_313] : memref<16000xf32, #tpu.memory_space<vmem>>[vector<16xi32>], vector<16xf32>,
        %parallel_loop3A_315 = arith.constant 16 : i32
        %parallel_loop3A_316 = arith.muli %parallel_loop3A_209, %parallel_loop3A_315 : i32
        %parallel_loop3A_317 = arith.constant 7 : i32
        %parallel_loop3A_318 = arith.addi %parallel_loop3A_316, %parallel_loop3A_317 : i32
        %parallel_loop3A_319 = arith.constant 16 : i32
        %parallel_loop3A_320 = arith.muli %parallel_loop3A_211, %parallel_loop3A_319 : i32
        %parallel_loop3A_321 = arith.index_cast %parallel_loop3A_318 : i32 to index
        %parallel_loop3A_322 = arith.index_cast %parallel_loop3A_320 : i32 to index
        %parallel_loop3A_323 = tpu.vector_load %arg8[%parallel_loop3A_321, %parallel_loop3A_322] {strides = array<i32>} : memref<208x128xf32, #tpu.memory_space<vmem>>, vector<16xf32>,
        tpu.vector_store %arg8[%parallel_loop3A_321, %parallel_loop3A_322], %parallel_loop3A_314 {strides = array<i32>} : memref<208x128xf32, #tpu.memory_space<vmem>>, vector<16xf32>,
        %parallel_loop3A_324 = arith.constant 8 : i32
        %parallel_loop3A_325 = vector.broadcast %parallel_loop3A_324 : i32 to vector<16xi32>
        %parallel_loop3A_326 = arith.addi %parallel_loop3A_219, %parallel_loop3A_325 : vector<16xi32>
        %parallel_loop3A_327 = tpu.vector_load_idx %arg5[%parallel_loop3A_326] : memref<16000xf32, #tpu.memory_space<vmem>>[vector<16xi32>], vector<16xf32>,
        %parallel_loop3A_328 = arith.constant 16 : i32
        %parallel_loop3A_329 = arith.muli %parallel_loop3A_209, %parallel_loop3A_328 : i32
        %parallel_loop3A_330 = arith.constant 8 : i32
        %parallel_loop3A_331 = arith.addi %parallel_loop3A_329, %parallel_loop3A_330 : i32
        %parallel_loop3A_332 = arith.constant 16 : i32
        %parallel_loop3A_333 = arith.muli %parallel_loop3A_211, %parallel_loop3A_332 : i32
        %parallel_loop3A_334 = arith.index_cast %parallel_loop3A_331 : i32 to index
        %parallel_loop3A_335 = arith.index_cast %parallel_loop3A_333 : i32 to index
        %parallel_loop3A_336 = tpu.vector_load %arg8[%parallel_loop3A_334, %parallel_loop3A_335] {strides = array<i32>} : memref<208x128xf32, #tpu.memory_space<vmem>>, vector<16xf32>,
        tpu.vector_store %arg8[%parallel_loop3A_334, %parallel_loop3A_335], %parallel_loop3A_327 {strides = array<i32>} : memref<208x128xf32, #tpu.memory_space<vmem>>, vector<16xf32>,
        %parallel_loop3A_337 = arith.constant 9 : i32
        %parallel_loop3A_338 = vector.broadcast %parallel_loop3A_337 : i32 to vector<16xi32>
        %parallel_loop3A_339 = arith.addi %parallel_loop3A_219, %parallel_loop3A_338 : vector<16xi32>
        %parallel_loop3A_340 = tpu.vector_load_idx %arg5[%parallel_loop3A_339] : memref<16000xf32, #tpu.memory_space<vmem>>[vector<16xi32>], vector<16xf32>,
        %parallel_loop3A_341 = arith.constant 16 : i32
        %parallel_loop3A_342 = arith.muli %parallel_loop3A_209, %parallel_loop3A_341 : i32
        %parallel_loop3A_343 = arith.constant 9 : i32
        %parallel_loop3A_344 = arith.addi %parallel_loop3A_342, %parallel_loop3A_343 : i32
        %parallel_loop3A_345 = arith.constant 16 : i32
        %parallel_loop3A_346 = arith.muli %parallel_loop3A_211, %parallel_loop3A_345 : i32
        %parallel_loop3A_347 = arith.index_cast %parallel_loop3A_344 : i32 to index
        %parallel_loop3A_348 = arith.index_cast %parallel_loop3A_346 : i32 to index
        %parallel_loop3A_349 = tpu.vector_load %arg8[%parallel_loop3A_347, %parallel_loop3A_348] {strides = array<i32>} : memref<208x128xf32, #tpu.memory_space<vmem>>, vector<16xf32>,
        tpu.vector_store %arg8[%parallel_loop3A_347, %parallel_loop3A_348], %parallel_loop3A_340 {strides = array<i32>} : memref<208x128xf32, #tpu.memory_space<vmem>>, vector<16xf32>,
        %parallel_loop3A_350 = arith.constant 10 : i32
        %parallel_loop3A_351 = vector.broadcast %parallel_loop3A_350 : i32 to vector<16xi32>
        %parallel_loop3A_352 = arith.addi %parallel_loop3A_219, %parallel_loop3A_351 : vector<16xi32>
        %parallel_loop3A_353 = tpu.vector_load_idx %arg5[%parallel_loop3A_352] : memref<16000xf32, #tpu.memory_space<vmem>>[vector<16xi32>], vector<16xf32>,
        %parallel_loop3A_354 = arith.constant 16 : i32
        %parallel_loop3A_355 = arith.muli %parallel_loop3A_209, %parallel_loop3A_354 : i32
        %parallel_loop3A_356 = arith.constant 10 : i32
        %parallel_loop3A_357 = arith.addi %parallel_loop3A_355, %parallel_loop3A_356 : i32
        %parallel_loop3A_358 = arith.constant 16 : i32
        %parallel_loop3A_359 = arith.muli %parallel_loop3A_211, %parallel_loop3A_358 : i32
        %parallel_loop3A_360 = arith.index_cast %parallel_loop3A_357 : i32 to index
        %parallel_loop3A_361 = arith.index_cast %parallel_loop3A_359 : i32 to index
        %parallel_loop3A_362 = tpu.vector_load %arg8[%parallel_loop3A_360, %parallel_loop3A_361] {strides = array<i32>} : memref<208x128xf32, #tpu.memory_space<vmem>>, vector<16xf32>,
        tpu.vector_store %arg8[%parallel_loop3A_360, %parallel_loop3A_361], %parallel_loop3A_353 {strides = array<i32>} : memref<208x128xf32, #tpu.memory_space<vmem>>, vector<16xf32>,
        %parallel_loop3A_363 = arith.constant 11 : i32
        %parallel_loop3A_364 = vector.broadcast %parallel_loop3A_363 : i32 to vector<16xi32>
        %parallel_loop3A_365 = arith.addi %parallel_loop3A_219, %parallel_loop3A_364 : vector<16xi32>
        %parallel_loop3A_366 = tpu.vector_load_idx %arg5[%parallel_loop3A_365] : memref<16000xf32, #tpu.memory_space<vmem>>[vector<16xi32>], vector<16xf32>,
        %parallel_loop3A_367 = arith.constant 16 : i32
        %parallel_loop3A_368 = arith.muli %parallel_loop3A_209, %parallel_loop3A_367 : i32
        %parallel_loop3A_369 = arith.constant 11 : i32
        %parallel_loop3A_370 = arith.addi %parallel_loop3A_368, %parallel_loop3A_369 : i32
        %parallel_loop3A_371 = arith.constant 16 : i32
        %parallel_loop3A_372 = arith.muli %parallel_loop3A_211, %parallel_loop3A_371 : i32
        %parallel_loop3A_373 = arith.index_cast %parallel_loop3A_370 : i32 to index
        %parallel_loop3A_374 = arith.index_cast %parallel_loop3A_372 : i32 to index
        %parallel_loop3A_375 = tpu.vector_load %arg8[%parallel_loop3A_373, %parallel_loop3A_374] {strides = array<i32>} : memref<208x128xf32, #tpu.memory_space<vmem>>, vector<16xf32>,
        tpu.vector_store %arg8[%parallel_loop3A_373, %parallel_loop3A_374], %parallel_loop3A_366 {strides = array<i32>} : memref<208x128xf32, #tpu.memory_space<vmem>>, vector<16xf32>,
        %parallel_loop3A_376 = arith.constant 12 : i32
        %parallel_loop3A_377 = vector.broadcast %parallel_loop3A_376 : i32 to vector<16xi32>
        %parallel_loop3A_378 = arith.addi %parallel_loop3A_219, %parallel_loop3A_377 : vector<16xi32>
        %parallel_loop3A_379 = tpu.vector_load_idx %arg5[%parallel_loop3A_378] : memref<16000xf32, #tpu.memory_space<vmem>>[vector<16xi32>], vector<16xf32>,
        %parallel_loop3A_380 = arith.constant 16 : i32
        %parallel_loop3A_381 = arith.muli %parallel_loop3A_209, %parallel_loop3A_380 : i32
        %parallel_loop3A_382 = arith.constant 12 : i32
        %parallel_loop3A_383 = arith.addi %parallel_loop3A_381, %parallel_loop3A_382 : i32
        %parallel_loop3A_384 = arith.constant 16 : i32
        %parallel_loop3A_385 = arith.muli %parallel_loop3A_211, %parallel_loop3A_384 : i32
        %parallel_loop3A_386 = arith.index_cast %parallel_loop3A_383 : i32 to index
        %parallel_loop3A_387 = arith.index_cast %parallel_loop3A_385 : i32 to index
        %parallel_loop3A_388 = tpu.vector_load %arg8[%parallel_loop3A_386, %parallel_loop3A_387] {strides = array<i32>} : memref<208x128xf32, #tpu.memory_space<vmem>>, vector<16xf32>,
        tpu.vector_store %arg8[%parallel_loop3A_386, %parallel_loop3A_387], %parallel_loop3A_379 {strides = array<i32>} : memref<208x128xf32, #tpu.memory_space<vmem>>, vector<16xf32>,
        %parallel_loop3A_389 = arith.constant 13 : i32
        %parallel_loop3A_390 = vector.broadcast %parallel_loop3A_389 : i32 to vector<16xi32>
        %parallel_loop3A_391 = arith.addi %parallel_loop3A_219, %parallel_loop3A_390 : vector<16xi32>
        %parallel_loop3A_392 = tpu.vector_load_idx %arg5[%parallel_loop3A_391] : memref<16000xf32, #tpu.memory_space<vmem>>[vector<16xi32>], vector<16xf32>,
        %parallel_loop3A_393 = arith.constant 16 : i32
        %parallel_loop3A_394 = arith.muli %parallel_loop3A_209, %parallel_loop3A_393 : i32
        %parallel_loop3A_395 = arith.constant 13 : i32
        %parallel_loop3A_396 = arith.addi %parallel_loop3A_394, %parallel_loop3A_395 : i32
        %parallel_loop3A_397 = arith.constant 16 : i32
        %parallel_loop3A_398 = arith.muli %parallel_loop3A_211, %parallel_loop3A_397 : i32
        %parallel_loop3A_399 = arith.index_cast %parallel_loop3A_396 : i32 to index
        %parallel_loop3A_400 = arith.index_cast %parallel_loop3A_398 : i32 to index
        %parallel_loop3A_401 = tpu.vector_load %arg8[%parallel_loop3A_399, %parallel_loop3A_400] {strides = array<i32>} : memref<208x128xf32, #tpu.memory_space<vmem>>, vector<16xf32>,
        tpu.vector_store %arg8[%parallel_loop3A_399, %parallel_loop3A_400], %parallel_loop3A_392 {strides = array<i32>} : memref<208x128xf32, #tpu.memory_space<vmem>>, vector<16xf32>,
        %parallel_loop3A_402 = arith.constant 14 : i32
        %parallel_loop3A_403 = vector.broadcast %parallel_loop3A_402 : i32 to vector<16xi32>
        %parallel_loop3A_404 = arith.addi %parallel_loop3A_219, %parallel_loop3A_403 : vector<16xi32>
        %parallel_loop3A_405 = tpu.vector_load_idx %arg5[%parallel_loop3A_404] : memref<16000xf32, #tpu.memory_space<vmem>>[vector<16xi32>], vector<16xf32>,
        %parallel_loop3A_406 = arith.constant 16 : i32
        %parallel_loop3A_407 = arith.muli %parallel_loop3A_209, %parallel_loop3A_406 : i32
        %parallel_loop3A_408 = arith.constant 14 : i32
        %parallel_loop3A_409 = arith.addi %parallel_loop3A_407, %parallel_loop3A_408 : i32
        %parallel_loop3A_410 = arith.constant 16 : i32
        %parallel_loop3A_411 = arith.muli %parallel_loop3A_211, %parallel_loop3A_410 : i32
        %parallel_loop3A_412 = arith.index_cast %parallel_loop3A_409 : i32 to index
        %parallel_loop3A_413 = arith.index_cast %parallel_loop3A_411 : i32 to index
        %parallel_loop3A_414 = tpu.vector_load %arg8[%parallel_loop3A_412, %parallel_loop3A_413] {strides = array<i32>} : memref<208x128xf32, #tpu.memory_space<vmem>>, vector<16xf32>,
        tpu.vector_store %arg8[%parallel_loop3A_412, %parallel_loop3A_413], %parallel_loop3A_405 {strides = array<i32>} : memref<208x128xf32, #tpu.memory_space<vmem>>, vector<16xf32>,
        %parallel_loop3A_415 = arith.constant 15 : i32
        %parallel_loop3A_416 = vector.broadcast %parallel_loop3A_415 : i32 to vector<16xi32>
        %parallel_loop3A_417 = arith.addi %parallel_loop3A_219, %parallel_loop3A_416 : vector<16xi32>
        %parallel_loop3A_418 = tpu.vector_load_idx %arg5[%parallel_loop3A_417] : memref<16000xf32, #tpu.memory_space<vmem>>[vector<16xi32>], vector<16xf32>,
        %parallel_loop3A_419 = arith.constant 16 : i32
        %parallel_loop3A_420 = arith.muli %parallel_loop3A_209, %parallel_loop3A_419 : i32
        %parallel_loop3A_421 = arith.constant 15 : i32
        %parallel_loop3A_422 = arith.addi %parallel_loop3A_420, %parallel_loop3A_421 : i32
        %parallel_loop3A_423 = arith.constant 16 : i32
        %parallel_loop3A_424 = arith.muli %parallel_loop3A_211, %parallel_loop3A_423 : i32
        %parallel_loop3A_425 = arith.index_cast %parallel_loop3A_422 : i32 to index
        %parallel_loop3A_426 = arith.index_cast %parallel_loop3A_424 : i32 to index
        %parallel_loop3A_427 = tpu.vector_load %arg8[%parallel_loop3A_425, %parallel_loop3A_426] {strides = array<i32>} : memref<208x128xf32, #tpu.memory_space<vmem>>, vector<16xf32>,
        tpu.vector_store %arg8[%parallel_loop3A_425, %parallel_loop3A_426], %parallel_loop3A_418 {strides = array<i32>} : memref<208x128xf32, #tpu.memory_space<vmem>>, vector<16xf32>,
      } {sc.loop_unroll_factor = 2 : i64, sc.parallel_access}
      %mul3A_157 = arith.constant 2 : i32
      %mul3A_158 = arith.muli %mul3A_157, %scan3A_140 : i32
      %add3A_159 = arith.constant 0 : i32
      %add3A_160 = arith.addi %mul3A_158, %add3A_159 : i32
      %add3A_161 = arith.constant 2 : i32
      %add3A_162 = arith.addi %add3A_160, %add3A_161 : i32
      %rem3A_163 = arith.constant 25 : i32
      %rem3A_164 = arith.remsi %add3A_162, %rem3A_163 : i32
      %add3A_165 = arith.addi %mul3A_52, %rem3A_164 : i32
      %dma_start3A_166 = tpu.memref_slice %arg2[%mul3A_48, %add3A_165, %mul3A_46] : memref<26x50x1024xi32, #tpu.memory_space<hbm>> -> memref<13x1x128xi32, #tpu.memory_space<hbm>>
      %dma_start3A_167 = tpu.memref_squeeze %dma_start3A_166 : memref<13x1x128xi32, #tpu.memory_space<hbm>> -> memref<13x128xi32, #tpu.memory_space<hbm>>
      %dma_start3A_168 = tpu.memref_slice %arg2[%mul3A_48, %add3A_165, %mul3A_46] : memref<26x50x1024xi32, #tpu.memory_space<hbm>> -> memref<13x1x128xi32, #tpu.memory_space<hbm>>
      %dma_start3A_169 = tpu.memref_squeeze %dma_start3A_168 : memref<13x1x128xi32, #tpu.memory_space<hbm>> -> memref<13x128xi32, #tpu.memory_space<hbm>>
      tpu.enqueue_dma source(%dma_start3A_169 : memref<13x128xi32, #tpu.memory_space<hbm>>) target(%arg6 : memref<13x128xi32, #tpu.memory_space<vmem>>) target_semaphore(%arg11 : memref<!tpu.dma_semaphore, #tpu.memory_space<semaphore_mem>>)
      %dma_start3A_170 = tpu.memref_slice %arg4[%add3A_145, %mul3A_50, %mul3A_46] : memref<50x416x1024xf32, #tpu.memory_space<hbm>> -> memref<1x208x128xf32, #tpu.memory_space<hbm>>
      %dma_start3A_171 = tpu.memref_squeeze %dma_start3A_170 : memref<1x208x128xf32, #tpu.memory_space<hbm>> -> memref<208x128xf32, #tpu.memory_space<hbm>>
      %dma_start3A_172 = tpu.memref_slice %arg4[%add3A_145, %mul3A_50, %mul3A_46] : memref<50x416x1024xf32, #tpu.memory_space<hbm>> -> memref<1x208x128xf32, #tpu.memory_space<hbm>>
      %dma_start3A_173 = tpu.memref_squeeze %dma_start3A_172 : memref<1x208x128xf32, #tpu.memory_space<hbm>> -> memref<208x128xf32, #tpu.memory_space<hbm>>
      tpu.enqueue_dma source(%arg8 : memref<208x128xf32, #tpu.memory_space<vmem>>) target(%dma_start3A_173 : memref<208x128xf32, #tpu.memory_space<hbm>>) target_semaphore(%arg13 : memref<!tpu.dma_semaphore, #tpu.memory_space<semaphore_mem>>)
      %mul3A_174 = arith.constant 2 : i32
      %mul3A_175 = arith.muli %mul3A_174, %scan3A_140 : i32
      %add3A_176 = arith.addi %mul3A_52, %mul3A_175 : i32
      %add3A_177 = arith.constant 1 : i32
      %add3A_178 = arith.addi %add3A_176, %add3A_177 : i32
      %dma_wait3A_179 = tpu.memref_slice %arg4[%add3A_178, %mul3A_50, %mul3A_46] : memref<50x416x1024xf32, #tpu.memory_space<hbm>> -> memref<1x208x128xf32, #tpu.memory_space<hbm>>
      %dma_wait3A_180 = tpu.memref_squeeze %dma_wait3A_179 : memref<1x208x128xf32, #tpu.memory_space<hbm>> -> memref<208x128xf32, #tpu.memory_space<hbm>>
      %dma_wait3A_181 = tpu.memref_slice %arg4[%add3A_178, %mul3A_50, %mul3A_46] : memref<50x416x1024xf32, #tpu.memory_space<hbm>> -> memref<1x208x128xf32, #tpu.memory_space<hbm>>
      %dma_wait3A_182 = tpu.memref_squeeze %dma_wait3A_181 : memref<1x208x128xf32, #tpu.memory_space<hbm>> -> memref<208x128xf32, #tpu.memory_space<hbm>>
      tpu.wait_dma2 semaphore(%arg14 : memref<!tpu.dma_semaphore, #tpu.memory_space<semaphore_mem>>) src(%arg9 : memref<208x128xf32, #tpu.memory_space<vmem>>) dst(%dma_wait3A_182 : memref<208x128xf32, #tpu.memory_space<hbm>>)
      %dma_wait3A_183 = tpu.memref_slice %arg2[%mul3A_48, %add3A_178, %mul3A_46] : memref<26x50x1024xi32, #tpu.memory_space<hbm>> -> memref<13x1x128xi32, #tpu.memory_space<hbm>>
      %dma_wait3A_184 = tpu.memref_squeeze %dma_wait3A_183 : memref<13x1x128xi32, #tpu.memory_space<hbm>> -> memref<13x128xi32, #tpu.memory_space<hbm>>
      %dma_wait3A_185 = tpu.memref_slice %arg2[%mul3A_48, %add3A_178, %mul3A_46] : memref<26x50x1024xi32, #tpu.memory_space<hbm>> -> memref<13x1x128xi32, #tpu.memory_space<hbm>>
      %dma_wait3A_186 = tpu.memref_squeeze %dma_wait3A_185 : memref<13x1x128xi32, #tpu.memory_space<hbm>> -> memref<13x128xi32, #tpu.memory_space<hbm>>
      tpu.wait_dma2 semaphore(%arg12 : memref<!tpu.dma_semaphore, #tpu.memory_space<semaphore_mem>>) src(%dma_wait3A_186 : memref<13x128xi32, #tpu.memory_space<hbm>>) dst(%arg7 : memref<13x128xi32, #tpu.memory_space<vmem>>)
      %parallel_loop3A_187 = arith.constant 0 : i32
      %parallel_loop3A_188 = arith.constant 104 : i32
      %parallel_loop3A_189 = arith.constant 1 : i32
      scf.for %parallel_loop3A_207 = %parallel_loop3A_187 to %parallel_loop3A_188 step %parallel_loop3A_189  : i32 {
        %parallel_loop3A_208 = arith.constant 3 : i32
        %parallel_loop3A_209 = arith.shrsi %parallel_loop3A_207, %parallel_loop3A_208 : i32
        %parallel_loop3A_210 = arith.constant 8 : i32
        %parallel_loop3A_211 = arith.remsi %parallel_loop3A_207, %parallel_loop3A_210 : i32
        %parallel_loop3A_212 = arith.constant 16 : i32
        %parallel_loop3A_213 = arith.muli %parallel_loop3A_211, %parallel_loop3A_212 : i32
        %parallel_loop3A_214 = arith.index_cast %parallel_loop3A_209 : i32 to index
        %parallel_loop3A_215 = arith.index_cast %parallel_loop3A_213 : i32 to index
        %parallel_loop3A_216 = tpu.vector_load %arg7[%parallel_loop3A_214, %parallel_loop3A_215] {strides = array<i32>} : memref<13x128xi32, #tpu.memory_space<vmem>>, vector<16xi32>,
        %parallel_loop3A_217 = arith.constant 16 : i32
        %parallel_loop3A_218 = vector.broadcast %parallel_loop3A_217 : i32 to vector<16xi32>
        %parallel_loop3A_219 = arith.muli %parallel_loop3A_216, %parallel_loop3A_218 : vector<16xi32>
        %parallel_loop3A_220 = arith.constant 0 : i32
        %parallel_loop3A_221 = vector.broadcast %parallel_loop3A_220 : i32 to vector<16xi32>
        %parallel_loop3A_222 = arith.addi %parallel_loop3A_219, %parallel_loop3A_221 : vector<16xi32>
        %parallel_loop3A_223 = tpu.vector_load_idx %arg5[%parallel_loop3A_222] : memref<16000xf32, #tpu.memory_space<vmem>>[vector<16xi32>], vector<16xf32>,
        %parallel_loop3A_224 = arith.constant 16 : i32
        %parallel_loop3A_225 = arith.muli %parallel_loop3A_209, %parallel_loop3A_224 : i32
        %parallel_loop3A_226 = arith.constant 0 : i32
        %parallel_loop3A_227 = arith.addi %parallel_loop3A_225, %parallel_loop3A_226 : i32
        %parallel_loop3A_228 = arith.constant 16 : i32
        %parallel_loop3A_229 = arith.muli %parallel_loop3A_211, %parallel_loop3A_228 : i32
        %parallel_loop3A_230 = arith.index_cast %parallel_loop3A_227 : i32 to index
        %parallel_loop3A_231 = arith.index_cast %parallel_loop3A_229 : i32 to index
        %parallel_loop3A_232 = tpu.vector_load %arg9[%parallel_loop3A_230, %parallel_loop3A_231] {strides = array<i32>} : memref<208x128xf32, #tpu.memory_space<vmem>>, vector<16xf32>,
        tpu.vector_store %arg9[%parallel_loop3A_230, %parallel_loop3A_231], %parallel_loop3A_223 {strides = array<i32>} : memref<208x128xf32, #tpu.memory_space<vmem>>, vector<16xf32>,
        %parallel_loop3A_233 = arith.constant 1 : i32
        %parallel_loop3A_234 = vector.broadcast %parallel_loop3A_233 : i32 to vector<16xi32>
        %parallel_loop3A_235 = arith.addi %parallel_loop3A_219, %parallel_loop3A_234 : vector<16xi32>
        %parallel_loop3A_236 = tpu.vector_load_idx %arg5[%parallel_loop3A_235] : memref<16000xf32, #tpu.memory_space<vmem>>[vector<16xi32>], vector<16xf32>,
        %parallel_loop3A_237 = arith.constant 16 : i32
        %parallel_loop3A_238 = arith.muli %parallel_loop3A_209, %parallel_loop3A_237 : i32
        %parallel_loop3A_239 = arith.constant 1 : i32
        %parallel_loop3A_240 = arith.addi %parallel_loop3A_238, %parallel_loop3A_239 : i32
        %parallel_loop3A_241 = arith.constant 16 : i32
        %parallel_loop3A_242 = arith.muli %parallel_loop3A_211, %parallel_loop3A_241 : i32
        %parallel_loop3A_243 = arith.index_cast %parallel_loop3A_240 : i32 to index
        %parallel_loop3A_244 = arith.index_cast %parallel_loop3A_242 : i32 to index
        %parallel_loop3A_245 = tpu.vector_load %arg9[%parallel_loop3A_243, %parallel_loop3A_244] {strides = array<i32>} : memref<208x128xf32, #tpu.memory_space<vmem>>, vector<16xf32>,
        tpu.vector_store %arg9[%parallel_loop3A_243, %parallel_loop3A_244], %parallel_loop3A_236 {strides = array<i32>} : memref<208x128xf32, #tpu.memory_space<vmem>>, vector<16xf32>,
        %parallel_loop3A_246 = arith.constant 2 : i32
        %parallel_loop3A_247 = vector.broadcast %parallel_loop3A_246 : i32 to vector<16xi32>
        %parallel_loop3A_248 = arith.addi %parallel_loop3A_219, %parallel_loop3A_247 : vector<16xi32>
        %parallel_loop3A_249 = tpu.vector_load_idx %arg5[%parallel_loop3A_248] : memref<16000xf32, #tpu.memory_space<vmem>>[vector<16xi32>], vector<16xf32>,
        %parallel_loop3A_250 = arith.constant 16 : i32
        %parallel_loop3A_251 = arith.muli %parallel_loop3A_209, %parallel_loop3A_250 : i32
        %parallel_loop3A_252 = arith.constant 2 : i32
        %parallel_loop3A_253 = arith.addi %parallel_loop3A_251, %parallel_loop3A_252 : i32
        %parallel_loop3A_254 = arith.constant 16 : i32
        %parallel_loop3A_255 = arith.muli %parallel_loop3A_211, %parallel_loop3A_254 : i32
        %parallel_loop3A_256 = arith.index_cast %parallel_loop3A_253 : i32 to index
        %parallel_loop3A_257 = arith.index_cast %parallel_loop3A_255 : i32 to index
        %parallel_loop3A_258 = tpu.vector_load %arg9[%parallel_loop3A_256, %parallel_loop3A_257] {strides = array<i32>} : memref<208x128xf32, #tpu.memory_space<vmem>>, vector<16xf32>,
        tpu.vector_store %arg9[%parallel_loop3A_256, %parallel_loop3A_257], %parallel_loop3A_249 {strides = array<i32>} : memref<208x128xf32, #tpu.memory_space<vmem>>, vector<16xf32>,
        %parallel_loop3A_259 = arith.constant 3 : i32
        %parallel_loop3A_260 = vector.broadcast %parallel_loop3A_259 : i32 to vector<16xi32>
        %parallel_loop3A_261 = arith.addi %parallel_loop3A_219, %parallel_loop3A_260 : vector<16xi32>
        %parallel_loop3A_262 = tpu.vector_load_idx %arg5[%parallel_loop3A_261] : memref<16000xf32, #tpu.memory_space<vmem>>[vector<16xi32>], vector<16xf32>,
        %parallel_loop3A_263 = arith.constant 16 : i32
        %parallel_loop3A_264 = arith.muli %parallel_loop3A_209, %parallel_loop3A_263 : i32
        %parallel_loop3A_265 = arith.constant 3 : i32
        %parallel_loop3A_266 = arith.addi %parallel_loop3A_264, %parallel_loop3A_265 : i32
        %parallel_loop3A_267 = arith.constant 16 : i32
        %parallel_loop3A_268 = arith.muli %parallel_loop3A_211, %parallel_loop3A_267 : i32
        %parallel_loop3A_269 = arith.index_cast %parallel_loop3A_266 : i32 to index
        %parallel_loop3A_270 = arith.index_cast %parallel_loop3A_268 : i32 to index
        %parallel_loop3A_271 = tpu.vector_load %arg9[%parallel_loop3A_269, %parallel_loop3A_270] {strides = array<i32>} : memref<208x128xf32, #tpu.memory_space<vmem>>, vector<16xf32>,
        tpu.vector_store %arg9[%parallel_loop3A_269, %parallel_loop3A_270], %parallel_loop3A_262 {strides = array<i32>} : memref<208x128xf32, #tpu.memory_space<vmem>>, vector<16xf32>,
        %parallel_loop3A_272 = arith.constant 4 : i32
        %parallel_loop3A_273 = vector.broadcast %parallel_loop3A_272 : i32 to vector<16xi32>
        %parallel_loop3A_274 = arith.addi %parallel_loop3A_219, %parallel_loop3A_273 : vector<16xi32>
        %parallel_loop3A_275 = tpu.vector_load_idx %arg5[%parallel_loop3A_274] : memref<16000xf32, #tpu.memory_space<vmem>>[vector<16xi32>], vector<16xf32>,
        %parallel_loop3A_276 = arith.constant 16 : i32
        %parallel_loop3A_277 = arith.muli %parallel_loop3A_209, %parallel_loop3A_276 : i32
        %parallel_loop3A_278 = arith.constant 4 : i32
        %parallel_loop3A_279 = arith.addi %parallel_loop3A_277, %parallel_loop3A_278 : i32
        %parallel_loop3A_280 = arith.constant 16 : i32
        %parallel_loop3A_281 = arith.muli %parallel_loop3A_211, %parallel_loop3A_280 : i32
        %parallel_loop3A_282 = arith.index_cast %parallel_loop3A_279 : i32 to index
        %parallel_loop3A_283 = arith.index_cast %parallel_loop3A_281 : i32 to index
        %parallel_loop3A_284 = tpu.vector_load %arg9[%parallel_loop3A_282, %parallel_loop3A_283] {strides = array<i32>} : memref<208x128xf32, #tpu.memory_space<vmem>>, vector<16xf32>,
        tpu.vector_store %arg9[%parallel_loop3A_282, %parallel_loop3A_283], %parallel_loop3A_275 {strides = array<i32>} : memref<208x128xf32, #tpu.memory_space<vmem>>, vector<16xf32>,
        %parallel_loop3A_285 = arith.constant 5 : i32
        %parallel_loop3A_286 = vector.broadcast %parallel_loop3A_285 : i32 to vector<16xi32>
        %parallel_loop3A_287 = arith.addi %parallel_loop3A_219, %parallel_loop3A_286 : vector<16xi32>
        %parallel_loop3A_288 = tpu.vector_load_idx %arg5[%parallel_loop3A_287] : memref<16000xf32, #tpu.memory_space<vmem>>[vector<16xi32>], vector<16xf32>,
        %parallel_loop3A_289 = arith.constant 16 : i32
        %parallel_loop3A_290 = arith.muli %parallel_loop3A_209, %parallel_loop3A_289 : i32
        %parallel_loop3A_291 = arith.constant 5 : i32
        %parallel_loop3A_292 = arith.addi %parallel_loop3A_290, %parallel_loop3A_291 : i32
        %parallel_loop3A_293 = arith.constant 16 : i32
        %parallel_loop3A_294 = arith.muli %parallel_loop3A_211, %parallel_loop3A_293 : i32
        %parallel_loop3A_295 = arith.index_cast %parallel_loop3A_292 : i32 to index
        %parallel_loop3A_296 = arith.index_cast %parallel_loop3A_294 : i32 to index
        %parallel_loop3A_297 = tpu.vector_load %arg9[%parallel_loop3A_295, %parallel_loop3A_296] {strides = array<i32>} : memref<208x128xf32, #tpu.memory_space<vmem>>, vector<16xf32>,
        tpu.vector_store %arg9[%parallel_loop3A_295, %parallel_loop3A_296], %parallel_loop3A_288 {strides = array<i32>} : memref<208x128xf32, #tpu.memory_space<vmem>>, vector<16xf32>,
        %parallel_loop3A_298 = arith.constant 6 : i32
        %parallel_loop3A_299 = vector.broadcast %parallel_loop3A_298 : i32 to vector<16xi32>
        %parallel_loop3A_300 = arith.addi %parallel_loop3A_219, %parallel_loop3A_299 : vector<16xi32>
        %parallel_loop3A_301 = tpu.vector_load_idx %arg5[%parallel_loop3A_300] : memref<16000xf32, #tpu.memory_space<vmem>>[vector<16xi32>], vector<16xf32>,
        %parallel_loop3A_302 = arith.constant 16 : i32
        %parallel_loop3A_303 = arith.muli %parallel_loop3A_209, %parallel_loop3A_302 : i32
        %parallel_loop3A_304 = arith.constant 6 : i32
        %parallel_loop3A_305 = arith.addi %parallel_loop3A_303, %parallel_loop3A_304 : i32
        %parallel_loop3A_306 = arith.constant 16 : i32
        %parallel_loop3A_307 = arith.muli %parallel_loop3A_211, %parallel_loop3A_306 : i32
        %parallel_loop3A_308 = arith.index_cast %parallel_loop3A_305 : i32 to index
        %parallel_loop3A_309 = arith.index_cast %parallel_loop3A_307 : i32 to index
        %parallel_loop3A_310 = tpu.vector_load %arg9[%parallel_loop3A_308, %parallel_loop3A_309] {strides = array<i32>} : memref<208x128xf32, #tpu.memory_space<vmem>>, vector<16xf32>,
        tpu.vector_store %arg9[%parallel_loop3A_308, %parallel_loop3A_309], %parallel_loop3A_301 {strides = array<i32>} : memref<208x128xf32, #tpu.memory_space<vmem>>, vector<16xf32>,
        %parallel_loop3A_311 = arith.constant 7 : i32
        %parallel_loop3A_312 = vector.broadcast %parallel_loop3A_311 : i32 to vector<16xi32>
        %parallel_loop3A_313 = arith.addi %parallel_loop3A_219, %parallel_loop3A_312 : vector<16xi32>
        %parallel_loop3A_314 = tpu.vector_load_idx %arg5[%parallel_loop3A_313] : memref<16000xf32, #tpu.memory_space<vmem>>[vector<16xi32>], vector<16xf32>,
        %parallel_loop3A_315 = arith.constant 16 : i32
        %parallel_loop3A_316 = arith.muli %parallel_loop3A_209, %parallel_loop3A_315 : i32
        %parallel_loop3A_317 = arith.constant 7 : i32
        %parallel_loop3A_318 = arith.addi %parallel_loop3A_316, %parallel_loop3A_317 : i32
        %parallel_loop3A_319 = arith.constant 16 : i32
        %parallel_loop3A_320 = arith.muli %parallel_loop3A_211, %parallel_loop3A_319 : i32
        %parallel_loop3A_321 = arith.index_cast %parallel_loop3A_318 : i32 to index
        %parallel_loop3A_322 = arith.index_cast %parallel_loop3A_320 : i32 to index
        %parallel_loop3A_323 = tpu.vector_load %arg9[%parallel_loop3A_321, %parallel_loop3A_322] {strides = array<i32>} : memref<208x128xf32, #tpu.memory_space<vmem>>, vector<16xf32>,
        tpu.vector_store %arg9[%parallel_loop3A_321, %parallel_loop3A_322], %parallel_loop3A_314 {strides = array<i32>} : memref<208x128xf32, #tpu.memory_space<vmem>>, vector<16xf32>,
        %parallel_loop3A_324 = arith.constant 8 : i32
        %parallel_loop3A_325 = vector.broadcast %parallel_loop3A_324 : i32 to vector<16xi32>
        %parallel_loop3A_326 = arith.addi %parallel_loop3A_219, %parallel_loop3A_325 : vector<16xi32>
        %parallel_loop3A_327 = tpu.vector_load_idx %arg5[%parallel_loop3A_326] : memref<16000xf32, #tpu.memory_space<vmem>>[vector<16xi32>], vector<16xf32>,
        %parallel_loop3A_328 = arith.constant 16 : i32
        %parallel_loop3A_329 = arith.muli %parallel_loop3A_209, %parallel_loop3A_328 : i32
        %parallel_loop3A_330 = arith.constant 8 : i32
        %parallel_loop3A_331 = arith.addi %parallel_loop3A_329, %parallel_loop3A_330 : i32
        %parallel_loop3A_332 = arith.constant 16 : i32
        %parallel_loop3A_333 = arith.muli %parallel_loop3A_211, %parallel_loop3A_332 : i32
        %parallel_loop3A_334 = arith.index_cast %parallel_loop3A_331 : i32 to index
        %parallel_loop3A_335 = arith.index_cast %parallel_loop3A_333 : i32 to index
        %parallel_loop3A_336 = tpu.vector_load %arg9[%parallel_loop3A_334, %parallel_loop3A_335] {strides = array<i32>} : memref<208x128xf32, #tpu.memory_space<vmem>>, vector<16xf32>,
        tpu.vector_store %arg9[%parallel_loop3A_334, %parallel_loop3A_335], %parallel_loop3A_327 {strides = array<i32>} : memref<208x128xf32, #tpu.memory_space<vmem>>, vector<16xf32>,
        %parallel_loop3A_337 = arith.constant 9 : i32
        %parallel_loop3A_338 = vector.broadcast %parallel_loop3A_337 : i32 to vector<16xi32>
        %parallel_loop3A_339 = arith.addi %parallel_loop3A_219, %parallel_loop3A_338 : vector<16xi32>
        %parallel_loop3A_340 = tpu.vector_load_idx %arg5[%parallel_loop3A_339] : memref<16000xf32, #tpu.memory_space<vmem>>[vector<16xi32>], vector<16xf32>,
        %parallel_loop3A_341 = arith.constant 16 : i32
        %parallel_loop3A_342 = arith.muli %parallel_loop3A_209, %parallel_loop3A_341 : i32
        %parallel_loop3A_343 = arith.constant 9 : i32
        %parallel_loop3A_344 = arith.addi %parallel_loop3A_342, %parallel_loop3A_343 : i32
        %parallel_loop3A_345 = arith.constant 16 : i32
        %parallel_loop3A_346 = arith.muli %parallel_loop3A_211, %parallel_loop3A_345 : i32
        %parallel_loop3A_347 = arith.index_cast %parallel_loop3A_344 : i32 to index
        %parallel_loop3A_348 = arith.index_cast %parallel_loop3A_346 : i32 to index
        %parallel_loop3A_349 = tpu.vector_load %arg9[%parallel_loop3A_347, %parallel_loop3A_348] {strides = array<i32>} : memref<208x128xf32, #tpu.memory_space<vmem>>, vector<16xf32>,
        tpu.vector_store %arg9[%parallel_loop3A_347, %parallel_loop3A_348], %parallel_loop3A_340 {strides = array<i32>} : memref<208x128xf32, #tpu.memory_space<vmem>>, vector<16xf32>,
        %parallel_loop3A_350 = arith.constant 10 : i32
        %parallel_loop3A_351 = vector.broadcast %parallel_loop3A_350 : i32 to vector<16xi32>
        %parallel_loop3A_352 = arith.addi %parallel_loop3A_219, %parallel_loop3A_351 : vector<16xi32>
        %parallel_loop3A_353 = tpu.vector_load_idx %arg5[%parallel_loop3A_352] : memref<16000xf32, #tpu.memory_space<vmem>>[vector<16xi32>], vector<16xf32>,
        %parallel_loop3A_354 = arith.constant 16 : i32
        %parallel_loop3A_355 = arith.muli %parallel_loop3A_209, %parallel_loop3A_354 : i32
        %parallel_loop3A_356 = arith.constant 10 : i32
        %parallel_loop3A_357 = arith.addi %parallel_loop3A_355, %parallel_loop3A_356 : i32
        %parallel_loop3A_358 = arith.constant 16 : i32
        %parallel_loop3A_359 = arith.muli %parallel_loop3A_211, %parallel_loop3A_358 : i32
        %parallel_loop3A_360 = arith.index_cast %parallel_loop3A_357 : i32 to index
        %parallel_loop3A_361 = arith.index_cast %parallel_loop3A_359 : i32 to index
        %parallel_loop3A_362 = tpu.vector_load %arg9[%parallel_loop3A_360, %parallel_loop3A_361] {strides = array<i32>} : memref<208x128xf32, #tpu.memory_space<vmem>>, vector<16xf32>,
        tpu.vector_store %arg9[%parallel_loop3A_360, %parallel_loop3A_361], %parallel_loop3A_353 {strides = array<i32>} : memref<208x128xf32, #tpu.memory_space<vmem>>, vector<16xf32>,
        %parallel_loop3A_363 = arith.constant 11 : i32
        %parallel_loop3A_364 = vector.broadcast %parallel_loop3A_363 : i32 to vector<16xi32>
        %parallel_loop3A_365 = arith.addi %parallel_loop3A_219, %parallel_loop3A_364 : vector<16xi32>
        %parallel_loop3A_366 = tpu.vector_load_idx %arg5[%parallel_loop3A_365] : memref<16000xf32, #tpu.memory_space<vmem>>[vector<16xi32>], vector<16xf32>,
        %parallel_loop3A_367 = arith.constant 16 : i32
        %parallel_loop3A_368 = arith.muli %parallel_loop3A_209, %parallel_loop3A_367 : i32
        %parallel_loop3A_369 = arith.constant 11 : i32
        %parallel_loop3A_370 = arith.addi %parallel_loop3A_368, %parallel_loop3A_369 : i32
        %parallel_loop3A_371 = arith.constant 16 : i32
        %parallel_loop3A_372 = arith.muli %parallel_loop3A_211, %parallel_loop3A_371 : i32
        %parallel_loop3A_373 = arith.index_cast %parallel_loop3A_370 : i32 to index
        %parallel_loop3A_374 = arith.index_cast %parallel_loop3A_372 : i32 to index
        %parallel_loop3A_375 = tpu.vector_load %arg9[%parallel_loop3A_373, %parallel_loop3A_374] {strides = array<i32>} : memref<208x128xf32, #tpu.memory_space<vmem>>, vector<16xf32>,
        tpu.vector_store %arg9[%parallel_loop3A_373, %parallel_loop3A_374], %parallel_loop3A_366 {strides = array<i32>} : memref<208x128xf32, #tpu.memory_space<vmem>>, vector<16xf32>,
        %parallel_loop3A_376 = arith.constant 12 : i32
        %parallel_loop3A_377 = vector.broadcast %parallel_loop3A_376 : i32 to vector<16xi32>
        %parallel_loop3A_378 = arith.addi %parallel_loop3A_219, %parallel_loop3A_377 : vector<16xi32>
        %parallel_loop3A_379 = tpu.vector_load_idx %arg5[%parallel_loop3A_378] : memref<16000xf32, #tpu.memory_space<vmem>>[vector<16xi32>], vector<16xf32>,
        %parallel_loop3A_380 = arith.constant 16 : i32
        %parallel_loop3A_381 = arith.muli %parallel_loop3A_209, %parallel_loop3A_380 : i32
        %parallel_loop3A_382 = arith.constant 12 : i32
        %parallel_loop3A_383 = arith.addi %parallel_loop3A_381, %parallel_loop3A_382 : i32
        %parallel_loop3A_384 = arith.constant 16 : i32
        %parallel_loop3A_385 = arith.muli %parallel_loop3A_211, %parallel_loop3A_384 : i32
        %parallel_loop3A_386 = arith.index_cast %parallel_loop3A_383 : i32 to index
        %parallel_loop3A_387 = arith.index_cast %parallel_loop3A_385 : i32 to index
        %parallel_loop3A_388 = tpu.vector_load %arg9[%parallel_loop3A_386, %parallel_loop3A_387] {strides = array<i32>} : memref<208x128xf32, #tpu.memory_space<vmem>>, vector<16xf32>,
        tpu.vector_store %arg9[%parallel_loop3A_386, %parallel_loop3A_387], %parallel_loop3A_379 {strides = array<i32>} : memref<208x128xf32, #tpu.memory_space<vmem>>, vector<16xf32>,
        %parallel_loop3A_389 = arith.constant 13 : i32
        %parallel_loop3A_390 = vector.broadcast %parallel_loop3A_389 : i32 to vector<16xi32>
        %parallel_loop3A_391 = arith.addi %parallel_loop3A_219, %parallel_loop3A_390 : vector<16xi32>
        %parallel_loop3A_392 = tpu.vector_load_idx %arg5[%parallel_loop3A_391] : memref<16000xf32, #tpu.memory_space<vmem>>[vector<16xi32>], vector<16xf32>,
        %parallel_loop3A_393 = arith.constant 16 : i32
        %parallel_loop3A_394 = arith.muli %parallel_loop3A_209, %parallel_loop3A_393 : i32
        %parallel_loop3A_395 = arith.constant 13 : i32
        %parallel_loop3A_396 = arith.addi %parallel_loop3A_394, %parallel_loop3A_395 : i32
        %parallel_loop3A_397 = arith.constant 16 : i32
        %parallel_loop3A_398 = arith.muli %parallel_loop3A_211, %parallel_loop3A_397 : i32
        %parallel_loop3A_399 = arith.index_cast %parallel_loop3A_396 : i32 to index
        %parallel_loop3A_400 = arith.index_cast %parallel_loop3A_398 : i32 to index
        %parallel_loop3A_401 = tpu.vector_load %arg9[%parallel_loop3A_399, %parallel_loop3A_400] {strides = array<i32>} : memref<208x128xf32, #tpu.memory_space<vmem>>, vector<16xf32>,
        tpu.vector_store %arg9[%parallel_loop3A_399, %parallel_loop3A_400], %parallel_loop3A_392 {strides = array<i32>} : memref<208x128xf32, #tpu.memory_space<vmem>>, vector<16xf32>,
        %parallel_loop3A_402 = arith.constant 14 : i32
        %parallel_loop3A_403 = vector.broadcast %parallel_loop3A_402 : i32 to vector<16xi32>
        %parallel_loop3A_404 = arith.addi %parallel_loop3A_219, %parallel_loop3A_403 : vector<16xi32>
        %parallel_loop3A_405 = tpu.vector_load_idx %arg5[%parallel_loop3A_404] : memref<16000xf32, #tpu.memory_space<vmem>>[vector<16xi32>], vector<16xf32>,
        %parallel_loop3A_406 = arith.constant 16 : i32
        %parallel_loop3A_407 = arith.muli %parallel_loop3A_209, %parallel_loop3A_406 : i32
        %parallel_loop3A_408 = arith.constant 14 : i32
        %parallel_loop3A_409 = arith.addi %parallel_loop3A_407, %parallel_loop3A_408 : i32
        %parallel_loop3A_410 = arith.constant 16 : i32
        %parallel_loop3A_411 = arith.muli %parallel_loop3A_211, %parallel_loop3A_410 : i32
        %parallel_loop3A_412 = arith.index_cast %parallel_loop3A_409 : i32 to index
        %parallel_loop3A_413 = arith.index_cast %parallel_loop3A_411 : i32 to index
        %parallel_loop3A_414 = tpu.vector_load %arg9[%parallel_loop3A_412, %parallel_loop3A_413] {strides = array<i32>} : memref<208x128xf32, #tpu.memory_space<vmem>>, vector<16xf32>,
        tpu.vector_store %arg9[%parallel_loop3A_412, %parallel_loop3A_413], %parallel_loop3A_405 {strides = array<i32>} : memref<208x128xf32, #tpu.memory_space<vmem>>, vector<16xf32>,
        %parallel_loop3A_415 = arith.constant 15 : i32
        %parallel_loop3A_416 = vector.broadcast %parallel_loop3A_415 : i32 to vector<16xi32>
        %parallel_loop3A_417 = arith.addi %parallel_loop3A_219, %parallel_loop3A_416 : vector<16xi32>
        %parallel_loop3A_418 = tpu.vector_load_idx %arg5[%parallel_loop3A_417] : memref<16000xf32, #tpu.memory_space<vmem>>[vector<16xi32>], vector<16xf32>,
        %parallel_loop3A_419 = arith.constant 16 : i32
        %parallel_loop3A_420 = arith.muli %parallel_loop3A_209, %parallel_loop3A_419 : i32
        %parallel_loop3A_421 = arith.constant 15 : i32
        %parallel_loop3A_422 = arith.addi %parallel_loop3A_420, %parallel_loop3A_421 : i32
        %parallel_loop3A_423 = arith.constant 16 : i32
        %parallel_loop3A_424 = arith.muli %parallel_loop3A_211, %parallel_loop3A_423 : i32
        %parallel_loop3A_425 = arith.index_cast %parallel_loop3A_422 : i32 to index
        %parallel_loop3A_426 = arith.index_cast %parallel_loop3A_424 : i32 to index
        %parallel_loop3A_427 = tpu.vector_load %arg9[%parallel_loop3A_425, %parallel_loop3A_426] {strides = array<i32>} : memref<208x128xf32, #tpu.memory_space<vmem>>, vector<16xf32>,
        tpu.vector_store %arg9[%parallel_loop3A_425, %parallel_loop3A_426], %parallel_loop3A_418 {strides = array<i32>} : memref<208x128xf32, #tpu.memory_space<vmem>>, vector<16xf32>,
      } {sc.loop_unroll_factor = 2 : i64, sc.parallel_access}
      %mul3A_190 = arith.constant 2 : i32
      %mul3A_191 = arith.muli %mul3A_190, %scan3A_140 : i32
      %add3A_192 = arith.constant 1 : i32
      %add3A_193 = arith.addi %mul3A_191, %add3A_192 : i32
      %add3A_194 = arith.constant 2 : i32
      %add3A_195 = arith.addi %add3A_193, %add3A_194 : i32
      %rem3A_196 = arith.constant 25 : i32
      %rem3A_197 = arith.remsi %add3A_195, %rem3A_196 : i32
      %add3A_198 = arith.addi %mul3A_52, %rem3A_197 : i32
      %dma_start3A_199 = tpu.memref_slice %arg2[%mul3A_48, %add3A_198, %mul3A_46] : memref<26x50x1024xi32, #tpu.memory_space<hbm>> -> memref<13x1x128xi32, #tpu.memory_space<hbm>>
      %dma_start3A_200 = tpu.memref_squeeze %dma_start3A_199 : memref<13x1x128xi32, #tpu.memory_space<hbm>> -> memref<13x128xi32, #tpu.memory_space<hbm>>
      %dma_start3A_201 = tpu.memref_slice %arg2[%mul3A_48, %add3A_198, %mul3A_46] : memref<26x50x1024xi32, #tpu.memory_space<hbm>> -> memref<13x1x128xi32, #tpu.memory_space<hbm>>
      %dma_start3A_202 = tpu.memref_squeeze %dma_start3A_201 : memref<13x1x128xi32, #tpu.memory_space<hbm>> -> memref<13x128xi32, #tpu.memory_space<hbm>>
      tpu.enqueue_dma source(%dma_start3A_202 : memref<13x128xi32, #tpu.memory_space<hbm>>) target(%arg7 : memref<13x128xi32, #tpu.memory_space<vmem>>) target_semaphore(%arg12 : memref<!tpu.dma_semaphore, #tpu.memory_space<semaphore_mem>>)
      %dma_start3A_203 = tpu.memref_slice %arg4[%add3A_178, %mul3A_50, %mul3A_46] : memref<50x416x1024xf32, #tpu.memory_space<hbm>> -> memref<1x208x128xf32, #tpu.memory_space<hbm>>
      %dma_start3A_204 = tpu.memref_squeeze %dma_start3A_203 : memref<1x208x128xf32, #tpu.memory_space<hbm>> -> memref<208x128xf32, #tpu.memory_space<hbm>>
      %dma_start3A_205 = tpu.memref_slice %arg4[%add3A_178, %mul3A_50, %mul3A_46] : memref<50x416x1024xf32, #tpu.memory_space<hbm>> -> memref<1x208x128xf32, #tpu.memory_space<hbm>>
      %dma_start3A_206 = tpu.memref_squeeze %dma_start3A_205 : memref<1x208x128xf32, #tpu.memory_space<hbm>> -> memref<208x128xf32, #tpu.memory_space<hbm>>
      tpu.enqueue_dma source(%arg9 : memref<208x128xf32, #tpu.memory_space<vmem>>) target(%dma_start3A_206 : memref<208x128xf32, #tpu.memory_space<hbm>>) target_semaphore(%arg14 : memref<!tpu.dma_semaphore, #tpu.memory_space<semaphore_mem>>)
    }
    %scan3A_108 = arith.constant 11 : i32
    %add3A_109 = arith.constant 25 : i32
    %add3A_110 = arith.addi %mul3A_52, %add3A_109 : i32
    %sub3A_111 = arith.constant 1 : i32
    %sub3A_112 = arith.subi %add3A_110, %sub3A_111 : i32
    %dma_wait3A_113 = tpu.memref_slice %arg4[%sub3A_112, %mul3A_50, %mul3A_46] : memref<50x416x1024xf32, #tpu.memory_space<hbm>> -> memref<1x208x128xf32, #tpu.memory_space<hbm>>
    %dma_wait3A_114 = tpu.memref_squeeze %dma_wait3A_113 : memref<1x208x128xf32, #tpu.memory_space<hbm>> -> memref<208x128xf32, #tpu.memory_space<hbm>>
    %dma_wait3A_115 = tpu.memref_slice %arg4[%sub3A_112, %mul3A_50, %mul3A_46] : memref<50x416x1024xf32, #tpu.memory_space<hbm>> -> memref<1x208x128xf32, #tpu.memory_space<hbm>>
    %dma_wait3A_116 = tpu.memref_squeeze %dma_wait3A_115 : memref<1x208x128xf32, #tpu.memory_space<hbm>> -> memref<208x128xf32, #tpu.memory_space<hbm>>
    tpu.wait_dma2 semaphore(%arg13 : memref<!tpu.dma_semaphore, #tpu.memory_space<semaphore_mem>>) src(%arg8 : memref<208x128xf32, #tpu.memory_space<vmem>>) dst(%dma_wait3A_116 : memref<208x128xf32, #tpu.memory_space<hbm>>)
    %dma_wait3A_117 = tpu.memref_slice %arg2[%mul3A_48, %sub3A_112, %mul3A_46] : memref<26x50x1024xi32, #tpu.memory_space<hbm>> -> memref<13x1x128xi32, #tpu.memory_space<hbm>>
    %dma_wait3A_118 = tpu.memref_squeeze %dma_wait3A_117 : memref<13x1x128xi32, #tpu.memory_space<hbm>> -> memref<13x128xi32, #tpu.memory_space<hbm>>
    %dma_wait3A_119 = tpu.memref_slice %arg2[%mul3A_48, %sub3A_112, %mul3A_46] : memref<26x50x1024xi32, #tpu.memory_space<hbm>> -> memref<13x1x128xi32, #tpu.memory_space<hbm>>
    %dma_wait3A_120 = tpu.memref_squeeze %dma_wait3A_119 : memref<13x1x128xi32, #tpu.memory_space<hbm>> -> memref<13x128xi32, #tpu.memory_space<hbm>>
    tpu.wait_dma2 semaphore(%arg11 : memref<!tpu.dma_semaphore, #tpu.memory_space<semaphore_mem>>) src(%dma_wait3A_120 : memref<13x128xi32, #tpu.memory_space<hbm>>) dst(%arg6 : memref<13x128xi32, #tpu.memory_space<vmem>>)
    %parallel_loop3A_121 = arith.constant 0 : i32
    %parallel_loop3A_122 = arith.constant 104 : i32
    %parallel_loop3A_123 = arith.constant 1 : i32
    scf.for %parallel_loop3A_140 = %parallel_loop3A_121 to %parallel_loop3A_122 step %parallel_loop3A_123  : i32 {
      %parallel_loop3A_141 = arith.constant 3 : i32
      %parallel_loop3A_142 = arith.shrsi %parallel_loop3A_140, %parallel_loop3A_141 : i32
      %parallel_loop3A_143 = arith.constant 8 : i32
      %parallel_loop3A_144 = arith.remsi %parallel_loop3A_140, %parallel_loop3A_143 : i32
      %parallel_loop3A_145 = arith.constant 16 : i32
      %parallel_loop3A_146 = arith.muli %parallel_loop3A_144, %parallel_loop3A_145 : i32
      %parallel_loop3A_147 = arith.index_cast %parallel_loop3A_142 : i32 to index
      %parallel_loop3A_148 = arith.index_cast %parallel_loop3A_146 : i32 to index
      %parallel_loop3A_149 = tpu.vector_load %arg6[%parallel_loop3A_147, %parallel_loop3A_148] {strides = array<i32>} : memref<13x128xi32, #tpu.memory_space<vmem>>, vector<16xi32>,
      %parallel_loop3A_150 = arith.constant 16 : i32
      %parallel_loop3A_151 = vector.broadcast %parallel_loop3A_150 : i32 to vector<16xi32>
      %parallel_loop3A_152 = arith.muli %parallel_loop3A_149, %parallel_loop3A_151 : vector<16xi32>
      %parallel_loop3A_153 = arith.constant 0 : i32
      %parallel_loop3A_154 = vector.broadcast %parallel_loop3A_153 : i32 to vector<16xi32>
      %parallel_loop3A_155 = arith.addi %parallel_loop3A_152, %parallel_loop3A_154 : vector<16xi32>
      %parallel_loop3A_156 = tpu.vector_load_idx %arg5[%parallel_loop3A_155] : memref<16000xf32, #tpu.memory_space<vmem>>[vector<16xi32>], vector<16xf32>,
      %parallel_loop3A_157 = arith.constant 16 : i32
      %parallel_loop3A_158 = arith.muli %parallel_loop3A_142, %parallel_loop3A_157 : i32
      %parallel_loop3A_159 = arith.constant 0 : i32
      %parallel_loop3A_160 = arith.addi %parallel_loop3A_158, %parallel_loop3A_159 : i32
      %parallel_loop3A_161 = arith.constant 16 : i32
      %parallel_loop3A_162 = arith.muli %parallel_loop3A_144, %parallel_loop3A_161 : i32
      %parallel_loop3A_163 = arith.index_cast %parallel_loop3A_160 : i32 to index
      %parallel_loop3A_164 = arith.index_cast %parallel_loop3A_162 : i32 to index
      %parallel_loop3A_165 = tpu.vector_load %arg8[%parallel_loop3A_163, %parallel_loop3A_164] {strides = array<i32>} : memref<208x128xf32, #tpu.memory_space<vmem>>, vector<16xf32>,
      tpu.vector_store %arg8[%parallel_loop3A_163, %parallel_loop3A_164], %parallel_loop3A_156 {strides = array<i32>} : memref<208x128xf32, #tpu.memory_space<vmem>>, vector<16xf32>,
      %parallel_loop3A_166 = arith.constant 1 : i32
      %parallel_loop3A_167 = vector.broadcast %parallel_loop3A_166 : i32 to vector<16xi32>
      %parallel_loop3A_168 = arith.addi %parallel_loop3A_152, %parallel_loop3A_167 : vector<16xi32>
      %parallel_loop3A_169 = tpu.vector_load_idx %arg5[%parallel_loop3A_168] : memref<16000xf32, #tpu.memory_space<vmem>>[vector<16xi32>], vector<16xf32>,
      %parallel_loop3A_170 = arith.constant 16 : i32
      %parallel_loop3A_171 = arith.muli %parallel_loop3A_142, %parallel_loop3A_170 : i32
      %parallel_loop3A_172 = arith.constant 1 : i32
      %parallel_loop3A_173 = arith.addi %parallel_loop3A_171, %parallel_loop3A_172 : i32
      %parallel_loop3A_174 = arith.constant 16 : i32
      %parallel_loop3A_175 = arith.muli %parallel_loop3A_144, %parallel_loop3A_174 : i32
      %parallel_loop3A_176 = arith.index_cast %parallel_loop3A_173 : i32 to index
      %parallel_loop3A_177 = arith.index_cast %parallel_loop3A_175 : i32 to index
      %parallel_loop3A_178 = tpu.vector_load %arg8[%parallel_loop3A_176, %parallel_loop3A_177] {strides = array<i32>} : memref<208x128xf32, #tpu.memory_space<vmem>>, vector<16xf32>,
      tpu.vector_store %arg8[%parallel_loop3A_176, %parallel_loop3A_177], %parallel_loop3A_169 {strides = array<i32>} : memref<208x128xf32, #tpu.memory_space<vmem>>, vector<16xf32>,
      %parallel_loop3A_179 = arith.constant 2 : i32
      %parallel_loop3A_180 = vector.broadcast %parallel_loop3A_179 : i32 to vector<16xi32>
      %parallel_loop3A_181 = arith.addi %parallel_loop3A_152, %parallel_loop3A_180 : vector<16xi32>
      %parallel_loop3A_182 = tpu.vector_load_idx %arg5[%parallel_loop3A_181] : memref<16000xf32, #tpu.memory_space<vmem>>[vector<16xi32>], vector<16xf32>,
      %parallel_loop3A_183 = arith.constant 16 : i32
      %parallel_loop3A_184 = arith.muli %parallel_loop3A_142, %parallel_loop3A_183 : i32
      %parallel_loop3A_185 = arith.constant 2 : i32
      %parallel_loop3A_186 = arith.addi %parallel_loop3A_184, %parallel_loop3A_185 : i32
      %parallel_loop3A_187 = arith.constant 16 : i32
      %parallel_loop3A_188 = arith.muli %parallel_loop3A_144, %parallel_loop3A_187 : i32
      %parallel_loop3A_189 = arith.index_cast %parallel_loop3A_186 : i32 to index
      %parallel_loop3A_190 = arith.index_cast %parallel_loop3A_188 : i32 to index
      %parallel_loop3A_191 = tpu.vector_load %arg8[%parallel_loop3A_189, %parallel_loop3A_190] {strides = array<i32>} : memref<208x128xf32, #tpu.memory_space<vmem>>, vector<16xf32>,
      tpu.vector_store %arg8[%parallel_loop3A_189, %parallel_loop3A_190], %parallel_loop3A_182 {strides = array<i32>} : memref<208x128xf32, #tpu.memory_space<vmem>>, vector<16xf32>,
      %parallel_loop3A_192 = arith.constant 3 : i32
      %parallel_loop3A_193 = vector.broadcast %parallel_loop3A_192 : i32 to vector<16xi32>
      %parallel_loop3A_194 = arith.addi %parallel_loop3A_152, %parallel_loop3A_193 : vector<16xi32>
      %parallel_loop3A_195 = tpu.vector_load_idx %arg5[%parallel_loop3A_194] : memref<16000xf32, #tpu.memory_space<vmem>>[vector<16xi32>], vector<16xf32>,
      %parallel_loop3A_196 = arith.constant 16 : i32
      %parallel_loop3A_197 = arith.muli %parallel_loop3A_142, %parallel_loop3A_196 : i32
      %parallel_loop3A_198 = arith.constant 3 : i32
      %parallel_loop3A_199 = arith.addi %parallel_loop3A_197, %parallel_loop3A_198 : i32
      %parallel_loop3A_200 = arith.constant 16 : i32
      %parallel_loop3A_201 = arith.muli %parallel_loop3A_144, %parallel_loop3A_200 : i32
      %parallel_loop3A_202 = arith.index_cast %parallel_loop3A_199 : i32 to index
      %parallel_loop3A_203 = arith.index_cast %parallel_loop3A_201 : i32 to index
      %parallel_loop3A_204 = tpu.vector_load %arg8[%parallel_loop3A_202, %parallel_loop3A_203] {strides = array<i32>} : memref<208x128xf32, #tpu.memory_space<vmem>>, vector<16xf32>,
      tpu.vector_store %arg8[%parallel_loop3A_202, %parallel_loop3A_203], %parallel_loop3A_195 {strides = array<i32>} : memref<208x128xf32, #tpu.memory_space<vmem>>, vector<16xf32>,
      %parallel_loop3A_205 = arith.constant 4 : i32
      %parallel_loop3A_206 = vector.broadcast %parallel_loop3A_205 : i32 to vector<16xi32>
      %parallel_loop3A_207 = arith.addi %parallel_loop3A_152, %parallel_loop3A_206 : vector<16xi32>
      %parallel_loop3A_208 = tpu.vector_load_idx %arg5[%parallel_loop3A_207] : memref<16000xf32, #tpu.memory_space<vmem>>[vector<16xi32>], vector<16xf32>,
      %parallel_loop3A_209 = arith.constant 16 : i32
      %parallel_loop3A_210 = arith.muli %parallel_loop3A_142, %parallel_loop3A_209 : i32
      %parallel_loop3A_211 = arith.constant 4 : i32
      %parallel_loop3A_212 = arith.addi %parallel_loop3A_210, %parallel_loop3A_211 : i32
      %parallel_loop3A_213 = arith.constant 16 : i32
      %parallel_loop3A_214 = arith.muli %parallel_loop3A_144, %parallel_loop3A_213 : i32
      %parallel_loop3A_215 = arith.index_cast %parallel_loop3A_212 : i32 to index
      %parallel_loop3A_216 = arith.index_cast %parallel_loop3A_214 : i32 to index
      %parallel_loop3A_217 = tpu.vector_load %arg8[%parallel_loop3A_215, %parallel_loop3A_216] {strides = array<i32>} : memref<208x128xf32, #tpu.memory_space<vmem>>, vector<16xf32>,
      tpu.vector_store %arg8[%parallel_loop3A_215, %parallel_loop3A_216], %parallel_loop3A_208 {strides = array<i32>} : memref<208x128xf32, #tpu.memory_space<vmem>>, vector<16xf32>,
      %parallel_loop3A_218 = arith.constant 5 : i32
      %parallel_loop3A_219 = vector.broadcast %parallel_loop3A_218 : i32 to vector<16xi32>
      %parallel_loop3A_220 = arith.addi %parallel_loop3A_152, %parallel_loop3A_219 : vector<16xi32>
      %parallel_loop3A_221 = tpu.vector_load_idx %arg5[%parallel_loop3A_220] : memref<16000xf32, #tpu.memory_space<vmem>>[vector<16xi32>], vector<16xf32>,
      %parallel_loop3A_222 = arith.constant 16 : i32
      %parallel_loop3A_223 = arith.muli %parallel_loop3A_142, %parallel_loop3A_222 : i32
      %parallel_loop3A_224 = arith.constant 5 : i32
      %parallel_loop3A_225 = arith.addi %parallel_loop3A_223, %parallel_loop3A_224 : i32
      %parallel_loop3A_226 = arith.constant 16 : i32
      %parallel_loop3A_227 = arith.muli %parallel_loop3A_144, %parallel_loop3A_226 : i32
      %parallel_loop3A_228 = arith.index_cast %parallel_loop3A_225 : i32 to index
      %parallel_loop3A_229 = arith.index_cast %parallel_loop3A_227 : i32 to index
      %parallel_loop3A_230 = tpu.vector_load %arg8[%parallel_loop3A_228, %parallel_loop3A_229] {strides = array<i32>} : memref<208x128xf32, #tpu.memory_space<vmem>>, vector<16xf32>,
      tpu.vector_store %arg8[%parallel_loop3A_228, %parallel_loop3A_229], %parallel_loop3A_221 {strides = array<i32>} : memref<208x128xf32, #tpu.memory_space<vmem>>, vector<16xf32>,
      %parallel_loop3A_231 = arith.constant 6 : i32
      %parallel_loop3A_232 = vector.broadcast %parallel_loop3A_231 : i32 to vector<16xi32>
      %parallel_loop3A_233 = arith.addi %parallel_loop3A_152, %parallel_loop3A_232 : vector<16xi32>
      %parallel_loop3A_234 = tpu.vector_load_idx %arg5[%parallel_loop3A_233] : memref<16000xf32, #tpu.memory_space<vmem>>[vector<16xi32>], vector<16xf32>,
      %parallel_loop3A_235 = arith.constant 16 : i32
      %parallel_loop3A_236 = arith.muli %parallel_loop3A_142, %parallel_loop3A_235 : i32
      %parallel_loop3A_237 = arith.constant 6 : i32
      %parallel_loop3A_238 = arith.addi %parallel_loop3A_236, %parallel_loop3A_237 : i32
      %parallel_loop3A_239 = arith.constant 16 : i32
      %parallel_loop3A_240 = arith.muli %parallel_loop3A_144, %parallel_loop3A_239 : i32
      %parallel_loop3A_241 = arith.index_cast %parallel_loop3A_238 : i32 to index
      %parallel_loop3A_242 = arith.index_cast %parallel_loop3A_240 : i32 to index
      %parallel_loop3A_243 = tpu.vector_load %arg8[%parallel_loop3A_241, %parallel_loop3A_242] {strides = array<i32>} : memref<208x128xf32, #tpu.memory_space<vmem>>, vector<16xf32>,
      tpu.vector_store %arg8[%parallel_loop3A_241, %parallel_loop3A_242], %parallel_loop3A_234 {strides = array<i32>} : memref<208x128xf32, #tpu.memory_space<vmem>>, vector<16xf32>,
      %parallel_loop3A_244 = arith.constant 7 : i32
      %parallel_loop3A_245 = vector.broadcast %parallel_loop3A_244 : i32 to vector<16xi32>
      %parallel_loop3A_246 = arith.addi %parallel_loop3A_152, %parallel_loop3A_245 : vector<16xi32>
      %parallel_loop3A_247 = tpu.vector_load_idx %arg5[%parallel_loop3A_246] : memref<16000xf32, #tpu.memory_space<vmem>>[vector<16xi32>], vector<16xf32>,
      %parallel_loop3A_248 = arith.constant 16 : i32
      %parallel_loop3A_249 = arith.muli %parallel_loop3A_142, %parallel_loop3A_248 : i32
      %parallel_loop3A_250 = arith.constant 7 : i32
      %parallel_loop3A_251 = arith.addi %parallel_loop3A_249, %parallel_loop3A_250 : i32
      %parallel_loop3A_252 = arith.constant 16 : i32
      %parallel_loop3A_253 = arith.muli %parallel_loop3A_144, %parallel_loop3A_252 : i32
      %parallel_loop3A_254 = arith.index_cast %parallel_loop3A_251 : i32 to index
      %parallel_loop3A_255 = arith.index_cast %parallel_loop3A_253 : i32 to index
      %parallel_loop3A_256 = tpu.vector_load %arg8[%parallel_loop3A_254, %parallel_loop3A_255] {strides = array<i32>} : memref<208x128xf32, #tpu.memory_space<vmem>>, vector<16xf32>,
      tpu.vector_store %arg8[%parallel_loop3A_254, %parallel_loop3A_255], %parallel_loop3A_247 {strides = array<i32>} : memref<208x128xf32, #tpu.memory_space<vmem>>, vector<16xf32>,
      %parallel_loop3A_257 = arith.constant 8 : i32
      %parallel_loop3A_258 = vector.broadcast %parallel_loop3A_257 : i32 to vector<16xi32>
      %parallel_loop3A_259 = arith.addi %parallel_loop3A_152, %parallel_loop3A_258 : vector<16xi32>
      %parallel_loop3A_260 = tpu.vector_load_idx %arg5[%parallel_loop3A_259] : memref<16000xf32, #tpu.memory_space<vmem>>[vector<16xi32>], vector<16xf32>,
      %parallel_loop3A_261 = arith.constant 16 : i32
      %parallel_loop3A_262 = arith.muli %parallel_loop3A_142, %parallel_loop3A_261 : i32
      %parallel_loop3A_263 = arith.constant 8 : i32
      %parallel_loop3A_264 = arith.addi %parallel_loop3A_262, %parallel_loop3A_263 : i32
      %parallel_loop3A_265 = arith.constant 16 : i32
      %parallel_loop3A_266 = arith.muli %parallel_loop3A_144, %parallel_loop3A_265 : i32
      %parallel_loop3A_267 = arith.index_cast %parallel_loop3A_264 : i32 to index
      %parallel_loop3A_268 = arith.index_cast %parallel_loop3A_266 : i32 to index
      %parallel_loop3A_269 = tpu.vector_load %arg8[%parallel_loop3A_267, %parallel_loop3A_268] {strides = array<i32>} : memref<208x128xf32, #tpu.memory_space<vmem>>, vector<16xf32>,
      tpu.vector_store %arg8[%parallel_loop3A_267, %parallel_loop3A_268], %parallel_loop3A_260 {strides = array<i32>} : memref<208x128xf32, #tpu.memory_space<vmem>>, vector<16xf32>,
      %parallel_loop3A_270 = arith.constant 9 : i32
      %parallel_loop3A_271 = vector.broadcast %parallel_loop3A_270 : i32 to vector<16xi32>
      %parallel_loop3A_272 = arith.addi %parallel_loop3A_152, %parallel_loop3A_271 : vector<16xi32>
      %parallel_loop3A_273 = tpu.vector_load_idx %arg5[%parallel_loop3A_272] : memref<16000xf32, #tpu.memory_space<vmem>>[vector<16xi32>], vector<16xf32>,
      %parallel_loop3A_274 = arith.constant 16 : i32
      %parallel_loop3A_275 = arith.muli %parallel_loop3A_142, %parallel_loop3A_274 : i32
      %parallel_loop3A_276 = arith.constant 9 : i32
      %parallel_loop3A_277 = arith.addi %parallel_loop3A_275, %parallel_loop3A_276 : i32
      %parallel_loop3A_278 = arith.constant 16 : i32
      %parallel_loop3A_279 = arith.muli %parallel_loop3A_144, %parallel_loop3A_278 : i32
      %parallel_loop3A_280 = arith.index_cast %parallel_loop3A_277 : i32 to index
      %parallel_loop3A_281 = arith.index_cast %parallel_loop3A_279 : i32 to index
      %parallel_loop3A_282 = tpu.vector_load %arg8[%parallel_loop3A_280, %parallel_loop3A_281] {strides = array<i32>} : memref<208x128xf32, #tpu.memory_space<vmem>>, vector<16xf32>,
      tpu.vector_store %arg8[%parallel_loop3A_280, %parallel_loop3A_281], %parallel_loop3A_273 {strides = array<i32>} : memref<208x128xf32, #tpu.memory_space<vmem>>, vector<16xf32>,
      %parallel_loop3A_283 = arith.constant 10 : i32
      %parallel_loop3A_284 = vector.broadcast %parallel_loop3A_283 : i32 to vector<16xi32>
      %parallel_loop3A_285 = arith.addi %parallel_loop3A_152, %parallel_loop3A_284 : vector<16xi32>
      %parallel_loop3A_286 = tpu.vector_load_idx %arg5[%parallel_loop3A_285] : memref<16000xf32, #tpu.memory_space<vmem>>[vector<16xi32>], vector<16xf32>,
      %parallel_loop3A_287 = arith.constant 16 : i32
      %parallel_loop3A_288 = arith.muli %parallel_loop3A_142, %parallel_loop3A_287 : i32
      %parallel_loop3A_289 = arith.constant 10 : i32
      %parallel_loop3A_290 = arith.addi %parallel_loop3A_288, %parallel_loop3A_289 : i32
      %parallel_loop3A_291 = arith.constant 16 : i32
      %parallel_loop3A_292 = arith.muli %parallel_loop3A_144, %parallel_loop3A_291 : i32
      %parallel_loop3A_293 = arith.index_cast %parallel_loop3A_290 : i32 to index
      %parallel_loop3A_294 = arith.index_cast %parallel_loop3A_292 : i32 to index
      %parallel_loop3A_295 = tpu.vector_load %arg8[%parallel_loop3A_293, %parallel_loop3A_294] {strides = array<i32>} : memref<208x128xf32, #tpu.memory_space<vmem>>, vector<16xf32>,
      tpu.vector_store %arg8[%parallel_loop3A_293, %parallel_loop3A_294], %parallel_loop3A_286 {strides = array<i32>} : memref<208x128xf32, #tpu.memory_space<vmem>>, vector<16xf32>,
      %parallel_loop3A_296 = arith.constant 11 : i32
      %parallel_loop3A_297 = vector.broadcast %parallel_loop3A_296 : i32 to vector<16xi32>
      %parallel_loop3A_298 = arith.addi %parallel_loop3A_152, %parallel_loop3A_297 : vector<16xi32>
      %parallel_loop3A_299 = tpu.vector_load_idx %arg5[%parallel_loop3A_298] : memref<16000xf32, #tpu.memory_space<vmem>>[vector<16xi32>], vector<16xf32>,
      %parallel_loop3A_300 = arith.constant 16 : i32
      %parallel_loop3A_301 = arith.muli %parallel_loop3A_142, %parallel_loop3A_300 : i32
      %parallel_loop3A_302 = arith.constant 11 : i32
      %parallel_loop3A_303 = arith.addi %parallel_loop3A_301, %parallel_loop3A_302 : i32
      %parallel_loop3A_304 = arith.constant 16 : i32
      %parallel_loop3A_305 = arith.muli %parallel_loop3A_144, %parallel_loop3A_304 : i32
      %parallel_loop3A_306 = arith.index_cast %parallel_loop3A_303 : i32 to index
      %parallel_loop3A_307 = arith.index_cast %parallel_loop3A_305 : i32 to index
      %parallel_loop3A_308 = tpu.vector_load %arg8[%parallel_loop3A_306, %parallel_loop3A_307] {strides = array<i32>} : memref<208x128xf32, #tpu.memory_space<vmem>>, vector<16xf32>,
      tpu.vector_store %arg8[%parallel_loop3A_306, %parallel_loop3A_307], %parallel_loop3A_299 {strides = array<i32>} : memref<208x128xf32, #tpu.memory_space<vmem>>, vector<16xf32>,
      %parallel_loop3A_309 = arith.constant 12 : i32
      %parallel_loop3A_310 = vector.broadcast %parallel_loop3A_309 : i32 to vector<16xi32>
      %parallel_loop3A_311 = arith.addi %parallel_loop3A_152, %parallel_loop3A_310 : vector<16xi32>
      %parallel_loop3A_312 = tpu.vector_load_idx %arg5[%parallel_loop3A_311] : memref<16000xf32, #tpu.memory_space<vmem>>[vector<16xi32>], vector<16xf32>,
      %parallel_loop3A_313 = arith.constant 16 : i32
      %parallel_loop3A_314 = arith.muli %parallel_loop3A_142, %parallel_loop3A_313 : i32
      %parallel_loop3A_315 = arith.constant 12 : i32
      %parallel_loop3A_316 = arith.addi %parallel_loop3A_314, %parallel_loop3A_315 : i32
      %parallel_loop3A_317 = arith.constant 16 : i32
      %parallel_loop3A_318 = arith.muli %parallel_loop3A_144, %parallel_loop3A_317 : i32
      %parallel_loop3A_319 = arith.index_cast %parallel_loop3A_316 : i32 to index
      %parallel_loop3A_320 = arith.index_cast %parallel_loop3A_318 : i32 to index
      %parallel_loop3A_321 = tpu.vector_load %arg8[%parallel_loop3A_319, %parallel_loop3A_320] {strides = array<i32>} : memref<208x128xf32, #tpu.memory_space<vmem>>, vector<16xf32>,
      tpu.vector_store %arg8[%parallel_loop3A_319, %parallel_loop3A_320], %parallel_loop3A_312 {strides = array<i32>} : memref<208x128xf32, #tpu.memory_space<vmem>>, vector<16xf32>,
      %parallel_loop3A_322 = arith.constant 13 : i32
      %parallel_loop3A_323 = vector.broadcast %parallel_loop3A_322 : i32 to vector<16xi32>
      %parallel_loop3A_324 = arith.addi %parallel_loop3A_152, %parallel_loop3A_323 : vector<16xi32>
      %parallel_loop3A_325 = tpu.vector_load_idx %arg5[%parallel_loop3A_324] : memref<16000xf32, #tpu.memory_space<vmem>>[vector<16xi32>], vector<16xf32>,
      %parallel_loop3A_326 = arith.constant 16 : i32
      %parallel_loop3A_327 = arith.muli %parallel_loop3A_142, %parallel_loop3A_326 : i32
      %parallel_loop3A_328 = arith.constant 13 : i32
      %parallel_loop3A_329 = arith.addi %parallel_loop3A_327, %parallel_loop3A_328 : i32
      %parallel_loop3A_330 = arith.constant 16 : i32
      %parallel_loop3A_331 = arith.muli %parallel_loop3A_144, %parallel_loop3A_330 : i32
      %parallel_loop3A_332 = arith.index_cast %parallel_loop3A_329 : i32 to index
      %parallel_loop3A_333 = arith.index_cast %parallel_loop3A_331 : i32 to index
      %parallel_loop3A_334 = tpu.vector_load %arg8[%parallel_loop3A_332, %parallel_loop3A_333] {strides = array<i32>} : memref<208x128xf32, #tpu.memory_space<vmem>>, vector<16xf32>,
      tpu.vector_store %arg8[%parallel_loop3A_332, %parallel_loop3A_333], %parallel_loop3A_325 {strides = array<i32>} : memref<208x128xf32, #tpu.memory_space<vmem>>, vector<16xf32>,
      %parallel_loop3A_335 = arith.constant 14 : i32
      %parallel_loop3A_336 = vector.broadcast %parallel_loop3A_335 : i32 to vector<16xi32>
      %parallel_loop3A_337 = arith.addi %parallel_loop3A_152, %parallel_loop3A_336 : vector<16xi32>
      %parallel_loop3A_338 = tpu.vector_load_idx %arg5[%parallel_loop3A_337] : memref<16000xf32, #tpu.memory_space<vmem>>[vector<16xi32>], vector<16xf32>,
      %parallel_loop3A_339 = arith.constant 16 : i32
      %parallel_loop3A_340 = arith.muli %parallel_loop3A_142, %parallel_loop3A_339 : i32
      %parallel_loop3A_341 = arith.constant 14 : i32
      %parallel_loop3A_342 = arith.addi %parallel_loop3A_340, %parallel_loop3A_341 : i32
      %parallel_loop3A_343 = arith.constant 16 : i32
      %parallel_loop3A_344 = arith.muli %parallel_loop3A_144, %parallel_loop3A_343 : i32
      %parallel_loop3A_345 = arith.index_cast %parallel_loop3A_342 : i32 to index
      %parallel_loop3A_346 = arith.index_cast %parallel_loop3A_344 : i32 to index
      %parallel_loop3A_347 = tpu.vector_load %arg8[%parallel_loop3A_345, %parallel_loop3A_346] {strides = array<i32>} : memref<208x128xf32, #tpu.memory_space<vmem>>, vector<16xf32>,
      tpu.vector_store %arg8[%parallel_loop3A_345, %parallel_loop3A_346], %parallel_loop3A_338 {strides = array<i32>} : memref<208x128xf32, #tpu.memory_space<vmem>>, vector<16xf32>,
      %parallel_loop3A_348 = arith.constant 15 : i32
      %parallel_loop3A_349 = vector.broadcast %parallel_loop3A_348 : i32 to vector<16xi32>
      %parallel_loop3A_350 = arith.addi %parallel_loop3A_152, %parallel_loop3A_349 : vector<16xi32>
      %parallel_loop3A_351 = tpu.vector_load_idx %arg5[%parallel_loop3A_350] : memref<16000xf32, #tpu.memory_space<vmem>>[vector<16xi32>], vector<16xf32>,
      %parallel_loop3A_352 = arith.constant 16 : i32
      %parallel_loop3A_353 = arith.muli %parallel_loop3A_142, %parallel_loop3A_352 : i32
      %parallel_loop3A_354 = arith.constant 15 : i32
      %parallel_loop3A_355 = arith.addi %parallel_loop3A_353, %parallel_loop3A_354 : i32
      %parallel_loop3A_356 = arith.constant 16 : i32
      %parallel_loop3A_357 = arith.muli %parallel_loop3A_144, %parallel_loop3A_356 : i32
      %parallel_loop3A_358 = arith.index_cast %parallel_loop3A_355 : i32 to index
      %parallel_loop3A_359 = arith.index_cast %parallel_loop3A_357 : i32 to index
      %parallel_loop3A_360 = tpu.vector_load %arg8[%parallel_loop3A_358, %parallel_loop3A_359] {strides = array<i32>} : memref<208x128xf32, #tpu.memory_space<vmem>>, vector<16xf32>,
      tpu.vector_store %arg8[%parallel_loop3A_358, %parallel_loop3A_359], %parallel_loop3A_351 {strides = array<i32>} : memref<208x128xf32, #tpu.memory_space<vmem>>, vector<16xf32>,
    } {sc.loop_unroll_factor = 2 : i64, sc.parallel_access}
    %dma_start3A_124 = tpu.memref_slice %arg4[%sub3A_112, %mul3A_50, %mul3A_46] : memref<50x416x1024xf32, #tpu.memory_space<hbm>> -> memref<1x208x128xf32, #tpu.memory_space<hbm>>
    %dma_start3A_125 = tpu.memref_squeeze %dma_start3A_124 : memref<1x208x128xf32, #tpu.memory_space<hbm>> -> memref<208x128xf32, #tpu.memory_space<hbm>>
    %dma_start3A_126 = tpu.memref_slice %arg4[%sub3A_112, %mul3A_50, %mul3A_46] : memref<50x416x1024xf32, #tpu.memory_space<hbm>> -> memref<1x208x128xf32, #tpu.memory_space<hbm>>
    %dma_start3A_127 = tpu.memref_squeeze %dma_start3A_126 : memref<1x208x128xf32, #tpu.memory_space<hbm>> -> memref<208x128xf32, #tpu.memory_space<hbm>>
    tpu.enqueue_dma source(%arg8 : memref<208x128xf32, #tpu.memory_space<vmem>>) target(%dma_start3A_127 : memref<208x128xf32, #tpu.memory_space<hbm>>) target_semaphore(%arg13 : memref<!tpu.dma_semaphore, #tpu.memory_space<semaphore_mem>>)
    %dma_wait3A_128 = tpu.memref_slice %arg4[%mul3A_52, %mul3A_50, %mul3A_46] : memref<50x416x1024xf32, #tpu.memory_space<hbm>> -> memref<1x208x128xf32, #tpu.memory_space<hbm>>
    %dma_wait3A_129 = tpu.memref_squeeze %dma_wait3A_128 : memref<1x208x128xf32, #tpu.memory_space<hbm>> -> memref<208x128xf32, #tpu.memory_space<hbm>>
    %dma_wait3A_130 = tpu.memref_slice %arg4[%mul3A_52, %mul3A_50, %mul3A_46] : memref<50x416x1024xf32, #tpu.memory_space<hbm>> -> memref<1x208x128xf32, #tpu.memory_space<hbm>>
    %dma_wait3A_131 = tpu.memref_squeeze %dma_wait3A_130 : memref<1x208x128xf32, #tpu.memory_space<hbm>> -> memref<208x128xf32, #tpu.memory_space<hbm>>
    tpu.wait_dma2 semaphore(%arg13 : memref<!tpu.dma_semaphore, #tpu.memory_space<semaphore_mem>>) src(%arg8 : memref<208x128xf32, #tpu.memory_space<vmem>>) dst(%dma_wait3A_131 : memref<208x128xf32, #tpu.memory_space<hbm>>)
    %dma_wait3A_132 = tpu.memref_slice %arg4[%mul3A_52, %mul3A_50, %mul3A_46] : memref<50x416x1024xf32, #tpu.memory_space<hbm>> -> memref<1x208x128xf32, #tpu.memory_space<hbm>>
    %dma_wait3A_133 = tpu.memref_squeeze %dma_wait3A_132 : memref<1x208x128xf32, #tpu.memory_space<hbm>> -> memref<208x128xf32, #tpu.memory_space<hbm>>
    %dma_wait3A_134 = tpu.memref_slice %arg4[%mul3A_52, %mul3A_50, %mul3A_46] : memref<50x416x1024xf32, #tpu.memory_space<hbm>> -> memref<1x208x128xf32, #tpu.memory_space<hbm>>
    %dma_wait3A_135 = tpu.memref_squeeze %dma_wait3A_134 : memref<1x208x128xf32, #tpu.memory_space<hbm>> -> memref<208x128xf32, #tpu.memory_space<hbm>>
    tpu.wait_dma2 semaphore(%arg14 : memref<!tpu.dma_semaphore, #tpu.memory_space<semaphore_mem>>) src(%arg9 : memref<208x128xf32, #tpu.memory_space<vmem>>) dst(%dma_wait3A_135 : memref<208x128xf32, #tpu.memory_space<hbm>>)
    %dma_wait3A_136 = tpu.memref_slice %arg2[%mul3A_48, %mul3A_52, %mul3A_46] : memref<26x50x1024xi32, #tpu.memory_space<hbm>> -> memref<13x1x128xi32, #tpu.memory_space<hbm>>
    %dma_wait3A_137 = tpu.memref_squeeze %dma_wait3A_136 : memref<13x1x128xi32, #tpu.memory_space<hbm>> -> memref<13x128xi32, #tpu.memory_space<hbm>>
    %dma_wait3A_138 = tpu.memref_slice %arg2[%mul3A_48, %mul3A_52, %mul3A_46] : memref<26x50x1024xi32, #tpu.memory_space<hbm>> -> memref<13x1x128xi32, #tpu.memory_space<hbm>>
    %dma_wait3A_139 = tpu.memref_squeeze %dma_wait3A_138 : memref<13x1x128xi32, #tpu.memory_space<hbm>> -> memref<13x128xi32, #tpu.memory_space<hbm>>
    tpu.wait_dma2 semaphore(%arg12 : memref<!tpu.dma_semaphore, #tpu.memory_space<semaphore_mem>>) src(%dma_wait3A_139 : memref<13x128xi32, #tpu.memory_space<hbm>>) dst(%arg7 : memref<13x128xi32, #tpu.memory_space<vmem>>)
    return
  }
}

</mosaic_0001>

<sc_bundles>
// kernel: kernel.3.cloned.1.call-start
scs
__scs_entry_jumppad:
0x0: {  	(pc) =	sbr.rel $0x88, $3  }
0x1: {  	(tag) =	ssettag $0x0;
	lr =	simm.s32 $0x1  }
0x2: {  	[smem:$0x3F9F] =	sst lr;
	_ =	strace $0xD0000000  }
0x3: {  	_ = 	snop  }
0x4: {  	_ = 	snop  }
0x5: {  	_ = 	snop  }
0x6: {  	_ = 	snop  }
0x7: {  	_ = 	snop  }
__scs_overlays_trampoline_lowered:
0x8: {  	[smem:$0x3FAE] =	sst s0  }
0x9: {  	[smem:$0x3FAF] =	sst s1  }
0xa: {  	[smem:$0x3FB0] =	sst s2  }
0xb: {  	[smem:$0x3FB1] =	sst s3  }
0xc: {  	[smem:$0x3FB2] =	sst s4  }
0xd: {  	[smem:$0x3FB3] =	sst s5  }
0xe: {  	[smem:$0x3FB4] =	sst s6  }
0xf: {  	[smem:$0x3FB5] =	sst s7  }
0x10: {  	[smem:$0x3FB6] =	sst s8  }
0x11: {  	[smem:$0x3FB7] =	sst s9;
	s0 =	simm.s32 @!p0 $0x0  }
0x12: {  	s1 =	sld [smem:$0x3F9D];
	s0 =	simm.s32 @p0 $0x1  }
0x13: {  	[smem:$0x3FB8] =	sst s0;
	s0 =	simm.s32 @!p1 $0x0  }
0x14: {  	s2 =	sld [smem:$0x3F9C];
	s0 =	simm.s32 @p1 $0x1  }
0x15: {  	[smem:$0x3FB9] =	sst s0;
	s0 =	simm.s32 @!p2 $0x0  }
0x16: {  	s3 =	sld [smem:$0x3FDB];
	s0 =	simm.s32 @p2 $0x1  }
0x17: {  	s4 =	simm.s32 $0x1BF5;
	[smem:$0x3FBB] =	sst s0  }
0x18: {  	s0 =	sld [smem:$0x3F9E];
	_ =	swait.ge [sflag:s4], $0x0  }
0x19: {  	s7 =	sld [smem:$0x3F9F]  }
0x1a: {  	s8 =	sadd.s32 $0xFFFFE003, lr  }
0x1b: {  	s9 =	sadd.s32 $0xFFFFFEF7, lr;
	s5 =	simm.s32 $0xFFFFFFFF;
	p2 =	slt.u32 s8, $0xFFFFF086  }
0x1c: {  	p1 =	slt.u32 s9, $0xF7A;
	s5 =	simm.s32 @!p2 $0x0  }
0x1d: {  	s5 =	simm.s32 @p1 $0x1;
	p0 =	seq.s32 s7, s2  }
0x1e: {  	s7 =	smul.u32 @!p0 $0xF7A, s2;
	p2 =	seq.s32 @!p0 s5, $0x0  }
0x1f: {  	s9 =	smul.u32 $0xF7A, s1;
	s8 =	simm.s32 @!p0 $0x1BF5;
	p2 =	por !p2, p0  }
0x20: {  	[sflag:s8] =	ssyncset.s32 @!p0 $0xFFFFF086;
	s6 =	sadd.s32 @!p0 s3, s7;
	s7 =	simm.s32 @!p0 $0x108  }
0x21: {  	s3 =	sadd.s32 s3, s9;
	s6 =	sadd.s32 @!p0 $0x88, s6;
	s7 =	simm.s32 @p2 $0x1082  }
0x22: {  	[simem:s7], [sflag:s8] =	dma.local @!p0 [hbm:s6], $0xF7A  }
0x23: {  	s9 =	sor.u32 $0xD0000000, s2;
	s6 =	simm.s32 $0x108;
	_ =	swait.ge @!p0 [sflag:s8], $0x0  }
0x24: {  	s3 =	sadd.s32 $0x88, s3;
	s6 =	simm.s32 @!p1 $0x1082;
	[sflag:s4] =	ssyncset.s32 $0xFFFFF086  }
0x25: {  	[simem:s6], [sflag:s4] =	dma.local [hbm:s3], $0xF7A  }
0x26: {  	[smem:$0x3F9F] =	sst s1;
	(tag) =	ssettag s2;
	_ =	strace s9  }
0x27: {  	s1 =	sld [smem:$0x3FAF]  }
0x28: {  	s2 =	sld [smem:$0x3FB0]  }
0x29: {  	s4 =	sld [smem:$0x3FB2]  }
0x2a: {  	p0 =	seq.s32 s5, $0x0;
	s5 =	sld [smem:$0x3FB3]  }
0x2b: {  	s6 =	sld [smem:$0x3FB4]  }
0x2c: {  	s7 =	sld [smem:$0x3FB5]  }
0x2d: {  	s3 =	simm.s32 $0x108;
	s8 =	sld [smem:$0x3FB6]  }
0x2e: {  	s3 =	simm.s32 @!p0 $0x1082;
	s9 =	sld [smem:$0x3FB7]  }
0x2f: {  	lr =	sadd.s32 s0, s3;
	s0 =	sld [smem:$0x3FAE]  }
0x30: {  	s3 =	sld [smem:$0x3FB1]  }
0x31: {  	[smem:$0x3FBA] =	sst s10  }
0x32: {  	s10 =	sld [smem:$0x3FB8];
	_ =	sdelay $0x3  }
0x33: {  	p0 =	seq.s32 s10, $0x1;
	s10 =	sld [smem:$0x3FBA];
	_ =	sdelay $0x3  }
0x34: {  	[smem:$0x3FBA] =	sst s10  }
0x35: {  	s10 =	sld [smem:$0x3FB9];
	_ =	sdelay $0x3  }
0x36: {  	p1 =	seq.s32 s10, $0x1;
	s10 =	sld [smem:$0x3FBA];
	_ =	sdelay $0x3  }
0x37: {  	[smem:$0x3FBA] =	sst s10  }
0x38: {  	s10 =	sld [smem:$0x3FBB]  }
0x39: {  	_ = 	snop;
	(pc) =	sbr.ind lr, $3  }
0x3a: {  	_ = 	snop  }
0x3b: {  	_ = 	snop  }
0x3c: {  	p2 =	seq.s32 s10, $0x1;
	s10 =	sld [smem:$0x3FBA]  }
0x3d: {  	_ =	shalt  }
0x3e: {  	_ =	shalt  }
0x3f: {  	_ =	shalt  }
0x40: {  	_ =	shalt  }
0x41: {  	_ =	shalt  }
0x42: {  	_ =	shalt  }
0x43: {  	_ =	shalt  }
0x44: {  	_ =	shalt  }
0x45: {  	_ =	shalt  }
0x46: {  	_ =	shalt  }
0x47: {  	_ =	shalt  }
0x48: {  	_ =	shalt  }
0x49: {  	_ =	shalt  }
0x4a: {  	_ =	shalt  }
0x4b: {  	_ =	shalt  }
0x4c: {  	_ =	shalt  }
0x4d: {  	_ =	shalt  }
0x4e: {  	_ =	shalt  }
0x4f: {  	_ =	shalt  }
0x50: {  	_ =	shalt  }
0x51: {  	_ =	shalt  }
0x52: {  	_ =	shalt  }
0x53: {  	_ =	shalt  }
0x54: {  	_ =	shalt  }
0x55: {  	_ =	shalt  }
0x56: {  	_ =	shalt  }
0x57: {  	_ =	shalt  }
0x58: {  	_ =	shalt  }
0x59: {  	_ =	shalt  }
0x5a: {  	_ =	shalt  }
0x5b: {  	_ =	shalt  }
0x5c: {  	_ =	shalt  }
0x5d: {  	_ =	shalt  }
0x5e: {  	_ =	shalt  }
0x5f: {  	_ =	shalt  }
0x60: {  	_ =	shalt  }
0x61: {  	_ =	shalt  }
0x62: {  	_ =	shalt  }
0x63: {  	_ =	shalt  }
0x64: {  	_ =	shalt  }
0x65: {  	_ =	shalt  }
0x66: {  	_ =	shalt  }
0x67: {  	_ =	shalt  }
0x68: {  	_ =	shalt  }
0x69: {  	_ =	shalt  }
0x6a: {  	_ =	shalt  }
0x6b: {  	_ =	shalt  }
0x6c: {  	_ =	shalt  }
0x6d: {  	_ =	shalt  }
0x6e: {  	_ =	shalt  }
0x6f: {  	_ =	shalt  }
0x70: {  	_ =	shalt  }
0x71: {  	_ =	shalt  }
0x72: {  	_ =	shalt  }
0x73: {  	_ =	shalt  }
0x74: {  	_ =	shalt  }
0x75: {  	_ =	shalt  }
0x76: {  	_ =	shalt  }
0x77: {  	_ =	shalt  }
0x78: {  	_ =	shalt  }
0x79: {  	_ =	shalt  }
0x7a: {  	_ =	shalt  }
0x7b: {  	_ =	shalt  }
0x7c: {  	_ =	shalt  }
0x7d: {  	_ =	shalt  }
0x7e: {  	_ =	shalt  }
0x7f: {  	_ =	shalt  }
0x80: {  	_ =	shalt  }
0x81: {  	_ =	shalt  }
0x82: {  	_ =	shalt  }
0x83: {  	_ =	shalt  }
0x84: {  	_ =	shalt  }
0x85: {  	_ =	shalt  }
0x86: {  	_ =	shalt  }
0x87: {  	_ =	shalt  }
.Lfunc_end0:
.L_simem_size_0:
called_computation_lowered:
.L_overlay_start_0:
0x88: {  	s2 =	sld [smem:$0x3FD9]  }
0x89: {  	s3 =	sld [smem:$0x3FFE];
	_ =	sdelay $0x1  }
0x8a: {  	s1 =	srdreg.scid  }
0x8b: {  	s0 =	sand.u32 $0x1, s1  }
0x8c: {  	s17 =	sshll.u32 s0, $0xA;
	s2 =	sadd.s32 s3, s2  }
0x8d: {  	s2 =	sadd.s32 s2, s17  }
0x8e: {  	[smem:$0x3FC6] =	sst s2  }
0x8f: {  	_ = 	snop  }
0x90: {  	s2 =	sld [smem:$0x3FC9]  }
0x91: {  	s18 =	sld [smem:$0x3FD0];
	(tm) =	ssettm $0x1  }
0x92: {  	s4 =	sld [smem:$0x3FFB];
	_ =	sdelay $0x3  }
0x93: {  	_ =	strace s4  }
0x94: {  	s4 =	sld [smem:$0x3FFC];
	_ =	sdelay $0x3  }
0x95: {  	_ =	strace s4  }
0x96: {  	s4 =	sld [smem:$0x3FFD];
	_ =	sdelay $0x3  }
0x97: {  	_ =	strace s4  }
0x98: {  	_ =	strace $0x8FFFFFFF  }
0x99: {  	s19 =	sld [smem:$0x3FDB];
	_ =	sdelay $0x1  }
0x9a: {  	s5 =	simm.s32 $_scs_section_size  }
0x9b: {  	s6 =	simm.s32 $_size__tile_overlayer_lowered;
	s7 =	simm.s32 $_tile_overlayer_lowered  }
0x9c: {  	s22 =	simm.s32 $0x1BFF;
	s21 =	sshll.u32 s7, $0x1;
	s4 =	sadd.s32 s5, s19  }
0x9d: {  	s8 =	simm.s32 $0x0;
	s20 =	sshll.u32 s6, $0x1;
	s6 =	sadd.s32 s21, s4  }
0x9e: {  	[timem:s8], [sflag:s22] =	dma.local [hbm:s6], s20  }
0x9f: {  	_ =	swait.ge [sflag:s22], s20  }
0xa0: {  	s5 =	ssub.s32 $0x0, s20;
	[sflag:s22] =	ssyncset.done $0x0  }
0xa1: {  	[sflag:s22] =	ssyncadd.s32 s5;
	_ =	sdelay $0x1  }
0xa2: {  	s23 =	simm.s32 $0x1B8B  }
0xa3: {  	_ =	swait.ge [sflag:s23], $0x1  }
0xa4: {  	[sflag:s23] =	ssyncset.done $0x0  }
0xa5: {  	s25 =	simm.s32 $0x1B8E;
	s24 =	sld [smem:$0x3FFE];
	[sflag:s23] =	ssyncadd.s32 $0xFFFFFFFF  }
0xa6: {  	s26 =	simm.s32 $execute0_lowered;
	[smem:$0x3FD2] =	sst s25  }
0xa7: {  	s6 =	sshll.u32 s26, $0x1;
	_ =	strace $0x80000046;
	[dreg:$0x1] =	wrdreg $0xFFFFFFFF  }
0xa8: {  	s28 =	simm.s32 $_size_execute0_lowered;
	s4 =	sadd.s32 s4, s6;
	[dreg:$0x0] =	wrdreg $0x0  }
0xa9: {  	s6 =	sshll.u32 s28, $0x1;
	[dreg:$0x2] =	wrdreg s4  }
0xaa: {  	[dreg:$0x3] =	wrdreg s6  }
0xab: {  	[dreg:$0x4] =	wrdreg $0xC0  }
0xac: {  	_ =	task [dreg:s8], $0x5FFFF  }
0xad: {  	[dreg:$0x1] =	wrdreg $0xFFFFFFFF  }
0xae: {  	[dreg:$0x0] =	wrdreg $0x60  }
0xaf: {  	[dreg:$0x2] =	wrdreg s2  }
0xb0: {  	[dreg:$0x3] =	wrdreg s24  }
0xb1: {  	[dreg:$0x4] =	wrdreg s18  }
0xb2: {  	[dreg:$0x5] =	wrdreg $0x9  }
0xb3: {  	_ =	task.clear_ibuf [dreg:s8], $0x6FFFF;
	_ =	strace $0x90000046  }
0xb4: {  	s29 =	simm.s32 $0x9;
	_ =	strace $0x80000048  }
0xb5: {  	_ =	swait.ge [sflag:s29], $0x1  }
0xb6: {  	[sflag:s29] =	ssyncadd.s32 $0xFFFFFFFF  }
0xb7: {  	_ =	strace $0x90000048  }
0xb8: {  	_ =	sfence  }
0xb9: {  	s30 =	sld [smem:$0x0];
	_ =	sdelay $0x2  }
0xba: {  	s31 =	sshll.u32 s1, $0xD;
	s1 =	sshrl.u32 s1, $0x2  }
0xbb: {  	s3 =	sand.u32 $0x4000, s31;
	s1 =	sadd.s32 s1, s30  }
0xbc: {  	s0 =	sor.u32 s3, s0;
	s1 =	sshll.u32 s1, $0x11  }
0xbd: {  	s0 =	sor.u32 s1, s0  }
0xbe: {  	s0 =	sadd.s32 $0x8F2B, s0  }
0xbf: {  	[sflag:s0] =	ssyncadd.remote.s32 $0x1  }
0xc0: {  	_ =	sfence.sel $0xFFFF  }
0xc1: {  	[dreg:$0x0] =	wrdreg $0xFFFFFFFF;
	(pc) =	sbr.abs _section_cstart, $3  }
0xc2: {  	[dreg:$0x1] =	wrdreg $0xFFFFFFFF  }
0xc3: {  	_ =	task.clear_ibuf [dreg:s8], $0x2FFFF;
	_ =	strace $0x9FFFFFFF  }
0xc4: {  	(tm) =	ssettm $0x7FFFFFFF  }
0xc5: {  	_ =	shalt  }
tec
execute0_lowered:
.L_overlay_start_1:
0x0: {  	(tag) =	ssettag $0x1  }
0x1: {  	s30 =	rddreg [dreg:$0x0]  }
0x2: {  	s0 =	rddreg [dreg:$0x1]  }
0x3: {  	s11 =	rddreg [dreg:$0x2];
	s3 =	simm.s32 $0x0;
	s1 =	srdreg.scid  }
0x4: {  	s6 =	stileid.u32;
	[smem:$0x7FF] =	sst s3;
	s1 =	sand.u32 $0x1, s1  }
0x5: {  	s0 =	sadd.s32 $0x400, s0;
	s4 =	sshrl.u32 s6, $0x3;
	s5 =	sshll.u32 s6, $0x1  }
0x6: {  	s7 =	sshrl.u32 s6, $0x2;
	_ =	strace $0x80000047;
	s6 =	smul.u32 $0x19, s4  }
0x7: {  	s2 =	ssub.s32 $0x2, s1;
	[dreg:$0x4] =	wrdreg s0;
	s10 =	smul.u32 $0x6400, s4  }
0x8: {  	s9 =	sand.u32 $0x1, s7;
	s13 =	sshll.u32 s4, $0x7;
	s4 =	smul.u32 $0xA28000, s4  }
0x9: {  	s5 =	sand.u32 $0x6, s5;
	s8 =	sshrl.u32 s2, $0x1;
	s7 =	smul.u32 $0xB6000, s9  }
0xa: {  	s1 =	sor.u32 s1, s5;
	s20 =	smul.u32 $0x34000, s9;
	s0 =	ssub.s32 s2, s8  }
0xb: {  	s8 =	sshll.u32 s1, $0xA;
	s10 =	sand.u32 $0x6000, s10;
	s12 =	sadd.s32 $0x1, s6  }
0xc: {  	s16 =	sadd.s32 $0x2, s6;
	s21 =	sadd.s32 $0x3, s6;
	s1 =	sadd.s32 s10, s7  }
0xd: {  	s14 =	sshll.u32 s12, $0xA;
	s15 =	sshll.u32 s12, $0x7;
	s18 =	sshll.u32 s16, $0xA  }
0xe: {  	[dreg:$0x5] =	wrdreg s16;
	s22 =	sshll.u32 s21, $0xA;
	s9 =	sshll.u32 s21, $0x7  }
0xf: {  	s4 =	sadd.s32 s4, s20;
	s2 =	smul.u32 $0x68000, s12;
	s28 =	sor.u32 s8, s20  }
0x10: {  	s0 =	smax.u32 s0, $0x1;
	s1 =	sor.u32 s13, s1;
	s10 =	sand.u32 $0xE000, s14  }
0x11: {  	s5 =	sand.u32 $0x380, s15;
	s9 =	sand.u32 $0x380, s9;
	[dreg:$0xb] =	wrdreg s28  }
0x12: {  	s4 =	sor.u32 s8, s4;
	s29 =	sadd.s32 $0x68000, s28;
	[dreg:$0xf] =	wrdreg s0  }
0x13: {  	s1 =	sor.u32 s8, s1;
	s10 =	sadd.s32 s7, s10;
	s23 =	sshrl.u32 s4, $0x3  }
0x14: {  	s2 =	sadd.s32 s20, s2;
	s1 =	sshrl.u32 s1, $0x3;
	s5 =	sor.u32 s5, s10  }
0x15: {  	s10 =	sshll.u32 s16, $0x7;
	s1 =	sadd.s32 s30, s1;
	s17 =	sor.u32 s8, s5  }
0x16: {  	s5 =	sand.u32 $0xE000, s18;
	[dreg:$0x6] =	wrdreg s1;
	s1 =	sshrl.u32 s17, $0x3  }
0x17: {  	s19 =	sand.u32 $0x380, s10;
	s5 =	sadd.s32 s7, s5;
	s1 =	sadd.s32 s30, s1  }
0x18: {  	s10 =	sand.u32 $0xE000, s22;
	[dreg:$0x7] =	wrdreg s1;
	s1 =	sor.u32 s19, s5  }
0x19: {  	s26 =	sadd.s32 $0x9C0000, s4;
	s10 =	sadd.s32 s7, s10;
	s1 =	sor.u32 s8, s1  }
0x1a: {  	[dreg:$0xd] =	wrdreg s29;
	s9 =	sor.u32 s9, s10;
	s1 =	sshrl.u32 s1, $0x3  }
0x1b: {  	s25 =	sor.u32 s8, s2;
	s9 =	sor.u32 s8, s9;
	s1 =	sadd.s32 s30, s1  }
0x1c: {  	s24 =	sshrl.u32 s9, $0x3;
	[dreg:$0x8] =	wrdreg s1;
	s1 =	sadd.s32 s11, s23  }
0x1d: {  	s2 =	sshrl.u32 s26, $0x3;
	[dreg:$0x9] =	wrdreg s1;
	s1 =	sadd.s32 s30, s24  }
0x1e: {  	s31 =	sadd.s32 s11, s2;
	[dreg:$0xa] =	wrdreg s1;
	s1 =	sshrl.u32 s25, $0x3  }
0x1f: {  	[dreg:$0xe] =	wrdreg s31;
	s1 =	sadd.s32 s11, s1  }
0x20: {  	s2 =	simm.s32 $0x0;
	[dreg:$0xc] =	wrdreg s1  }
.LBB2_1:
0x21: {  	[dreg:$0x10] =	wrdreg s2  }
0x22: {  	s0 =	rddreg [dreg:$0x4]  }
0x23: {  	s9 =	rddreg [dreg:$0x6]  }
0x24: {  	[tilespmem:s3], [sflag:$0x1] =	stream.linear.gather [hbm4b:s0+s3], $0x3E80, $0x38;
	[tilespmem:$0x11E80] =	vst v63  }
0x25: {  	s1 =	simm.s32 $0x80;
	s10 =	simm.s32 $0xE000;
	s4 =	simm.s32 $0x3E80  }
0x26: {  	[tilespmem:s4], [sflag:$0x2] =	stream.strided.gather [hbm4b:s9+s1], $0x680, s10, s1, $0x38;
	[tilespmem:$0x11E80] =	vst v63  }
0x27: {  	s11 =	rddreg [dreg:$0x7];
	s12 =	simm.s32 $0x4680;
	s13 =	simm.s32 $0x1  }
0x28: {  	[tilespmem:s12], [sflag:$0x3] =	stream.strided.gather [hbm4b:s11+s1], $0x680, s10, s1, $0x38;
	[tilespmem:$0x11E80] =	vst v63  }
0x29: {  	_ =	swait.ge [sflag:s13], $0x3E80  }
0x2a: {  	[sflag:s13] =	ssyncset.done $0x0  }
0x2b: {  	s14 =	simm.s32 $0x0;
	s15 =	simm.s32 $0x2;
	[sflag:s13] =	ssyncadd.s32 $0xFFFFC180  }
0x2c: {  	s22 =	sand.u32 $0x60, s3;
	s1 =	sand.u32 $0x3FFFFF80, s14;
	_ =	swait.ge [sflag:s15], $0x680  }
0x2d: {  	s23 =	sor.u32 $0x10, s22;
	s1 =	sadd.s32 $0x3E80, s1;
	[sflag:s15] =	ssyncset.done $0x0  }
0x2e: {  	s16 =	sor.u32 s23, s1;
	[sflag:s15] =	ssyncadd.s32 $0xFFFFF980  }
0x2f: {  	v0 =	vld [tilespmem:s16+$0x0];
	_ =	sdelay $0x4  }
0x30: {  	v4 =	vshll.u32 v0, $0x4;
	_ =	sdelay $0x1  }
0x31: {  	s1 =	sor.u32 s22, s1  }
0x32: {  	v0 =	vld [tilespmem:s1+$0x0];
	_ =	sdelay $0x1  }
0x33: {  	v1 =	vld.idx.msk [tilespmem:v4+s3+$0x0], $0xffff  }
0x34: {  	s17 =	simm.s32 $0x0;
	v2 =	vor.u32 $0x1, v4  }
0x35: {  	s24 =	sand.u32 $0x3FFFF800, s17  }
0x36: {  	s1 =	sadd.s32 $0x4E80, s24;
	v3 =	vshll.u32 v0, $0x4  }
0x37: {  	s18 =	sor.u32 s23, s1  }
0x38: {  	[tilespmem:s18+$0x0] =	vst v1  }
0x39: {  	v0 =	vld.idx.msk [tilespmem:v2+s3+$0x0], $0xffff  }
0x3a: {  	v1 =	vor.u32 $0x2, v4  }
0x3b: {  	v2 =	vld.idx.msk [tilespmem:v3+s3+$0x0], $0xffff  }
0x3c: {  	s19 =	sadd.s32 $0x4F00, s24;
	v5 =	vor.u32 $0x1, v3  }
0x3d: {  	s5 =	sor.u32 s23, s19  }
0x3e: {  	[tilespmem:s5+$0x0] =	vst v0  }
0x3f: {  	s1 =	sor.u32 s22, s1;
	v0 =	vld.idx.msk [tilespmem:v1+s3+$0x0], $0xffff  }
0x40: {  	[tilespmem:s1+$0x0] =	vst v2;
	v1 =	vor.u32 $0x3, v4  }
0x41: {  	v2 =	vld.idx.msk [tilespmem:v5+s3+$0x0], $0xffff  }
0x42: {  	s21 =	simm.s32 $0x20;
	s20 =	sadd.s32 $0x4F80, s24;
	s9 =	simm.s32 $0x20;
	v5 =	vor.u32 $0x2, v3  }
0x43: {  	s25 =	sand.u32 $0x3FFFFF80, s9;
	s11 =	sor.u32 s23, s20;
	s10 =	sand.u32 $0x60, s21  }
0x44: {  	s5 =	sadd.s32 $0x3E80, s25;
	[tilespmem:s11+$0x0] =	vst v0;
	s11 =	sor.u32 $0x10, s10  }
0x45: {  	s2 =	sor.u32 s22, s19;
	v0 =	vld.idx.msk [tilespmem:v1+s3+$0x0], $0xffff;
	s26 =	sor.u32 s11, s5  }
0x46: {  	[tilespmem:s2+$0x0] =	vst v2;
	v1 =	vor.u32 $0x4, v4;
	v2 =	vld [tilespmem:s26+$0x0]  }
0x47: {  	v5 =	vld.idx.msk [tilespmem:v5+s3+$0x0], $0xffff  }
0x48: {  	s28 =	sadd.s32 $0x5000, s24;
	v6 =	vor.u32 $0x3, v3  }
0x49: {  	s29 =	sor.u32 s23, s28;
	s5 =	sor.u32 s10, s5  }
0x4a: {  	v7 =	vld [tilespmem:s5+$0x0];
	[tilespmem:s29+$0x0] =	vst v0  }
0x4b: {  	s1 =	sor.u32 s22, s20;
	v1 =	vld.idx.msk [tilespmem:v1+s3+$0x0], $0xffff;
	v0 =	vshll.u32 v2, $0x4  }
0x4c: {  	[tilespmem:s1+$0x0] =	vst v5;
	v2 =	vor.u32 $0x5, v4  }
0x4d: {  	v6 =	vld.idx.msk [tilespmem:v6+s3+$0x0], $0xffff  }
0x4e: {  	s31 =	sadd.s32 $0x5080, s24;
	v8 =	vor.u32 $0x4, v3  }
0x4f: {  	s0 =	sor.u32 s23, s31  }
0x50: {  	v5 =	vshll.u32 v7, $0x4;
	v7 =	vld.idx.msk [tilespmem:v0+s3+$0x0], $0xffff;
	[tilespmem:s0+$0x0] =	vst v1  }
0x51: {  	s4 =	simm.s32 $0x200;
	s2 =	sor.u32 s22, s28;
	v1 =	vld.idx.msk [tilespmem:v2+s3+$0x0], $0xffff;
	v2 =	vor.u32 $0x1, v0  }
0x52: {  	s12 =	sand.u32 $0x3FFFF800, s4;
	[tilespmem:s2+$0x0] =	vst v6;
	v6 =	vor.u32 $0x6, v4  }
0x53: {  	s9 =	sadd.s32 $0x4E80, s12;
	v8 =	vld.idx.msk [tilespmem:v8+s3+$0x0], $0xffff  }
0x54: {  	s14 =	sadd.s32 $0x5100, s24;
	v9 =	vor.u32 $0x5, v3;
	s13 =	sor.u32 s11, s9  }
0x55: {  	s15 =	sor.u32 s23, s14;
	v10 =	vld.idx.msk [tilespmem:v5+s3+$0x0], $0xffff;
	[tilespmem:s13+$0x0] =	vst v7  }
0x56: {  	v7 =	vor.u32 $0x1, v5;
	v2 =	vld.idx.msk [tilespmem:v2+s3+$0x0], $0xffff;
	[tilespmem:s15+$0x0] =	vst v1  }
0x57: {  	s1 =	sor.u32 s22, s31;
	v1 =	vld.idx.msk [tilespmem:v6+s3+$0x0], $0xffff;
	v6 =	vor.u32 $0x2, v0  }
0x58: {  	[tilespmem:s1+$0x0] =	vst v8;
	v8 =	vor.u32 $0x7, v4  }
0x59: {  	s17 =	sadd.s32 $0x4F00, s12;
	s16 =	sor.u32 s10, s9;
	v9 =	vld.idx.msk [tilespmem:v9+s3+$0x0], $0xffff  }
0x5a: {  	s19 =	sadd.s32 $0x5180, s24;
	v11 =	vor.u32 $0x6, v3;
	s18 =	sor.u32 s11, s17;
	[tilespmem:s16+$0x0] =	vst v10  }
0x5b: {  	s20 =	sor.u32 s23, s19;
	v7 =	vld.idx.msk [tilespmem:v7+s3+$0x0], $0xffff;
	[tilespmem:s18+$0x0] =	vst v2  }
0x5c: {  	v2 =	vor.u32 $0x2, v5;
	v6 =	vld.idx.msk [tilespmem:v6+s3+$0x0], $0xffff;
	[tilespmem:s20+$0x0] =	vst v1  }
0x5d: {  	s21 =	sor.u32 s22, s14;
	v1 =	vld.idx.msk [tilespmem:v8+s3+$0x0], $0xffff;
	v8 =	vor.u32 $0x3, v0  }
0x5e: {  	[tilespmem:s21+$0x0] =	vst v9;
	v9 =	vor.u32 $0x8, v4  }
0x5f: {  	s14 =	simm.s32 $0x40;
	s25 =	sor.u32 s10, s17;
	s26 =	sadd.s32 $0x4F80, s12;
	v10 =	vld.idx.msk [tilespmem:v11+s3+$0x0], $0xffff  }
0x60: {  	s28 =	simm.s32 $0x40;
	s29 =	sor.u32 s11, s26;
	s15 =	sadd.s32 $0x5200, s24;
	v11 =	vor.u32 $0x7, v3;
	[tilespmem:s25+$0x0] =	vst v7  }
0x61: {  	s0 =	sand.u32 $0x3FFFFF80, s14;
	s13 =	sand.u32 $0x60, s28;
	s31 =	sor.u32 s23, s15;
	v2 =	vld.idx.msk [tilespmem:v2+s3+$0x0], $0xffff;
	[tilespmem:s29+$0x0] =	vst v6  }
0x62: {  	s4 =	sadd.s32 $0x3E80, s0;
	s14 =	sor.u32 $0x10, s13;
	v6 =	vor.u32 $0x3, v5;
	v7 =	vld.idx.msk [tilespmem:v8+s3+$0x0], $0xffff;
	[tilespmem:s31+$0x0] =	vst v1  }
0x63: {  	s5 =	sor.u32 s22, s19;
	s9 =	sor.u32 s14, s4;
	v1 =	vld.idx.msk [tilespmem:v9+s3+$0x0], $0xffff  }
0x64: {  	[tilespmem:s5+$0x0] =	vst v10;
	v8 =	vor.u32 $0x4, v0;
	v9 =	vld [tilespmem:s9+$0x0]  }
0x65: {  	s2 =	sor.u32 s10, s26;
	s1 =	sor.u32 s13, s4;
	v10 =	vld.idx.msk [tilespmem:v11+s3+$0x0], $0xffff;
	v11 =	vor.u32 $0x9, v4  }
0x66: {  	s9 =	sadd.s32 $0x5000, s12;
	[tilespmem:s2+$0x0] =	vst v2;
	v2 =	vld [tilespmem:s1+$0x0]  }
0x67: {  	v12 =	vor.u32 $0x8, v3;
	s17 =	sadd.s32 $0x5280, s24;
	s16 =	sor.u32 s11, s9;
	v6 =	vld.idx.msk [tilespmem:v6+s3+$0x0], $0xffff  }
0x68: {  	v13 =	vor.u32 $0x4, v5;
	s18 =	sor.u32 s23, s17;
	[tilespmem:s16+$0x0] =	vst v7  }
0x69: {  	v7 =	vld.idx.msk [tilespmem:v8+s3+$0x0], $0xffff;
	[tilespmem:s18+$0x0] =	vst v1;
	v1 =	vshll.u32 v9, $0x4  }
0x6a: {  	s19 =	sor.u32 s22, s15;
	v8 =	vld.idx.msk [tilespmem:v11+s3+$0x0], $0xffff;
	v11 =	vor.u32 $0x5, v0  }
0x6b: {  	s1 =	sor.u32 s10, s9;
	[tilespmem:s19+$0x0] =	vst v10;
	v10 =	vor.u32 $0xA, v4  }
0x6c: {  	s20 =	sadd.s32 $0x5080, s12;
	v12 =	vld.idx.msk [tilespmem:v12+s3+$0x0], $0xffff;
	v9 =	vshll.u32 v2, $0x4;
	[tilespmem:s1+$0x0] =	vst v6  }
0x6d: {  	s21 =	sor.u32 s11, s20;
	s25 =	sadd.s32 $0x5300, s24;
	v2 =	vor.u32 $0x9, v3;
	v6 =	vld.idx.msk [tilespmem:v13+s3+$0x0], $0xffff  }
0x6e: {  	s26 =	sor.u32 s23, s25;
	v13 =	vor.u32 $0x5, v5;
	v14 =	vld.idx.msk [tilespmem:v1+s3+$0x0], $0xffff;
	[tilespmem:s21+$0x0] =	vst v7  }
0x6f: {  	s28 =	simm.s32 $0x400;
	v7 =	vld.idx.msk [tilespmem:v11+s3+$0x0], $0xffff;
	[tilespmem:s26+$0x0] =	vst v8;
	v8 =	vor.u32 $0x1, v1  }
0x70: {  	s5 =	sor.u32 s22, s17;
	s16 =	sand.u32 $0x3FFFF800, s28;
	v11 =	vor.u32 $0x6, v0;
	v10 =	vld.idx.msk [tilespmem:v10+s3+$0x0], $0xffff  }
0x71: {  	v15 =	vor.u32 $0xB, v4;
	s2 =	sadd.s32 $0x4E80, s16;
	s1 =	sor.u32 s10, s20;
	[tilespmem:s5+$0x0] =	vst v12;
	v12 =	vld.idx.msk [tilespmem:v9+s3+$0x0], $0xffff  }
0x72: {  	s31 =	sadd.s32 $0x5100, s12;
	s29 =	sor.u32 s14, s2;
	v16 =	vor.u32 $0x1, v9;
	v2 =	vld.idx.msk [tilespmem:v2+s3+$0x0], $0xffff;
	[tilespmem:s1+$0x0] =	vst v6  }
0x73: {  	s4 =	sadd.s32 $0x5380, s24;
	s0 =	sor.u32 s11, s31;
	v6 =	vor.u32 $0xA, v3;
	[tilespmem:s29+$0x0] =	vst v14;
	v13 =	vld.idx.msk [tilespmem:v13+s3+$0x0], $0xffff  }
0x74: {  	s17 =	sor.u32 s23, s4;
	v14 =	vor.u32 $0x6, v5;
	v8 =	vld.idx.msk [tilespmem:v8+s3+$0x0], $0xffff;
	[tilespmem:s0+$0x0] =	vst v7  }
0x75: {  	s2 =	sor.u32 s13, s2;
	v7 =	vld.idx.msk [tilespmem:v11+s3+$0x0], $0xffff;
	[tilespmem:s17+$0x0] =	vst v10;
	v10 =	vor.u32 $0x2, v1  }
0x76: {  	s18 =	sor.u32 s22, s25;
	[tilespmem:s2+$0x0] =	vst v12;
	v12 =	vor.u32 $0x7, v0;
	v11 =	vld.idx.msk [tilespmem:v15+s3+$0x0], $0xffff  }
0x77: {  	s19 =	sadd.s32 $0x4F00, s16;
	s1 =	sor.u32 s10, s31;
	[tilespmem:s18+$0x0] =	vst v2;
	v2 =	vor.u32 $0xC, v4;
	v15 =	vld.idx.msk [tilespmem:v16+s3+$0x0], $0xffff  }
0x78: {  	s20 =	sor.u32 s14, s19;
	s21 =	sadd.s32 $0x5180, s12;
	v16 =	vor.u32 $0x2, v9;
	v6 =	vld.idx.msk [tilespmem:v6+s3+$0x0], $0xffff;
	[tilespmem:s1+$0x0] =	vst v13  }
0x79: {  	s25 =	sor.u32 s11, s21;
	s2 =	sadd.s32 $0x5400, s24;
	v13 =	vor.u32 $0xB, v3;
	[tilespmem:s20+$0x0] =	vst v8;
	v8 =	vld.idx.msk [tilespmem:v14+s3+$0x0], $0xffff  }
0x7a: {  	s26 =	sor.u32 s23, s2;
	v14 =	vor.u32 $0x7, v5;
	v10 =	vld.idx.msk [tilespmem:v10+s3+$0x0], $0xffff;
	[tilespmem:s25+$0x0] =	vst v7  }
0x7b: {  	s9 =	sor.u32 s13, s19;
	v7 =	vld.idx.msk [tilespmem:v12+s3+$0x0], $0xffff;
	[tilespmem:s26+$0x0] =	vst v11;
	v11 =	vor.u32 $0x3, v1  }
0x7c: {  	s28 =	sor.u32 s22, s4;
	[tilespmem:s9+$0x0] =	vst v15;
	v12 =	vor.u32 $0x8, v0;
	v2 =	vld.idx.msk [tilespmem:v2+s3+$0x0], $0xffff  }
0x7d: {  	s4 =	sadd.s32 $0x5200, s12;
	s29 =	sadd.s32 $0x4F80, s16;
	s1 =	sor.u32 s10, s21;
	v15 =	vld.idx.msk [tilespmem:v16+s3+$0x0], $0xffff;
	[tilespmem:s28+$0x0] =	vst v6  }
0x7e: {  	s31 =	simm.s32 $0x60;
	s0 =	sor.u32 s14, s29;
	s17 =	simm.s32 $0x60;
	v6 =	vor.u32 $0xD, v4;
	[tilespmem:s1+$0x0] =	vst v8;
	v8 =	vld.idx.msk [tilespmem:v13+s3+$0x0], $0xffff  }
0x7f: {  	s5 =	sand.u32 $0x60, s31;
	s18 =	sor.u32 s11, s4;
	s17 =	sand.u32 $0x3FFFFF80, s17;
	[tilespmem:s0+$0x0] =	vst v10;
	v10 =	vld.idx.msk [tilespmem:v14+s3+$0x0], $0xffff  }
0x80: {  	s17 =	sadd.s32 $0x3E80, s17;
	s9 =	sadd.s32 $0x5480, s24;
	v13 =	vor.u32 $0x3, v9;
	v11 =	vld.idx.msk [tilespmem:v11+s3+$0x0], $0xffff;
	[tilespmem:s18+$0x0] =	vst v7;
	s18 =	sor.u32 $0x10, s5  }
0x81: {  	s19 =	sor.u32 s23, s9;
	v7 =	vor.u32 $0x8, v5;
	v12 =	vld.idx.msk [tilespmem:v12+s3+$0x0], $0xffff;
	s20 =	sor.u32 s18, s17  }
0x82: {  	s15 =	sor.u32 s13, s29;
	[tilespmem:s19+$0x0] =	vst v2;
	v2 =	vor.u32 $0x4, v1;
	v14 =	vld [tilespmem:s20+$0x0]  }
0x83: {  	s2 =	sor.u32 s22, s2;
	v16 =	vor.u32 $0x9, v0;
	s17 =	sor.u32 s5, s17;
	[tilespmem:s15+$0x0] =	vst v15;
	v6 =	vld.idx.msk [tilespmem:v6+s3+$0x0], $0xffff  }
0x84: {  	v18 =	vor.u32 $0xC, v3;
	s1 =	sor.u32 s10, s4;
	v15 =	vld [tilespmem:s17+$0x0];
	s20 =	sadd.s32 $0x5000, s16;
	[tilespmem:s2+$0x0] =	vst v8  }
0x85: {  	v17 =	vor.u32 $0xE, v4;
	s19 =	sadd.s32 $0x5280, s12;
	v13 =	vld.idx.msk [tilespmem:v13+s3+$0x0], $0xffff;
	s21 =	sor.u32 s14, s20;
	[tilespmem:s1+$0x0] =	vst v10  }
0x86: {  	s25 =	sor.u32 s11, s19;
	v10 =	vor.u32 $0x4, v9;
	s1 =	sadd.s32 $0x5500, s24;
	[tilespmem:s21+$0x0] =	vst v11;
	v7 =	vld.idx.msk [tilespmem:v7+s3+$0x0], $0xffff  }
0x87: {  	s26 =	sor.u32 s23, s1;
	v11 =	vld.idx.msk [tilespmem:v2+s3+$0x0], $0xffff;
	[tilespmem:s25+$0x0] =	vst v12;
	v2 =	vshll.u32 v14, $0x4  }
0x88: {  	v12 =	vld.idx.msk [tilespmem:v16+s3+$0x0], $0xffff;
	[tilespmem:s26+$0x0] =	vst v6;
	v6 =	vor.u32 $0x5, v1  }
0x89: {  	s28 =	sor.u32 s13, s20;
	v16 =	vld.idx.msk [tilespmem:v18+s3+$0x0], $0xffff;
	v31 =	vshll.u32 v15, $0x4  }
0x8a: {  	s29 =	sadd.s32 $0x5080, s16;
	s19 =	sor.u32 s10, s19;
	v14 =	vor.u32 $0xA, v0;
	v8 =	vld.idx.msk [tilespmem:v17+s3+$0x0], $0xffff;
	[tilespmem:s28+$0x0] =	vst v13  }
0x8b: {  	v20 =	vor.u32 $0xD, v3;
	s31 =	sor.u32 s14, s29;
	s0 =	sadd.s32 $0x5300, s12;
	v10 =	vld.idx.msk [tilespmem:v10+s3+$0x0], $0xffff;
	[tilespmem:s19+$0x0] =	vst v7  }
0x8c: {  	v4 =	vor.u32 $0xF, v4;
	s4 =	sor.u32 s11, s0;
	[tilespmem:s31+$0x0] =	vst v11;
	v15 =	vld.idx.msk [tilespmem:v2+s3+$0x0], $0xffff  }
0x8d: {  	s9 =	sor.u32 s22, s9;
	s2 =	sadd.s32 $0x5580, s24;
	s26 =	simm.s32 $0x600;
	v13 =	vor.u32 $0x9, v5;
	v17 =	vld.idx.msk [tilespmem:v6+s3+$0x0], $0xffff;
	[tilespmem:s4+$0x0] =	vst v12  }
0x8e: {  	s21 =	sor.u32 s23, s2;
	s19 =	sand.u32 $0x3FFFF800, s26;
	v11 =	vor.u32 $0x5, v9;
	[tilespmem:s9+$0x0] =	vst v16;
	v16 =	vld.idx.msk [tilespmem:v31+s3+$0x0], $0xffff  }
0x8f: {  	s15 =	sor.u32 s13, s29;
	s25 =	sadd.s32 $0x4E80, s19;
	v12 =	vor.u32 $0x1, v2;
	v14 =	vld.idx.msk [tilespmem:v14+s3+$0x0], $0xffff;
	[tilespmem:s21+$0x0] =	vst v8  }
0x90: {  	s28 =	sadd.s32 $0x5100, s16;
	v7 =	vor.u32 $0x6, v1;
	s26 =	sor.u32 s18, s25;
	v36 =	vld.idx.msk [tilespmem:v20+s3+$0x0], $0xffff;
	[tilespmem:s15+$0x0] =	vst v10  }
0x91: {  	v33 =	vor.u32 $0xE, v3;
	v19 =	vor.u32 $0xB, v0;
	v24 =	vor.u32 $0xA, v5;
	s29 =	sor.u32 s14, s28;
	v18 =	vld.idx.msk [tilespmem:v4+s3+$0x0], $0xffff;
	[tilespmem:s26+$0x0] =	vst v15  }
0x92: {  	v39 =	vor.u32 $0xC, v0;
	v32 =	vor.u32 $0x7, v1;
	v23 =	vor.u32 $0x1, v31;
	s9 =	sadd.s32 $0x5380, s12;
	s20 =	sor.u32 s5, s25;
	v10 =	vld.idx.msk [tilespmem:v13+s3+$0x0], $0xffff;
	[tilespmem:s29+$0x0] =	vst v17  }
0x93: {  	v25 =	vor.u32 $0x6, v9;
	v22 =	vor.u32 $0x7, v9;
	v21 =	vor.u32 $0x8, v9;
	s31 =	sor.u32 s11, s9;
	v15 =	vld.idx.msk [tilespmem:v11+s3+$0x0], $0xffff;
	[tilespmem:s20+$0x0] =	vst v16  }
0x94: {  	s24 =	sadd.s32 $0x5600, s24;
	s1 =	sor.u32 s22, s1;
	v28 =	vor.u32 $0x2, v2;
	v41 =	vor.u32 $0x2, v31;
	v29 =	vor.u32 $0x3, v31;
	v12 =	vld.idx.msk [tilespmem:v12+s3+$0x0], $0xffff;
	[tilespmem:s31+$0x0] =	vst v14  }
0x95: {  	s23 =	sor.u32 s23, s24;
	v26 =	vor.u32 $0x4, v31;
	v30 =	vor.u32 $0x7, v31;
	v6 =	vor.u32 $0xF, v3;
	v27 =	vld.idx.msk [tilespmem:v7+s3+$0x0], $0xffff;
	[tilespmem:s1+$0x0] =	vst v36  }
0x96: {  	s17 =	sor.u32 s10, s0;
	v3 =	vor.u32 $0xF, v5;
	v8 =	vor.u32 $0xD, v5;
	v20 =	vor.u32 $0xA, v31;
	v19 =	vld.idx.msk [tilespmem:v19+s3+$0x0], $0xffff;
	[tilespmem:s23+$0x0] =	vst v18  }
0x97: {  	s0 =	sadd.s32 $0x4F00, s19;
	v13 =	vor.u32 $0xB, v5;
	v4 =	vor.u32 $0xE, v5;
	s15 =	sor.u32 s13, s28;
	v11 =	vor.u32 $0xC, v5;
	v38 =	vld.idx.msk [tilespmem:v23+s3+$0x0], $0xffff;
	[tilespmem:s17+$0x0] =	vst v10  }
0x98: {  	s4 =	sor.u32 s18, s0;
	s21 =	sadd.s32 $0x5180, s16;
	v17 =	vor.u32 $0xA, v9;
	v16 =	vor.u32 $0xB, v9;
	v5 =	vor.u32 $0xF, v9;
	v40 =	vld.idx.msk [tilespmem:v24+s3+$0x0], $0xffff;
	[tilespmem:s15+$0x0] =	vst v15  }
0x99: {  	s25 =	sadd.s32 $0x5400, s12;
	v14 =	vor.u32 $0xC, v9;
	v7 =	vor.u32 $0xE, v9;
	v23 =	vor.u32 $0x9, v31;
	s23 =	sor.u32 s14, s21;
	[tilespmem:s4+$0x0] =	vst v12;
	v35 =	vld.idx.msk [tilespmem:v25+s3+$0x0], $0xffff  }
0x9a: {  	s28 =	sor.u32 s11, s25;
	v36 =	vor.u32 $0x8, v1;
	v18 =	vor.u32 $0x9, v9;
	v10 =	vor.u32 $0xD, v9;
	[tilespmem:s23+$0x0] =	vst v27;
	v37 =	vld.idx.msk [tilespmem:v28+s3+$0x0], $0xffff  }
0x9b: {  	v9 =	vor.u32 $0xF, v31;
	v24 =	vor.u32 $0x6, v31;
	v15 =	vor.u32 $0xD, v31;
	[tilespmem:s28+$0x0] =	vst v19;
	v34 =	vld.idx.msk [tilespmem:v32+s3+$0x0], $0xffff  }
0x9c: {  	s2 =	sor.u32 s22, s2;
	s22 =	sor.u32 s22, s24;
	s29 =	sor.u32 s5, s0;
	v25 =	vor.u32 $0x5, v31;
	v27 =	vor.u32 $0x8, v31;
	v32 =	vld.idx.msk [tilespmem:v39+s3+$0x0], $0xffff;
	v39 =	vor.u32 $0x3, v2  }
0x9d: {  	s24 =	sadd.s32 $0x4F80, s19;
	s31 =	sor.u32 s10, s9;
	s9 =	sor.u32 s10, s25;
	v12 =	vor.u32 $0xE, v31;
	[tilespmem:s29+$0x0] =	vst v38;
	v28 =	vor.u32 $0xB, v31;
	v19 =	vor.u32 $0xC, v31;
	v31 =	vld.idx.msk [tilespmem:v33+s3+$0x0], $0xffff  }
0x9e: {  	s1 =	simm.s32 $0x80;
	s15 =	sor.u32 s13, s21;
	s23 =	simm.s32 $0x6;
	v38 =	vld.idx.msk [tilespmem:v41+s3+$0x0], $0xffff;
	v33 =	vor.u32 $0xD, v0;
	[tilespmem:s31+$0x0] =	vst v40  }
.LBB2_2:
0x9f: {  	s23 =	sadd.s32 $0x2, s23;
	s17 =	sor.u32 s18, s24;
	[tilespmem:s15+$0x0] =	vst v35;
	s20 =	sadd.s32 $0x5200, s16;
	v35 =	vld.idx.msk [tilespmem:v13+s3+$0x0], $0xffff;
	v13 =	vmov v16;
	v16 =	vmov v28  }
0xa0: {  	s28 =	sadd.s32 $0x5480, s12;
	s26 =	sshll.u32 s23, $0x4;
	[tilespmem:s17+$0x0] =	vst v37;
	v28 =	vld.idx.msk [tilespmem:v22+s3+$0x0], $0xffff;
	s17 =	sor.u32 s14, s20;
	v22 =	vmov v30  }
0xa1: {  	s15 =	sand.u32 $0x60, s1;
	s29 =	sor.u32 s11, s28;
	s26 =	sand.u32 $0x3FFFFF80, s26;
	v30 =	vld.idx.msk [tilespmem:v39+s3+$0x0], $0xffff;
	[tilespmem:s17+$0x0] =	vst v34  }
0xa2: {  	s24 =	sor.u32 s5, s24;
	s17 =	sor.u32 $0x10, s15;
	s26 =	sadd.s32 $0x3E80, s26;
	v34 =	vld.idx.msk [tilespmem:v36+s3+$0x0], $0xffff;
	[tilespmem:s29+$0x0] =	vst v32  }
0xa3: {  	s20 =	sor.u32 s13, s20;
	v32 =	vor.u32 $0x4, v2;
	s29 =	sor.u32 s15, s26;
	s26 =	sor.u32 s17, s26;
	v33 =	vld.idx.msk [tilespmem:v33+s3+$0x0], $0xffff;
	[tilespmem:s2+$0x0] =	vst v31  }
0xa4: {  	p0 =	slt.u32 s23, $0x66;
	v36 =	vor.u32 $0x9, v1;
	v31 =	vld [tilespmem:s26+$0x0];
	[tilespmem:s24+$0x0] =	vst v38;
	s26 =	sor.u32 s10, s28  }
0xa5: {  	s2 =	sadd.s32 $0x5000, s19;
	v37 =	vld [tilespmem:s29+$0x0];
	[tilespmem:s9+$0x0] =	vst v35;
	v35 =	vor.u32 $0xE, v0  }
0xa6: {  	s9 =	sor.u32 s5, s2;
	s2 =	sor.u32 s18, s2;
	v38 =	vld.idx.msk [tilespmem:v29+s3+$0x0], $0xffff;
	[tilespmem:s20+$0x0] =	vst v28;
	s20 =	sadd.s32 $0x5280, s16  }
0xa7: {  	s28 =	sadd.s32 $0x5500, s12;
	[tilespmem:s2+$0x0] =	vst v30;
	v28 =	vld.idx.msk [tilespmem:v21+s3+$0x0], $0xffff;
	s2 =	sor.u32 s13, s20;
	s20 =	sor.u32 s14, s20;
	v21 =	vmov v27  }
0xa8: {  	s24 =	sor.u32 s10, s28;
	v32 =	vld.idx.msk [tilespmem:v32+s3+$0x0], $0xffff;
	[tilespmem:s20+$0x0] =	vst v34;
	s20 =	sor.u32 s11, s28  }
0xa9: {  	v31 =	vshll.u32 v31, $0x4;
	v34 =	vld.idx.msk [tilespmem:v36+s3+$0x0], $0xffff;
	[tilespmem:s20+$0x0] =	vst v33  }
0xaa: {  	v36 =	vshll.u32 v37, $0x4;
	v37 =	vor.u32 $0x5, v2;
	v35 =	vld.idx.msk [tilespmem:v35+s3+$0x0], $0xffff  }
0xab: {  	v40 =	vor.u32 $0xA, v1;
	v39 =	vor.u32 $0x1, v36;
	v33 =	vor.u32 $0x2, v36;
	v41 =	vld.idx.msk [tilespmem:v11+s3+$0x0], $0xffff;
	v11 =	vmovc v14;
	v14 =	vmovc v19  }
0xac: {  	v29 =	vor.u32 $0x3, v36;
	v19 =	vor.u32 $0x4, v36;
	[tilespmem:s9+$0x0] =	vst v38;
	s9 =	sadd.s32 $0x5080, s19;
	v38 =	vor.u32 $0xF, v0;
	v42 =	vld.idx.msk [tilespmem:v6+s3+$0x0], $0xffff;
	v0 =	vmovc v1;
	v1 =	vmovc v2  }
0xad: {  	v43 =	vor.u32 $0x5, v36;
	v44 =	vor.u32 $0x6, v36;
	v30 =	vor.u32 $0x7, v36;
	v2 =	vmovc v31;
	v45 =	vld.idx.msk [tilespmem:v26+s3+$0x0], $0xffff;
	s20 =	sor.u32 s5, s9;
	s9 =	sor.u32 s18, s9;
	[tilespmem:s2+$0x0] =	vst v28;
	s2 =	sadd.s32 $0x5300, s16;
	v26 =	vmovc v19  }
0xae: {  	s28 =	sadd.s32 $0x5580, s12;
	v27 =	vor.u32 $0x8, v36;
	v46 =	vor.u32 $0x9, v36;
	v47 =	vor.u32 $0xA, v36;
	v6 =	vmovc v3;
	v3 =	vmovc v5;
	v31 =	vld.idx.msk [tilespmem:v31+s3+$0x0], $0xffff;
	[tilespmem:s9+$0x0] =	vst v32;
	s9 =	sor.u32 s13, s2;
	s2 =	sor.u32 s14, s2  }
0xaf: {  	v5 =	vmovc v9;
	v28 =	vor.u32 $0xB, v36;
	v19 =	vor.u32 $0xC, v36;
	v32 =	vor.u32 $0xD, v36;
	v37 =	vld.idx.msk [tilespmem:v37+s3+$0x0], $0xffff;
	[tilespmem:s2+$0x0] =	vst v34;
	s2 =	sor.u32 s10, s28;
	s28 =	sor.u32 s11, s28  }
0xb0: {  	s29 =	sshll.u32 s23, $0x8;
	v48 =	vor.u32 $0xE, v36;
	v9 =	vor.u32 $0xF, v36;
	v34 =	vor.u32 $0x1, v2;
	v40 =	vld.idx.msk [tilespmem:v40+s3+$0x0], $0xffff;
	[tilespmem:s28+$0x0] =	vst v35  }
0xb1: {  	s28 =	sand.u32 $0x3FFFF800, s29;
	v35 =	vor.u32 $0x6, v1;
	[tilespmem:s26+$0x0] =	vst v41;
	v38 =	vld.idx.msk [tilespmem:v38+s3+$0x0], $0xffff  }
0xb2: {  	s26 =	sadd.s32 $0x4E80, s28;
	v41 =	vor.u32 $0xB, v0;
	v36 =	vld.idx.msk [tilespmem:v36+s3+$0x0], $0xffff;
	[tilespmem:s22+$0x0] =	vst v42  }
0xb3: {  	s29 =	sor.u32 s15, s26;
	s22 =	sor.u32 s17, s26;
	[tilespmem:s20+$0x0] =	vst v45;
	s20 =	sadd.s32 $0x5100, s19;
	v42 =	vld.idx.msk [tilespmem:v18+s3+$0x0], $0xffff;
	v18 =	vmov v23;
	v23 =	vmov v46  }
0xb4: {  	[tilespmem:s22+$0x0] =	vst v31;
	v31 =	vld.idx.msk [tilespmem:v25+s3+$0x0], $0xffff;
	s26 =	sor.u32 s5, s20;
	s20 =	sor.u32 s18, s20;
	s22 =	sadd.s32 $0x5380, s16;
	v25 =	vmov v43  }
0xb5: {  	s12 =	sadd.s32 $0x5600, s12;
	v34 =	vld.idx.msk [tilespmem:v34+s3+$0x0], $0xffff;
	[tilespmem:s20+$0x0] =	vst v37;
	s20 =	sor.u32 s13, s22;
	s22 =	sor.u32 s14, s22  }
0xb6: {  	s11 =	sor.u32 s11, s12;
	v43 =	vld.idx.msk [tilespmem:v35+s3+$0x0], $0xffff;
	[tilespmem:s22+$0x0] =	vst v40;
	s22 =	sor.u32 s10, s12;
	s10 =	smov.u32 s13  }
0xb7: {  	v37 =	vor.u32 $0x2, v2;
	s13 =	smov.u32 s5;
	s5 =	smov.u32 s15;
	v40 =	vld.idx.msk [tilespmem:v41+s3+$0x0], $0xffff;
	[tilespmem:s11+$0x0] =	vst v38;
	s11 =	smov.u32 s14  }
0xb8: {  	s12 =	smov.u32 s16;
	s14 =	smov.u32 s18;
	s18 =	smov.u32 s17;
	[tilespmem:s29+$0x0] =	vst v36;
	v36 =	vor.u32 $0x7, v1;
	v38 =	vld.idx.msk [tilespmem:v8+s3+$0x0], $0xffff;
	v8 =	vmovc v10;
	v10 =	vmov v15;
	v15 =	vmov v32  }
0xb9: {  	s15 =	sadd.s32 $0x4F00, s28;
	s16 =	smov.u32 s19;
	s19 =	smov.u32 s28;
	v32 =	vor.u32 $0xC, v0;
	v41 =	vld.idx.msk [tilespmem:v39+s3+$0x0], $0xffff;
	[tilespmem:s9+$0x0] =	vst v42  }
0xba: {  	s17 =	sor.u32 s5, s15;
	s9 =	sor.u32 s18, s15;
	[tilespmem:s26+$0x0] =	vst v31;
	s26 =	sadd.s32 $0x5180, s16;
	v42 =	vld.idx.msk [tilespmem:v17+s3+$0x0], $0xffff;
	v17 =	vmov v20;
	v20 =	vmov v47  }
0xbb: {  	[tilespmem:s9+$0x0] =	vst v34;
	v35 =	vld.idx.msk [tilespmem:v24+s3+$0x0], $0xffff;
	s15 =	sor.u32 s13, s26;
	s9 =	sor.u32 s14, s26;
	s26 =	sadd.s32 $0x5400, s12;
	v24 =	vmov v44  }
.Ltmp0:
0xbc: {  	v37 =	vld.idx.msk [tilespmem:v37+s3+$0x0], $0xffff;
	[tilespmem:s9+$0x0] =	vst v43;
	s9 =	sor.u32 s10, s26;
	s26 =	sor.u32 s11, s26;
	(pc) =	sbr.rel @p0 .LBB2_2-.Ltmp0, $4  }
0xbd: {  	v34 =	vld.idx.msk [tilespmem:v36+s3+$0x0], $0xffff;
	[tilespmem:s26+$0x0] =	vst v40  }
0xbe: {  	v39 =	vor.u32 $0x3, v2;
	v32 =	vld.idx.msk [tilespmem:v32+s3+$0x0], $0xffff;
	[tilespmem:s24+$0x0] =	vst v38  }
0xbf: {  	v36 =	vor.u32 $0x8, v1;
	[tilespmem:s17+$0x0] =	vst v41;
	v31 =	vld.idx.msk [tilespmem:v4+s3+$0x0], $0xffff;
	v4 =	vmovc v7;
	v7 =	vmov v12;
	v12 =	vmov v48  }
0xc0: {  	s1 =	sadd.s32 $0x20, s1;
	s24 =	sadd.s32 $0x4F80, s19;
	v38 =	vld.idx.msk [tilespmem:v33+s3+$0x0], $0xffff;
	[tilespmem:s20+$0x0] =	vst v42;
	v33 =	vor.u32 $0xD, v0  }
0xc1: {  	_ =	sdelay $0x1  }
0xc2: {  	s1 =	sor.u32 s18, s24  }
0xc3: {  	s29 =	sor.u32 s5, s24;
	[tilespmem:s1+$0x0] =	vst v37  }
0xc4: {  	v37 =	vld.idx.msk [tilespmem:v39+s3+$0x0], $0xffff;
	[tilespmem:s29+$0x0] =	vst v38  }
0xc5: {  	v58 =	vor.u32 $0x4, v2;
	v29 =	vld.idx.msk [tilespmem:v29+s3+$0x0], $0xffff;
	_ =	sdelay $0x1  }
0xc6: {  	s31 =	sadd.s32 $0x5000, s19  }
0xc7: {  	s17 =	sor.u32 s18, s31  }
0xc8: {  	s1 =	sor.u32 s5, s31;
	[tilespmem:s17+$0x0] =	vst v37  }
0xc9: {  	v37 =	vld.idx.msk [tilespmem:v58+s3+$0x0], $0xffff;
	[tilespmem:s1+$0x0] =	vst v29  }
0xca: {  	v29 =	vor.u32 $0x5, v2;
	v26 =	vld.idx.msk [tilespmem:v26+s3+$0x0], $0xffff;
	_ =	sdelay $0x1  }
0xcb: {  	s0 =	sadd.s32 $0x5080, s19  }
0xcc: {  	s4 =	sor.u32 s18, s0  }
0xcd: {  	s1 =	sor.u32 s5, s0;
	[tilespmem:s4+$0x0] =	vst v37  }
0xce: {  	v29 =	vld.idx.msk [tilespmem:v29+s3+$0x0], $0xffff;
	[tilespmem:s1+$0x0] =	vst v26  }
0xcf: {  	v26 =	vor.u32 $0x6, v2;
	v25 =	vld.idx.msk [tilespmem:v25+s3+$0x0], $0xffff;
	_ =	sdelay $0x1  }
0xd0: {  	s20 =	sadd.s32 $0x5100, s19  }
0xd1: {  	s21 =	sor.u32 s18, s20  }
0xd2: {  	s1 =	sor.u32 s5, s20;
	[tilespmem:s21+$0x0] =	vst v29  }
0xd3: {  	v26 =	vld.idx.msk [tilespmem:v26+s3+$0x0], $0xffff;
	[tilespmem:s1+$0x0] =	vst v25  }
0xd4: {  	v25 =	vor.u32 $0x7, v2;
	v24 =	vld.idx.msk [tilespmem:v24+s3+$0x0], $0xffff;
	_ =	sdelay $0x1  }
0xd5: {  	s23 =	sadd.s32 $0x5180, s19  }
0xd6: {  	[tilespmem:s15+$0x0] =	vst v35;
	s24 =	sor.u32 s18, s23  }
0xd7: {  	v22 =	vld.idx.msk [tilespmem:v22+s3+$0x0], $0xffff;
	s1 =	sor.u32 s5, s23;
	[tilespmem:s24+$0x0] =	vst v26  }
0xd8: {  	v25 =	vld.idx.msk [tilespmem:v25+s3+$0x0], $0xffff;
	[tilespmem:s1+$0x0] =	vst v24  }
0xd9: {  	s25 =	sadd.s32 $0x5200, s16;
	v24 =	vor.u32 $0x8, v2;
	v26 =	vld.idx.msk [tilespmem:v30+s3+$0x0], $0xffff  }
0xda: {  	s26 =	sor.u32 s14, s25  }
0xdb: {  	s28 =	sadd.s32 $0x5200, s19;
	[tilespmem:s26+$0x0] =	vst v34;
	s1 =	sor.u32 s13, s25  }
0xdc: {  	s29 =	sor.u32 s18, s28;
	v29 =	vld.idx.msk [tilespmem:v36+s3+$0x0], $0xffff;
	[tilespmem:s1+$0x0] =	vst v22  }
0xdd: {  	s31 =	sor.u32 s5, s28;
	v22 =	vor.u32 $0x9, v1;
	v21 =	vld.idx.msk [tilespmem:v21+s3+$0x0], $0xffff;
	[tilespmem:s29+$0x0] =	vst v25  }
0xde: {  	v24 =	vld.idx.msk [tilespmem:v24+s3+$0x0], $0xffff;
	[tilespmem:s31+$0x0] =	vst v26  }
0xdf: {  	s0 =	sadd.s32 $0x5280, s16;
	v25 =	vor.u32 $0x9, v2;
	v26 =	vld.idx.msk [tilespmem:v27+s3+$0x0], $0xffff  }
0xe0: {  	s4 =	sor.u32 s14, s0  }
0xe1: {  	s17 =	sadd.s32 $0x5280, s19;
	[tilespmem:s4+$0x0] =	vst v29;
	s1 =	sor.u32 s13, s0  }
0xe2: {  	s20 =	sor.u32 s18, s17;
	v22 =	vld.idx.msk [tilespmem:v22+s3+$0x0], $0xffff;
	[tilespmem:s1+$0x0] =	vst v21  }
0xe3: {  	s15 =	sor.u32 s5, s17;
	v21 =	vor.u32 $0xA, v1;
	v18 =	vld.idx.msk [tilespmem:v18+s3+$0x0], $0xffff;
	[tilespmem:s20+$0x0] =	vst v24  }
0xe4: {  	v24 =	vld.idx.msk [tilespmem:v25+s3+$0x0], $0xffff;
	[tilespmem:s15+$0x0] =	vst v26  }
0xe5: {  	s21 =	sadd.s32 $0x5300, s16;
	v25 =	vor.u32 $0xA, v2;
	v23 =	vld.idx.msk [tilespmem:v23+s3+$0x0], $0xffff  }
0xe6: {  	s23 =	sor.u32 s14, s21  }
0xe7: {  	s24 =	sadd.s32 $0x5300, s19;
	s1 =	sor.u32 s13, s21;
	[tilespmem:s23+$0x0] =	vst v22  }
0xe8: {  	s25 =	sor.u32 s18, s24;
	v21 =	vld.idx.msk [tilespmem:v21+s3+$0x0], $0xffff;
	[tilespmem:s1+$0x0] =	vst v18  }
0xe9: {  	s15 =	sor.u32 s5, s24;
	v18 =	vor.u32 $0xB, v1;
	v17 =	vld.idx.msk [tilespmem:v17+s3+$0x0], $0xffff;
	[tilespmem:s25+$0x0] =	vst v24  }
0xea: {  	v22 =	vld.idx.msk [tilespmem:v25+s3+$0x0], $0xffff;
	[tilespmem:s15+$0x0] =	vst v23  }
0xeb: {  	s29 =	sadd.s32 $0x5380, s16;
	v23 =	vor.u32 $0xB, v2;
	v20 =	vld.idx.msk [tilespmem:v20+s3+$0x0], $0xffff  }
0xec: {  	[tilespmem:s2+$0x0] =	vst v31;
	s31 =	sor.u32 s14, s29  }
0xed: {  	v13 =	vld.idx.msk [tilespmem:v13+s3+$0x0], $0xffff;
	s0 =	sadd.s32 $0x5380, s19;
	s17 =	sor.u32 s13, s29;
	[tilespmem:s31+$0x0] =	vst v21  }
0xee: {  	s4 =	sor.u32 s18, s0;
	v18 =	vld.idx.msk [tilespmem:v18+s3+$0x0], $0xffff;
	[tilespmem:s17+$0x0] =	vst v17  }
0xef: {  	s26 =	sadd.s32 $0x5480, s12;
	s15 =	sor.u32 s5, s0;
	v17 =	vor.u32 $0xC, v1;
	v16 =	vld.idx.msk [tilespmem:v16+s3+$0x0], $0xffff;
	[tilespmem:s4+$0x0] =	vst v22  }
0xf0: {  	s28 =	sor.u32 s11, s26;
	v21 =	vld.idx.msk [tilespmem:v23+s3+$0x0], $0xffff;
	[tilespmem:s15+$0x0] =	vst v20  }
0xf1: {  	[tilespmem:s28+$0x0] =	vst v32;
	s15 =	sadd.s32 $0x5400, s16;
	v20 =	vor.u32 $0xC, v2;
	v22 =	vld.idx.msk [tilespmem:v28+s3+$0x0], $0xffff  }
0xf2: {  	[tilespmem:s9+$0x0] =	vst v13;
	v23 =	vld.idx.msk [tilespmem:v33+s3+$0x0], $0xffff;
	s17 =	sor.u32 s14, s15  }
0xf3: {  	v13 =	vor.u32 $0xE, v0;
	v11 =	vld.idx.msk [tilespmem:v11+s3+$0x0], $0xffff;
	s20 =	sadd.s32 $0x5400, s19;
	s2 =	sor.u32 s13, s15;
	[tilespmem:s17+$0x0] =	vst v18  }
0xf4: {  	s21 =	sor.u32 s18, s20;
	[tilespmem:s2+$0x0] =	vst v16;
	v17 =	vld.idx.msk [tilespmem:v17+s3+$0x0], $0xffff  }
0xf5: {  	s23 =	sadd.s32 $0x5500, s12;
	s9 =	sor.u32 s5, s20;
	v16 =	vor.u32 $0xD, v1;
	v14 =	vld.idx.msk [tilespmem:v14+s3+$0x0], $0xffff;
	[tilespmem:s21+$0x0] =	vst v21  }
0xf6: {  	s24 =	sor.u32 s11, s23;
	v18 =	vld.idx.msk [tilespmem:v20+s3+$0x0], $0xffff;
	[tilespmem:s9+$0x0] =	vst v22  }
0xf7: {  	s1 =	sor.u32 s10, s26;
	s25 =	sadd.s32 $0x5480, s16;
	[tilespmem:s24+$0x0] =	vst v23;
	v20 =	vor.u32 $0xD, v2;
	v19 =	vld.idx.msk [tilespmem:v19+s3+$0x0], $0xffff  }
0xf8: {  	[tilespmem:s1+$0x0] =	vst v11;
	s26 =	sor.u32 s14, s25;
	v13 =	vld.idx.msk [tilespmem:v13+s3+$0x0], $0xffff  }
0xf9: {  	s29 =	sadd.s32 $0x5480, s19;
	v8 =	vld.idx.msk [tilespmem:v8+s3+$0x0], $0xffff;
	s28 =	sor.u32 s13, s25;
	[tilespmem:s26+$0x0] =	vst v17  }
0xfa: {  	s31 =	sor.u32 s18, s29;
	[tilespmem:s28+$0x0] =	vst v14;
	v11 =	vld.idx.msk [tilespmem:v16+s3+$0x0], $0xffff  }
0xfb: {  	s0 =	sadd.s32 $0x5580, s12;
	s2 =	sor.u32 s5, s29;
	v14 =	vor.u32 $0xE, v1;
	v10 =	vld.idx.msk [tilespmem:v10+s3+$0x0], $0xffff;
	[tilespmem:s31+$0x0] =	vst v18  }
0xfc: {  	s4 =	sor.u32 s11, s0;
	v16 =	vld.idx.msk [tilespmem:v20+s3+$0x0], $0xffff;
	[tilespmem:s2+$0x0] =	vst v19  }
0xfd: {  	s20 =	sadd.s32 $0x5500, s16;
	s17 =	sor.u32 s10, s23;
	[tilespmem:s4+$0x0] =	vst v13;
	v13 =	vor.u32 $0xE, v2;
	v15 =	vld.idx.msk [tilespmem:v15+s3+$0x0], $0xffff  }
0xfe: {  	v6 =	vld.idx.msk [tilespmem:v6+s3+$0x0], $0xffff;
	[tilespmem:s17+$0x0] =	vst v8;
	s21 =	sor.u32 s14, s20  }
0xff: {  	v0 =	vor.u32 $0xF, v0;
	s23 =	sadd.s32 $0x5500, s19;
	v4 =	vld.idx.msk [tilespmem:v4+s3+$0x0], $0xffff;
	s2 =	sor.u32 s13, s20;
	[tilespmem:s21+$0x0] =	vst v11  }
0x100: {  	s24 =	sor.u32 s18, s23;
	[tilespmem:s2+$0x0] =	vst v10;
	v8 =	vld.idx.msk [tilespmem:v14+s3+$0x0], $0xffff  }
0x101: {  	s1 =	sor.u32 s5, s23;
	v1 =	vor.u32 $0xF, v1;
	v7 =	vld.idx.msk [tilespmem:v7+s3+$0x0], $0xffff;
	[tilespmem:s24+$0x0] =	vst v16  }
0x102: {  	v10 =	vld.idx.msk [tilespmem:v13+s3+$0x0], $0xffff;
	[tilespmem:s1+$0x0] =	vst v15  }
0x103: {  	[tilespmem:s22+$0x0] =	vst v6;
	s25 =	sor.u32 s10, s0;
	s26 =	sadd.s32 $0x5580, s16;
	v2 =	vor.u32 $0xF, v2;
	v6 =	vld.idx.msk [tilespmem:v12+s3+$0x0], $0xffff  }
0x104: {  	[tilespmem:s25+$0x0] =	vst v4;
	s28 =	sor.u32 s14, s26;
	v0 =	vld.idx.msk [tilespmem:v0+s3+$0x0], $0xffff  }
0x105: {  	s29 =	sadd.s32 $0x5580, s19;
	v3 =	vld.idx.msk [tilespmem:v3+s3+$0x0], $0xffff;
	s2 =	sor.u32 s13, s26;
	[tilespmem:s28+$0x0] =	vst v8  }
0x106: {  	s31 =	sor.u32 s18, s29;
	[tilespmem:s2+$0x0] =	vst v7;
	v1 =	vld.idx.msk [tilespmem:v1+s3+$0x0], $0xffff  }
0x107: {  	s0 =	sadd.s32 $0x5600, s12;
	s1 =	sor.u32 s5, s29;
	v4 =	vld.idx.msk [tilespmem:v5+s3+$0x0], $0xffff;
	[tilespmem:s31+$0x0] =	vst v10  }
0x108: {  	s4 =	sor.u32 s11, s0;
	v2 =	vld.idx.msk [tilespmem:v2+s3+$0x0], $0xffff;
	[tilespmem:s1+$0x0] =	vst v6  }
0x109: {  	s10 =	sor.u32 s10, s0;
	s11 =	sadd.s32 $0x5600, s16;
	[tilespmem:s4+$0x0] =	vst v0;
	v0 =	vld.idx.msk [tilespmem:v9+s3+$0x0], $0xffff  }
0x10a: {  	s12 =	sor.u32 s14, s11;
	[tilespmem:s10+$0x0] =	vst v3  }
0x10b: {  	s14 =	sadd.s32 $0x5600, s19;
	s2 =	sor.u32 s13, s11;
	[tilespmem:s12+$0x0] =	vst v1  }
0x10c: {  	s15 =	sor.u32 s18, s14;
	[tilespmem:s2+$0x0] =	vst v4  }
0x10d: {  	s22 =	simm.s32 $0x0;
	s17 =	simm.s32 $0xE000;
	s1 =	sor.u32 s5, s14;
	[tilespmem:s15+$0x0] =	vst v2  }
0x10e: {  	s23 =	simm.s32 $0x0;
	s16 =	simm.s32 $0x80;
	s19 =	simm.s32 $0x400;
	[tilespmem:s1+$0x0] =	vst v0  }
0x10f: {  	s20 =	simm.s32 $0x2000;
	s4 =	simm.s32 $0x3E80;
	s0 =	rddreg [dreg:$0x8]  }
0x110: {  	[tilespmem:s4], [sflag:$0x2] =	stream.strided.gather [hbm4b:s0+s16], $0x680, s17, s16, $0x38;
	[tilespmem:$0x11E80] =	vst v63  }
0x111: {  	s21 =	simm.s32 $0x4E80;
	s24 =	simm.s32 $0x3;
	s18 =	rddreg [dreg:$0x9]  }
0x112: {  	[hbm4b:s18+s19] =	stream.strided.scatter [tilespmem:s21], [sflag:$0x4], $0x6800, s20, s19, $0x38;
	[tilespmem:$0x11E80] =	vst v63  }
0x113: {  	s22 =	sand.u32 $0x60, s22;
	s25 =	sand.u32 $0x3FFFFF80, s23;
	_ =	swait.ge [sflag:s24], $0x680  }
0x114: {  	s23 =	sor.u32 $0x10, s22;
	s1 =	sadd.s32 $0x4680, s25;
	[sflag:s24] =	ssyncset.done $0x0  }
0x115: {  	s26 =	sor.u32 s23, s1;
	[sflag:s24] =	ssyncadd.s32 $0xFFFFF980  }
0x116: {  	v0 =	vld [tilespmem:s26+$0x0];
	_ =	sdelay $0x4  }
0x117: {  	v4 =	vshll.u32 v0, $0x4;
	_ =	sdelay $0x1  }
0x118: {  	s1 =	sor.u32 s22, s1  }
0x119: {  	v0 =	vld [tilespmem:s1+$0x0];
	_ =	sdelay $0x1  }
0x11a: {  	v1 =	vld.idx.msk [tilespmem:v4+s3+$0x0], $0xffff  }
0x11b: {  	s28 =	simm.s32 $0x0;
	v2 =	vor.u32 $0x1, v4  }
0x11c: {  	s24 =	sand.u32 $0x3FFFF800, s28  }
0x11d: {  	s1 =	sadd.s32 $0xB680, s24;
	v3 =	vshll.u32 v0, $0x4  }
0x11e: {  	s29 =	sor.u32 s23, s1  }
0x11f: {  	[tilespmem:s29+$0x0] =	vst v1  }
0x120: {  	v0 =	vld.idx.msk [tilespmem:v2+s3+$0x0], $0xffff  }
0x121: {  	v1 =	vor.u32 $0x2, v4  }
0x122: {  	v2 =	vld.idx.msk [tilespmem:v3+s3+$0x0], $0xffff  }
0x123: {  	s31 =	sadd.s32 $0xB700, s24;
	v5 =	vor.u32 $0x1, v3  }
0x124: {  	s0 =	sor.u32 s23, s31  }
0x125: {  	[tilespmem:s0+$0x0] =	vst v0  }
0x126: {  	s1 =	sor.u32 s22, s1;
	v0 =	vld.idx.msk [tilespmem:v1+s3+$0x0], $0xffff  }
0x127: {  	[tilespmem:s1+$0x0] =	vst v2;
	v1 =	vor.u32 $0x3, v4  }
0x128: {  	v2 =	vld.idx.msk [tilespmem:v5+s3+$0x0], $0xffff  }
0x129: {  	s11 =	simm.s32 $0x20;
	s12 =	simm.s32 $0x20;
	s4 =	sadd.s32 $0xB780, s24;
	v5 =	vor.u32 $0x2, v3  }
0x12a: {  	s10 =	sand.u32 $0x60, s11;
	s14 =	sand.u32 $0x3FFFFF80, s12;
	s13 =	sor.u32 s23, s4  }
0x12b: {  	s11 =	sor.u32 $0x10, s10;
	s5 =	sadd.s32 $0x4680, s14;
	[tilespmem:s13+$0x0] =	vst v0  }
0x12c: {  	s15 =	sor.u32 s11, s5;
	s2 =	sor.u32 s22, s31;
	v0 =	vld.idx.msk [tilespmem:v1+s3+$0x0], $0xffff  }
0x12d: {  	[tilespmem:s2+$0x0] =	vst v2;
	v2 =	vld [tilespmem:s15+$0x0];
	v1 =	vor.u32 $0x4, v4  }
0x12e: {  	v5 =	vld.idx.msk [tilespmem:v5+s3+$0x0], $0xffff  }
0x12f: {  	s16 =	sadd.s32 $0xB800, s24;
	v6 =	vor.u32 $0x3, v3  }
0x130: {  	s5 =	sor.u32 s10, s5;
	s17 =	sor.u32 s23, s16  }
0x131: {  	v7 =	vld [tilespmem:s5+$0x0];
	[tilespmem:s17+$0x0] =	vst v0  }
0x132: {  	s1 =	sor.u32 s22, s4;
	v0 =	vshll.u32 v2, $0x4;
	v1 =	vld.idx.msk [tilespmem:v1+s3+$0x0], $0xffff  }
0x133: {  	[tilespmem:s1+$0x0] =	vst v5;
	v2 =	vor.u32 $0x5, v4  }
0x134: {  	v6 =	vld.idx.msk [tilespmem:v6+s3+$0x0], $0xffff  }
0x135: {  	s18 =	sadd.s32 $0xB880, s24;
	v8 =	vor.u32 $0x4, v3  }
0x136: {  	s19 =	sor.u32 s23, s18  }
0x137: {  	v5 =	vshll.u32 v7, $0x4;
	v7 =	vld.idx.msk [tilespmem:v0+s3+$0x0], $0xffff;
	[tilespmem:s19+$0x0] =	vst v1  }
0x138: {  	s20 =	simm.s32 $0x200;
	s2 =	sor.u32 s22, s16;
	v1 =	vld.idx.msk [tilespmem:v2+s3+$0x0], $0xffff;
	v2 =	vor.u32 $0x1, v0  }
0x139: {  	s12 =	sand.u32 $0x3FFFF800, s20;
	[tilespmem:s2+$0x0] =	vst v6;
	v6 =	vor.u32 $0x6, v4  }
0x13a: {  	s21 =	sadd.s32 $0xB680, s12;
	v8 =	vld.idx.msk [tilespmem:v8+s3+$0x0], $0xffff  }
0x13b: {  	s25 =	sor.u32 s11, s21;
	s26 =	sadd.s32 $0xB900, s24;
	v9 =	vor.u32 $0x5, v3  }
0x13c: {  	s28 =	sor.u32 s23, s26;
	v10 =	vld.idx.msk [tilespmem:v5+s3+$0x0], $0xffff;
	[tilespmem:s25+$0x0] =	vst v7  }
0x13d: {  	v7 =	vor.u32 $0x1, v5;
	v2 =	vld.idx.msk [tilespmem:v2+s3+$0x0], $0xffff;
	[tilespmem:s28+$0x0] =	vst v1  }
0x13e: {  	s1 =	sor.u32 s22, s18;
	v1 =	vld.idx.msk [tilespmem:v6+s3+$0x0], $0xffff;
	v6 =	vor.u32 $0x2, v0  }
0x13f: {  	[tilespmem:s1+$0x0] =	vst v8;
	v8 =	vor.u32 $0x7, v4  }
0x140: {  	s31 =	sadd.s32 $0xB700, s12;
	s29 =	sor.u32 s10, s21;
	v9 =	vld.idx.msk [tilespmem:v9+s3+$0x0], $0xffff  }
0x141: {  	v11 =	vor.u32 $0x6, v3;
	s0 =	sor.u32 s11, s31;
	s4 =	sadd.s32 $0xB980, s24;
	[tilespmem:s29+$0x0] =	vst v10  }
0x142: {  	s15 =	sor.u32 s23, s4;
	v7 =	vld.idx.msk [tilespmem:v7+s3+$0x0], $0xffff;
	[tilespmem:s0+$0x0] =	vst v2  }
0x143: {  	v2 =	vor.u32 $0x2, v5;
	v6 =	vld.idx.msk [tilespmem:v6+s3+$0x0], $0xffff;
	[tilespmem:s15+$0x0] =	vst v1  }
0x144: {  	s16 =	sor.u32 s22, s26;
	v1 =	vld.idx.msk [tilespmem:v8+s3+$0x0], $0xffff;
	v8 =	vor.u32 $0x3, v0  }
0x145: {  	[tilespmem:s16+$0x0] =	vst v9;
	v9 =	vor.u32 $0x8, v4  }
0x146: {  	s21 =	sadd.s32 $0xBA00, s24;
	s17 =	sor.u32 s10, s31;
	s18 =	sadd.s32 $0xB780, s12;
	v10 =	vld.idx.msk [tilespmem:v11+s3+$0x0], $0xffff  }
0x147: {  	s20 =	sor.u32 s11, s18;
	s19 =	simm.s32 $0x40;
	s25 =	simm.s32 $0x40;
	v11 =	vor.u32 $0x7, v3;
	[tilespmem:s17+$0x0] =	vst v7  }
0x148: {  	s26 =	sor.u32 s23, s21;
	s13 =	sand.u32 $0x60, s19;
	s28 =	sand.u32 $0x3FFFFF80, s25;
	v2 =	vld.idx.msk [tilespmem:v2+s3+$0x0], $0xffff;
	[tilespmem:s20+$0x0] =	vst v6  }
0x149: {  	s14 =	sor.u32 $0x10, s13;
	s29 =	sadd.s32 $0x4680, s28;
	v6 =	vor.u32 $0x3, v5;
	v7 =	vld.idx.msk [tilespmem:v8+s3+$0x0], $0xffff;
	[tilespmem:s26+$0x0] =	vst v1  }
0x14a: {  	s5 =	sor.u32 s22, s4;
	s9 =	sor.u32 s14, s29;
	v1 =	vld.idx.msk [tilespmem:v9+s3+$0x0], $0xffff  }
0x14b: {  	[tilespmem:s5+$0x0] =	vst v10;
	v8 =	vor.u32 $0x4, v0;
	v9 =	vld [tilespmem:s9+$0x0]  }
0x14c: {  	s2 =	sor.u32 s10, s18;
	s1 =	sor.u32 s13, s29;
	v10 =	vld.idx.msk [tilespmem:v11+s3+$0x0], $0xffff;
	v11 =	vor.u32 $0x9, v4  }
0x14d: {  	s31 =	sadd.s32 $0xB800, s12;
	[tilespmem:s2+$0x0] =	vst v2;
	v2 =	vld [tilespmem:s1+$0x0]  }
0x14e: {  	v12 =	vor.u32 $0x8, v3;
	s4 =	sadd.s32 $0xBA80, s24;
	s0 =	sor.u32 s11, s31;
	v6 =	vld.idx.msk [tilespmem:v6+s3+$0x0], $0xffff  }
0x14f: {  	v13 =	vor.u32 $0x4, v5;
	s9 =	sor.u32 s23, s4;
	[tilespmem:s0+$0x0] =	vst v7  }
0x150: {  	v7 =	vld.idx.msk [tilespmem:v8+s3+$0x0], $0xffff;
	[tilespmem:s9+$0x0] =	vst v1;
	v1 =	vshll.u32 v9, $0x4  }
0x151: {  	s16 =	sor.u32 s22, s21;
	v8 =	vld.idx.msk [tilespmem:v11+s3+$0x0], $0xffff;
	v11 =	vor.u32 $0x5, v0  }
0x152: {  	s1 =	sor.u32 s10, s31;
	[tilespmem:s16+$0x0] =	vst v10;
	v10 =	vor.u32 $0xA, v4  }
0x153: {  	s17 =	sadd.s32 $0xB880, s12;
	v12 =	vld.idx.msk [tilespmem:v12+s3+$0x0], $0xffff;
	v9 =	vshll.u32 v2, $0x4;
	[tilespmem:s1+$0x0] =	vst v6  }
0x154: {  	s19 =	sadd.s32 $0xBB00, s24;
	s18 =	sor.u32 s11, s17;
	v2 =	vor.u32 $0x9, v3;
	v6 =	vld.idx.msk [tilespmem:v13+s3+$0x0], $0xffff  }
0x155: {  	s20 =	sor.u32 s23, s19;
	v13 =	vor.u32 $0x5, v5;
	v14 =	vld.idx.msk [tilespmem:v1+s3+$0x0], $0xffff;
	[tilespmem:s18+$0x0] =	vst v7  }
0x156: {  	s21 =	simm.s32 $0x400;
	v7 =	vld.idx.msk [tilespmem:v11+s3+$0x0], $0xffff;
	[tilespmem:s20+$0x0] =	vst v8;
	v8 =	vor.u32 $0x1, v1  }
0x157: {  	s5 =	sor.u32 s22, s4;
	s16 =	sand.u32 $0x3FFFF800, s21;
	v11 =	vor.u32 $0x6, v0;
	v10 =	vld.idx.msk [tilespmem:v10+s3+$0x0], $0xffff  }
0x158: {  	v15 =	vor.u32 $0xB, v4;
	s2 =	sadd.s32 $0xB680, s16;
	s1 =	sor.u32 s10, s17;
	[tilespmem:s5+$0x0] =	vst v12;
	v12 =	vld.idx.msk [tilespmem:v9+s3+$0x0], $0xffff  }
0x159: {  	s26 =	sadd.s32 $0xB900, s12;
	s25 =	sor.u32 s14, s2;
	v16 =	vor.u32 $0x1, v9;
	v2 =	vld.idx.msk [tilespmem:v2+s3+$0x0], $0xffff;
	[tilespmem:s1+$0x0] =	vst v6  }
0x15a: {  	s29 =	sadd.s32 $0xBB80, s24;
	s28 =	sor.u32 s11, s26;
	v6 =	vor.u32 $0xA, v3;
	[tilespmem:s25+$0x0] =	vst v14;
	v13 =	vld.idx.msk [tilespmem:v13+s3+$0x0], $0xffff  }
0x15b: {  	s31 =	sor.u32 s23, s29;
	v14 =	vor.u32 $0x6, v5;
	v8 =	vld.idx.msk [tilespmem:v8+s3+$0x0], $0xffff;
	[tilespmem:s28+$0x0] =	vst v7  }
0x15c: {  	s2 =	sor.u32 s13, s2;
	v7 =	vld.idx.msk [tilespmem:v11+s3+$0x0], $0xffff;
	[tilespmem:s31+$0x0] =	vst v10;
	v10 =	vor.u32 $0x2, v1  }
0x15d: {  	s0 =	sor.u32 s22, s19;
	[tilespmem:s2+$0x0] =	vst v12;
	v12 =	vor.u32 $0x7, v0;
	v11 =	vld.idx.msk [tilespmem:v15+s3+$0x0], $0xffff  }
0x15e: {  	s4 =	sadd.s32 $0xB700, s16;
	s1 =	sor.u32 s10, s26;
	[tilespmem:s0+$0x0] =	vst v2;
	v2 =	vor.u32 $0xC, v4;
	v15 =	vld.idx.msk [tilespmem:v16+s3+$0x0], $0xffff  }
0x15f: {  	s17 =	sor.u32 s14, s4;
	s18 =	sadd.s32 $0xB980, s12;
	v16 =	vor.u32 $0x2, v9;
	v6 =	vld.idx.msk [tilespmem:v6+s3+$0x0], $0xffff;
	[tilespmem:s1+$0x0] =	vst v13  }
0x160: {  	s19 =	sor.u32 s11, s18;
	s2 =	sadd.s32 $0xBC00, s24;
	v13 =	vor.u32 $0xB, v3;
	[tilespmem:s17+$0x0] =	vst v8;
	v8 =	vld.idx.msk [tilespmem:v14+s3+$0x0], $0xffff  }
0x161: {  	s20 =	sor.u32 s23, s2;
	v14 =	vor.u32 $0x7, v5;
	v10 =	vld.idx.msk [tilespmem:v10+s3+$0x0], $0xffff;
	[tilespmem:s19+$0x0] =	vst v7  }
0x162: {  	s21 =	sor.u32 s22, s29;
	s9 =	sor.u32 s13, s4;
	v7 =	vld.idx.msk [tilespmem:v12+s3+$0x0], $0xffff;
	[tilespmem:s20+$0x0] =	vst v11  }
0x163: {  	s26 =	simm.s32 $0x60;
	s25 =	sadd.s32 $0xB780, s16;
	s31 =	simm.s32 $0x60;
	v11 =	vor.u32 $0x3, v1;
	[tilespmem:s9+$0x0] =	vst v15;
	v2 =	vld.idx.msk [tilespmem:v2+s3+$0x0], $0xffff  }
0x164: {  	s5 =	sand.u32 $0x60, s26;
	s1 =	sor.u32 s10, s18;
	s17 =	sand.u32 $0x3FFFFF80, s31;
	v12 =	vor.u32 $0x8, v0;
	v15 =	vld.idx.msk [tilespmem:v16+s3+$0x0], $0xffff;
	[tilespmem:s21+$0x0] =	vst v6  }
0x165: {  	s28 =	sor.u32 s14, s25;
	s18 =	sor.u32 $0x10, s5;
	s17 =	sadd.s32 $0x4680, s17;
	v6 =	vor.u32 $0xD, v4;
	[tilespmem:s1+$0x0] =	vst v8;
	v8 =	vld.idx.msk [tilespmem:v13+s3+$0x0], $0xffff  }
0x166: {  	s29 =	sadd.s32 $0xBA00, s12;
	s20 =	sor.u32 s18, s17;
	[tilespmem:s28+$0x0] =	vst v10;
	v10 =	vld.idx.msk [tilespmem:v14+s3+$0x0], $0xffff  }
0x167: {  	s0 =	sor.u32 s11, s29;
	s9 =	sadd.s32 $0xBC80, s24;
	v13 =	vor.u32 $0x3, v9;
	v14 =	vld [tilespmem:s20+$0x0]  }
0x168: {  	s4 =	sor.u32 s23, s9;
	v11 =	vld.idx.msk [tilespmem:v11+s3+$0x0], $0xffff;
	[tilespmem:s0+$0x0] =	vst v7;
	v7 =	vor.u32 $0x8, v5  }
0x169: {  	s15 =	sor.u32 s13, s25;
	v12 =	vld.idx.msk [tilespmem:v12+s3+$0x0], $0xffff;
	[tilespmem:s4+$0x0] =	vst v2;
	v2 =	vor.u32 $0x4, v1  }
0x16a: {  	s2 =	sor.u32 s22, s2;
	s17 =	sor.u32 s5, s17;
	v16 =	vor.u32 $0x9, v0;
	[tilespmem:s15+$0x0] =	vst v15;
	v6 =	vld.idx.msk [tilespmem:v6+s3+$0x0], $0xffff  }
0x16b: {  	v18 =	vor.u32 $0xC, v3;
	s1 =	sor.u32 s10, s29;
	s20 =	sadd.s32 $0xB800, s16;
	v15 =	vld [tilespmem:s17+$0x0];
	[tilespmem:s2+$0x0] =	vst v8  }
0x16c: {  	v17 =	vor.u32 $0xE, v4;
	s19 =	sadd.s32 $0xBA80, s12;
	s21 =	sor.u32 s14, s20;
	v13 =	vld.idx.msk [tilespmem:v13+s3+$0x0], $0xffff;
	[tilespmem:s1+$0x0] =	vst v10  }
0x16d: {  	s25 =	sor.u32 s11, s19;
	v10 =	vor.u32 $0x4, v9;
	s1 =	sadd.s32 $0xBD00, s24;
	[tilespmem:s21+$0x0] =	vst v11;
	v7 =	vld.idx.msk [tilespmem:v7+s3+$0x0], $0xffff  }
0x16e: {  	s26 =	sor.u32 s23, s1;
	v11 =	vld.idx.msk [tilespmem:v2+s3+$0x0], $0xffff;
	[tilespmem:s25+$0x0] =	vst v12;
	v2 =	vshll.u32 v14, $0x4  }
0x16f: {  	v12 =	vld.idx.msk [tilespmem:v16+s3+$0x0], $0xffff;
	[tilespmem:s26+$0x0] =	vst v6;
	v6 =	vor.u32 $0x5, v1  }
0x170: {  	s28 =	sor.u32 s13, s20;
	v31 =	vshll.u32 v15, $0x4;
	v16 =	vld.idx.msk [tilespmem:v18+s3+$0x0], $0xffff  }
0x171: {  	s29 =	sadd.s32 $0xB880, s16;
	v14 =	vor.u32 $0xA, v0;
	v8 =	vld.idx.msk [tilespmem:v17+s3+$0x0], $0xffff;
	[tilespmem:s28+$0x0] =	vst v13  }
0x172: {  	v20 =	vor.u32 $0xD, v3;
	s31 =	sor.u32 s14, s29;
	s0 =	sadd.s32 $0xBB00, s12;
	v10 =	vld.idx.msk [tilespmem:v10+s3+$0x0], $0xffff  }
0x173: {  	v4 =	vor.u32 $0xF, v4;
	s4 =	sor.u32 s11, s0;
	v15 =	vld.idx.msk [tilespmem:v2+s3+$0x0], $0xffff;
	[tilespmem:s31+$0x0] =	vst v11  }
0x174: {  	s9 =	sor.u32 s22, s9;
	v13 =	vor.u32 $0x9, v5;
	v17 =	vld.idx.msk [tilespmem:v6+s3+$0x0], $0xffff;
	[tilespmem:s4+$0x0] =	vst v12  }
0x175: {  	s19 =	sor.u32 s10, s19;
	s2 =	sadd.s32 $0xBD80, s24;
	s26 =	simm.s32 $0x600;
	v11 =	vor.u32 $0x5, v9;
	[tilespmem:s9+$0x0] =	vst v16;
	v16 =	vld.idx.msk [tilespmem:v31+s3+$0x0], $0xffff  }
0x176: {  	s21 =	sor.u32 s23, s2;
	[tilespmem:s19+$0x0] =	vst v7;
	s19 =	sand.u32 $0x3FFFF800, s26;
	v12 =	vor.u32 $0x1, v2;
	v14 =	vld.idx.msk [tilespmem:v14+s3+$0x0], $0xffff  }
0x177: {  	v59 =	vor.u32 $0xE, v3;
	v19 =	vor.u32 $0xB, v0;
	s15 =	sor.u32 s13, s29;
	v7 =	vor.u32 $0x6, v1;
	s25 =	sadd.s32 $0xB680, s19;
	[tilespmem:s21+$0x0] =	vst v8;
	v61 =	vld.idx.msk [tilespmem:v20+s3+$0x0], $0xffff  }
0x178: {  	v24 =	vor.u32 $0xA, v5;
	v63 =	vor.u32 $0xC, v0;
	v23 =	vor.u32 $0x1, v31;
	s28 =	sadd.s32 $0xB900, s16;
	s26 =	sor.u32 s18, s25;
	v18 =	vld.idx.msk [tilespmem:v4+s3+$0x0], $0xffff;
	[tilespmem:s15+$0x0] =	vst v10  }
0x179: {  	v60 =	vor.u32 $0x7, v1;
	v25 =	vor.u32 $0x6, v9;
	v22 =	vor.u32 $0x7, v9;
	s29 =	sor.u32 s14, s28;
	v10 =	vld.idx.msk [tilespmem:v13+s3+$0x0], $0xffff;
	[tilespmem:s26+$0x0] =	vst v15  }
0x17a: {  	v21 =	vor.u32 $0x8, v9;
	v28 =	vor.u32 $0x2, v2;
	v41 =	vor.u32 $0x2, v31;
	s9 =	sadd.s32 $0xBB80, s12;
	s20 =	sor.u32 s5, s25;
	v15 =	vld.idx.msk [tilespmem:v11+s3+$0x0], $0xffff;
	[tilespmem:s29+$0x0] =	vst v17  }
0x17b: {  	s24 =	sadd.s32 $0xBE00, s24;
	v29 =	vor.u32 $0x3, v31;
	v26 =	vor.u32 $0x4, v31;
	v30 =	vor.u32 $0x7, v31;
	s31 =	sor.u32 s11, s9;
	v12 =	vld.idx.msk [tilespmem:v12+s3+$0x0], $0xffff;
	[tilespmem:s20+$0x0] =	vst v16  }
0x17c: {  	s23 =	sor.u32 s23, s24;
	v39 =	vor.u32 $0x3, v2;
	v6 =	vor.u32 $0xF, v3;
	v3 =	vor.u32 $0xF, v5;
	[tilespmem:s31+$0x0] =	vst v14;
	v27 =	vld.idx.msk [tilespmem:v7+s3+$0x0], $0xffff  }
0x17d: {  	s17 =	sor.u32 s10, s0;
	v8 =	vor.u32 $0xD, v5;
	v20 =	vor.u32 $0xA, v31;
	v13 =	vor.u32 $0xB, v5;
	v62 =	vld.idx.msk [tilespmem:v23+s3+$0x0], $0xffff;
	[tilespmem:s23+$0x0] =	vst v18  }
0x17e: {  	s0 =	sadd.s32 $0xB700, s19;
	v4 =	vor.u32 $0xE, v5;
	s15 =	sor.u32 s13, s28;
	v11 =	vor.u32 $0xC, v5;
	v5 =	vor.u32 $0xF, v9;
	v19 =	vld.idx.msk [tilespmem:v19+s3+$0x0], $0xffff;
	[tilespmem:s17+$0x0] =	vst v10  }
0x17f: {  	s4 =	sor.u32 s18, s0;
	s21 =	sadd.s32 $0xB980, s16;
	v17 =	vor.u32 $0xA, v9;
	v16 =	vor.u32 $0xB, v9;
	v14 =	vor.u32 $0xC, v9;
	v40 =	vld.idx.msk [tilespmem:v24+s3+$0x0], $0xffff;
	[tilespmem:s15+$0x0] =	vst v15  }
0x180: {  	v7 =	vor.u32 $0xE, v9;
	v23 =	vor.u32 $0x9, v31;
	v18 =	vor.u32 $0x9, v9;
	s23 =	sor.u32 s14, s21;
	[tilespmem:s4+$0x0] =	vst v12;
	v35 =	vld.idx.msk [tilespmem:v25+s3+$0x0], $0xffff  }
0x181: {  	s1 =	sor.u32 s22, s1;
	s25 =	sadd.s32 $0xBC00, s12;
	v10 =	vor.u32 $0xD, v9;
	v9 =	vor.u32 $0xF, v31;
	v24 =	vor.u32 $0x6, v31;
	v37 =	vld.idx.msk [tilespmem:v28+s3+$0x0], $0xffff;
	[tilespmem:s23+$0x0] =	vst v27  }
0x182: {  	s28 =	sor.u32 s11, s25;
	[tilespmem:s1+$0x0] =	vst v61;
	v15 =	vor.u32 $0xD, v31;
	v25 =	vor.u32 $0x5, v31;
	v12 =	vor.u32 $0xE, v31;
	v34 =	vld.idx.msk [tilespmem:v60+s3+$0x0], $0xffff  }
0x183: {  	s2 =	sor.u32 s22, s2;
	s22 =	sor.u32 s22, s24;
	s29 =	sor.u32 s5, s0;
	v27 =	vor.u32 $0x8, v31;
	v28 =	vor.u32 $0xB, v31;
	[tilespmem:s28+$0x0] =	vst v19;
	v19 =	vor.u32 $0xC, v31;
	v31 =	vld.idx.msk [tilespmem:v59+s3+$0x0], $0xffff  }
0x184: {  	v36 =	vor.u32 $0x8, v1;
	s24 =	sadd.s32 $0xB780, s19;
	s31 =	sor.u32 s10, s9;
	s9 =	sor.u32 s10, s25;
	[tilespmem:s29+$0x0] =	vst v62;
	v32 =	vld.idx.msk [tilespmem:v63+s3+$0x0], $0xffff  }
0x185: {  	v33 =	vor.u32 $0xD, v0;
	s1 =	simm.s32 $0x80;
	s15 =	sor.u32 s13, s21;
	s23 =	simm.s32 $0x6;
	v38 =	vld.idx.msk [tilespmem:v41+s3+$0x0], $0xffff;
	[tilespmem:s31+$0x0] =	vst v40  }
.LBB2_4:
0x186: {  	s23 =	sadd.s32 $0x2, s23;
	s17 =	sor.u32 s18, s24;
	[tilespmem:s15+$0x0] =	vst v35;
	s20 =	sadd.s32 $0xBA00, s16;
	v35 =	vld.idx.msk [tilespmem:v13+s3+$0x0], $0xffff;
	v13 =	vmov v16;
	v16 =	vmov v28  }
0x187: {  	s28 =	sadd.s32 $0xBC80, s12;
	s26 =	sshll.u32 s23, $0x4;
	[tilespmem:s17+$0x0] =	vst v37;
	v28 =	vld.idx.msk [tilespmem:v22+s3+$0x0], $0xffff;
	s17 =	sor.u32 s14, s20;
	v22 =	vmov v30  }
0x188: {  	s15 =	sand.u32 $0x60, s1;
	s29 =	sor.u32 s11, s28;
	s26 =	sand.u32 $0x3FFFFF80, s26;
	v30 =	vld.idx.msk [tilespmem:v39+s3+$0x0], $0xffff;
	[tilespmem:s17+$0x0] =	vst v34  }
0x189: {  	s24 =	sor.u32 s5, s24;
	s17 =	sor.u32 $0x10, s15;
	s26 =	sadd.s32 $0x4680, s26;
	v34 =	vld.idx.msk [tilespmem:v36+s3+$0x0], $0xffff;
	[tilespmem:s29+$0x0] =	vst v32  }
0x18a: {  	s20 =	sor.u32 s13, s20;
	v32 =	vor.u32 $0x4, v2;
	s29 =	sor.u32 s15, s26;
	s26 =	sor.u32 s17, s26;
	v33 =	vld.idx.msk [tilespmem:v33+s3+$0x0], $0xffff;
	[tilespmem:s2+$0x0] =	vst v31  }
0x18b: {  	p0 =	slt.u32 s23, $0x66;
	v36 =	vor.u32 $0x9, v1;
	v31 =	vld [tilespmem:s26+$0x0];
	[tilespmem:s24+$0x0] =	vst v38;
	s26 =	sor.u32 s10, s28  }
0x18c: {  	s2 =	sadd.s32 $0xB800, s19;
	v37 =	vld [tilespmem:s29+$0x0];
	[tilespmem:s9+$0x0] =	vst v35;
	v35 =	vor.u32 $0xE, v0  }
0x18d: {  	s9 =	sor.u32 s5, s2;
	s2 =	sor.u32 s18, s2;
	v38 =	vld.idx.msk [tilespmem:v29+s3+$0x0], $0xffff;
	[tilespmem:s20+$0x0] =	vst v28;
	s20 =	sadd.s32 $0xBA80, s16  }
0x18e: {  	s28 =	sadd.s32 $0xBD00, s12;
	[tilespmem:s2+$0x0] =	vst v30;
	v28 =	vld.idx.msk [tilespmem:v21+s3+$0x0], $0xffff;
	s2 =	sor.u32 s13, s20;
	s20 =	sor.u32 s14, s20;
	v21 =	vmov v27  }
0x18f: {  	s24 =	sor.u32 s10, s28;
	v32 =	vld.idx.msk [tilespmem:v32+s3+$0x0], $0xffff;
	[tilespmem:s20+$0x0] =	vst v34;
	s20 =	sor.u32 s11, s28  }
0x190: {  	v31 =	vshll.u32 v31, $0x4;
	v34 =	vld.idx.msk [tilespmem:v36+s3+$0x0], $0xffff;
	[tilespmem:s20+$0x0] =	vst v33  }
0x191: {  	v36 =	vshll.u32 v37, $0x4;
	v37 =	vor.u32 $0x5, v2;
	v35 =	vld.idx.msk [tilespmem:v35+s3+$0x0], $0xffff  }
0x192: {  	v40 =	vor.u32 $0xA, v1;
	v39 =	vor.u32 $0x1, v36;
	v33 =	vor.u32 $0x2, v36;
	v41 =	vld.idx.msk [tilespmem:v11+s3+$0x0], $0xffff;
	v11 =	vmovc v14;
	v14 =	vmovc v19  }
0x193: {  	v29 =	vor.u32 $0x3, v36;
	v19 =	vor.u32 $0x4, v36;
	[tilespmem:s9+$0x0] =	vst v38;
	s9 =	sadd.s32 $0xB880, s19;
	v38 =	vor.u32 $0xF, v0;
	v42 =	vld.idx.msk [tilespmem:v6+s3+$0x0], $0xffff;
	v0 =	vmovc v1;
	v1 =	vmovc v2  }
0x194: {  	v43 =	vor.u32 $0x5, v36;
	v44 =	vor.u32 $0x6, v36;
	v30 =	vor.u32 $0x7, v36;
	v2 =	vmovc v31;
	v45 =	vld.idx.msk [tilespmem:v26+s3+$0x0], $0xffff;
	s20 =	sor.u32 s5, s9;
	s9 =	sor.u32 s18, s9;
	[tilespmem:s2+$0x0] =	vst v28;
	s2 =	sadd.s32 $0xBB00, s16;
	v26 =	vmovc v19  }
0x195: {  	s28 =	sadd.s32 $0xBD80, s12;
	v27 =	vor.u32 $0x8, v36;
	v46 =	vor.u32 $0x9, v36;
	v47 =	vor.u32 $0xA, v36;
	v6 =	vmovc v3;
	v3 =	vmovc v5;
	v31 =	vld.idx.msk [tilespmem:v31+s3+$0x0], $0xffff;
	[tilespmem:s9+$0x0] =	vst v32;
	s9 =	sor.u32 s13, s2;
	s2 =	sor.u32 s14, s2  }
0x196: {  	v5 =	vmovc v9;
	v28 =	vor.u32 $0xB, v36;
	v19 =	vor.u32 $0xC, v36;
	v32 =	vor.u32 $0xD, v36;
	v37 =	vld.idx.msk [tilespmem:v37+s3+$0x0], $0xffff;
	[tilespmem:s2+$0x0] =	vst v34;
	s2 =	sor.u32 s10, s28;
	s28 =	sor.u32 s11, s28  }
0x197: {  	s29 =	sshll.u32 s23, $0x8;
	v48 =	vor.u32 $0xE, v36;
	v9 =	vor.u32 $0xF, v36;
	v34 =	vor.u32 $0x1, v2;
	v40 =	vld.idx.msk [tilespmem:v40+s3+$0x0], $0xffff;
	[tilespmem:s28+$0x0] =	vst v35  }
0x198: {  	s28 =	sand.u32 $0x3FFFF800, s29;
	v35 =	vor.u32 $0x6, v1;
	[tilespmem:s26+$0x0] =	vst v41;
	v38 =	vld.idx.msk [tilespmem:v38+s3+$0x0], $0xffff  }
0x199: {  	s26 =	sadd.s32 $0xB680, s28;
	v41 =	vor.u32 $0xB, v0;
	v36 =	vld.idx.msk [tilespmem:v36+s3+$0x0], $0xffff;
	[tilespmem:s22+$0x0] =	vst v42  }
0x19a: {  	s29 =	sor.u32 s15, s26;
	s22 =	sor.u32 s17, s26;
	[tilespmem:s20+$0x0] =	vst v45;
	s20 =	sadd.s32 $0xB900, s19;
	v42 =	vld.idx.msk [tilespmem:v18+s3+$0x0], $0xffff;
	v18 =	vmov v23;
	v23 =	vmov v46  }
0x19b: {  	[tilespmem:s22+$0x0] =	vst v31;
	v31 =	vld.idx.msk [tilespmem:v25+s3+$0x0], $0xffff;
	s26 =	sor.u32 s5, s20;
	s20 =	sor.u32 s18, s20;
	s22 =	sadd.s32 $0xBB80, s16;
	v25 =	vmov v43  }
0x19c: {  	s12 =	sadd.s32 $0xBE00, s12;
	v34 =	vld.idx.msk [tilespmem:v34+s3+$0x0], $0xffff;
	[tilespmem:s20+$0x0] =	vst v37;
	s20 =	sor.u32 s13, s22;
	s22 =	sor.u32 s14, s22  }
0x19d: {  	s11 =	sor.u32 s11, s12;
	v43 =	vld.idx.msk [tilespmem:v35+s3+$0x0], $0xffff;
	[tilespmem:s22+$0x0] =	vst v40;
	s22 =	sor.u32 s10, s12;
	s10 =	smov.u32 s13  }
0x19e: {  	v37 =	vor.u32 $0x2, v2;
	s13 =	smov.u32 s5;
	s5 =	smov.u32 s15;
	v40 =	vld.idx.msk [tilespmem:v41+s3+$0x0], $0xffff;
	[tilespmem:s11+$0x0] =	vst v38;
	s11 =	smov.u32 s14  }
0x19f: {  	s12 =	smov.u32 s16;
	s14 =	smov.u32 s18;
	s18 =	smov.u32 s17;
	[tilespmem:s29+$0x0] =	vst v36;
	v36 =	vor.u32 $0x7, v1;
	v38 =	vld.idx.msk [tilespmem:v8+s3+$0x0], $0xffff;
	v8 =	vmovc v10;
	v10 =	vmov v15;
	v15 =	vmov v32  }
0x1a0: {  	s15 =	sadd.s32 $0xB700, s28;
	s16 =	smov.u32 s19;
	s19 =	smov.u32 s28;
	v32 =	vor.u32 $0xC, v0;
	v41 =	vld.idx.msk [tilespmem:v39+s3+$0x0], $0xffff;
	[tilespmem:s9+$0x0] =	vst v42  }
0x1a1: {  	s17 =	sor.u32 s5, s15;
	s9 =	sor.u32 s18, s15;
	[tilespmem:s26+$0x0] =	vst v31;
	s26 =	sadd.s32 $0xB980, s16;
	v42 =	vld.idx.msk [tilespmem:v17+s3+$0x0], $0xffff;
	v17 =	vmov v20;
	v20 =	vmov v47  }
0x1a2: {  	[tilespmem:s9+$0x0] =	vst v34;
	v35 =	vld.idx.msk [tilespmem:v24+s3+$0x0], $0xffff;
	s15 =	sor.u32 s13, s26;
	s9 =	sor.u32 s14, s26;
	s26 =	sadd.s32 $0xBC00, s12;
	v24 =	vmov v44  }
.Ltmp1:
0x1a3: {  	v37 =	vld.idx.msk [tilespmem:v37+s3+$0x0], $0xffff;
	[tilespmem:s9+$0x0] =	vst v43;
	s9 =	sor.u32 s10, s26;
	s26 =	sor.u32 s11, s26;
	(pc) =	sbr.rel @p0 .LBB2_4-.Ltmp1, $4  }
0x1a4: {  	v34 =	vld.idx.msk [tilespmem:v36+s3+$0x0], $0xffff;
	[tilespmem:s26+$0x0] =	vst v40  }
0x1a5: {  	v39 =	vor.u32 $0x3, v2;
	v32 =	vld.idx.msk [tilespmem:v32+s3+$0x0], $0xffff;
	[tilespmem:s24+$0x0] =	vst v38  }
0x1a6: {  	v36 =	vor.u32 $0x8, v1;
	[tilespmem:s17+$0x0] =	vst v41;
	v31 =	vld.idx.msk [tilespmem:v4+s3+$0x0], $0xffff;
	v4 =	vmovc v7;
	v7 =	vmov v12;
	v12 =	vmov v48  }
0x1a7: {  	s1 =	sadd.s32 $0x20, s1;
	s24 =	sadd.s32 $0xB780, s19;
	v38 =	vld.idx.msk [tilespmem:v33+s3+$0x0], $0xffff;
	[tilespmem:s20+$0x0] =	vst v42;
	v33 =	vor.u32 $0xD, v0  }
0x1a8: {  	_ =	sdelay $0x1  }
0x1a9: {  	s1 =	sor.u32 s18, s24  }
0x1aa: {  	s17 =	sor.u32 s5, s24;
	[tilespmem:s1+$0x0] =	vst v37  }
0x1ab: {  	v37 =	vld.idx.msk [tilespmem:v39+s3+$0x0], $0xffff;
	[tilespmem:s17+$0x0] =	vst v38  }
0x1ac: {  	v58 =	vor.u32 $0x4, v2;
	v29 =	vld.idx.msk [tilespmem:v29+s3+$0x0], $0xffff;
	_ =	sdelay $0x1  }
0x1ad: {  	s20 =	sadd.s32 $0xB800, s19  }
0x1ae: {  	s17 =	sor.u32 s18, s20  }
0x1af: {  	s1 =	sor.u32 s5, s20;
	[tilespmem:s17+$0x0] =	vst v37  }
0x1b0: {  	v37 =	vld.idx.msk [tilespmem:v58+s3+$0x0], $0xffff;
	[tilespmem:s1+$0x0] =	vst v29  }
0x1b1: {  	v59 =	vor.u32 $0x5, v2;
	v26 =	vld.idx.msk [tilespmem:v26+s3+$0x0], $0xffff;
	_ =	sdelay $0x1  }
0x1b2: {  	s21 =	sadd.s32 $0xB880, s19  }
0x1b3: {  	s23 =	sor.u32 s18, s21  }
0x1b4: {  	s1 =	sor.u32 s5, s21;
	[tilespmem:s23+$0x0] =	vst v37  }
0x1b5: {  	v29 =	vld.idx.msk [tilespmem:v59+s3+$0x0], $0xffff;
	[tilespmem:s1+$0x0] =	vst v26  }
0x1b6: {  	v60 =	vor.u32 $0x6, v2;
	v25 =	vld.idx.msk [tilespmem:v25+s3+$0x0], $0xffff;
	_ =	sdelay $0x1  }
0x1b7: {  	s24 =	sadd.s32 $0xB900, s19  }
0x1b8: {  	s25 =	sor.u32 s18, s24  }
0x1b9: {  	s1 =	sor.u32 s5, s24;
	[tilespmem:s25+$0x0] =	vst v29  }
0x1ba: {  	v26 =	vld.idx.msk [tilespmem:v60+s3+$0x0], $0xffff;
	[tilespmem:s1+$0x0] =	vst v25  }
0x1bb: {  	v61 =	vor.u32 $0x7, v2;
	v24 =	vld.idx.msk [tilespmem:v24+s3+$0x0], $0xffff;
	_ =	sdelay $0x1  }
0x1bc: {  	s26 =	sadd.s32 $0xB980, s19  }
0x1bd: {  	[tilespmem:s15+$0x0] =	vst v35;
	s28 =	sor.u32 s18, s26  }
0x1be: {  	v22 =	vld.idx.msk [tilespmem:v22+s3+$0x0], $0xffff;
	s1 =	sor.u32 s5, s26;
	[tilespmem:s28+$0x0] =	vst v26  }
0x1bf: {  	v25 =	vld.idx.msk [tilespmem:v61+s3+$0x0], $0xffff;
	[tilespmem:s1+$0x0] =	vst v24  }
0x1c0: {  	s29 =	sadd.s32 $0xBA00, s16;
	v62 =	vor.u32 $0x8, v2;
	v63 =	vld.idx.msk [tilespmem:v30+s3+$0x0], $0xffff  }
0x1c1: {  	s31 =	sor.u32 s14, s29  }
0x1c2: {  	s0 =	sadd.s32 $0xBA00, s19;
	[tilespmem:s31+$0x0] =	vst v34;
	s1 =	sor.u32 s13, s29  }
0x1c3: {  	s4 =	sor.u32 s18, s0;
	v35 =	vld.idx.msk [tilespmem:v36+s3+$0x0], $0xffff;
	[tilespmem:s1+$0x0] =	vst v22  }
0x1c4: {  	v36 =	vor.u32 $0x9, v1;
	s17 =	sor.u32 s5, s0;
	v21 =	vld.idx.msk [tilespmem:v21+s3+$0x0], $0xffff;
	[tilespmem:s4+$0x0] =	vst v25  }
0x1c5: {  	v24 =	vld.idx.msk [tilespmem:v62+s3+$0x0], $0xffff;
	[tilespmem:s17+$0x0] =	vst v63  }
0x1c6: {  	s20 =	sadd.s32 $0xBA80, s16;
	v37 =	vor.u32 $0x9, v2;
	v26 =	vld.idx.msk [tilespmem:v27+s3+$0x0], $0xffff  }
0x1c7: {  	s21 =	sor.u32 s14, s20  }
0x1c8: {  	[tilespmem:s21+$0x0] =	vst v35;
	s23 =	sadd.s32 $0xBA80, s19;
	s1 =	sor.u32 s13, s20  }
0x1c9: {  	s24 =	sor.u32 s18, s23;
	v22 =	vld.idx.msk [tilespmem:v36+s3+$0x0], $0xffff;
	[tilespmem:s1+$0x0] =	vst v21  }
0x1ca: {  	v38 =	vor.u32 $0xA, v1;
	s15 =	sor.u32 s5, s23;
	v18 =	vld.idx.msk [tilespmem:v18+s3+$0x0], $0xffff;
	[tilespmem:s24+$0x0] =	vst v24  }
0x1cb: {  	v24 =	vld.idx.msk [tilespmem:v37+s3+$0x0], $0xffff;
	[tilespmem:s15+$0x0] =	vst v26  }
0x1cc: {  	v39 =	vor.u32 $0xA, v2;
	s25 =	sadd.s32 $0xBB00, s16;
	v23 =	vld.idx.msk [tilespmem:v23+s3+$0x0], $0xffff  }
0x1cd: {  	s26 =	sor.u32 s14, s25  }
0x1ce: {  	s28 =	sadd.s32 $0xBB00, s19;
	[tilespmem:s26+$0x0] =	vst v22;
	s1 =	sor.u32 s13, s25  }
0x1cf: {  	s29 =	sor.u32 s18, s28;
	v21 =	vld.idx.msk [tilespmem:v38+s3+$0x0], $0xffff;
	[tilespmem:s1+$0x0] =	vst v18  }
0x1d0: {  	v40 =	vor.u32 $0xB, v1;
	s15 =	sor.u32 s5, s28;
	v17 =	vld.idx.msk [tilespmem:v17+s3+$0x0], $0xffff;
	[tilespmem:s29+$0x0] =	vst v24  }
0x1d1: {  	v41 =	vld.idx.msk [tilespmem:v39+s3+$0x0], $0xffff;
	[tilespmem:s15+$0x0] =	vst v23  }
0x1d2: {  	v42 =	vor.u32 $0xB, v2;
	s0 =	sadd.s32 $0xBB80, s16;
	v20 =	vld.idx.msk [tilespmem:v20+s3+$0x0], $0xffff  }
0x1d3: {  	v13 =	vld.idx.msk [tilespmem:v13+s3+$0x0], $0xffff;
	[tilespmem:s2+$0x0] =	vst v31;
	s4 =	sor.u32 s14, s0  }
0x1d4: {  	v6 =	vld.idx.msk [tilespmem:v6+s3+$0x0], $0xffff;
	s20 =	sadd.s32 $0xBB80, s19;
	s17 =	sor.u32 s13, s0;
	[tilespmem:s4+$0x0] =	vst v21  }
0x1d5: {  	s21 =	sor.u32 s18, s20;
	v18 =	vld.idx.msk [tilespmem:v40+s3+$0x0], $0xffff;
	[tilespmem:s17+$0x0] =	vst v17  }
0x1d6: {  	v43 =	vor.u32 $0xC, v1;
	s15 =	sor.u32 s5, s20;
	v16 =	vld.idx.msk [tilespmem:v16+s3+$0x0], $0xffff;
	[tilespmem:s21+$0x0] =	vst v41  }
0x1d7: {  	v44 =	vld.idx.msk [tilespmem:v42+s3+$0x0], $0xffff;
	[tilespmem:s15+$0x0] =	vst v20  }
0x1d8: {  	v45 =	vor.u32 $0xC, v2;
	[tilespmem:s9+$0x0] =	vst v13;
	s23 =	sadd.s32 $0xBC00, s16;
	v46 =	vld.idx.msk [tilespmem:v28+s3+$0x0], $0xffff  }
0x1d9: {  	[tilespmem:s22+$0x0] =	vst v6;
	s24 =	sor.u32 s14, s23  }
0x1da: {  	v11 =	vld.idx.msk [tilespmem:v11+s3+$0x0], $0xffff;
	s2 =	sor.u32 s13, s23;
	s25 =	sadd.s32 $0xBC00, s19;
	[tilespmem:s24+$0x0] =	vst v18  }
0x1db: {  	s26 =	sor.u32 s18, s25;
	v17 =	vld.idx.msk [tilespmem:v43+s3+$0x0], $0xffff;
	[tilespmem:s2+$0x0] =	vst v16  }
0x1dc: {  	v49 =	vor.u32 $0xD, v1;
	s9 =	sor.u32 s5, s25;
	s1 =	sadd.s32 $0xBC80, s12;
	v14 =	vld.idx.msk [tilespmem:v14+s3+$0x0], $0xffff;
	[tilespmem:s26+$0x0] =	vst v44  }
0x1dd: {  	s31 =	sor.u32 s11, s1;
	v50 =	vld.idx.msk [tilespmem:v45+s3+$0x0], $0xffff;
	[tilespmem:s9+$0x0] =	vst v46  }
0x1de: {  	v51 =	vor.u32 $0xD, v2;
	s1 =	sor.u32 s10, s1;
	[tilespmem:s31+$0x0] =	vst v32;
	s31 =	sadd.s32 $0xBC80, s16;
	v19 =	vld.idx.msk [tilespmem:v19+s3+$0x0], $0xffff  }
0x1df: {  	[tilespmem:s1+$0x0] =	vst v11;
	v47 =	vld.idx.msk [tilespmem:v33+s3+$0x0], $0xffff;
	s0 =	sor.u32 s14, s31  }
0x1e0: {  	v48 =	vor.u32 $0xE, v0;
	s4 =	sadd.s32 $0xBC80, s19;
	v8 =	vld.idx.msk [tilespmem:v8+s3+$0x0], $0xffff;
	[tilespmem:s0+$0x0] =	vst v17;
	s2 =	sor.u32 s13, s31  }
0x1e1: {  	v52 =	vld.idx.msk [tilespmem:v49+s3+$0x0], $0xffff;
	s9 =	sor.u32 s18, s4;
	[tilespmem:s2+$0x0] =	vst v14  }
0x1e2: {  	v53 =	vor.u32 $0xE, v1;
	s28 =	sadd.s32 $0xBD00, s12;
	s20 =	sor.u32 s5, s4;
	v10 =	vld.idx.msk [tilespmem:v10+s3+$0x0], $0xffff;
	[tilespmem:s9+$0x0] =	vst v50  }
0x1e3: {  	s29 =	sor.u32 s11, s28;
	v54 =	vld.idx.msk [tilespmem:v51+s3+$0x0], $0xffff;
	[tilespmem:s20+$0x0] =	vst v19  }
0x1e4: {  	v55 =	vor.u32 $0xE, v2;
	s23 =	sor.u32 s10, s28;
	s24 =	sadd.s32 $0xBD00, s16;
	[tilespmem:s29+$0x0] =	vst v47;
	v15 =	vld.idx.msk [tilespmem:v15+s3+$0x0], $0xffff  }
0x1e5: {  	s25 =	sor.u32 s14, s24;
	[tilespmem:s23+$0x0] =	vst v8;
	v13 =	vld.idx.msk [tilespmem:v48+s3+$0x0], $0xffff  }
0x1e6: {  	v56 =	vor.u32 $0xF, v0;
	v4 =	vld.idx.msk [tilespmem:v4+s3+$0x0], $0xffff;
	s26 =	sadd.s32 $0xBD00, s19;
	[tilespmem:s25+$0x0] =	vst v52;
	s2 =	sor.u32 s13, s24  }
0x1e7: {  	s28 =	sor.u32 s18, s26;
	v57 =	vld.idx.msk [tilespmem:v53+s3+$0x0], $0xffff;
	[tilespmem:s2+$0x0] =	vst v10  }
0x1e8: {  	v58 =	vor.u32 $0xF, v1;
	s17 =	sadd.s32 $0xBD80, s12;
	s1 =	sor.u32 s5, s26;
	v7 =	vld.idx.msk [tilespmem:v7+s3+$0x0], $0xffff;
	[tilespmem:s28+$0x0] =	vst v54  }
0x1e9: {  	s21 =	sor.u32 s11, s17;
	v59 =	vld.idx.msk [tilespmem:v55+s3+$0x0], $0xffff;
	[tilespmem:s1+$0x0] =	vst v15  }
0x1ea: {  	v60 =	vor.u32 $0xF, v2;
	s29 =	sor.u32 s10, s17;
	s31 =	sadd.s32 $0xBD80, s16;
	[tilespmem:s21+$0x0] =	vst v13;
	v61 =	vld.idx.msk [tilespmem:v12+s3+$0x0], $0xffff  }
0x1eb: {  	s0 =	sor.u32 s14, s31;
	[tilespmem:s29+$0x0] =	vst v4;
	v0 =	vld.idx.msk [tilespmem:v56+s3+$0x0], $0xffff  }
0x1ec: {  	v3 =	vld.idx.msk [tilespmem:v3+s3+$0x0], $0xffff;
	s4 =	sadd.s32 $0xBD80, s19;
	[tilespmem:s0+$0x0] =	vst v57;
	s2 =	sor.u32 s13, s31  }
0x1ed: {  	s9 =	sor.u32 s18, s4;
	v1 =	vld.idx.msk [tilespmem:v58+s3+$0x0], $0xffff;
	[tilespmem:s2+$0x0] =	vst v7  }
0x1ee: {  	s12 =	sadd.s32 $0xBE00, s12;
	s1 =	sor.u32 s5, s4;
	v62 =	vld.idx.msk [tilespmem:v5+s3+$0x0], $0xffff;
	[tilespmem:s9+$0x0] =	vst v59  }
0x1ef: {  	s15 =	sor.u32 s11, s12;
	v2 =	vld.idx.msk [tilespmem:v60+s3+$0x0], $0xffff;
	[tilespmem:s1+$0x0] =	vst v61  }
0x1f0: {  	s17 =	sor.u32 s10, s12;
	[tilespmem:s15+$0x0] =	vst v0;
	s20 =	sadd.s32 $0xBE00, s16;
	v63 =	vld.idx.msk [tilespmem:v9+s3+$0x0], $0xffff  }
0x1f1: {  	[tilespmem:s17+$0x0] =	vst v3;
	s21 =	sor.u32 s14, s20  }
0x1f2: {  	s22 =	sadd.s32 $0xBE00, s19;
	[tilespmem:s21+$0x0] =	vst v1;
	s2 =	sor.u32 s13, s20  }
0x1f3: {  	s23 =	sor.u32 s18, s22;
	[tilespmem:s2+$0x0] =	vst v62  }
0x1f4: {  	s1 =	sor.u32 s5, s22;
	[tilespmem:s23+$0x0] =	vst v2  }
0x1f5: {  	s10 =	simm.s32 $0x1;
	s29 =	simm.s32 $0x2000;
	s25 =	simm.s32 $0xE000;
	[tilespmem:s1+$0x0] =	vst v63  }
0x1f6: {  	s24 =	simm.s32 $0x80;
	s4 =	simm.s32 $0x4680;
	s0 =	rddreg [dreg:$0xa]  }
0x1f7: {  	[tilespmem:s4], [sflag:$0x3] =	stream.strided.gather [hbm4b:s0+s24], $0x680, s25, s24, $0x38;
	[tilespmem:$0x11E80] =	vst v63  }
0x1f8: {  	s31 =	simm.s32 $0xB680;
	s28 =	simm.s32 $0x400;
	s26 =	rddreg [dreg:$0xc]  }
0x1f9: {  	[hbm4b:s26+s28] =	stream.strided.scatter [tilespmem:s31], [sflag:$0x5], $0x6800, s29, s28, $0x38;
	[tilespmem:$0x11E80] =	vst v63  }
.LBB2_6:
0x1fa: {  	s1 =	simm.s32 $0x4  }
0x1fb: {  	_ =	swait.ge [sflag:s1], $0x6800  }
0x1fc: {  	s16 =	simm.s32 $0x0;
	[sflag:s1] =	ssyncset.done $0x0  }
0x1fd: {  	s2 =	simm.s32 $0x0;
	s4 =	simm.s32 $0x2;
	[sflag:s1] =	ssyncadd.s32 $0xFFFF9800  }
0x1fe: {  	s23 =	sand.u32 $0x60, s16;
	s17 =	sand.u32 $0x3FFFFF80, s2;
	_ =	swait.ge [sflag:s4], $0x680  }
0x1ff: {  	s11 =	sor.u32 $0x10, s23;
	s1 =	sadd.s32 $0x3E80, s17;
	[sflag:s4] =	ssyncset.done $0x0  }
0x200: {  	s18 =	sor.u32 s11, s1;
	[sflag:s4] =	ssyncadd.s32 $0xFFFFF980  }
0x201: {  	v0 =	vld [tilespmem:s18+$0x0];
	_ =	sdelay $0x4  }
0x202: {  	v4 =	vshll.u32 v0, $0x4;
	_ =	sdelay $0x1  }
0x203: {  	s1 =	sor.u32 s23, s1  }
0x204: {  	v0 =	vld [tilespmem:s1+$0x0];
	_ =	sdelay $0x1  }
0x205: {  	v1 =	vld.idx.msk [tilespmem:v4+s3+$0x0], $0xffff  }
0x206: {  	s19 =	simm.s32 $0x0;
	v2 =	vor.u32 $0x1, v4  }
0x207: {  	s12 =	sand.u32 $0x3FFFF800, s19  }
0x208: {  	s1 =	sadd.s32 $0x4E80, s12;
	v3 =	vshll.u32 v0, $0x4  }
0x209: {  	s20 =	sor.u32 s11, s1  }
0x20a: {  	[tilespmem:s20+$0x0] =	vst v1  }
0x20b: {  	v0 =	vld.idx.msk [tilespmem:v2+s3+$0x0], $0xffff  }
0x20c: {  	v1 =	vor.u32 $0x2, v4  }
0x20d: {  	v2 =	vld.idx.msk [tilespmem:v3+s3+$0x0], $0xffff  }
0x20e: {  	s21 =	sadd.s32 $0x4F00, s12;
	v5 =	vor.u32 $0x1, v3  }
0x20f: {  	s5 =	sor.u32 s11, s21  }
0x210: {  	[tilespmem:s5+$0x0] =	vst v0  }
0x211: {  	s1 =	sor.u32 s23, s1;
	v0 =	vld.idx.msk [tilespmem:v1+s3+$0x0], $0xffff  }
0x212: {  	[tilespmem:s1+$0x0] =	vst v2;
	v1 =	vor.u32 $0x3, v4  }
0x213: {  	v2 =	vld.idx.msk [tilespmem:v5+s3+$0x0], $0xffff  }
0x214: {  	s24 =	simm.s32 $0x20;
	s9 =	simm.s32 $0x20;
	s22 =	sadd.s32 $0x4F80, s12;
	v5 =	vor.u32 $0x2, v3  }
0x215: {  	s13 =	sand.u32 $0x60, s24;
	s25 =	sand.u32 $0x3FFFFF80, s9;
	s14 =	sor.u32 s11, s22  }
0x216: {  	s5 =	sadd.s32 $0x3E80, s25;
	[tilespmem:s14+$0x0] =	vst v0;
	s14 =	sor.u32 $0x10, s13  }
0x217: {  	s2 =	sor.u32 s23, s21;
	v0 =	vld.idx.msk [tilespmem:v1+s3+$0x0], $0xffff;
	s26 =	sor.u32 s14, s5  }
0x218: {  	[tilespmem:s2+$0x0] =	vst v2;
	v1 =	vor.u32 $0x4, v4;
	v2 =	vld [tilespmem:s26+$0x0]  }
0x219: {  	v5 =	vld.idx.msk [tilespmem:v5+s3+$0x0], $0xffff  }
0x21a: {  	s0 =	smov.u32 s30;
	s30 =	sadd.s32 $0x5000, s12;
	v6 =	vor.u32 $0x3, v3  }
0x21b: {  	s4 =	sor.u32 s11, s30;
	s5 =	sor.u32 s13, s5  }
0x21c: {  	v7 =	vld [tilespmem:s5+$0x0];
	[tilespmem:s4+$0x0] =	vst v0  }
0x21d: {  	s1 =	sor.u32 s23, s22;
	v1 =	vld.idx.msk [tilespmem:v1+s3+$0x0], $0xffff;
	v0 =	vshll.u32 v2, $0x4  }
0x21e: {  	[tilespmem:s1+$0x0] =	vst v5;
	v2 =	vor.u32 $0x5, v4  }
0x21f: {  	v5 =	vld.idx.msk [tilespmem:v6+s3+$0x0], $0xffff  }
0x220: {  	s9 =	sadd.s32 $0x5080, s12;
	v8 =	vor.u32 $0x4, v3  }
0x221: {  	s15 =	sor.u32 s11, s9  }
0x222: {  	v6 =	vshll.u32 v7, $0x4;
	v7 =	vld.idx.msk [tilespmem:v0+s3+$0x0], $0xffff;
	[tilespmem:s15+$0x0] =	vst v1  }
0x223: {  	s16 =	simm.s32 $0x200;
	s2 =	sor.u32 s23, s30;
	v1 =	vld.idx.msk [tilespmem:v2+s3+$0x0], $0xffff;
	v2 =	vor.u32 $0x1, v0  }
0x224: {  	s16 =	sand.u32 $0x3FFFF800, s16;
	[tilespmem:s2+$0x0] =	vst v5;
	v5 =	vor.u32 $0x6, v4  }
0x225: {  	s17 =	sadd.s32 $0x4E80, s16;
	v8 =	vld.idx.msk [tilespmem:v8+s3+$0x0], $0xffff  }
0x226: {  	s19 =	sadd.s32 $0x5100, s12;
	v9 =	vor.u32 $0x5, v3;
	s18 =	sor.u32 s14, s17  }
0x227: {  	s20 =	sor.u32 s11, s19;
	v10 =	vld.idx.msk [tilespmem:v6+s3+$0x0], $0xffff;
	[tilespmem:s18+$0x0] =	vst v7  }
0x228: {  	v7 =	vor.u32 $0x1, v6;
	v2 =	vld.idx.msk [tilespmem:v2+s3+$0x0], $0xffff;
	[tilespmem:s20+$0x0] =	vst v1  }
0x229: {  	s1 =	sor.u32 s23, s9;
	v1 =	vld.idx.msk [tilespmem:v5+s3+$0x0], $0xffff;
	v5 =	vor.u32 $0x2, v0  }
0x22a: {  	[tilespmem:s1+$0x0] =	vst v8;
	v8 =	vor.u32 $0x7, v4  }
0x22b: {  	s21 =	sor.u32 s13, s17;
	s22 =	sadd.s32 $0x4F00, s16;
	v9 =	vld.idx.msk [tilespmem:v9+s3+$0x0], $0xffff  }
0x22c: {  	v11 =	vor.u32 $0x6, v3;
	s25 =	sadd.s32 $0x5180, s12;
	s24 =	sor.u32 s14, s22;
	[tilespmem:s21+$0x0] =	vst v10  }
0x22d: {  	s26 =	sor.u32 s11, s25;
	v7 =	vld.idx.msk [tilespmem:v7+s3+$0x0], $0xffff;
	[tilespmem:s24+$0x0] =	vst v2  }
0x22e: {  	v2 =	vor.u32 $0x2, v6;
	v5 =	vld.idx.msk [tilespmem:v5+s3+$0x0], $0xffff;
	[tilespmem:s26+$0x0] =	vst v1  }
0x22f: {  	s30 =	sor.u32 s23, s19;
	v1 =	vld.idx.msk [tilespmem:v8+s3+$0x0], $0xffff;
	v8 =	vor.u32 $0x3, v0  }
0x230: {  	[tilespmem:s30+$0x0] =	vst v9;
	v9 =	vor.u32 $0x8, v4  }
0x231: {  	s17 =	simm.s32 $0x40;
	s4 =	sadd.s32 $0x4F80, s16;
	s2 =	sor.u32 s13, s22;
	v10 =	vld.idx.msk [tilespmem:v11+s3+$0x0], $0xffff  }
0x232: {  	s19 =	sor.u32 s14, s4;
	s15 =	sadd.s32 $0x5200, s12;
	s18 =	simm.s32 $0x40;
	v11 =	vor.u32 $0x7, v3;
	[tilespmem:s2+$0x0] =	vst v7  }
0x233: {  	s21 =	sand.u32 $0x3FFFFF80, s17;
	s20 =	sor.u32 s11, s15;
	s18 =	sand.u32 $0x60, s18;
	v2 =	vld.idx.msk [tilespmem:v2+s3+$0x0], $0xffff;
	[tilespmem:s19+$0x0] =	vst v5  }
0x234: {  	s22 =	sadd.s32 $0x3E80, s21;
	v5 =	vor.u32 $0x3, v6;
	s19 =	sor.u32 $0x10, s18;
	v7 =	vld.idx.msk [tilespmem:v8+s3+$0x0], $0xffff;
	[tilespmem:s20+$0x0] =	vst v1  }
0x235: {  	s5 =	sor.u32 s23, s25;
	s9 =	sor.u32 s19, s22;
	v1 =	vld.idx.msk [tilespmem:v9+s3+$0x0], $0xffff  }
0x236: {  	[tilespmem:s5+$0x0] =	vst v10;
	v8 =	vor.u32 $0x4, v0;
	v9 =	vld [tilespmem:s9+$0x0]  }
0x237: {  	s1 =	sor.u32 s18, s22;
	s2 =	sor.u32 s13, s4;
	v10 =	vld.idx.msk [tilespmem:v11+s3+$0x0], $0xffff;
	v11 =	vor.u32 $0x9, v4  }
0x238: {  	s24 =	sadd.s32 $0x5000, s16;
	[tilespmem:s2+$0x0] =	vst v2;
	v2 =	vld [tilespmem:s1+$0x0]  }
0x239: {  	v12 =	vor.u32 $0x8, v3;
	s25 =	sor.u32 s14, s24;
	s26 =	sadd.s32 $0x5280, s12;
	v5 =	vld.idx.msk [tilespmem:v5+s3+$0x0], $0xffff  }
0x23a: {  	v13 =	vor.u32 $0x4, v6;
	s30 =	sor.u32 s11, s26;
	[tilespmem:s25+$0x0] =	vst v7  }
0x23b: {  	v7 =	vld.idx.msk [tilespmem:v8+s3+$0x0], $0xffff;
	[tilespmem:s30+$0x0] =	vst v1;
	v1 =	vshll.u32 v9, $0x4  }
0x23c: {  	s4 =	sor.u32 s23, s15;
	v8 =	vld.idx.msk [tilespmem:v11+s3+$0x0], $0xffff;
	v11 =	vor.u32 $0x5, v0  }
0x23d: {  	s1 =	sor.u32 s13, s24;
	[tilespmem:s4+$0x0] =	vst v10;
	v10 =	vor.u32 $0xA, v4  }
0x23e: {  	s9 =	sadd.s32 $0x5080, s16;
	v12 =	vld.idx.msk [tilespmem:v12+s3+$0x0], $0xffff;
	v9 =	vshll.u32 v2, $0x4;
	[tilespmem:s1+$0x0] =	vst v5  }
0x23f: {  	s17 =	sadd.s32 $0x5300, s12;
	s15 =	sor.u32 s14, s9;
	v2 =	vor.u32 $0x9, v3;
	v5 =	vld.idx.msk [tilespmem:v13+s3+$0x0], $0xffff  }
0x240: {  	s20 =	sor.u32 s11, s17;
	v13 =	vor.u32 $0x5, v6;
	v14 =	vld.idx.msk [tilespmem:v1+s3+$0x0], $0xffff;
	[tilespmem:s15+$0x0] =	vst v7  }
0x241: {  	s21 =	simm.s32 $0x400;
	v7 =	vld.idx.msk [tilespmem:v11+s3+$0x0], $0xffff;
	[tilespmem:s20+$0x0] =	vst v8;
	v8 =	vor.u32 $0x1, v1  }
0x242: {  	s5 =	sor.u32 s23, s26;
	s24 =	sand.u32 $0x3FFFF800, s21;
	v11 =	vor.u32 $0x6, v0;
	v10 =	vld.idx.msk [tilespmem:v10+s3+$0x0], $0xffff  }
0x243: {  	v15 =	vor.u32 $0xB, v4;
	s2 =	sadd.s32 $0x4E80, s24;
	s1 =	sor.u32 s13, s9;
	[tilespmem:s5+$0x0] =	vst v12;
	v12 =	vld.idx.msk [tilespmem:v9+s3+$0x0], $0xffff  }
0x244: {  	s22 =	sor.u32 s19, s2;
	s25 =	sadd.s32 $0x5100, s16;
	v16 =	vor.u32 $0x1, v9;
	v2 =	vld.idx.msk [tilespmem:v2+s3+$0x0], $0xffff;
	[tilespmem:s1+$0x0] =	vst v5  }
0x245: {  	s26 =	sor.u32 s14, s25;
	s30 =	sadd.s32 $0x5380, s12;
	v5 =	vor.u32 $0xA, v3;
	[tilespmem:s22+$0x0] =	vst v14;
	v13 =	vld.idx.msk [tilespmem:v13+s3+$0x0], $0xffff  }
0x246: {  	s4 =	sor.u32 s11, s30;
	v14 =	vor.u32 $0x6, v6;
	v8 =	vld.idx.msk [tilespmem:v8+s3+$0x0], $0xffff;
	[tilespmem:s26+$0x0] =	vst v7  }
0x247: {  	s2 =	sor.u32 s18, s2;
	v7 =	vld.idx.msk [tilespmem:v11+s3+$0x0], $0xffff;
	[tilespmem:s4+$0x0] =	vst v10;
	v10 =	vor.u32 $0x2, v1  }
0x248: {  	s17 =	sor.u32 s23, s17;
	[tilespmem:s2+$0x0] =	vst v12;
	v12 =	vor.u32 $0x7, v0;
	v11 =	vld.idx.msk [tilespmem:v15+s3+$0x0], $0xffff  }
0x249: {  	s20 =	sadd.s32 $0x4F00, s24;
	s1 =	sor.u32 s13, s25;
	[tilespmem:s17+$0x0] =	vst v2;
	v2 =	vor.u32 $0xC, v4;
	v15 =	vld.idx.msk [tilespmem:v16+s3+$0x0], $0xffff  }
0x24a: {  	s21 =	sor.u32 s19, s20;
	s22 =	sadd.s32 $0x5180, s16;
	v16 =	vor.u32 $0x2, v9;
	v5 =	vld.idx.msk [tilespmem:v5+s3+$0x0], $0xffff;
	[tilespmem:s1+$0x0] =	vst v13  }
0x24b: {  	s25 =	sor.u32 s14, s22;
	s2 =	sadd.s32 $0x5400, s12;
	v13 =	vor.u32 $0xB, v3;
	[tilespmem:s21+$0x0] =	vst v8;
	v8 =	vld.idx.msk [tilespmem:v14+s3+$0x0], $0xffff  }
0x24c: {  	s26 =	sor.u32 s11, s2;
	v14 =	vor.u32 $0x7, v6;
	v10 =	vld.idx.msk [tilespmem:v10+s3+$0x0], $0xffff;
	[tilespmem:s25+$0x0] =	vst v7  }
0x24d: {  	s9 =	sor.u32 s18, s20;
	v7 =	vld.idx.msk [tilespmem:v12+s3+$0x0], $0xffff;
	[tilespmem:s26+$0x0] =	vst v11;
	v11 =	vor.u32 $0x3, v1  }
0x24e: {  	s30 =	sor.u32 s23, s30;
	s4 =	sadd.s32 $0x4F80, s24;
	[tilespmem:s9+$0x0] =	vst v15;
	v2 =	vld.idx.msk [tilespmem:v2+s3+$0x0], $0xffff  }
0x24f: {  	s1 =	sor.u32 s13, s22;
	s21 =	simm.s32 $0x60;
	v12 =	vor.u32 $0x8, v0;
	s26 =	simm.s32 $0x60;
	v15 =	vld.idx.msk [tilespmem:v16+s3+$0x0], $0xffff;
	[tilespmem:s30+$0x0] =	vst v5  }
0x250: {  	s22 =	sor.u32 s19, s4;
	s5 =	sand.u32 $0x60, s21;
	v5 =	vor.u32 $0xD, v4;
	s17 =	sand.u32 $0x3FFFFF80, s26;
	[tilespmem:s1+$0x0] =	vst v8;
	v8 =	vld.idx.msk [tilespmem:v13+s3+$0x0], $0xffff  }
0x251: {  	s25 =	sadd.s32 $0x5200, s16;
	s31 =	sor.u32 $0x10, s5;
	s17 =	sadd.s32 $0x3E80, s17;
	[tilespmem:s22+$0x0] =	vst v10;
	v10 =	vld.idx.msk [tilespmem:v14+s3+$0x0], $0xffff  }
0x252: {  	s20 =	sor.u32 s14, s25;
	s9 =	sadd.s32 $0x5480, s12;
	v13 =	vor.u32 $0x3, v9;
	s22 =	sor.u32 s31, s17;
	v11 =	vld.idx.msk [tilespmem:v11+s3+$0x0], $0xffff  }
0x253: {  	s30 =	sor.u32 s11, s9;
	[tilespmem:s20+$0x0] =	vst v7;
	v7 =	vor.u32 $0x8, v6;
	v14 =	vld [tilespmem:s22+$0x0]  }
0x254: {  	s15 =	sor.u32 s18, s4;
	v12 =	vld.idx.msk [tilespmem:v12+s3+$0x0], $0xffff;
	[tilespmem:s30+$0x0] =	vst v2;
	v2 =	vor.u32 $0x4, v1  }
0x255: {  	s2 =	sor.u32 s23, s2;
	v16 =	vor.u32 $0x9, v0;
	s17 =	sor.u32 s5, s17;
	[tilespmem:s15+$0x0] =	vst v15;
	v5 =	vld.idx.msk [tilespmem:v5+s3+$0x0], $0xffff  }
0x256: {  	v18 =	vor.u32 $0xC, v3;
	s4 =	sadd.s32 $0x5000, s24;
	s1 =	sor.u32 s13, s25;
	v15 =	vld [tilespmem:s17+$0x0];
	[tilespmem:s2+$0x0] =	vst v8  }
0x257: {  	v17 =	vor.u32 $0xE, v4;
	s21 =	sor.u32 s19, s4;
	s20 =	sadd.s32 $0x5280, s16;
	v13 =	vld.idx.msk [tilespmem:v13+s3+$0x0], $0xffff;
	[tilespmem:s1+$0x0] =	vst v10  }
0x258: {  	s22 =	sor.u32 s14, s20;
	v10 =	vor.u32 $0x4, v9;
	s1 =	sadd.s32 $0x5500, s12;
	[tilespmem:s21+$0x0] =	vst v11;
	v7 =	vld.idx.msk [tilespmem:v7+s3+$0x0], $0xffff  }
0x259: {  	s25 =	sor.u32 s11, s1;
	v11 =	vld.idx.msk [tilespmem:v2+s3+$0x0], $0xffff;
	[tilespmem:s22+$0x0] =	vst v12;
	v2 =	vshll.u32 v14, $0x4  }
0x25a: {  	v12 =	vld.idx.msk [tilespmem:v16+s3+$0x0], $0xffff;
	[tilespmem:s25+$0x0] =	vst v5;
	v5 =	vor.u32 $0x5, v1  }
0x25b: {  	s26 =	sor.u32 s18, s4;
	v31 =	vshll.u32 v15, $0x4;
	v16 =	vld.idx.msk [tilespmem:v18+s3+$0x0], $0xffff  }
0x25c: {  	s30 =	sadd.s32 $0x5080, s24;
	s20 =	sor.u32 s13, s20;
	v14 =	vor.u32 $0xA, v0;
	v8 =	vld.idx.msk [tilespmem:v17+s3+$0x0], $0xffff;
	[tilespmem:s26+$0x0] =	vst v13  }
0x25d: {  	s17 =	sadd.s32 $0x5300, s16;
	s4 =	sor.u32 s19, s30;
	v13 =	vor.u32 $0x9, v6;
	v10 =	vld.idx.msk [tilespmem:v10+s3+$0x0], $0xffff;
	[tilespmem:s20+$0x0] =	vst v7  }
0x25e: {  	v4 =	vor.u32 $0xF, v4;
	s21 =	sor.u32 s14, s17;
	v15 =	vld.idx.msk [tilespmem:v2+s3+$0x0], $0xffff;
	[tilespmem:s4+$0x0] =	vst v11  }
0x25f: {  	s9 =	sor.u32 s23, s9;
	s2 =	sadd.s32 $0x5580, s12;
	s26 =	simm.s32 $0x600;
	v11 =	vor.u32 $0x5, v9;
	v17 =	vld.idx.msk [tilespmem:v5+s3+$0x0], $0xffff;
	[tilespmem:s21+$0x0] =	vst v12  }
0x260: {  	s25 =	sor.u32 s11, s2;
	s22 =	sand.u32 $0x3FFFF800, s26;
	v12 =	vor.u32 $0x1, v2;
	[tilespmem:s9+$0x0] =	vst v16;
	v16 =	vld.idx.msk [tilespmem:v31+s3+$0x0], $0xffff  }
0x261: {  	s15 =	sor.u32 s18, s30;
	v7 =	vor.u32 $0x6, v1;
	s30 =	sadd.s32 $0x4E80, s22;
	v14 =	vld.idx.msk [tilespmem:v14+s3+$0x0], $0xffff;
	[tilespmem:s25+$0x0] =	vst v8  }
0x262: {  	v21 =	vor.u32 $0xD, v3;
	s4 =	sor.u32 s31, s30;
	v23 =	vld.idx.msk [tilespmem:v13+s3+$0x0], $0xffff;
	[tilespmem:s15+$0x0] =	vst v10;
	s15 =	sadd.s32 $0x5100, s24  }
0x263: {  	v33 =	vor.u32 $0xE, v3;
	v19 =	vor.u32 $0xB, v0;
	v25 =	vor.u32 $0xA, v6;
	v18 =	vld.idx.msk [tilespmem:v4+s3+$0x0], $0xffff;
	s21 =	sor.u32 s19, s15;
	[tilespmem:s4+$0x0] =	vst v15  }
0x264: {  	v39 =	vor.u32 $0xC, v0;
	v32 =	vor.u32 $0x7, v1;
	v26 =	vor.u32 $0x6, v9;
	s30 =	sor.u32 s5, s30;
	s9 =	sadd.s32 $0x5380, s16;
	v15 =	vld.idx.msk [tilespmem:v11+s3+$0x0], $0xffff;
	[tilespmem:s21+$0x0] =	vst v17  }
0x265: {  	v22 =	vor.u32 $0x7, v9;
	v20 =	vor.u32 $0x8, v9;
	v24 =	vor.u32 $0x1, v31;
	s25 =	sor.u32 s14, s9;
	v12 =	vld.idx.msk [tilespmem:v12+s3+$0x0], $0xffff;
	[tilespmem:s30+$0x0] =	vst v16  }
0x266: {  	s28 =	sadd.s32 $0x5600, s12;
	s17 =	sor.u32 s13, s17;
	v28 =	vor.u32 $0x2, v2;
	v41 =	vor.u32 $0x2, v31;
	v29 =	vor.u32 $0x3, v31;
	v27 =	vld.idx.msk [tilespmem:v7+s3+$0x0], $0xffff;
	[tilespmem:s25+$0x0] =	vst v14  }
0x267: {  	s11 =	sor.u32 s11, s28;
	v30 =	vor.u32 $0x7, v31;
	v5 =	vor.u32 $0xF, v3;
	v3 =	vor.u32 $0xF, v6;
	v36 =	vld.idx.msk [tilespmem:v21+s3+$0x0], $0xffff;
	[tilespmem:s17+$0x0] =	vst v23  }
0x268: {  	s20 =	sadd.s32 $0x4F00, s22;
	v13 =	vor.u32 $0xB, v6;
	v8 =	vor.u32 $0xD, v6;
	v21 =	vor.u32 $0xA, v31;
	s15 =	sor.u32 s18, s15;
	v19 =	vld.idx.msk [tilespmem:v19+s3+$0x0], $0xffff;
	[tilespmem:s11+$0x0] =	vst v18  }
0x269: {  	v10 =	vor.u32 $0xC, v6;
	v4 =	vor.u32 $0xE, v6;
	v6 =	vor.u32 $0xF, v9;
	s21 =	sor.u32 s31, s20;
	v40 =	vld.idx.msk [tilespmem:v25+s3+$0x0], $0xffff;
	[tilespmem:s15+$0x0] =	vst v15;
	s15 =	sadd.s32 $0x5180, s24  }
0x26a: {  	s1 =	sor.u32 s23, s1;
	v11 =	vor.u32 $0xD, v9;
	v17 =	vor.u32 $0xA, v9;
	v16 =	vor.u32 $0xB, v9;
	v38 =	vld.idx.msk [tilespmem:v24+s3+$0x0], $0xffff;
	s11 =	sshll.u32 s10, $0x1;
	[tilespmem:s21+$0x0] =	vst v12;
	s25 =	sor.u32 s19, s15  }
0x26b: {  	s26 =	sadd.s32 $0x5400, s16;
	v14 =	vor.u32 $0xC, v9;
	v7 =	vor.u32 $0xE, v9;
	v24 =	vor.u32 $0x6, v31;
	s4 =	sadd.s32 s6, s11;
	v34 =	vld.idx.msk [tilespmem:v26+s3+$0x0], $0xffff;
	s30 =	rddreg [dreg:$0xb];
	[tilespmem:s25+$0x0] =	vst v27  }
0x26c: {  	s2 =	sor.u32 s23, s2;
	v23 =	vor.u32 $0x9, v31;
	v18 =	vor.u32 $0x9, v9;
	v25 =	vor.u32 $0x5, v31;
	s12 =	smul.u32 $0x68000, s4;
	s4 =	sor.u32 s14, s26;
	v37 =	vld.idx.msk [tilespmem:v28+s3+$0x0], $0xffff;
	[tilespmem:s1+$0x0] =	vst v36  }
0x26d: {  	s9 =	sor.u32 s13, s9;
	s17 =	sor.u32 s13, s26;
	v9 =	vor.u32 $0xF, v31;
	v15 =	vor.u32 $0xD, v31;
	v26 =	vor.u32 $0x4, v31;
	s15 =	sor.u32 s18, s15;
	[tilespmem:s4+$0x0] =	vst v19;
	v35 =	vld.idx.msk [tilespmem:v32+s3+$0x0], $0xffff  }
0x26e: {  	v12 =	vor.u32 $0xE, v31;
	v27 =	vor.u32 $0x8, v31;
	s25 =	rddreg [dreg:$0x2];
	s29 =	sadd.s32 s30, s12;
	s30 =	sor.u32 s5, s20;
	[tilespmem:s9+$0x0] =	vst v40;
	v32 =	vld.idx.msk [tilespmem:v39+s3+$0x0], $0xffff;
	v39 =	vor.u32 $0x3, v2  }
0x26f: {  	v28 =	vor.u32 $0xB, v31;
	s1 =	simm.s32 $0x6;
	v36 =	vor.u32 $0x8, v1;
	v19 =	vor.u32 $0xC, v31;
	v31 =	vld.idx.msk [tilespmem:v33+s3+$0x0], $0xffff;
	s9 =	simm.s32 $0x80;
	s21 =	sshrl.u32 s29, $0x3;
	[tilespmem:s30+$0x0] =	vst v38  }
0x270: {  	v33 =	vor.u32 $0xD, v0;
	s29 =	sor.u32 s23, s28;
	s28 =	sadd.s32 $0x4F80, s22;
	s23 =	sadd.s32 s25, s21;
	v38 =	vld.idx.msk [tilespmem:v41+s3+$0x0], $0xffff  }
.LBB2_7:
0x271: {  	s1 =	sadd.s32 $0x2, s1;
	s20 =	sor.u32 s31, s28;
	[tilespmem:s15+$0x0] =	vst v34;
	s21 =	sadd.s32 $0x5200, s24;
	v34 =	vld.idx.msk [tilespmem:v13+s3+$0x0], $0xffff;
	v13 =	vmov v16;
	v16 =	vmov v28  }
0x272: {  	s4 =	sadd.s32 $0x5480, s16;
	s15 =	sshll.u32 s1, $0x4;
	[tilespmem:s20+$0x0] =	vst v37;
	v28 =	vld.idx.msk [tilespmem:v22+s3+$0x0], $0xffff;
	s20 =	sor.u32 s19, s21;
	v22 =	vmov v30  }
0x273: {  	s26 =	sand.u32 $0x60, s9;
	s15 =	sand.u32 $0x3FFFFF80, s15;
	v30 =	vld.idx.msk [tilespmem:v39+s3+$0x0], $0xffff;
	[tilespmem:s20+$0x0] =	vst v35;
	s20 =	sor.u32 s14, s4  }
0x274: {  	s28 =	sor.u32 s5, s28;
	s25 =	sadd.s32 $0x3E80, s15;
	s15 =	sor.u32 $0x10, s26;
	v35 =	vld.idx.msk [tilespmem:v36+s3+$0x0], $0xffff;
	[tilespmem:s20+$0x0] =	vst v32  }
0x275: {  	s21 =	sor.u32 s18, s21;
	v32 =	vor.u32 $0x4, v2;
	s30 =	sor.u32 s26, s25;
	s20 =	sor.u32 s15, s25;
	v33 =	vld.idx.msk [tilespmem:v33+s3+$0x0], $0xffff;
	[tilespmem:s2+$0x0] =	vst v31  }
0x276: {  	p0 =	slt.u32 s1, $0x66;
	v36 =	vor.u32 $0x9, v1;
	v31 =	vld [tilespmem:s20+$0x0];
	[tilespmem:s28+$0x0] =	vst v38;
	s20 =	sor.u32 s13, s4  }
0x277: {  	s2 =	sadd.s32 $0x5000, s22;
	v37 =	vld [tilespmem:s30+$0x0];
	[tilespmem:s17+$0x0] =	vst v34;
	v34 =	vor.u32 $0xE, v0  }
0x278: {  	s4 =	sor.u32 s5, s2;
	s2 =	sor.u32 s31, s2;
	s17 =	sadd.s32 $0x5280, s24;
	v38 =	vld.idx.msk [tilespmem:v29+s3+$0x0], $0xffff;
	[tilespmem:s21+$0x0] =	vst v28  }
0x279: {  	s21 =	sadd.s32 $0x5500, s16;
	[tilespmem:s2+$0x0] =	vst v30;
	v28 =	vld.idx.msk [tilespmem:v20+s3+$0x0], $0xffff;
	s2 =	sor.u32 s18, s17;
	s17 =	sor.u32 s19, s17;
	v20 =	vmov v27  }
0x27a: {  	s28 =	sor.u32 s13, s21;
	v32 =	vld.idx.msk [tilespmem:v32+s3+$0x0], $0xffff;
	[tilespmem:s17+$0x0] =	vst v35;
	s17 =	sor.u32 s14, s21  }
0x27b: {  	v31 =	vshll.u32 v31, $0x4;
	v35 =	vld.idx.msk [tilespmem:v36+s3+$0x0], $0xffff;
	[tilespmem:s17+$0x0] =	vst v33  }
0x27c: {  	v36 =	vshll.u32 v37, $0x4;
	v37 =	vor.u32 $0x5, v2;
	v34 =	vld.idx.msk [tilespmem:v34+s3+$0x0], $0xffff  }
0x27d: {  	v40 =	vor.u32 $0xA, v1;
	v39 =	vor.u32 $0x1, v36;
	v33 =	vor.u32 $0x2, v36;
	v41 =	vld.idx.msk [tilespmem:v10+s3+$0x0], $0xffff;
	v10 =	vmovc v14;
	v14 =	vmovc v19  }
0x27e: {  	v29 =	vor.u32 $0x3, v36;
	v19 =	vor.u32 $0x4, v36;
	[tilespmem:s4+$0x0] =	vst v38;
	s4 =	sadd.s32 $0x5080, s22;
	v38 =	vor.u32 $0xF, v0;
	v42 =	vld.idx.msk [tilespmem:v5+s3+$0x0], $0xffff;
	v0 =	vmovc v1;
	v1 =	vmovc v2  }
0x27f: {  	v43 =	vor.u32 $0x5, v36;
	v44 =	vor.u32 $0x6, v36;
	v30 =	vor.u32 $0x7, v36;
	v2 =	vmovc v31;
	v45 =	vld.idx.msk [tilespmem:v26+s3+$0x0], $0xffff;
	s21 =	sor.u32 s5, s4;
	s4 =	sor.u32 s31, s4;
	[tilespmem:s2+$0x0] =	vst v28;
	s2 =	sadd.s32 $0x5300, s24;
	v26 =	vmovc v19  }
0x280: {  	v27 =	vor.u32 $0x8, v36;
	v46 =	vor.u32 $0x9, v36;
	v47 =	vor.u32 $0xA, v36;
	v5 =	vmovc v3;
	v3 =	vmovc v6;
	v31 =	vld.idx.msk [tilespmem:v31+s3+$0x0], $0xffff;
	[tilespmem:s4+$0x0] =	vst v32;
	s17 =	sor.u32 s18, s2;
	s2 =	sor.u32 s19, s2;
	s4 =	sadd.s32 $0x5580, s16  }
0x281: {  	v6 =	vmovc v9;
	v28 =	vor.u32 $0xB, v36;
	v19 =	vor.u32 $0xC, v36;
	v32 =	vor.u32 $0xD, v36;
	v37 =	vld.idx.msk [tilespmem:v37+s3+$0x0], $0xffff;
	[tilespmem:s2+$0x0] =	vst v35;
	s2 =	sor.u32 s13, s4;
	s4 =	sor.u32 s14, s4  }
0x282: {  	s25 =	sshll.u32 s1, $0x8;
	v48 =	vor.u32 $0xE, v36;
	v9 =	vor.u32 $0xF, v36;
	v35 =	vor.u32 $0x1, v2;
	v40 =	vld.idx.msk [tilespmem:v40+s3+$0x0], $0xffff;
	[tilespmem:s4+$0x0] =	vst v34  }
0x283: {  	s4 =	sand.u32 $0x3FFFF800, s25;
	v34 =	vor.u32 $0x6, v1;
	[tilespmem:s20+$0x0] =	vst v41;
	v38 =	vld.idx.msk [tilespmem:v38+s3+$0x0], $0xffff  }
0x284: {  	s20 =	sadd.s32 $0x4E80, s4;
	v41 =	vor.u32 $0xB, v0;
	v36 =	vld.idx.msk [tilespmem:v36+s3+$0x0], $0xffff;
	[tilespmem:s29+$0x0] =	vst v42  }
0x285: {  	s25 =	sor.u32 s26, s20;
	s20 =	sor.u32 s15, s20;
	[tilespmem:s21+$0x0] =	vst v45;
	s21 =	sadd.s32 $0x5100, s22;
	v42 =	vld.idx.msk [tilespmem:v18+s3+$0x0], $0xffff;
	v18 =	vmov v23;
	v23 =	vmov v46  }
0x286: {  	[tilespmem:s20+$0x0] =	vst v31;
	v31 =	vld.idx.msk [tilespmem:v25+s3+$0x0], $0xffff;
	s30 =	sor.u32 s5, s21;
	s20 =	sor.u32 s31, s21;
	s21 =	sadd.s32 $0x5380, s24;
	v25 =	vmov v43  }
0x287: {  	s16 =	sadd.s32 $0x5600, s16;
	v35 =	vld.idx.msk [tilespmem:v35+s3+$0x0], $0xffff;
	[tilespmem:s20+$0x0] =	vst v37;
	s20 =	sor.u32 s18, s21;
	s21 =	sor.u32 s19, s21  }
0x288: {  	s14 =	sor.u32 s14, s16;
	s29 =	sor.u32 s13, s16;
	s13 =	smov.u32 s18;
	v43 =	vld.idx.msk [tilespmem:v34+s3+$0x0], $0xffff;
	[tilespmem:s21+$0x0] =	vst v40  }
0x289: {  	v37 =	vor.u32 $0x2, v2;
	s18 =	smov.u32 s5;
	s5 =	smov.u32 s26;
	v40 =	vld.idx.msk [tilespmem:v41+s3+$0x0], $0xffff;
	[tilespmem:s14+$0x0] =	vst v38;
	s14 =	smov.u32 s19  }
0x28a: {  	s16 =	smov.u32 s24;
	s19 =	smov.u32 s31;
	s31 =	smov.u32 s15;
	[tilespmem:s25+$0x0] =	vst v36;
	v36 =	vor.u32 $0x7, v1;
	v38 =	vld.idx.msk [tilespmem:v8+s3+$0x0], $0xffff;
	v8 =	vmovc v11;
	v11 =	vmov v15;
	v15 =	vmov v32  }
0x28b: {  	s24 =	smov.u32 s22;
	s22 =	smov.u32 s4;
	s15 =	sadd.s32 $0x4F00, s4;
	v32 =	vor.u32 $0xC, v0;
	v41 =	vld.idx.msk [tilespmem:v39+s3+$0x0], $0xffff;
	[tilespmem:s17+$0x0] =	vst v42  }
0x28c: {  	s4 =	sor.u32 s5, s15;
	s15 =	sor.u32 s31, s15;
	s17 =	sadd.s32 $0x5180, s24;
	[tilespmem:s30+$0x0] =	vst v31;
	v42 =	vld.idx.msk [tilespmem:v17+s3+$0x0], $0xffff;
	v17 =	vmov v21;
	v21 =	vmov v47  }
0x28d: {  	s21 =	sadd.s32 $0x5400, s16;
	[tilespmem:s15+$0x0] =	vst v35;
	v34 =	vld.idx.msk [tilespmem:v24+s3+$0x0], $0xffff;
	s15 =	sor.u32 s18, s17;
	s17 =	sor.u32 s19, s17;
	v24 =	vmov v44  }
.Ltmp2:
0x28e: {  	v37 =	vld.idx.msk [tilespmem:v37+s3+$0x0], $0xffff;
	[tilespmem:s17+$0x0] =	vst v43;
	s17 =	sor.u32 s13, s21;
	s21 =	sor.u32 s14, s21;
	(pc) =	sbr.rel @p0 .LBB2_7-.Ltmp2, $4  }
0x28f: {  	v35 =	vld.idx.msk [tilespmem:v36+s3+$0x0], $0xffff;
	[tilespmem:s21+$0x0] =	vst v40  }
0x290: {  	v39 =	vor.u32 $0x3, v2;
	v32 =	vld.idx.msk [tilespmem:v32+s3+$0x0], $0xffff;
	[tilespmem:s28+$0x0] =	vst v38  }
0x291: {  	v36 =	vor.u32 $0x8, v1;
	[tilespmem:s4+$0x0] =	vst v41;
	v31 =	vld.idx.msk [tilespmem:v4+s3+$0x0], $0xffff;
	v4 =	vmovc v7;
	v7 =	vmov v12;
	v12 =	vmov v48  }
0x292: {  	s9 =	sadd.s32 $0x20, s9;
	s28 =	sadd.s32 $0x4F80, s22;
	v38 =	vld.idx.msk [tilespmem:v33+s3+$0x0], $0xffff;
	[tilespmem:s20+$0x0] =	vst v42;
	v33 =	vor.u32 $0xD, v0  }
0x293: {  	_ =	sdelay $0x1  }
0x294: {  	s1 =	sor.u32 s31, s28  }
0x295: {  	[tilespmem:s1+$0x0] =	vst v37  }
0x296: {  	s4 =	sor.u32 s5, s28;
	v37 =	vld.idx.msk [tilespmem:v39+s3+$0x0], $0xffff  }
0x297: {  	v58 =	vor.u32 $0x4, v2;
	[tilespmem:s4+$0x0] =	vst v38  }
0x298: {  	v29 =	vld.idx.msk [tilespmem:v29+s3+$0x0], $0xffff  }
0x299: {  	s9 =	sadd.s32 $0x5000, s22  }
0x29a: {  	s4 =	sor.u32 s31, s9  }
0x29b: {  	[tilespmem:s4+$0x0] =	vst v37  }
0x29c: {  	s1 =	sor.u32 s5, s9;
	v37 =	vld.idx.msk [tilespmem:v58+s3+$0x0], $0xffff  }
0x29d: {  	[tilespmem:s1+$0x0] =	vst v29;
	v29 =	vor.u32 $0x5, v2  }
0x29e: {  	v26 =	vld.idx.msk [tilespmem:v26+s3+$0x0], $0xffff  }
0x29f: {  	s20 =	sadd.s32 $0x5080, s22  }
0x2a0: {  	s21 =	sor.u32 s31, s20  }
0x2a1: {  	[tilespmem:s21+$0x0] =	vst v37  }
0x2a2: {  	s1 =	sor.u32 s5, s20;
	v29 =	vld.idx.msk [tilespmem:v29+s3+$0x0], $0xffff  }
0x2a3: {  	[tilespmem:s1+$0x0] =	vst v26;
	v26 =	vor.u32 $0x6, v2  }
0x2a4: {  	v25 =	vld.idx.msk [tilespmem:v25+s3+$0x0], $0xffff  }
0x2a5: {  	s25 =	sadd.s32 $0x5100, s22  }
0x2a6: {  	s26 =	sor.u32 s31, s25  }
0x2a7: {  	[tilespmem:s26+$0x0] =	vst v29  }
0x2a8: {  	s1 =	sor.u32 s5, s25;
	v26 =	vld.idx.msk [tilespmem:v26+s3+$0x0], $0xffff  }
0x2a9: {  	[tilespmem:s1+$0x0] =	vst v25;
	v25 =	vor.u32 $0x7, v2  }
0x2aa: {  	v24 =	vld.idx.msk [tilespmem:v24+s3+$0x0], $0xffff  }
0x2ab: {  	s9 =	sadd.s32 $0x5180, s22  }
0x2ac: {  	[tilespmem:s15+$0x0] =	vst v34;
	s20 =	sor.u32 s31, s9  }
0x2ad: {  	v22 =	vld.idx.msk [tilespmem:v22+s3+$0x0], $0xffff;
	[tilespmem:s20+$0x0] =	vst v26  }
0x2ae: {  	s1 =	sor.u32 s5, s9;
	v25 =	vld.idx.msk [tilespmem:v25+s3+$0x0], $0xffff  }
0x2af: {  	s21 =	sadd.s32 $0x5200, s24;
	[tilespmem:s1+$0x0] =	vst v24;
	v24 =	vor.u32 $0x8, v2  }
0x2b0: {  	s25 =	sor.u32 s19, s21;
	v26 =	vld.idx.msk [tilespmem:v30+s3+$0x0], $0xffff  }
0x2b1: {  	[tilespmem:s25+$0x0] =	vst v35;
	s26 =	sadd.s32 $0x5200, s22;
	s1 =	sor.u32 s18, s21  }
0x2b2: {  	v29 =	vld.idx.msk [tilespmem:v36+s3+$0x0], $0xffff;
	s9 =	sor.u32 s31, s26;
	[tilespmem:s1+$0x0] =	vst v22  }
0x2b3: {  	v22 =	vor.u32 $0x9, v1;
	v20 =	vld.idx.msk [tilespmem:v20+s3+$0x0], $0xffff;
	[tilespmem:s9+$0x0] =	vst v25  }
0x2b4: {  	s15 =	sor.u32 s5, s26;
	v24 =	vld.idx.msk [tilespmem:v24+s3+$0x0], $0xffff  }
0x2b5: {  	s20 =	sadd.s32 $0x5280, s24;
	v25 =	vor.u32 $0x9, v2;
	[tilespmem:s15+$0x0] =	vst v26  }
0x2b6: {  	s21 =	sor.u32 s19, s20;
	v26 =	vld.idx.msk [tilespmem:v27+s3+$0x0], $0xffff  }
0x2b7: {  	s25 =	sadd.s32 $0x5280, s22;
	s1 =	sor.u32 s18, s20;
	[tilespmem:s21+$0x0] =	vst v29  }
0x2b8: {  	s26 =	sor.u32 s31, s25;
	v22 =	vld.idx.msk [tilespmem:v22+s3+$0x0], $0xffff;
	[tilespmem:s1+$0x0] =	vst v20  }
0x2b9: {  	v20 =	vor.u32 $0xA, v1;
	v18 =	vld.idx.msk [tilespmem:v18+s3+$0x0], $0xffff;
	[tilespmem:s26+$0x0] =	vst v24  }
0x2ba: {  	s4 =	sor.u32 s5, s25;
	v24 =	vld.idx.msk [tilespmem:v25+s3+$0x0], $0xffff  }
0x2bb: {  	v25 =	vor.u32 $0xA, v2;
	[tilespmem:s4+$0x0] =	vst v26;
	s4 =	sadd.s32 $0x5300, s24  }
0x2bc: {  	v23 =	vld.idx.msk [tilespmem:v23+s3+$0x0], $0xffff;
	s9 =	sor.u32 s19, s4  }
0x2bd: {  	v13 =	vld.idx.msk [tilespmem:v13+s3+$0x0], $0xffff;
	s15 =	sadd.s32 $0x5300, s22;
	s1 =	sor.u32 s18, s4;
	[tilespmem:s9+$0x0] =	vst v22  }
0x2be: {  	s20 =	sor.u32 s31, s15;
	[tilespmem:s1+$0x0] =	vst v18;
	v20 =	vld.idx.msk [tilespmem:v20+s3+$0x0], $0xffff  }
0x2bf: {  	v18 =	vor.u32 $0xB, v1;
	v17 =	vld.idx.msk [tilespmem:v17+s3+$0x0], $0xffff;
	[tilespmem:s20+$0x0] =	vst v24  }
0x2c0: {  	s4 =	sor.u32 s5, s15;
	v22 =	vld.idx.msk [tilespmem:v25+s3+$0x0], $0xffff  }
0x2c1: {  	s9 =	sadd.s32 $0x5380, s24;
	[tilespmem:s4+$0x0] =	vst v23;
	v23 =	vor.u32 $0xB, v2  }
0x2c2: {  	[tilespmem:s17+$0x0] =	vst v13;
	s25 =	sor.u32 s19, s9;
	v21 =	vld.idx.msk [tilespmem:v21+s3+$0x0], $0xffff  }
0x2c3: {  	s26 =	sadd.s32 $0x5380, s22;
	s9 =	sor.u32 s18, s9;
	[tilespmem:s25+$0x0] =	vst v20  }
0x2c4: {  	s15 =	sor.u32 s31, s26;
	s1 =	sadd.s32 $0x5480, s16;
	[tilespmem:s9+$0x0] =	vst v17;
	v18 =	vld.idx.msk [tilespmem:v18+s3+$0x0], $0xffff  }
0x2c5: {  	s21 =	sor.u32 s14, s1;
	v17 =	vor.u32 $0xC, v1;
	v16 =	vld.idx.msk [tilespmem:v16+s3+$0x0], $0xffff;
	[tilespmem:s15+$0x0] =	vst v22  }
0x2c6: {  	[tilespmem:s21+$0x0] =	vst v32;
	s4 =	sor.u32 s5, s26;
	v20 =	vld.idx.msk [tilespmem:v23+s3+$0x0], $0xffff  }
0x2c7: {  	v10 =	vld.idx.msk [tilespmem:v10+s3+$0x0], $0xffff;
	s20 =	sadd.s32 $0x5400, s24;
	[tilespmem:s4+$0x0] =	vst v21;
	v21 =	vor.u32 $0xC, v2  }
0x2c8: {  	[tilespmem:s2+$0x0] =	vst v31;
	s21 =	sor.u32 s19, s20;
	v23 =	vld.idx.msk [tilespmem:v33+s3+$0x0], $0xffff  }
0x2c9: {  	v13 =	vor.u32 $0xE, v0;
	s2 =	sor.u32 s18, s20;
	s25 =	sadd.s32 $0x5400, s22;
	v22 =	vld.idx.msk [tilespmem:v28+s3+$0x0], $0xffff;
	[tilespmem:s21+$0x0] =	vst v18  }
0x2ca: {  	s26 =	sor.u32 s31, s25;
	[tilespmem:s2+$0x0] =	vst v16;
	v17 =	vld.idx.msk [tilespmem:v17+s3+$0x0], $0xffff  }
0x2cb: {  	s1 =	sor.u32 s13, s1;
	s9 =	sadd.s32 $0x5500, s16;
	v16 =	vor.u32 $0xD, v1;
	v14 =	vld.idx.msk [tilespmem:v14+s3+$0x0], $0xffff;
	[tilespmem:s26+$0x0] =	vst v20  }
0x2cc: {  	[tilespmem:s1+$0x0] =	vst v10;
	s15 =	sor.u32 s14, s9;
	v18 =	vld.idx.msk [tilespmem:v21+s3+$0x0], $0xffff  }
0x2cd: {  	s17 =	sadd.s32 $0x5480, s24;
	v8 =	vld.idx.msk [tilespmem:v8+s3+$0x0], $0xffff;
	s4 =	sor.u32 s5, s25;
	[tilespmem:s15+$0x0] =	vst v23;
	v20 =	vor.u32 $0xD, v2  }
0x2ce: {  	s20 =	sor.u32 s19, s17;
	v13 =	vld.idx.msk [tilespmem:v13+s3+$0x0], $0xffff;
	[tilespmem:s4+$0x0] =	vst v22  }
0x2cf: {  	s25 =	sadd.s32 $0x5480, s22;
	s21 =	sor.u32 s18, s17;
	v19 =	vld.idx.msk [tilespmem:v19+s3+$0x0], $0xffff;
	[tilespmem:s20+$0x0] =	vst v17  }
0x2d0: {  	s26 =	sor.u32 s31, s25;
	[tilespmem:s21+$0x0] =	vst v14;
	v10 =	vld.idx.msk [tilespmem:v16+s3+$0x0], $0xffff  }
0x2d1: {  	s4 =	sadd.s32 $0x5580, s16;
	v14 =	vor.u32 $0xE, v1;
	s20 =	sor.u32 s13, s9;
	v11 =	vld.idx.msk [tilespmem:v11+s3+$0x0], $0xffff;
	[tilespmem:s26+$0x0] =	vst v18  }
0x2d2: {  	s17 =	sor.u32 s14, s4;
	[tilespmem:s20+$0x0] =	vst v8;
	v16 =	vld.idx.msk [tilespmem:v20+s3+$0x0], $0xffff  }
0x2d3: {  	v5 =	vld.idx.msk [tilespmem:v5+s3+$0x0], $0xffff;
	s15 =	sor.u32 s5, s25;
	s21 =	sadd.s32 $0x5500, s24;
	[tilespmem:s17+$0x0] =	vst v13;
	v13 =	vor.u32 $0xE, v2  }
0x2d4: {  	s25 =	sor.u32 s19, s21;
	v4 =	vld.idx.msk [tilespmem:v4+s3+$0x0], $0xffff;
	[tilespmem:s15+$0x0] =	vst v19  }
0x2d5: {  	s2 =	sor.u32 s18, s21;
	s26 =	sadd.s32 $0x5500, s22;
	v15 =	vld.idx.msk [tilespmem:v15+s3+$0x0], $0xffff;
	[tilespmem:s25+$0x0] =	vst v10  }
0x2d6: {  	s9 =	sor.u32 s31, s26;
	[tilespmem:s2+$0x0] =	vst v11;
	v8 =	vld.idx.msk [tilespmem:v14+s3+$0x0], $0xffff  }
0x2d7: {  	v0 =	vor.u32 $0xF, v0;
	v7 =	vld.idx.msk [tilespmem:v7+s3+$0x0], $0xffff;
	[tilespmem:s9+$0x0] =	vst v16  }
0x2d8: {  	[tilespmem:s29+$0x0] =	vst v5;
	s15 =	sor.u32 s13, s4;
	v10 =	vld.idx.msk [tilespmem:v13+s3+$0x0], $0xffff  }
0x2d9: {  	v1 =	vor.u32 $0xF, v1;
	s17 =	sadd.s32 $0x5580, s24;
	s1 =	sor.u32 s5, s26;
	[tilespmem:s15+$0x0] =	vst v4  }
0x2da: {  	s20 =	sor.u32 s19, s17;
	[tilespmem:s1+$0x0] =	vst v15  }
0x2db: {  	s21 =	sadd.s32 $0x5580, s22;
	v2 =	vor.u32 $0xF, v2;
	s2 =	sor.u32 s18, s17;
	v5 =	vld.idx.msk [tilespmem:v12+s3+$0x0], $0xffff;
	[tilespmem:s20+$0x0] =	vst v8  }
0x2dc: {  	v0 =	vld.idx.msk [tilespmem:v0+s3+$0x0], $0xffff;
	s25 =	sor.u32 s31, s21;
	[tilespmem:s2+$0x0] =	vst v7  }
0x2dd: {  	v3 =	vld.idx.msk [tilespmem:v3+s3+$0x0], $0xffff;
	[tilespmem:s25+$0x0] =	vst v10  }
0x2de: {  	v1 =	vld.idx.msk [tilespmem:v1+s3+$0x0], $0xffff;
	s2 =	rddreg [dreg:$0x5]  }
0x2df: {  	s26 =	sadd.s32 $0x5600, s16;
	s1 =	sor.u32 s5, s21;
	v4 =	vld.idx.msk [tilespmem:v6+s3+$0x0], $0xffff;
	s2 =	sadd.s32 s2, s11  }
0x2e0: {  	s29 =	sor.u32 s13, s26;
	s4 =	sor.u32 s14, s26;
	v2 =	vld.idx.msk [tilespmem:v2+s3+$0x0], $0xffff;
	[tilespmem:s1+$0x0] =	vst v5;
	s13 =	sshll.u32 s2, $0xA  }
0x2e1: {  	s14 =	sadd.s32 $0x5600, s24;
	[tilespmem:s4+$0x0] =	vst v0;
	v0 =	vld.idx.msk [tilespmem:v9+s3+$0x0], $0xffff;
	s2 =	sshll.u32 s2, $0x7;
	s1 =	sand.u32 $0xE000, s13  }
0x2e2: {  	s15 =	sor.u32 s19, s14;
	[tilespmem:s29+$0x0] =	vst v3;
	s2 =	sand.u32 $0x380, s2;
	s1 =	sadd.s32 s7, s1  }
0x2e3: {  	s16 =	sadd.s32 $0x5600, s22;
	s4 =	sor.u32 s18, s14;
	[tilespmem:s15+$0x0] =	vst v1;
	s1 =	sor.u32 s2, s1  }
0x2e4: {  	s22 =	simm.s32 $0x400;
	s17 =	sor.u32 s31, s16;
	[tilespmem:s4+$0x0] =	vst v4;
	s1 =	sor.u32 s8, s1  }
0x2e5: {  	s19 =	simm.s32 $0x80;
	s18 =	sor.u32 s5, s16;
	[tilespmem:s17+$0x0] =	vst v2;
	s1 =	sshrl.u32 s1, $0x3  }
0x2e6: {  	s21 =	simm.s32 $0x3E80;
	s20 =	simm.s32 $0xE000;
	[tilespmem:s18+$0x0] =	vst v0;
	s1 =	sadd.s32 s0, s1  }
0x2e7: {  	[tilespmem:s21], [sflag:$0x2] =	stream.strided.gather [hbm4b:s1+s19], $0x680, s20, s19, $0x38;
	[tilespmem:$0x11E80] =	vst v63  }
0x2e8: {  	s24 =	simm.s32 $0x2000;
	s26 =	simm.s32 $0x5;
	s25 =	simm.s32 $0x4E80  }
0x2e9: {  	[hbm4b:s23+s22] =	stream.strided.scatter [tilespmem:s25], [sflag:$0x4], $0x6800, s24, s22, $0x38;
	[tilespmem:$0x11E80] =	vst v63  }
0x2ea: {  	_ =	swait.ge [sflag:s26], $0x6800  }
0x2eb: {  	s30 =	smov.u32 s0;
	s29 =	simm.s32 $0x0;
	[sflag:s26] =	ssyncset.done $0x0  }
0x2ec: {  	s4 =	simm.s32 $0x3;
	s0 =	simm.s32 $0x0;
	[sflag:s26] =	ssyncadd.s32 $0xFFFF9800  }
0x2ed: {  	s5 =	sand.u32 $0x3FFFFF80, s0;
	s23 =	sand.u32 $0x60, s29;
	_ =	swait.ge [sflag:s4], $0x680  }
0x2ee: {  	s1 =	sadd.s32 $0x4680, s5;
	s29 =	sor.u32 $0x10, s23;
	[sflag:s4] =	ssyncset.done $0x0  }
0x2ef: {  	s9 =	sor.u32 s29, s1;
	[sflag:s4] =	ssyncadd.s32 $0xFFFFF980  }
0x2f0: {  	v0 =	vld [tilespmem:s9+$0x0];
	_ =	sdelay $0x4  }
0x2f1: {  	v4 =	vshll.u32 v0, $0x4;
	_ =	sdelay $0x1  }
0x2f2: {  	s1 =	sor.u32 s23, s1  }
0x2f3: {  	v0 =	vld [tilespmem:s1+$0x0];
	_ =	sdelay $0x1  }
0x2f4: {  	v1 =	vld.idx.msk [tilespmem:v4+s3+$0x0], $0xffff  }
0x2f5: {  	s13 =	simm.s32 $0x0;
	v2 =	vor.u32 $0x1, v4  }
0x2f6: {  	s2 =	sand.u32 $0x3FFFF800, s13  }
0x2f7: {  	s1 =	sadd.s32 $0xB680, s2;
	v3 =	vshll.u32 v0, $0x4  }
0x2f8: {  	s14 =	sor.u32 s29, s1  }
0x2f9: {  	[tilespmem:s14+$0x0] =	vst v1  }
0x2fa: {  	v0 =	vld.idx.msk [tilespmem:v2+s3+$0x0], $0xffff  }
0x2fb: {  	v1 =	vor.u32 $0x2, v4  }
0x2fc: {  	v2 =	vld.idx.msk [tilespmem:v3+s3+$0x0], $0xffff  }
0x2fd: {  	s15 =	sadd.s32 $0xB700, s2;
	v5 =	vor.u32 $0x1, v3  }
0x2fe: {  	s16 =	sor.u32 s29, s15  }
0x2ff: {  	[tilespmem:s16+$0x0] =	vst v0  }
0x300: {  	s1 =	sor.u32 s23, s1;
	v0 =	vld.idx.msk [tilespmem:v1+s3+$0x0], $0xffff  }
0x301: {  	[tilespmem:s1+$0x0] =	vst v2;
	v1 =	vor.u32 $0x3, v4  }
0x302: {  	v2 =	vld.idx.msk [tilespmem:v5+s3+$0x0], $0xffff  }
0x303: {  	s17 =	sadd.s32 $0xB780, s2;
	s18 =	simm.s32 $0x20;
	s19 =	simm.s32 $0x20;
	v5 =	vor.u32 $0x2, v3  }
0x304: {  	s13 =	sand.u32 $0x60, s18;
	s21 =	sand.u32 $0x3FFFFF80, s19;
	s20 =	sor.u32 s29, s17  }
0x305: {  	s5 =	sadd.s32 $0x4680, s21;
	s14 =	sor.u32 $0x10, s13;
	[tilespmem:s20+$0x0] =	vst v0  }
0x306: {  	s4 =	sor.u32 s23, s15;
	s22 =	sor.u32 s14, s5;
	v0 =	vld.idx.msk [tilespmem:v1+s3+$0x0], $0xffff  }
0x307: {  	[tilespmem:s4+$0x0] =	vst v2;
	v2 =	vld [tilespmem:s22+$0x0];
	v1 =	vor.u32 $0x4, v4  }
0x308: {  	v5 =	vld.idx.msk [tilespmem:v5+s3+$0x0], $0xffff  }
0x309: {  	s24 =	sadd.s32 $0xB800, s2;
	v6 =	vor.u32 $0x3, v3  }
0x30a: {  	s25 =	sor.u32 s29, s24;
	s5 =	sor.u32 s13, s5  }
0x30b: {  	v7 =	vld [tilespmem:s5+$0x0];
	[tilespmem:s25+$0x0] =	vst v0  }
0x30c: {  	s1 =	sor.u32 s23, s17;
	v0 =	vshll.u32 v2, $0x4;
	v1 =	vld.idx.msk [tilespmem:v1+s3+$0x0], $0xffff  }
0x30d: {  	[tilespmem:s1+$0x0] =	vst v5;
	v2 =	vor.u32 $0x5, v4  }
0x30e: {  	v6 =	vld.idx.msk [tilespmem:v6+s3+$0x0], $0xffff  }
0x30f: {  	s26 =	sadd.s32 $0xB880, s2;
	v8 =	vor.u32 $0x4, v3  }
0x310: {  	s0 =	sor.u32 s29, s26  }
0x311: {  	v5 =	vshll.u32 v7, $0x4;
	v7 =	vld.idx.msk [tilespmem:v0+s3+$0x0], $0xffff;
	[tilespmem:s0+$0x0] =	vst v1  }
0x312: {  	s9 =	simm.s32 $0x200;
	s4 =	sor.u32 s23, s24;
	v1 =	vld.idx.msk [tilespmem:v2+s3+$0x0], $0xffff;
	v2 =	vor.u32 $0x1, v0  }
0x313: {  	s16 =	sand.u32 $0x3FFFF800, s9;
	[tilespmem:s4+$0x0] =	vst v6;
	v6 =	vor.u32 $0x6, v4  }
0x314: {  	s15 =	sadd.s32 $0xB680, s16;
	v8 =	vld.idx.msk [tilespmem:v8+s3+$0x0], $0xffff  }
0x315: {  	s18 =	sadd.s32 $0xB900, s2;
	v9 =	vor.u32 $0x5, v3;
	s17 =	sor.u32 s14, s15  }
0x316: {  	s19 =	sor.u32 s29, s18;
	v10 =	vld.idx.msk [tilespmem:v5+s3+$0x0], $0xffff;
	[tilespmem:s17+$0x0] =	vst v7  }
0x317: {  	v7 =	vor.u32 $0x1, v5;
	v2 =	vld.idx.msk [tilespmem:v2+s3+$0x0], $0xffff;
	[tilespmem:s19+$0x0] =	vst v1  }
0x318: {  	s1 =	sor.u32 s23, s26;
	v1 =	vld.idx.msk [tilespmem:v6+s3+$0x0], $0xffff;
	v6 =	vor.u32 $0x2, v0  }
0x319: {  	[tilespmem:s1+$0x0] =	vst v8;
	v8 =	vor.u32 $0x7, v4  }
0x31a: {  	s21 =	sadd.s32 $0xB700, s16;
	s20 =	sor.u32 s13, s15;
	v9 =	vld.idx.msk [tilespmem:v9+s3+$0x0], $0xffff  }
0x31b: {  	v11 =	vor.u32 $0x6, v3;
	s5 =	sadd.s32 $0xB980, s2;
	s22 =	sor.u32 s14, s21;
	[tilespmem:s20+$0x0] =	vst v10  }
0x31c: {  	s24 =	sor.u32 s29, s5;
	v7 =	vld.idx.msk [tilespmem:v7+s3+$0x0], $0xffff;
	[tilespmem:s22+$0x0] =	vst v2  }
0x31d: {  	v2 =	vor.u32 $0x2, v5;
	v6 =	vld.idx.msk [tilespmem:v6+s3+$0x0], $0xffff;
	[tilespmem:s24+$0x0] =	vst v1  }
0x31e: {  	s25 =	sor.u32 s23, s18;
	v1 =	vld.idx.msk [tilespmem:v8+s3+$0x0], $0xffff;
	v8 =	vor.u32 $0x3, v0  }
0x31f: {  	[tilespmem:s25+$0x0] =	vst v9;
	v9 =	vor.u32 $0x8, v4  }
0x320: {  	s15 =	sadd.s32 $0xBA00, s2;
	s26 =	sor.u32 s13, s21;
	s0 =	sadd.s32 $0xB780, s16;
	v10 =	vld.idx.msk [tilespmem:v11+s3+$0x0], $0xffff  }
0x321: {  	s18 =	simm.s32 $0x40;
	s20 =	simm.s32 $0x40;
	s19 =	sor.u32 s14, s0;
	v11 =	vor.u32 $0x7, v3;
	[tilespmem:s26+$0x0] =	vst v7  }
0x322: {  	s21 =	sor.u32 s29, s15;
	s18 =	sand.u32 $0x60, s18;
	s22 =	sand.u32 $0x3FFFFF80, s20;
	v2 =	vld.idx.msk [tilespmem:v2+s3+$0x0], $0xffff;
	[tilespmem:s19+$0x0] =	vst v6  }
0x323: {  	s24 =	sadd.s32 $0x4680, s22;
	v6 =	vor.u32 $0x3, v5;
	s19 =	sor.u32 $0x10, s18;
	v7 =	vld.idx.msk [tilespmem:v8+s3+$0x0], $0xffff;
	[tilespmem:s21+$0x0] =	vst v1  }
0x324: {  	s5 =	sor.u32 s23, s5;
	s9 =	sor.u32 s19, s24;
	v1 =	vld.idx.msk [tilespmem:v9+s3+$0x0], $0xffff  }
0x325: {  	[tilespmem:s5+$0x0] =	vst v10;
	v8 =	vor.u32 $0x4, v0;
	v9 =	vld [tilespmem:s9+$0x0]  }
0x326: {  	s4 =	sor.u32 s13, s0;
	s1 =	sor.u32 s18, s24;
	v10 =	vld.idx.msk [tilespmem:v11+s3+$0x0], $0xffff;
	v11 =	vor.u32 $0x9, v4  }
0x327: {  	s25 =	sadd.s32 $0xB800, s16;
	[tilespmem:s4+$0x0] =	vst v2;
	v2 =	vld [tilespmem:s1+$0x0]  }
0x328: {  	v12 =	vor.u32 $0x8, v3;
	s0 =	sadd.s32 $0xBA80, s2;
	s26 =	sor.u32 s14, s25;
	v6 =	vld.idx.msk [tilespmem:v6+s3+$0x0], $0xffff  }
0x329: {  	v13 =	vor.u32 $0x4, v5;
	s9 =	sor.u32 s29, s0;
	[tilespmem:s26+$0x0] =	vst v7  }
0x32a: {  	v7 =	vld.idx.msk [tilespmem:v8+s3+$0x0], $0xffff;
	[tilespmem:s9+$0x0] =	vst v1;
	v1 =	vshll.u32 v9, $0x4  }
0x32b: {  	s17 =	sor.u32 s23, s15;
	v8 =	vld.idx.msk [tilespmem:v11+s3+$0x0], $0xffff;
	v11 =	vor.u32 $0x5, v0  }
0x32c: {  	s1 =	sor.u32 s13, s25;
	[tilespmem:s17+$0x0] =	vst v10;
	v10 =	vor.u32 $0xA, v4  }
0x32d: {  	s20 =	sadd.s32 $0xB880, s16;
	v12 =	vld.idx.msk [tilespmem:v12+s3+$0x0], $0xffff;
	v9 =	vshll.u32 v2, $0x4;
	[tilespmem:s1+$0x0] =	vst v6  }
0x32e: {  	s22 =	sadd.s32 $0xBB00, s2;
	s21 =	sor.u32 s14, s20;
	v2 =	vor.u32 $0x9, v3;
	v6 =	vld.idx.msk [tilespmem:v13+s3+$0x0], $0xffff  }
0x32f: {  	s24 =	sor.u32 s29, s22;
	v13 =	vor.u32 $0x5, v5;
	v14 =	vld.idx.msk [tilespmem:v1+s3+$0x0], $0xffff;
	[tilespmem:s21+$0x0] =	vst v7  }
0x330: {  	s25 =	simm.s32 $0x400;
	v7 =	vld.idx.msk [tilespmem:v11+s3+$0x0], $0xffff;
	[tilespmem:s24+$0x0] =	vst v8;
	v8 =	vor.u32 $0x1, v1  }
0x331: {  	s5 =	sor.u32 s23, s0;
	s24 =	sand.u32 $0x3FFFF800, s25;
	v11 =	vor.u32 $0x6, v0;
	v10 =	vld.idx.msk [tilespmem:v10+s3+$0x0], $0xffff  }
0x332: {  	v15 =	vor.u32 $0xB, v4;
	s1 =	sor.u32 s13, s20;
	[tilespmem:s5+$0x0] =	vst v12;
	v12 =	vld.idx.msk [tilespmem:v9+s3+$0x0], $0xffff;
	s4 =	sadd.s32 $0xB680, s24  }
0x333: {  	s0 =	sadd.s32 $0xB900, s16;
	v16 =	vor.u32 $0x1, v9;
	v2 =	vld.idx.msk [tilespmem:v2+s3+$0x0], $0xffff;
	s26 =	sor.u32 s19, s4;
	[tilespmem:s1+$0x0] =	vst v6  }
0x334: {  	s15 =	sadd.s32 $0xBB80, s2;
	s17 =	sor.u32 s14, s0;
	v6 =	vor.u32 $0xA, v3;
	[tilespmem:s26+$0x0] =	vst v14;
	v13 =	vld.idx.msk [tilespmem:v13+s3+$0x0], $0xffff  }
0x335: {  	s20 =	sor.u32 s29, s15;
	v14 =	vor.u32 $0x6, v5;
	v8 =	vld.idx.msk [tilespmem:v8+s3+$0x0], $0xffff;
	[tilespmem:s17+$0x0] =	vst v7  }
0x336: {  	s4 =	sor.u32 s18, s4;
	v7 =	vld.idx.msk [tilespmem:v11+s3+$0x0], $0xffff;
	[tilespmem:s20+$0x0] =	vst v10;
	v10 =	vor.u32 $0x2, v1  }
0x337: {  	s21 =	sor.u32 s23, s22;
	[tilespmem:s4+$0x0] =	vst v12;
	v12 =	vor.u32 $0x7, v0;
	v11 =	vld.idx.msk [tilespmem:v15+s3+$0x0], $0xffff  }
0x338: {  	s22 =	sadd.s32 $0xB700, s24;
	s1 =	sor.u32 s13, s0;
	[tilespmem:s21+$0x0] =	vst v2;
	v2 =	vor.u32 $0xC, v4;
	v15 =	vld.idx.msk [tilespmem:v16+s3+$0x0], $0xffff  }
0x339: {  	s25 =	sor.u32 s19, s22;
	s26 =	sadd.s32 $0xB980, s16;
	v16 =	vor.u32 $0x2, v9;
	v6 =	vld.idx.msk [tilespmem:v6+s3+$0x0], $0xffff;
	[tilespmem:s1+$0x0] =	vst v13  }
0x33a: {  	s9 =	sadd.s32 $0xBC00, s2;
	s0 =	sor.u32 s14, s26;
	v13 =	vor.u32 $0xB, v3;
	[tilespmem:s25+$0x0] =	vst v8;
	v8 =	vld.idx.msk [tilespmem:v14+s3+$0x0], $0xffff  }
0x33b: {  	s17 =	sor.u32 s29, s9;
	v14 =	vor.u32 $0x7, v5;
	v10 =	vld.idx.msk [tilespmem:v10+s3+$0x0], $0xffff;
	[tilespmem:s0+$0x0] =	vst v7  }
0x33c: {  	s4 =	sor.u32 s18, s22;
	s20 =	sor.u32 s23, s15;
	v7 =	vld.idx.msk [tilespmem:v12+s3+$0x0], $0xffff;
	[tilespmem:s17+$0x0] =	vst v11  }
0x33d: {  	s21 =	simm.s32 $0x60;
	s1 =	sor.u32 s13, s26;
	s26 =	simm.s32 $0x60;
	v11 =	vor.u32 $0x3, v1;
	[tilespmem:s4+$0x0] =	vst v15;
	v2 =	vld.idx.msk [tilespmem:v2+s3+$0x0], $0xffff  }
0x33e: {  	s5 =	sand.u32 $0x60, s21;
	v12 =	vor.u32 $0x8, v0;
	s4 =	sadd.s32 $0xB780, s24;
	s17 =	sand.u32 $0x3FFFFF80, s26;
	v15 =	vld.idx.msk [tilespmem:v16+s3+$0x0], $0xffff;
	[tilespmem:s20+$0x0] =	vst v6  }
0x33f: {  	s31 =	sor.u32 $0x10, s5;
	v6 =	vor.u32 $0xD, v4;
	s22 =	sor.u32 s19, s4;
	s17 =	sadd.s32 $0x4680, s17;
	[tilespmem:s1+$0x0] =	vst v8;
	v8 =	vld.idx.msk [tilespmem:v13+s3+$0x0], $0xffff  }
0x340: {  	s25 =	sadd.s32 $0xBA00, s16;
	s21 =	sor.u32 s31, s17;
	[tilespmem:s22+$0x0] =	vst v10;
	v10 =	vld.idx.msk [tilespmem:v14+s3+$0x0], $0xffff  }
0x341: {  	s15 =	sadd.s32 $0xBC80, s2;
	s20 =	sor.u32 s14, s25;
	v13 =	vor.u32 $0x3, v9;
	v14 =	vld [tilespmem:s21+$0x0]  }
0x342: {  	s0 =	sor.u32 s29, s15;
	v11 =	vld.idx.msk [tilespmem:v11+s3+$0x0], $0xffff;
	[tilespmem:s20+$0x0] =	vst v7;
	v7 =	vor.u32 $0x8, v5  }
0x343: {  	s4 =	sor.u32 s18, s4;
	v12 =	vld.idx.msk [tilespmem:v12+s3+$0x0], $0xffff;
	[tilespmem:s0+$0x0] =	vst v2;
	v2 =	vor.u32 $0x4, v1  }
0x344: {  	s9 =	sor.u32 s23, s9;
	v16 =	vor.u32 $0x9, v0;
	s17 =	sor.u32 s5, s17;
	[tilespmem:s4+$0x0] =	vst v15;
	v6 =	vld.idx.msk [tilespmem:v6+s3+$0x0], $0xffff  }
0x345: {  	v18 =	vor.u32 $0xC, v3;
	s1 =	sor.u32 s13, s25;
	s21 =	sadd.s32 $0xB800, s24;
	v15 =	vld [tilespmem:s17+$0x0];
	[tilespmem:s9+$0x0] =	vst v8  }
0x346: {  	v17 =	vor.u32 $0xE, v4;
	s22 =	sor.u32 s19, s21;
	s20 =	sadd.s32 $0xBA80, s16;
	v13 =	vld.idx.msk [tilespmem:v13+s3+$0x0], $0xffff;
	[tilespmem:s1+$0x0] =	vst v10  }
0x347: {  	s25 =	sor.u32 s14, s20;
	v10 =	vor.u32 $0x4, v9;
	s1 =	sadd.s32 $0xBD00, s2;
	[tilespmem:s22+$0x0] =	vst v11;
	v7 =	vld.idx.msk [tilespmem:v7+s3+$0x0], $0xffff  }
0x348: {  	s26 =	sor.u32 s29, s1;
	v11 =	vld.idx.msk [tilespmem:v2+s3+$0x0], $0xffff;
	[tilespmem:s25+$0x0] =	vst v12;
	v2 =	vshll.u32 v14, $0x4  }
0x349: {  	v12 =	vld.idx.msk [tilespmem:v16+s3+$0x0], $0xffff;
	[tilespmem:s26+$0x0] =	vst v6;
	v6 =	vor.u32 $0x5, v1  }
0x34a: {  	s4 =	sor.u32 s18, s21;
	v31 =	vshll.u32 v15, $0x4;
	v16 =	vld.idx.msk [tilespmem:v18+s3+$0x0], $0xffff  }
0x34b: {  	s0 =	sadd.s32 $0xB880, s24;
	v14 =	vor.u32 $0xA, v0;
	v8 =	vld.idx.msk [tilespmem:v17+s3+$0x0], $0xffff;
	[tilespmem:s4+$0x0] =	vst v13  }
0x34c: {  	v21 =	vor.u32 $0xD, v3;
	s17 =	sadd.s32 $0xBB00, s16;
	s21 =	sor.u32 s19, s0;
	v10 =	vld.idx.msk [tilespmem:v10+s3+$0x0], $0xffff  }
0x34d: {  	v4 =	vor.u32 $0xF, v4;
	s22 =	sor.u32 s14, s17;
	v15 =	vld.idx.msk [tilespmem:v2+s3+$0x0], $0xffff;
	[tilespmem:s21+$0x0] =	vst v11  }
0x34e: {  	s15 =	sor.u32 s23, s15;
	v13 =	vor.u32 $0x9, v5;
	v17 =	vld.idx.msk [tilespmem:v6+s3+$0x0], $0xffff;
	[tilespmem:s22+$0x0] =	vst v12  }
0x34f: {  	s20 =	sor.u32 s13, s20;
	s9 =	sadd.s32 $0xBD80, s2;
	s26 =	simm.s32 $0x600;
	v11 =	vor.u32 $0x5, v9;
	[tilespmem:s15+$0x0] =	vst v16;
	v16 =	vld.idx.msk [tilespmem:v31+s3+$0x0], $0xffff  }
0x350: {  	s25 =	sor.u32 s29, s9;
	[tilespmem:s20+$0x0] =	vst v7;
	v12 =	vor.u32 $0x1, v2;
	s22 =	sand.u32 $0x3FFFF800, s26;
	v14 =	vld.idx.msk [tilespmem:v14+s3+$0x0], $0xffff  }
0x351: {  	v59 =	vor.u32 $0xE, v3;
	v19 =	vor.u32 $0xB, v0;
	s4 =	sor.u32 s18, s0;
	v7 =	vor.u32 $0x6, v1;
	[tilespmem:s25+$0x0] =	vst v8;
	s0 =	sadd.s32 $0xB680, s22;
	v61 =	vld.idx.msk [tilespmem:v21+s3+$0x0], $0xffff  }
0x352: {  	v24 =	vor.u32 $0xA, v5;
	v63 =	vor.u32 $0xC, v0;
	v23 =	vor.u32 $0x1, v31;
	v18 =	vld.idx.msk [tilespmem:v4+s3+$0x0], $0xffff;
	s21 =	sor.u32 s31, s0;
	[tilespmem:s4+$0x0] =	vst v10;
	s4 =	sadd.s32 $0xB900, s24  }
0x353: {  	v60 =	vor.u32 $0x7, v1;
	v25 =	vor.u32 $0x6, v9;
	v22 =	vor.u32 $0x7, v9;
	v10 =	vld.idx.msk [tilespmem:v13+s3+$0x0], $0xffff;
	s25 =	sor.u32 s19, s4;
	[tilespmem:s21+$0x0] =	vst v15  }
0x354: {  	v20 =	vor.u32 $0x8, v9;
	v28 =	vor.u32 $0x2, v2;
	v41 =	vor.u32 $0x2, v31;
	s15 =	sadd.s32 $0xBB80, s16;
	s20 =	sor.u32 s5, s0;
	v15 =	vld.idx.msk [tilespmem:v11+s3+$0x0], $0xffff;
	[tilespmem:s25+$0x0] =	vst v17  }
0x355: {  	v29 =	vor.u32 $0x3, v31;
	v26 =	vor.u32 $0x4, v31;
	v30 =	vor.u32 $0x7, v31;
	s26 =	sor.u32 s14, s15;
	v12 =	vld.idx.msk [tilespmem:v12+s3+$0x0], $0xffff;
	s25 =	sadd.s32 $0xBE00, s2;
	[tilespmem:s20+$0x0] =	vst v16  }
0x356: {  	v39 =	vor.u32 $0x3, v2;
	v6 =	vor.u32 $0xF, v3;
	v3 =	vor.u32 $0xF, v5;
	[tilespmem:s26+$0x0] =	vst v14;
	v27 =	vld.idx.msk [tilespmem:v7+s3+$0x0], $0xffff;
	s2 =	sor.u32 s29, s25  }
0x357: {  	v8 =	vor.u32 $0xD, v5;
	v21 =	vor.u32 $0xA, v31;
	v13 =	vor.u32 $0xB, v5;
	s0 =	sor.u32 s13, s17;
	v62 =	vld.idx.msk [tilespmem:v23+s3+$0x0], $0xffff;
	[tilespmem:s2+$0x0] =	vst v18  }
0x358: {  	v4 =	vor.u32 $0xE, v5;
	s17 =	sadd.s32 $0xB700, s22;
	s4 =	sor.u32 s18, s4;
	v11 =	vor.u32 $0xC, v5;
	v5 =	vor.u32 $0xF, v9;
	v19 =	vld.idx.msk [tilespmem:v19+s3+$0x0], $0xffff;
	[tilespmem:s0+$0x0] =	vst v10  }
0x359: {  	s21 =	sor.u32 s31, s17;
	v17 =	vor.u32 $0xA, v9;
	v16 =	vor.u32 $0xB, v9;
	v14 =	vor.u32 $0xC, v9;
	v40 =	vld.idx.msk [tilespmem:v24+s3+$0x0], $0xffff;
	[tilespmem:s4+$0x0] =	vst v15;
	s4 =	sadd.s32 $0xB980, s24  }
0x35a: {  	s1 =	sor.u32 s23, s1;
	s28 =	sadd.s32 $0xB780, s22;
	v7 =	vor.u32 $0xE, v9;
	v23 =	vor.u32 $0x9, v31;
	v18 =	vor.u32 $0x9, v9;
	[tilespmem:s21+$0x0] =	vst v12;
	v34 =	vld.idx.msk [tilespmem:v25+s3+$0x0], $0xffff;
	s26 =	sor.u32 s19, s4  }
0x35b: {  	s20 =	sadd.s32 $0xBC00, s16;
	v10 =	vor.u32 $0xD, v9;
	s2 =	sor.u32 s23, s9;
	v9 =	vor.u32 $0xF, v31;
	v24 =	vor.u32 $0x6, v31;
	s29 =	rddreg [dreg:$0xd];
	v37 =	vld.idx.msk [tilespmem:v28+s3+$0x0], $0xffff;
	[tilespmem:s26+$0x0] =	vst v27  }
0x35c: {  	s23 =	sor.u32 s23, s25;
	s25 =	rddreg [dreg:$0x2];
	v15 =	vor.u32 $0xD, v31;
	v25 =	vor.u32 $0x5, v31;
	s21 =	sor.u32 s14, s20;
	v12 =	vor.u32 $0xE, v31;
	[tilespmem:s1+$0x0] =	vst v61;
	v35 =	vld.idx.msk [tilespmem:v60+s3+$0x0], $0xffff  }
0x35d: {  	s9 =	simm.s32 $0x80;
	v27 =	vor.u32 $0x8, v31;
	v28 =	vor.u32 $0xB, v31;
	s26 =	sor.u32 s5, s17;
	s12 =	sadd.s32 s12, s29;
	[tilespmem:s21+$0x0] =	vst v19;
	v19 =	vor.u32 $0xC, v31;
	v31 =	vld.idx.msk [tilespmem:v59+s3+$0x0], $0xffff  }
0x35e: {  	v36 =	vor.u32 $0x8, v1;
	s1 =	simm.s32 $0x6;
	s29 =	sor.u32 s13, s15;
	[tilespmem:s26+$0x0] =	vst v62;
	s12 =	sshrl.u32 s12, $0x3;
	v32 =	vld.idx.msk [tilespmem:v63+s3+$0x0], $0xffff  }
0x35f: {  	v33 =	vor.u32 $0xD, v0;
	s17 =	sor.u32 s13, s20;
	s15 =	sor.u32 s18, s4;
	v38 =	vld.idx.msk [tilespmem:v41+s3+$0x0], $0xffff;
	[tilespmem:s29+$0x0] =	vst v40;
	s12 =	sadd.s32 s25, s12  }
.LBB2_9:
0x360: {  	s1 =	sadd.s32 $0x2, s1;
	s4 =	sor.u32 s31, s28;
	[tilespmem:s15+$0x0] =	vst v34;
	s20 =	sadd.s32 $0xBA00, s24;
	v34 =	vld.idx.msk [tilespmem:v13+s3+$0x0], $0xffff;
	v13 =	vmov v16;
	v16 =	vmov v28  }
0x361: {  	s21 =	sadd.s32 $0xBC80, s16;
	s15 =	sshll.u32 s1, $0x4;
	[tilespmem:s4+$0x0] =	vst v37;
	v28 =	vld.idx.msk [tilespmem:v22+s3+$0x0], $0xffff;
	s4 =	sor.u32 s19, s20;
	v22 =	vmov v30  }
0x362: {  	s26 =	sand.u32 $0x60, s9;
	s15 =	sand.u32 $0x3FFFFF80, s15;
	v30 =	vld.idx.msk [tilespmem:v39+s3+$0x0], $0xffff;
	[tilespmem:s4+$0x0] =	vst v35;
	s4 =	sor.u32 s14, s21  }
0x363: {  	s28 =	sor.u32 s5, s28;
	s25 =	sadd.s32 $0x4680, s15;
	s15 =	sor.u32 $0x10, s26;
	v35 =	vld.idx.msk [tilespmem:v36+s3+$0x0], $0xffff;
	[tilespmem:s4+$0x0] =	vst v32  }
0x364: {  	s29 =	sor.u32 s18, s20;
	v32 =	vor.u32 $0x4, v2;
	s4 =	sor.u32 s26, s25;
	s25 =	sor.u32 s15, s25;
	v33 =	vld.idx.msk [tilespmem:v33+s3+$0x0], $0xffff;
	[tilespmem:s2+$0x0] =	vst v31  }
0x365: {  	p0 =	slt.u32 s1, $0x66;
	s20 =	sor.u32 s13, s21;
	v36 =	vor.u32 $0x9, v1;
	v31 =	vld [tilespmem:s25+$0x0];
	[tilespmem:s28+$0x0] =	vst v38  }
0x366: {  	s2 =	sadd.s32 $0xB800, s22;
	v37 =	vld [tilespmem:s4+$0x0];
	[tilespmem:s17+$0x0] =	vst v34;
	v34 =	vor.u32 $0xE, v0  }
0x367: {  	s4 =	sor.u32 s5, s2;
	s2 =	sor.u32 s31, s2;
	s17 =	sadd.s32 $0xBA80, s24;
	v38 =	vld.idx.msk [tilespmem:v29+s3+$0x0], $0xffff;
	[tilespmem:s29+$0x0] =	vst v28  }
0x368: {  	s21 =	sadd.s32 $0xBD00, s16;
	[tilespmem:s2+$0x0] =	vst v30;
	v28 =	vld.idx.msk [tilespmem:v20+s3+$0x0], $0xffff;
	s2 =	sor.u32 s18, s17;
	s17 =	sor.u32 s19, s17;
	v20 =	vmov v27  }
0x369: {  	s28 =	sor.u32 s13, s21;
	v32 =	vld.idx.msk [tilespmem:v32+s3+$0x0], $0xffff;
	[tilespmem:s17+$0x0] =	vst v35;
	s17 =	sor.u32 s14, s21  }
0x36a: {  	v31 =	vshll.u32 v31, $0x4;
	v35 =	vld.idx.msk [tilespmem:v36+s3+$0x0], $0xffff;
	[tilespmem:s17+$0x0] =	vst v33  }
0x36b: {  	v36 =	vshll.u32 v37, $0x4;
	v37 =	vor.u32 $0x5, v2;
	v34 =	vld.idx.msk [tilespmem:v34+s3+$0x0], $0xffff  }
0x36c: {  	v40 =	vor.u32 $0xA, v1;
	v39 =	vor.u32 $0x1, v36;
	v33 =	vor.u32 $0x2, v36;
	v41 =	vld.idx.msk [tilespmem:v11+s3+$0x0], $0xffff;
	v11 =	vmovc v14;
	v14 =	vmovc v19  }
0x36d: {  	v29 =	vor.u32 $0x3, v36;
	v19 =	vor.u32 $0x4, v36;
	[tilespmem:s4+$0x0] =	vst v38;
	s4 =	sadd.s32 $0xB880, s22;
	v38 =	vor.u32 $0xF, v0;
	v42 =	vld.idx.msk [tilespmem:v6+s3+$0x0], $0xffff;
	v0 =	vmovc v1;
	v1 =	vmovc v2  }
0x36e: {  	v43 =	vor.u32 $0x5, v36;
	v44 =	vor.u32 $0x6, v36;
	v30 =	vor.u32 $0x7, v36;
	v2 =	vmovc v31;
	v45 =	vld.idx.msk [tilespmem:v26+s3+$0x0], $0xffff;
	s21 =	sor.u32 s5, s4;
	s4 =	sor.u32 s31, s4;
	[tilespmem:s2+$0x0] =	vst v28;
	s2 =	sadd.s32 $0xBB00, s24;
	v26 =	vmovc v19  }
0x36f: {  	v27 =	vor.u32 $0x8, v36;
	v46 =	vor.u32 $0x9, v36;
	v47 =	vor.u32 $0xA, v36;
	v6 =	vmovc v3;
	v3 =	vmovc v5;
	v31 =	vld.idx.msk [tilespmem:v31+s3+$0x0], $0xffff;
	[tilespmem:s4+$0x0] =	vst v32;
	s17 =	sor.u32 s18, s2;
	s2 =	sor.u32 s19, s2;
	s4 =	sadd.s32 $0xBD80, s16  }
0x370: {  	v5 =	vmovc v9;
	v28 =	vor.u32 $0xB, v36;
	v19 =	vor.u32 $0xC, v36;
	v32 =	vor.u32 $0xD, v36;
	v37 =	vld.idx.msk [tilespmem:v37+s3+$0x0], $0xffff;
	[tilespmem:s2+$0x0] =	vst v35;
	s2 =	sor.u32 s13, s4;
	s4 =	sor.u32 s14, s4  }
0x371: {  	s25 =	sshll.u32 s1, $0x8;
	v48 =	vor.u32 $0xE, v36;
	v9 =	vor.u32 $0xF, v36;
	v35 =	vor.u32 $0x1, v2;
	v40 =	vld.idx.msk [tilespmem:v40+s3+$0x0], $0xffff;
	[tilespmem:s4+$0x0] =	vst v34  }
0x372: {  	s4 =	sand.u32 $0x3FFFF800, s25;
	v34 =	vor.u32 $0x6, v1;
	[tilespmem:s20+$0x0] =	vst v41;
	v38 =	vld.idx.msk [tilespmem:v38+s3+$0x0], $0xffff  }
0x373: {  	s20 =	sadd.s32 $0xB680, s4;
	v41 =	vor.u32 $0xB, v0;
	v36 =	vld.idx.msk [tilespmem:v36+s3+$0x0], $0xffff;
	[tilespmem:s23+$0x0] =	vst v42  }
0x374: {  	s25 =	sor.u32 s26, s20;
	s20 =	sor.u32 s15, s20;
	[tilespmem:s21+$0x0] =	vst v45;
	s21 =	sadd.s32 $0xB900, s22;
	v42 =	vld.idx.msk [tilespmem:v18+s3+$0x0], $0xffff;
	v18 =	vmov v23;
	v23 =	vmov v46  }
0x375: {  	[tilespmem:s20+$0x0] =	vst v31;
	v31 =	vld.idx.msk [tilespmem:v25+s3+$0x0], $0xffff;
	s29 =	sor.u32 s5, s21;
	s20 =	sor.u32 s31, s21;
	s21 =	sadd.s32 $0xBB80, s24;
	v25 =	vmov v43  }
0x376: {  	s16 =	sadd.s32 $0xBE00, s16;
	v35 =	vld.idx.msk [tilespmem:v35+s3+$0x0], $0xffff;
	[tilespmem:s20+$0x0] =	vst v37;
	s20 =	sor.u32 s18, s21;
	s21 =	sor.u32 s19, s21  }
0x377: {  	s14 =	sor.u32 s14, s16;
	s23 =	sor.u32 s13, s16;
	s13 =	smov.u32 s18;
	v43 =	vld.idx.msk [tilespmem:v34+s3+$0x0], $0xffff;
	[tilespmem:s21+$0x0] =	vst v40  }
0x378: {  	v37 =	vor.u32 $0x2, v2;
	s18 =	smov.u32 s5;
	s5 =	smov.u32 s26;
	v40 =	vld.idx.msk [tilespmem:v41+s3+$0x0], $0xffff;
	[tilespmem:s14+$0x0] =	vst v38;
	s14 =	smov.u32 s19  }
0x379: {  	s16 =	smov.u32 s24;
	s19 =	smov.u32 s31;
	s31 =	smov.u32 s15;
	[tilespmem:s25+$0x0] =	vst v36;
	v36 =	vor.u32 $0x7, v1;
	v38 =	vld.idx.msk [tilespmem:v8+s3+$0x0], $0xffff;
	v8 =	vmovc v10;
	v10 =	vmov v15;
	v15 =	vmov v32  }
0x37a: {  	s24 =	smov.u32 s22;
	s22 =	smov.u32 s4;
	s15 =	sadd.s32 $0xB700, s4;
	v32 =	vor.u32 $0xC, v0;
	v41 =	vld.idx.msk [tilespmem:v39+s3+$0x0], $0xffff;
	[tilespmem:s17+$0x0] =	vst v42  }
0x37b: {  	s4 =	sor.u32 s5, s15;
	s15 =	sor.u32 s31, s15;
	s17 =	sadd.s32 $0xB980, s24;
	[tilespmem:s29+$0x0] =	vst v31;
	v42 =	vld.idx.msk [tilespmem:v17+s3+$0x0], $0xffff;
	v17 =	vmov v21;
	v21 =	vmov v47  }
0x37c: {  	s21 =	sadd.s32 $0xBC00, s16;
	[tilespmem:s15+$0x0] =	vst v35;
	v34 =	vld.idx.msk [tilespmem:v24+s3+$0x0], $0xffff;
	s15 =	sor.u32 s18, s17;
	s17 =	sor.u32 s19, s17;
	v24 =	vmov v44  }
.Ltmp3:
0x37d: {  	v37 =	vld.idx.msk [tilespmem:v37+s3+$0x0], $0xffff;
	[tilespmem:s17+$0x0] =	vst v43;
	s17 =	sor.u32 s13, s21;
	s21 =	sor.u32 s14, s21;
	(pc) =	sbr.rel @p0 .LBB2_9-.Ltmp3, $4  }
0x37e: {  	v35 =	vld.idx.msk [tilespmem:v36+s3+$0x0], $0xffff;
	[tilespmem:s21+$0x0] =	vst v40  }
0x37f: {  	v39 =	vor.u32 $0x3, v2;
	v32 =	vld.idx.msk [tilespmem:v32+s3+$0x0], $0xffff;
	[tilespmem:s28+$0x0] =	vst v38  }
0x380: {  	v36 =	vor.u32 $0x8, v1;
	[tilespmem:s4+$0x0] =	vst v41;
	v31 =	vld.idx.msk [tilespmem:v4+s3+$0x0], $0xffff;
	v4 =	vmovc v7;
	v7 =	vmov v12;
	v12 =	vmov v48  }
0x381: {  	s9 =	sadd.s32 $0x20, s9;
	s28 =	sadd.s32 $0xB780, s22;
	v38 =	vld.idx.msk [tilespmem:v33+s3+$0x0], $0xffff;
	[tilespmem:s20+$0x0] =	vst v42;
	v33 =	vor.u32 $0xD, v0  }
0x382: {  	_ =	sdelay $0x1  }
0x383: {  	s1 =	sor.u32 s31, s28  }
0x384: {  	s21 =	sor.u32 s5, s28;
	[tilespmem:s1+$0x0] =	vst v37  }
0x385: {  	v37 =	vld.idx.msk [tilespmem:v39+s3+$0x0], $0xffff;
	[tilespmem:s21+$0x0] =	vst v38  }
0x386: {  	v59 =	vor.u32 $0x4, v2;
	v29 =	vld.idx.msk [tilespmem:v29+s3+$0x0], $0xffff;
	_ =	sdelay $0x1  }
0x387: {  	s25 =	sadd.s32 $0xB800, s22  }
0x388: {  	s4 =	sor.u32 s31, s25  }
0x389: {  	s1 =	sor.u32 s5, s25;
	[tilespmem:s4+$0x0] =	vst v37  }
0x38a: {  	v37 =	vld.idx.msk [tilespmem:v59+s3+$0x0], $0xffff;
	[tilespmem:s1+$0x0] =	vst v29  }
0x38b: {  	v60 =	vor.u32 $0x5, v2;
	v26 =	vld.idx.msk [tilespmem:v26+s3+$0x0], $0xffff;
	_ =	sdelay $0x1  }
0x38c: {  	s26 =	sadd.s32 $0xB880, s22  }
0x38d: {  	s28 =	sor.u32 s31, s26  }
0x38e: {  	s1 =	sor.u32 s5, s26;
	[tilespmem:s28+$0x0] =	vst v37  }
0x38f: {  	v29 =	vld.idx.msk [tilespmem:v60+s3+$0x0], $0xffff;
	[tilespmem:s1+$0x0] =	vst v26  }
0x390: {  	v61 =	vor.u32 $0x6, v2;
	v25 =	vld.idx.msk [tilespmem:v25+s3+$0x0], $0xffff;
	_ =	sdelay $0x1  }
0x391: {  	s29 =	sadd.s32 $0xB900, s22  }
0x392: {  	s0 =	sor.u32 s31, s29  }
0x393: {  	s1 =	sor.u32 s5, s29;
	[tilespmem:s0+$0x0] =	vst v29  }
0x394: {  	v26 =	vld.idx.msk [tilespmem:v61+s3+$0x0], $0xffff;
	[tilespmem:s1+$0x0] =	vst v25  }
0x395: {  	v62 =	vor.u32 $0x7, v2;
	v24 =	vld.idx.msk [tilespmem:v24+s3+$0x0], $0xffff;
	_ =	sdelay $0x1  }
0x396: {  	s4 =	sadd.s32 $0xB980, s22  }
0x397: {  	[tilespmem:s15+$0x0] =	vst v34;
	s9 =	sor.u32 s31, s4  }
0x398: {  	v22 =	vld.idx.msk [tilespmem:v22+s3+$0x0], $0xffff;
	s1 =	sor.u32 s5, s4;
	[tilespmem:s9+$0x0] =	vst v26  }
0x399: {  	s15 =	sadd.s32 $0xBA00, s24;
	v25 =	vld.idx.msk [tilespmem:v62+s3+$0x0], $0xffff;
	[tilespmem:s1+$0x0] =	vst v24  }
0x39a: {  	v63 =	vor.u32 $0x8, v2;
	s20 =	sor.u32 s19, s15;
	v34 =	vld.idx.msk [tilespmem:v30+s3+$0x0], $0xffff  }
0x39b: {  	[tilespmem:s20+$0x0] =	vst v35  }
0x39c: {  	v35 =	vld.idx.msk [tilespmem:v36+s3+$0x0], $0xffff;
	s21 =	sadd.s32 $0xBA00, s22;
	s1 =	sor.u32 s18, s15  }
0x39d: {  	v36 =	vor.u32 $0x9, v1;
	s25 =	sor.u32 s31, s21;
	[tilespmem:s1+$0x0] =	vst v22  }
0x39e: {  	s26 =	sor.u32 s5, s21;
	v20 =	vld.idx.msk [tilespmem:v20+s3+$0x0], $0xffff;
	[tilespmem:s25+$0x0] =	vst v25  }
0x39f: {  	s28 =	sadd.s32 $0xBA80, s24;
	v24 =	vld.idx.msk [tilespmem:v63+s3+$0x0], $0xffff;
	[tilespmem:s26+$0x0] =	vst v34  }
0x3a0: {  	v37 =	vor.u32 $0x9, v2;
	s29 =	sor.u32 s19, s28;
	v26 =	vld.idx.msk [tilespmem:v27+s3+$0x0], $0xffff  }
0x3a1: {  	[tilespmem:s29+$0x0] =	vst v35  }
0x3a2: {  	s0 =	sadd.s32 $0xBA80, s22;
	s1 =	sor.u32 s18, s28;
	v22 =	vld.idx.msk [tilespmem:v36+s3+$0x0], $0xffff  }
0x3a3: {  	v38 =	vor.u32 $0xA, v1;
	s9 =	sor.u32 s31, s0;
	[tilespmem:s1+$0x0] =	vst v20  }
0x3a4: {  	s4 =	sor.u32 s5, s0;
	v18 =	vld.idx.msk [tilespmem:v18+s3+$0x0], $0xffff;
	[tilespmem:s9+$0x0] =	vst v24  }
0x3a5: {  	s15 =	sadd.s32 $0xBB00, s24;
	v24 =	vld.idx.msk [tilespmem:v37+s3+$0x0], $0xffff;
	[tilespmem:s4+$0x0] =	vst v26  }
0x3a6: {  	v39 =	vor.u32 $0xA, v2;
	s20 =	sor.u32 s19, s15;
	v23 =	vld.idx.msk [tilespmem:v23+s3+$0x0], $0xffff  }
0x3a7: {  	[tilespmem:s20+$0x0] =	vst v22  }
0x3a8: {  	s21 =	sadd.s32 $0xBB00, s22;
	s1 =	sor.u32 s18, s15;
	v20 =	vld.idx.msk [tilespmem:v38+s3+$0x0], $0xffff  }
0x3a9: {  	v40 =	vor.u32 $0xB, v1;
	s25 =	sor.u32 s31, s21;
	[tilespmem:s1+$0x0] =	vst v18  }
0x3aa: {  	s4 =	sor.u32 s5, s21;
	v17 =	vld.idx.msk [tilespmem:v17+s3+$0x0], $0xffff;
	[tilespmem:s25+$0x0] =	vst v24  }
0x3ab: {  	s9 =	sadd.s32 $0xBB80, s24;
	v41 =	vld.idx.msk [tilespmem:v39+s3+$0x0], $0xffff;
	[tilespmem:s4+$0x0] =	vst v23  }
0x3ac: {  	v42 =	vor.u32 $0xB, v2;
	s28 =	sor.u32 s19, s9;
	v21 =	vld.idx.msk [tilespmem:v21+s3+$0x0], $0xffff  }
0x3ad: {  	v13 =	vld.idx.msk [tilespmem:v13+s3+$0x0], $0xffff;
	[tilespmem:s28+$0x0] =	vst v20  }
0x3ae: {  	[tilespmem:s2+$0x0] =	vst v31;
	s29 =	sadd.s32 $0xBB80, s22;
	s9 =	sor.u32 s18, s9;
	v18 =	vld.idx.msk [tilespmem:v40+s3+$0x0], $0xffff  }
0x3af: {  	v43 =	vor.u32 $0xC, v1;
	v6 =	vld.idx.msk [tilespmem:v6+s3+$0x0], $0xffff;
	s0 =	sor.u32 s31, s29;
	[tilespmem:s9+$0x0] =	vst v17  }
0x3b0: {  	s4 =	sor.u32 s5, s29;
	v16 =	vld.idx.msk [tilespmem:v16+s3+$0x0], $0xffff;
	[tilespmem:s0+$0x0] =	vst v41  }
0x3b1: {  	s15 =	sadd.s32 $0xBC00, s24;
	v44 =	vld.idx.msk [tilespmem:v42+s3+$0x0], $0xffff;
	[tilespmem:s4+$0x0] =	vst v21  }
0x3b2: {  	v45 =	vor.u32 $0xC, v2;
	[tilespmem:s17+$0x0] =	vst v13;
	s20 =	sor.u32 s19, s15;
	v46 =	vld.idx.msk [tilespmem:v28+s3+$0x0], $0xffff  }
0x3b3: {  	v11 =	vld.idx.msk [tilespmem:v11+s3+$0x0], $0xffff;
	[tilespmem:s20+$0x0] =	vst v18  }
0x3b4: {  	[tilespmem:s23+$0x0] =	vst v6;
	s2 =	sor.u32 s18, s15;
	s21 =	sadd.s32 $0xBC00, s22;
	v17 =	vld.idx.msk [tilespmem:v43+s3+$0x0], $0xffff  }
0x3b5: {  	v49 =	vor.u32 $0xD, v1;
	s25 =	sor.u32 s31, s21;
	[tilespmem:s2+$0x0] =	vst v16  }
0x3b6: {  	s1 =	sadd.s32 $0xBC80, s16;
	s4 =	sor.u32 s5, s21;
	v14 =	vld.idx.msk [tilespmem:v14+s3+$0x0], $0xffff;
	[tilespmem:s25+$0x0] =	vst v44  }
0x3b7: {  	s26 =	sor.u32 s14, s1;
	s1 =	sor.u32 s13, s1;
	s29 =	sadd.s32 $0xBC80, s24;
	v50 =	vld.idx.msk [tilespmem:v45+s3+$0x0], $0xffff;
	[tilespmem:s4+$0x0] =	vst v46  }
0x3b8: {  	v51 =	vor.u32 $0xD, v2;
	[tilespmem:s1+$0x0] =	vst v11;
	s0 =	sor.u32 s19, s29;
	v19 =	vld.idx.msk [tilespmem:v19+s3+$0x0], $0xffff  }
0x3b9: {  	v8 =	vld.idx.msk [tilespmem:v8+s3+$0x0], $0xffff;
	[tilespmem:s0+$0x0] =	vst v17  }
0x3ba: {  	[tilespmem:s26+$0x0] =	vst v32;
	s9 =	sadd.s32 $0xBC80, s22;
	v52 =	vld.idx.msk [tilespmem:v49+s3+$0x0], $0xffff;
	s4 =	sor.u32 s18, s29  }
0x3bb: {  	v53 =	vor.u32 $0xE, v1;
	v47 =	vld.idx.msk [tilespmem:v33+s3+$0x0], $0xffff;
	s15 =	sor.u32 s31, s9;
	[tilespmem:s4+$0x0] =	vst v14  }
0x3bc: {  	v48 =	vor.u32 $0xE, v0;
	s26 =	sadd.s32 $0xBD00, s16;
	s4 =	sor.u32 s5, s9;
	v10 =	vld.idx.msk [tilespmem:v10+s3+$0x0], $0xffff;
	[tilespmem:s15+$0x0] =	vst v50  }
0x3bd: {  	s21 =	sadd.s32 $0xBD00, s24;
	s2 =	sor.u32 s13, s26;
	v54 =	vld.idx.msk [tilespmem:v51+s3+$0x0], $0xffff;
	[tilespmem:s4+$0x0] =	vst v19  }
0x3be: {  	v55 =	vor.u32 $0xE, v2;
	[tilespmem:s2+$0x0] =	vst v8;
	s25 =	sor.u32 s19, s21;
	v15 =	vld.idx.msk [tilespmem:v15+s3+$0x0], $0xffff  }
0x3bf: {  	s28 =	sor.u32 s14, s26;
	v4 =	vld.idx.msk [tilespmem:v4+s3+$0x0], $0xffff;
	[tilespmem:s25+$0x0] =	vst v52  }
0x3c0: {  	[tilespmem:s28+$0x0] =	vst v47;
	s26 =	sadd.s32 $0xBD00, s22;
	v57 =	vld.idx.msk [tilespmem:v53+s3+$0x0], $0xffff;
	s4 =	sor.u32 s18, s21  }
0x3c1: {  	v58 =	vor.u32 $0xF, v1;
	v13 =	vld.idx.msk [tilespmem:v48+s3+$0x0], $0xffff;
	s28 =	sor.u32 s31, s26;
	[tilespmem:s4+$0x0] =	vst v10  }
0x3c2: {  	v56 =	vor.u32 $0xF, v0;
	s17 =	sadd.s32 $0xBD80, s16;
	s2 =	sor.u32 s5, s26;
	v7 =	vld.idx.msk [tilespmem:v7+s3+$0x0], $0xffff;
	[tilespmem:s28+$0x0] =	vst v54  }
0x3c3: {  	s1 =	sor.u32 s13, s17;
	s29 =	sadd.s32 $0xBD80, s24;
	v59 =	vld.idx.msk [tilespmem:v55+s3+$0x0], $0xffff;
	[tilespmem:s2+$0x0] =	vst v15  }
0x3c4: {  	v60 =	vor.u32 $0xF, v2;
	s0 =	sor.u32 s19, s29;
	[tilespmem:s1+$0x0] =	vst v4;
	v61 =	vld.idx.msk [tilespmem:v12+s3+$0x0], $0xffff  }
0x3c5: {  	s10 =	sadd.s32 $0x1, s10;
	s20 =	sor.u32 s14, s17;
	v3 =	vld.idx.msk [tilespmem:v3+s3+$0x0], $0xffff;
	[tilespmem:s0+$0x0] =	vst v57;
	s4 =	sadd.s32 $0x3, s11  }
0x3c6: {  	[tilespmem:s20+$0x0] =	vst v13;
	s9 =	sadd.s32 $0xBD80, s22;
	v1 =	vld.idx.msk [tilespmem:v58+s3+$0x0], $0xffff;
	p0 =	seq.s32 s4, $0x19;
	s2 =	sor.u32 s18, s29  }
0x3c7: {  	s23 =	sadd.s32 $0xBE00, s22;
	v0 =	vld.idx.msk [tilespmem:v56+s3+$0x0], $0xffff;
	s11 =	sor.u32 s31, s9;
	s4 =	simm.s32 @p0 $0x0;
	[tilespmem:s2+$0x0] =	vst v7  }
0x3c8: {  	s1 =	sor.u32 s5, s9;
	s15 =	sadd.s32 $0xBE00, s16;
	s4 =	sadd.s32 s6, s4;
	v62 =	vld.idx.msk [tilespmem:v5+s3+$0x0], $0xffff;
	[tilespmem:s11+$0x0] =	vst v59  }
0x3c9: {  	s20 =	sadd.s32 $0xBE00, s24;
	s16 =	sor.u32 s13, s15;
	s17 =	sshll.u32 s4, $0xA;
	v2 =	vld.idx.msk [tilespmem:v60+s3+$0x0], $0xffff;
	[tilespmem:s1+$0x0] =	vst v61  }
0x3ca: {  	s21 =	sor.u32 s19, s20;
	[tilespmem:s16+$0x0] =	vst v3;
	s4 =	sshll.u32 s4, $0x7;
	s1 =	sand.u32 $0xE000, s17;
	v63 =	vld.idx.msk [tilespmem:v9+s3+$0x0], $0xffff  }
0x3cb: {  	s4 =	sand.u32 $0x380, s4;
	[tilespmem:s21+$0x0] =	vst v1;
	s2 =	sor.u32 s14, s15;
	s1 =	sadd.s32 s7, s1  }
0x3cc: {  	s26 =	simm.s32 $0x4680;
	[tilespmem:s2+$0x0] =	vst v0;
	s2 =	sor.u32 s18, s20;
	s1 =	sor.u32 s4, s1  }
0x3cd: {  	s24 =	sor.u32 s31, s23;
	p0 =	sne.s32 s10, $0xC;
	[tilespmem:s2+$0x0] =	vst v62;
	s1 =	sor.u32 s8, s1  }
.Ltmp4:
0x3ce: {  	s4 =	sor.u32 s5, s23;
	[tilespmem:s24+$0x0] =	vst v2;
	s1 =	sshrl.u32 s1, $0x3;
	(pc) =	sbr.rel @p0 .LBB2_6-.Ltmp4, $4  }
0x3cf: {  	s25 =	simm.s32 $0xE000;
	s0 =	simm.s32 $0x80;
	s1 =	sadd.s32 s30, s1;
	[tilespmem:s4+$0x0] =	vst v63  }
0x3d0: {  	[tilespmem:s26], [sflag:$0x3] =	stream.strided.gather [hbm4b:s1+s0], $0x680, s25, s0, $0x38;
	[tilespmem:$0x11E80] =	vst v63  }
0x3d1: {  	s31 =	simm.s32 $0xB680;
	s28 =	simm.s32 $0x400;
	s29 =	simm.s32 $0x2000  }
0x3d2: {  	[hbm4b:s12+s28] =	stream.strided.scatter [tilespmem:s31], [sflag:$0x5], $0x6800, s29, s28, $0x38;
	[tilespmem:$0x11E80] =	vst v63  }
0x3d3: {  	s0 =	simm.s32 $0x4  }
0x3d4: {  	_ =	swait.ge [sflag:s0], $0x6800  }
0x3d5: {  	s1 =	simm.s32 $0x0;
	[sflag:s0] =	ssyncset.done $0x0  }
0x3d6: {  	s2 =	simm.s32 $0x0;
	s19 =	simm.s32 $0x2;
	[sflag:s0] =	ssyncadd.s32 $0xFFFF9800  }
0x3d7: {  	s22 =	sand.u32 $0x60, s1;
	s20 =	sand.u32 $0x3FFFFF80, s2;
	_ =	swait.ge [sflag:s19], $0x680  }
0x3d8: {  	s1 =	sadd.s32 $0x3E80, s20;
	s23 =	sor.u32 $0x10, s22;
	[sflag:s19] =	ssyncset.done $0x0  }
0x3d9: {  	s21 =	sor.u32 s23, s1;
	[sflag:s19] =	ssyncadd.s32 $0xFFFFF980  }
0x3da: {  	v0 =	vld [tilespmem:s21+$0x0];
	_ =	sdelay $0x4  }
0x3db: {  	v4 =	vshll.u32 v0, $0x4;
	_ =	sdelay $0x1  }
0x3dc: {  	s1 =	sor.u32 s22, s1  }
0x3dd: {  	v0 =	vld [tilespmem:s1+$0x0];
	_ =	sdelay $0x1  }
0x3de: {  	v1 =	vld.idx.msk [tilespmem:v4+s3+$0x0], $0xffff  }
0x3df: {  	s24 =	simm.s32 $0x0;
	v2 =	vor.u32 $0x1, v4  }
0x3e0: {  	s2 =	sand.u32 $0x3FFFF800, s24  }
0x3e1: {  	s1 =	sadd.s32 $0x4E80, s2;
	v3 =	vshll.u32 v0, $0x4  }
0x3e2: {  	s4 =	sor.u32 s23, s1  }
0x3e3: {  	[tilespmem:s4+$0x0] =	vst v1  }
0x3e4: {  	v0 =	vld.idx.msk [tilespmem:v2+s3+$0x0], $0xffff  }
0x3e5: {  	v1 =	vor.u32 $0x2, v4  }
0x3e6: {  	v2 =	vld.idx.msk [tilespmem:v3+s3+$0x0], $0xffff  }
0x3e7: {  	s25 =	sadd.s32 $0x4F00, s2;
	v5 =	vor.u32 $0x1, v3  }
0x3e8: {  	s5 =	sor.u32 s23, s25  }
0x3e9: {  	[tilespmem:s5+$0x0] =	vst v0  }
0x3ea: {  	s1 =	sor.u32 s22, s1;
	v0 =	vld.idx.msk [tilespmem:v1+s3+$0x0], $0xffff  }
0x3eb: {  	[tilespmem:s1+$0x0] =	vst v2;
	v1 =	vor.u32 $0x3, v4  }
0x3ec: {  	v2 =	vld.idx.msk [tilespmem:v5+s3+$0x0], $0xffff  }
0x3ed: {  	s28 =	simm.s32 $0x20;
	s9 =	simm.s32 $0x20;
	s26 =	sadd.s32 $0x4F80, s2;
	v5 =	vor.u32 $0x2, v3  }
0x3ee: {  	s10 =	sand.u32 $0x60, s28;
	s29 =	sand.u32 $0x3FFFFF80, s9;
	s11 =	sor.u32 s23, s26  }
0x3ef: {  	s5 =	sadd.s32 $0x3E80, s29;
	[tilespmem:s11+$0x0] =	vst v0;
	s11 =	sor.u32 $0x10, s10  }
0x3f0: {  	s4 =	sor.u32 s22, s25;
	v0 =	vld.idx.msk [tilespmem:v1+s3+$0x0], $0xffff;
	s31 =	sor.u32 s11, s5  }
0x3f1: {  	[tilespmem:s4+$0x0] =	vst v2;
	v1 =	vor.u32 $0x4, v4;
	v2 =	vld [tilespmem:s31+$0x0]  }
0x3f2: {  	v5 =	vld.idx.msk [tilespmem:v5+s3+$0x0], $0xffff  }
0x3f3: {  	s0 =	sadd.s32 $0x5000, s2;
	v6 =	vor.u32 $0x3, v3  }
0x3f4: {  	s12 =	sor.u32 s23, s0;
	s5 =	sor.u32 s10, s5  }
0x3f5: {  	v7 =	vld [tilespmem:s5+$0x0];
	[tilespmem:s12+$0x0] =	vst v0  }
0x3f6: {  	s1 =	sor.u32 s22, s26;
	v1 =	vld.idx.msk [tilespmem:v1+s3+$0x0], $0xffff;
	v0 =	vshll.u32 v2, $0x4  }
0x3f7: {  	[tilespmem:s1+$0x0] =	vst v5;
	v2 =	vor.u32 $0x5, v4  }
0x3f8: {  	v6 =	vld.idx.msk [tilespmem:v6+s3+$0x0], $0xffff  }
0x3f9: {  	s13 =	sadd.s32 $0x5080, s2;
	v8 =	vor.u32 $0x4, v3  }
0x3fa: {  	s14 =	sor.u32 s23, s13  }
0x3fb: {  	v5 =	vshll.u32 v7, $0x4;
	v7 =	vld.idx.msk [tilespmem:v0+s3+$0x0], $0xffff;
	[tilespmem:s14+$0x0] =	vst v1  }
0x3fc: {  	s15 =	simm.s32 $0x200;
	s4 =	sor.u32 s22, s0;
	v1 =	vld.idx.msk [tilespmem:v2+s3+$0x0], $0xffff;
	v2 =	vor.u32 $0x1, v0  }
0x3fd: {  	s12 =	sand.u32 $0x3FFFF800, s15;
	[tilespmem:s4+$0x0] =	vst v6;
	v6 =	vor.u32 $0x6, v4  }
0x3fe: {  	s16 =	sadd.s32 $0x4E80, s12;
	v8 =	vld.idx.msk [tilespmem:v8+s3+$0x0], $0xffff  }
0x3ff: {  	s18 =	sadd.s32 $0x5100, s2;
	v9 =	vor.u32 $0x5, v3;
	s17 =	sor.u32 s11, s16  }
0x400: {  	s19 =	sor.u32 s23, s18;
	v10 =	vld.idx.msk [tilespmem:v5+s3+$0x0], $0xffff;
	[tilespmem:s17+$0x0] =	vst v7  }
0x401: {  	v7 =	vor.u32 $0x1, v5;
	v2 =	vld.idx.msk [tilespmem:v2+s3+$0x0], $0xffff;
	[tilespmem:s19+$0x0] =	vst v1  }
0x402: {  	s1 =	sor.u32 s22, s13;
	v1 =	vld.idx.msk [tilespmem:v6+s3+$0x0], $0xffff;
	v6 =	vor.u32 $0x2, v0  }
0x403: {  	[tilespmem:s1+$0x0] =	vst v8;
	v8 =	vor.u32 $0x7, v4  }
0x404: {  	s21 =	sadd.s32 $0x4F00, s12;
	s20 =	sor.u32 s10, s16;
	v9 =	vld.idx.msk [tilespmem:v9+s3+$0x0], $0xffff  }
0x405: {  	v11 =	vor.u32 $0x6, v3;
	s25 =	sadd.s32 $0x5180, s2;
	s24 =	sor.u32 s11, s21;
	[tilespmem:s20+$0x0] =	vst v10  }
0x406: {  	s26 =	sor.u32 s23, s25;
	v7 =	vld.idx.msk [tilespmem:v7+s3+$0x0], $0xffff;
	[tilespmem:s24+$0x0] =	vst v2  }
0x407: {  	v2 =	vor.u32 $0x2, v5;
	v6 =	vld.idx.msk [tilespmem:v6+s3+$0x0], $0xffff;
	[tilespmem:s26+$0x0] =	vst v1  }
0x408: {  	s28 =	sor.u32 s22, s18;
	v1 =	vld.idx.msk [tilespmem:v8+s3+$0x0], $0xffff;
	v8 =	vor.u32 $0x3, v0  }
0x409: {  	[tilespmem:s28+$0x0] =	vst v9;
	v9 =	vor.u32 $0x8, v4  }
0x40a: {  	s0 =	simm.s32 $0x40;
	s31 =	sadd.s32 $0x4F80, s12;
	s29 =	sor.u32 s10, s21;
	v10 =	vld.idx.msk [tilespmem:v11+s3+$0x0], $0xffff  }
0x40b: {  	s15 =	sadd.s32 $0x5200, s2;
	s13 =	sor.u32 s11, s31;
	s14 =	simm.s32 $0x40;
	v11 =	vor.u32 $0x7, v3;
	[tilespmem:s29+$0x0] =	vst v7  }
0x40c: {  	s16 =	sor.u32 s23, s15;
	s17 =	sand.u32 $0x3FFFFF80, s14;
	v2 =	vld.idx.msk [tilespmem:v2+s3+$0x0], $0xffff;
	[tilespmem:s13+$0x0] =	vst v6;
	s13 =	sand.u32 $0x60, s0  }
0x40d: {  	s18 =	sadd.s32 $0x3E80, s17;
	v6 =	vor.u32 $0x3, v5;
	v7 =	vld.idx.msk [tilespmem:v8+s3+$0x0], $0xffff;
	[tilespmem:s16+$0x0] =	vst v1;
	s14 =	sor.u32 $0x10, s13  }
0x40e: {  	s5 =	sor.u32 s22, s25;
	v1 =	vld.idx.msk [tilespmem:v9+s3+$0x0], $0xffff;
	s9 =	sor.u32 s14, s18  }
0x40f: {  	[tilespmem:s5+$0x0] =	vst v10;
	v8 =	vor.u32 $0x4, v0;
	v9 =	vld [tilespmem:s9+$0x0]  }
0x410: {  	s4 =	sor.u32 s10, s31;
	s1 =	sor.u32 s13, s18;
	v10 =	vld.idx.msk [tilespmem:v11+s3+$0x0], $0xffff;
	v11 =	vor.u32 $0x9, v4  }
0x411: {  	s19 =	sadd.s32 $0x5000, s12;
	[tilespmem:s4+$0x0] =	vst v2;
	v2 =	vld [tilespmem:s1+$0x0]  }
0x412: {  	v12 =	vor.u32 $0x8, v3;
	s21 =	sadd.s32 $0x5280, s2;
	s20 =	sor.u32 s11, s19;
	v6 =	vld.idx.msk [tilespmem:v6+s3+$0x0], $0xffff  }
0x413: {  	v13 =	vor.u32 $0x4, v5;
	s24 =	sor.u32 s23, s21;
	[tilespmem:s20+$0x0] =	vst v7  }
0x414: {  	v7 =	vld.idx.msk [tilespmem:v8+s3+$0x0], $0xffff;
	[tilespmem:s24+$0x0] =	vst v1;
	v1 =	vshll.u32 v9, $0x4  }
0x415: {  	s25 =	sor.u32 s22, s15;
	v8 =	vld.idx.msk [tilespmem:v11+s3+$0x0], $0xffff;
	v11 =	vor.u32 $0x5, v0  }
0x416: {  	s1 =	sor.u32 s10, s19;
	[tilespmem:s25+$0x0] =	vst v10;
	v10 =	vor.u32 $0xA, v4  }
0x417: {  	s26 =	sadd.s32 $0x5080, s12;
	v12 =	vld.idx.msk [tilespmem:v12+s3+$0x0], $0xffff;
	v9 =	vshll.u32 v2, $0x4;
	[tilespmem:s1+$0x0] =	vst v6  }
0x418: {  	s28 =	sor.u32 s11, s26;
	s29 =	sadd.s32 $0x5300, s2;
	v2 =	vor.u32 $0x9, v3;
	v6 =	vld.idx.msk [tilespmem:v13+s3+$0x0], $0xffff  }
0x419: {  	s31 =	sor.u32 s23, s29;
	v13 =	vor.u32 $0x5, v5;
	[tilespmem:s28+$0x0] =	vst v7;
	v14 =	vld.idx.msk [tilespmem:v1+s3+$0x0], $0xffff  }
0x41a: {  	s0 =	simm.s32 $0x400;
	v7 =	vld.idx.msk [tilespmem:v11+s3+$0x0], $0xffff;
	[tilespmem:s31+$0x0] =	vst v8;
	v8 =	vor.u32 $0x1, v1  }
0x41b: {  	s5 =	sor.u32 s22, s21;
	s16 =	sand.u32 $0x3FFFF800, s0;
	v11 =	vor.u32 $0x6, v0;
	v10 =	vld.idx.msk [tilespmem:v10+s3+$0x0], $0xffff  }
0x41c: {  	v15 =	vor.u32 $0xB, v4;
	s4 =	sadd.s32 $0x4E80, s16;
	s1 =	sor.u32 s10, s26;
	[tilespmem:s5+$0x0] =	vst v12;
	v12 =	vld.idx.msk [tilespmem:v9+s3+$0x0], $0xffff  }
0x41d: {  	s17 =	sadd.s32 $0x5100, s12;
	s15 =	sor.u32 s14, s4;
	v16 =	vor.u32 $0x1, v9;
	v2 =	vld.idx.msk [tilespmem:v2+s3+$0x0], $0xffff;
	[tilespmem:s1+$0x0] =	vst v6  }
0x41e: {  	s18 =	sor.u32 s11, s17;
	s19 =	sadd.s32 $0x5380, s2;
	v6 =	vor.u32 $0xA, v3;
	v13 =	vld.idx.msk [tilespmem:v13+s3+$0x0], $0xffff;
	[tilespmem:s15+$0x0] =	vst v14  }
0x41f: {  	s20 =	sor.u32 s23, s19;
	v14 =	vor.u32 $0x6, v5;
	[tilespmem:s18+$0x0] =	vst v7;
	v8 =	vld.idx.msk [tilespmem:v8+s3+$0x0], $0xffff  }
0x420: {  	s4 =	sor.u32 s13, s4;
	v7 =	vld.idx.msk [tilespmem:v11+s3+$0x0], $0xffff;
	[tilespmem:s20+$0x0] =	vst v10;
	v10 =	vor.u32 $0x2, v1  }
0x421: {  	s21 =	sor.u32 s22, s29;
	[tilespmem:s4+$0x0] =	vst v12;
	v12 =	vor.u32 $0x7, v0;
	v11 =	vld.idx.msk [tilespmem:v15+s3+$0x0], $0xffff  }
0x422: {  	s24 =	sadd.s32 $0x4F00, s16;
	s1 =	sor.u32 s10, s17;
	[tilespmem:s21+$0x0] =	vst v2;
	v2 =	vor.u32 $0xC, v4;
	v15 =	vld.idx.msk [tilespmem:v16+s3+$0x0], $0xffff  }
0x423: {  	s25 =	sor.u32 s14, s24;
	s26 =	sadd.s32 $0x5180, s12;
	v16 =	vor.u32 $0x2, v9;
	v6 =	vld.idx.msk [tilespmem:v6+s3+$0x0], $0xffff;
	[tilespmem:s1+$0x0] =	vst v13  }
0x424: {  	s9 =	sadd.s32 $0x5400, s2;
	s28 =	sor.u32 s11, s26;
	v13 =	vor.u32 $0xB, v3;
	[tilespmem:s25+$0x0] =	vst v8;
	v8 =	vld.idx.msk [tilespmem:v14+s3+$0x0], $0xffff  }
0x425: {  	s29 =	sor.u32 s23, s9;
	v14 =	vor.u32 $0x7, v5;
	[tilespmem:s28+$0x0] =	vst v7;
	v10 =	vld.idx.msk [tilespmem:v10+s3+$0x0], $0xffff  }
0x426: {  	s4 =	sor.u32 s13, s24;
	v7 =	vld.idx.msk [tilespmem:v12+s3+$0x0], $0xffff;
	[tilespmem:s29+$0x0] =	vst v11;
	v11 =	vor.u32 $0x3, v1  }
0x427: {  	s31 =	sor.u32 s22, s19;
	[tilespmem:s4+$0x0] =	vst v15;
	v12 =	vor.u32 $0x8, v0;
	v2 =	vld.idx.msk [tilespmem:v2+s3+$0x0], $0xffff  }
0x428: {  	s0 =	sadd.s32 $0x4F80, s16;
	s17 =	simm.s32 $0x60;
	s1 =	sor.u32 s10, s26;
	v15 =	vld.idx.msk [tilespmem:v16+s3+$0x0], $0xffff;
	[tilespmem:s31+$0x0] =	vst v6  }
0x429: {  	s20 =	simm.s32 $0x60;
	s21 =	sor.u32 s14, s0;
	s24 =	sadd.s32 $0x5200, s12;
	v6 =	vor.u32 $0xD, v4;
	[tilespmem:s1+$0x0] =	vst v8;
	v8 =	vld.idx.msk [tilespmem:v13+s3+$0x0], $0xffff  }
0x42a: {  	s17 =	sand.u32 $0x3FFFFF80, s17;
	s18 =	sor.u32 s11, s24;
	s5 =	sand.u32 $0x60, s20;
	[tilespmem:s21+$0x0] =	vst v10;
	v10 =	vld.idx.msk [tilespmem:v14+s3+$0x0], $0xffff  }
0x42b: {  	s15 =	sadd.s32 $0x5480, s2;
	s17 =	sadd.s32 $0x3E80, s17;
	v13 =	vor.u32 $0x3, v9;
	[tilespmem:s18+$0x0] =	vst v7;
	s18 =	sor.u32 $0x10, s5;
	v11 =	vld.idx.msk [tilespmem:v11+s3+$0x0], $0xffff  }
0x42c: {  	s19 =	sor.u32 s23, s15;
	v7 =	vor.u32 $0x8, v5;
	v12 =	vld.idx.msk [tilespmem:v12+s3+$0x0], $0xffff;
	s20 =	sor.u32 s18, s17  }
0x42d: {  	[tilespmem:s19+$0x0] =	vst v2;
	v2 =	vor.u32 $0x4, v1;
	v14 =	vld [tilespmem:s20+$0x0]  }
0x42e: {  	s4 =	sor.u32 s13, s0;
	v16 =	vor.u32 $0x9, v0;
	s17 =	sor.u32 s5, s17;
	v6 =	vld.idx.msk [tilespmem:v6+s3+$0x0], $0xffff  }
0x42f: {  	v18 =	vor.u32 $0xC, v3;
	s25 =	sadd.s32 $0x5000, s16;
	s1 =	sor.u32 s10, s24;
	[tilespmem:s4+$0x0] =	vst v15;
	v15 =	vld [tilespmem:s17+$0x0]  }
0x430: {  	s28 =	sadd.s32 $0x5280, s12;
	s26 =	sor.u32 s14, s25;
	v13 =	vld.idx.msk [tilespmem:v13+s3+$0x0], $0xffff;
	[tilespmem:s1+$0x0] =	vst v10  }
0x431: {  	v17 =	vor.u32 $0xE, v4;
	s29 =	sor.u32 s11, s28;
	[tilespmem:s26+$0x0] =	vst v11;
	v7 =	vld.idx.msk [tilespmem:v7+s3+$0x0], $0xffff  }
0x432: {  	s9 =	sor.u32 s22, s9;
	v10 =	vor.u32 $0x4, v9;
	[tilespmem:s29+$0x0] =	vst v12;
	v11 =	vld.idx.msk [tilespmem:v2+s3+$0x0], $0xffff  }
0x433: {  	[tilespmem:s9+$0x0] =	vst v8;
	s1 =	sadd.s32 $0x5500, s2;
	v2 =	vshll.u32 v14, $0x4;
	v12 =	vld.idx.msk [tilespmem:v16+s3+$0x0], $0xffff  }
0x434: {  	s31 =	sor.u32 s23, s1;
	v16 =	vld.idx.msk [tilespmem:v18+s3+$0x0], $0xffff;
	v31 =	vshll.u32 v15, $0x4  }
0x435: {  	s4 =	sor.u32 s13, s25;
	[tilespmem:s31+$0x0] =	vst v6;
	v6 =	vor.u32 $0x5, v1  }
0x436: {  	s0 =	sadd.s32 $0x5080, s16;
	s19 =	sor.u32 s10, s28;
	v14 =	vor.u32 $0xA, v0;
	v8 =	vld.idx.msk [tilespmem:v17+s3+$0x0], $0xffff;
	[tilespmem:s4+$0x0] =	vst v13  }
0x437: {  	v20 =	vor.u32 $0xD, v3;
	s21 =	sor.u32 s14, s0;
	v10 =	vld.idx.msk [tilespmem:v10+s3+$0x0], $0xffff;
	[tilespmem:s19+$0x0] =	vst v7  }
0x438: {  	s15 =	sor.u32 s22, s15;
	v4 =	vor.u32 $0xF, v4;
	s20 =	sadd.s32 $0x5300, s12;
	v15 =	vld.idx.msk [tilespmem:v2+s3+$0x0], $0xffff;
	[tilespmem:s21+$0x0] =	vst v11  }
0x439: {  	s24 =	sor.u32 s11, s20;
	s9 =	sadd.s32 $0x5580, s2;
	v13 =	vor.u32 $0x9, v5;
	s21 =	simm.s32 $0x600;
	[tilespmem:s15+$0x0] =	vst v16;
	v16 =	vld.idx.msk [tilespmem:v31+s3+$0x0], $0xffff  }
0x43a: {  	s25 =	sor.u32 s23, s9;
	v11 =	vor.u32 $0x5, v9;
	[tilespmem:s24+$0x0] =	vst v12;
	v17 =	vld.idx.msk [tilespmem:v6+s3+$0x0], $0xffff;
	s19 =	sand.u32 $0x3FFFF800, s21  }
0x43b: {  	s4 =	sor.u32 s13, s0;
	v12 =	vor.u32 $0x1, v2;
	v14 =	vld.idx.msk [tilespmem:v14+s3+$0x0], $0xffff;
	[tilespmem:s25+$0x0] =	vst v8;
	s21 =	sadd.s32 $0x4E80, s19  }
0x43c: {  	v7 =	vor.u32 $0x6, v1;
	v36 =	vld.idx.msk [tilespmem:v20+s3+$0x0], $0xffff;
	s26 =	sor.u32 s18, s21;
	[tilespmem:s4+$0x0] =	vst v10  }
0x43d: {  	v33 =	vor.u32 $0xE, v3;
	v19 =	vor.u32 $0xB, v0;
	v24 =	vor.u32 $0xA, v5;
	s28 =	sadd.s32 $0x5100, s16;
	v18 =	vld.idx.msk [tilespmem:v4+s3+$0x0], $0xffff;
	s21 =	sor.u32 s5, s21;
	[tilespmem:s26+$0x0] =	vst v15  }
0x43e: {  	v39 =	vor.u32 $0xC, v0;
	v32 =	vor.u32 $0x7, v1;
	s29 =	sor.u32 s14, s28;
	s31 =	sadd.s32 $0x5380, s12;
	v23 =	vor.u32 $0x1, v31;
	v10 =	vld.idx.msk [tilespmem:v13+s3+$0x0], $0xffff;
	[tilespmem:s21+$0x0] =	vst v16  }
0x43f: {  	v25 =	vor.u32 $0x6, v9;
	v22 =	vor.u32 $0x7, v9;
	v21 =	vor.u32 $0x8, v9;
	s24 =	sor.u32 s11, s31;
	v15 =	vld.idx.msk [tilespmem:v11+s3+$0x0], $0xffff;
	[tilespmem:s29+$0x0] =	vst v17  }
0x440: {  	s1 =	sor.u32 s22, s1;
	v28 =	vor.u32 $0x2, v2;
	v41 =	vor.u32 $0x2, v31;
	v29 =	vor.u32 $0x3, v31;
	s0 =	sadd.s32 $0x5600, s2;
	v12 =	vld.idx.msk [tilespmem:v12+s3+$0x0], $0xffff;
	[tilespmem:s24+$0x0] =	vst v14  }
0x441: {  	v26 =	vor.u32 $0x4, v31;
	v30 =	vor.u32 $0x7, v31;
	s2 =	sor.u32 s23, s0;
	v6 =	vor.u32 $0xF, v3;
	[tilespmem:s1+$0x0] =	vst v36;
	v27 =	vld.idx.msk [tilespmem:v7+s3+$0x0], $0xffff  }
0x442: {  	s20 =	sor.u32 s10, s20;
	v8 =	vor.u32 $0xD, v5;
	v3 =	vor.u32 $0xF, v5;
	v20 =	vor.u32 $0xA, v31;
	v19 =	vld.idx.msk [tilespmem:v19+s3+$0x0], $0xffff;
	[tilespmem:s2+$0x0] =	vst v18  }
0x443: {  	v4 =	vor.u32 $0xE, v5;
	v13 =	vor.u32 $0xB, v5;
	s4 =	sor.u32 s13, s28;
	v11 =	vor.u32 $0xC, v5;
	s21 =	sadd.s32 $0x4F00, s19;
	v38 =	vld.idx.msk [tilespmem:v23+s3+$0x0], $0xffff;
	[tilespmem:s20+$0x0] =	vst v10  }
0x444: {  	v16 =	vor.u32 $0xB, v9;
	v5 =	vor.u32 $0xF, v9;
	v17 =	vor.u32 $0xA, v9;
	s23 =	sor.u32 s18, s21;
	s24 =	sadd.s32 $0x5180, s16;
	v40 =	vld.idx.msk [tilespmem:v24+s3+$0x0], $0xffff;
	[tilespmem:s4+$0x0] =	vst v15  }
0x445: {  	s26 =	sadd.s32 $0x5400, s12;
	v14 =	vor.u32 $0xC, v9;
	v23 =	vor.u32 $0x9, v31;
	v36 =	vor.u32 $0x8, v1;
	s25 =	sor.u32 s14, s24;
	[tilespmem:s23+$0x0] =	vst v12;
	v35 =	vld.idx.msk [tilespmem:v25+s3+$0x0], $0xffff  }
0x446: {  	s28 =	sor.u32 s11, s26;
	v18 =	vor.u32 $0x9, v9;
	v7 =	vor.u32 $0xE, v9;
	v10 =	vor.u32 $0xD, v9;
	v37 =	vld.idx.msk [tilespmem:v28+s3+$0x0], $0xffff;
	[tilespmem:s25+$0x0] =	vst v27  }
0x447: {  	v9 =	vor.u32 $0xF, v31;
	v24 =	vor.u32 $0x6, v31;
	v15 =	vor.u32 $0xD, v31;
	[tilespmem:s28+$0x0] =	vst v19;
	v34 =	vld.idx.msk [tilespmem:v32+s3+$0x0], $0xffff  }
0x448: {  	s31 =	sor.u32 s10, s31;
	s29 =	sor.u32 s5, s21;
	s1 =	simm.s32 $0x80;
	v25 =	vor.u32 $0x5, v31;
	v12 =	vor.u32 $0xE, v31;
	v32 =	vld.idx.msk [tilespmem:v39+s3+$0x0], $0xffff;
	v39 =	vor.u32 $0x3, v2  }
0x449: {  	s2 =	sor.u32 s22, s9;
	s22 =	sor.u32 s22, s0;
	s15 =	sor.u32 s13, s24;
	[tilespmem:s29+$0x0] =	vst v38;
	v27 =	vor.u32 $0x8, v31;
	v28 =	vor.u32 $0xB, v31;
	v19 =	vor.u32 $0xC, v31;
	v31 =	vld.idx.msk [tilespmem:v33+s3+$0x0], $0xffff  }
0x44a: {  	s9 =	sor.u32 s10, s26;
	s24 =	sadd.s32 $0x4F80, s19;
	s23 =	simm.s32 $0x6;
	v38 =	vld.idx.msk [tilespmem:v41+s3+$0x0], $0xffff;
	v33 =	vor.u32 $0xD, v0;
	[tilespmem:s31+$0x0] =	vst v40  }
.LBB2_12:
0x44b: {  	s23 =	sadd.s32 $0x2, s23;
	s4 =	sor.u32 s18, s24;
	[tilespmem:s15+$0x0] =	vst v35;
	s20 =	sadd.s32 $0x5200, s16;
	v35 =	vld.idx.msk [tilespmem:v13+s3+$0x0], $0xffff;
	v13 =	vmov v16;
	v16 =	vmov v28  }
0x44c: {  	s21 =	sadd.s32 $0x5480, s12;
	s15 =	sshll.u32 s23, $0x4;
	[tilespmem:s4+$0x0] =	vst v37;
	v28 =	vld.idx.msk [tilespmem:v22+s3+$0x0], $0xffff;
	s4 =	sor.u32 s14, s20;
	v22 =	vmov v30  }
0x44d: {  	s17 =	sand.u32 $0x60, s1;
	s15 =	sand.u32 $0x3FFFFF80, s15;
	v30 =	vld.idx.msk [tilespmem:v39+s3+$0x0], $0xffff;
	[tilespmem:s4+$0x0] =	vst v34;
	s4 =	sor.u32 s11, s21  }
0x44e: {  	s24 =	sor.u32 s5, s24;
	s25 =	sadd.s32 $0x3E80, s15;
	s15 =	sor.u32 $0x10, s17;
	v34 =	vld.idx.msk [tilespmem:v36+s3+$0x0], $0xffff;
	[tilespmem:s4+$0x0] =	vst v32  }
0x44f: {  	s26 =	sor.u32 s13, s20;
	v32 =	vor.u32 $0x4, v2;
	s4 =	sor.u32 s17, s25;
	s25 =	sor.u32 s15, s25;
	v33 =	vld.idx.msk [tilespmem:v33+s3+$0x0], $0xffff;
	[tilespmem:s2+$0x0] =	vst v31  }
0x450: {  	p0 =	slt.u32 s23, $0x66;
	s20 =	sor.u32 s10, s21;
	v36 =	vor.u32 $0x9, v1;
	v31 =	vld [tilespmem:s25+$0x0];
	[tilespmem:s24+$0x0] =	vst v38  }
0x451: {  	s2 =	sadd.s32 $0x5000, s19;
	v37 =	vld [tilespmem:s4+$0x0];
	[tilespmem:s9+$0x0] =	vst v35;
	v35 =	vor.u32 $0xE, v0  }
0x452: {  	s4 =	sor.u32 s5, s2;
	s2 =	sor.u32 s18, s2;
	s9 =	sadd.s32 $0x5280, s16;
	v38 =	vld.idx.msk [tilespmem:v29+s3+$0x0], $0xffff;
	[tilespmem:s26+$0x0] =	vst v28  }
0x453: {  	s21 =	sadd.s32 $0x5500, s12;
	[tilespmem:s2+$0x0] =	vst v30;
	v28 =	vld.idx.msk [tilespmem:v21+s3+$0x0], $0xffff;
	s2 =	sor.u32 s13, s9;
	s9 =	sor.u32 s14, s9;
	v21 =	vmov v27  }
0x454: {  	s24 =	sor.u32 s10, s21;
	v32 =	vld.idx.msk [tilespmem:v32+s3+$0x0], $0xffff;
	[tilespmem:s9+$0x0] =	vst v34;
	s9 =	sor.u32 s11, s21  }
0x455: {  	v31 =	vshll.u32 v31, $0x4;
	v34 =	vld.idx.msk [tilespmem:v36+s3+$0x0], $0xffff;
	[tilespmem:s9+$0x0] =	vst v33  }
0x456: {  	v36 =	vshll.u32 v37, $0x4;
	v37 =	vor.u32 $0x5, v2;
	v35 =	vld.idx.msk [tilespmem:v35+s3+$0x0], $0xffff  }
0x457: {  	v40 =	vor.u32 $0xA, v1;
	v39 =	vor.u32 $0x1, v36;
	v33 =	vor.u32 $0x2, v36;
	v41 =	vld.idx.msk [tilespmem:v11+s3+$0x0], $0xffff;
	v11 =	vmovc v14;
	v14 =	vmovc v19  }
0x458: {  	v29 =	vor.u32 $0x3, v36;
	v19 =	vor.u32 $0x4, v36;
	[tilespmem:s4+$0x0] =	vst v38;
	s4 =	sadd.s32 $0x5080, s19;
	v38 =	vor.u32 $0xF, v0;
	v42 =	vld.idx.msk [tilespmem:v6+s3+$0x0], $0xffff;
	v0 =	vmovc v1;
	v1 =	vmovc v2  }
0x459: {  	v43 =	vor.u32 $0x5, v36;
	v44 =	vor.u32 $0x6, v36;
	v30 =	vor.u32 $0x7, v36;
	v2 =	vmovc v31;
	v45 =	vld.idx.msk [tilespmem:v26+s3+$0x0], $0xffff;
	s21 =	sor.u32 s5, s4;
	s4 =	sor.u32 s18, s4;
	[tilespmem:s2+$0x0] =	vst v28;
	s2 =	sadd.s32 $0x5300, s16;
	v26 =	vmovc v19  }
0x45a: {  	v27 =	vor.u32 $0x8, v36;
	v46 =	vor.u32 $0x9, v36;
	v47 =	vor.u32 $0xA, v36;
	v6 =	vmovc v3;
	v3 =	vmovc v5;
	v31 =	vld.idx.msk [tilespmem:v31+s3+$0x0], $0xffff;
	[tilespmem:s4+$0x0] =	vst v32;
	s9 =	sor.u32 s13, s2;
	s2 =	sor.u32 s14, s2;
	s4 =	sadd.s32 $0x5580, s12  }
0x45b: {  	v5 =	vmovc v9;
	v28 =	vor.u32 $0xB, v36;
	v19 =	vor.u32 $0xC, v36;
	v32 =	vor.u32 $0xD, v36;
	v37 =	vld.idx.msk [tilespmem:v37+s3+$0x0], $0xffff;
	[tilespmem:s2+$0x0] =	vst v34;
	s2 =	sor.u32 s10, s4;
	s4 =	sor.u32 s11, s4  }
0x45c: {  	s25 =	sshll.u32 s23, $0x8;
	v48 =	vor.u32 $0xE, v36;
	v9 =	vor.u32 $0xF, v36;
	v34 =	vor.u32 $0x1, v2;
	v40 =	vld.idx.msk [tilespmem:v40+s3+$0x0], $0xffff;
	[tilespmem:s4+$0x0] =	vst v35  }
0x45d: {  	s4 =	sand.u32 $0x3FFFF800, s25;
	v35 =	vor.u32 $0x6, v1;
	[tilespmem:s20+$0x0] =	vst v41;
	v38 =	vld.idx.msk [tilespmem:v38+s3+$0x0], $0xffff  }
0x45e: {  	s20 =	sadd.s32 $0x4E80, s4;
	v41 =	vor.u32 $0xB, v0;
	v36 =	vld.idx.msk [tilespmem:v36+s3+$0x0], $0xffff;
	[tilespmem:s22+$0x0] =	vst v42  }
0x45f: {  	s25 =	sor.u32 s17, s20;
	s20 =	sor.u32 s15, s20;
	[tilespmem:s21+$0x0] =	vst v45;
	s21 =	sadd.s32 $0x5100, s19;
	v42 =	vld.idx.msk [tilespmem:v18+s3+$0x0], $0xffff;
	v18 =	vmov v23;
	v23 =	vmov v46  }
0x460: {  	[tilespmem:s20+$0x0] =	vst v31;
	v31 =	vld.idx.msk [tilespmem:v25+s3+$0x0], $0xffff;
	s26 =	sor.u32 s5, s21;
	s20 =	sor.u32 s18, s21;
	s21 =	sadd.s32 $0x5380, s16;
	v25 =	vmov v43  }
0x461: {  	s12 =	sadd.s32 $0x5600, s12;
	v34 =	vld.idx.msk [tilespmem:v34+s3+$0x0], $0xffff;
	[tilespmem:s20+$0x0] =	vst v37;
	s20 =	sor.u32 s13, s21;
	s21 =	sor.u32 s14, s21  }
0x462: {  	s11 =	sor.u32 s11, s12;
	s22 =	sor.u32 s10, s12;
	s10 =	smov.u32 s13;
	v43 =	vld.idx.msk [tilespmem:v35+s3+$0x0], $0xffff;
	[tilespmem:s21+$0x0] =	vst v40  }
0x463: {  	v37 =	vor.u32 $0x2, v2;
	s13 =	smov.u32 s5;
	s5 =	smov.u32 s17;
	v40 =	vld.idx.msk [tilespmem:v41+s3+$0x0], $0xffff;
	[tilespmem:s11+$0x0] =	vst v38;
	s11 =	smov.u32 s14  }
0x464: {  	s12 =	smov.u32 s16;
	s14 =	smov.u32 s18;
	s18 =	smov.u32 s15;
	[tilespmem:s25+$0x0] =	vst v36;
	v36 =	vor.u32 $0x7, v1;
	v38 =	vld.idx.msk [tilespmem:v8+s3+$0x0], $0xffff;
	v8 =	vmovc v10;
	v10 =	vmov v15;
	v15 =	vmov v32  }
0x465: {  	s16 =	smov.u32 s19;
	s19 =	smov.u32 s4;
	s15 =	sadd.s32 $0x4F00, s4;
	v32 =	vor.u32 $0xC, v0;
	v41 =	vld.idx.msk [tilespmem:v39+s3+$0x0], $0xffff;
	[tilespmem:s9+$0x0] =	vst v42  }
0x466: {  	s17 =	sadd.s32 $0x5180, s16;
	s4 =	sor.u32 s5, s15;
	s9 =	sor.u32 s18, s15;
	[tilespmem:s26+$0x0] =	vst v31;
	v42 =	vld.idx.msk [tilespmem:v17+s3+$0x0], $0xffff;
	v17 =	vmov v20;
	v20 =	vmov v47  }
0x467: {  	s15 =	sor.u32 s13, s17;
	[tilespmem:s9+$0x0] =	vst v34;
	v35 =	vld.idx.msk [tilespmem:v24+s3+$0x0], $0xffff;
	s9 =	sor.u32 s14, s17;
	s17 =	sadd.s32 $0x5400, s12;
	v24 =	vmov v44  }
.Ltmp5:
0x468: {  	v37 =	vld.idx.msk [tilespmem:v37+s3+$0x0], $0xffff;
	[tilespmem:s9+$0x0] =	vst v43;
	s9 =	sor.u32 s10, s17;
	s17 =	sor.u32 s11, s17;
	(pc) =	sbr.rel @p0 .LBB2_12-.Ltmp5, $4  }
0x469: {  	v34 =	vld.idx.msk [tilespmem:v36+s3+$0x0], $0xffff;
	[tilespmem:s17+$0x0] =	vst v40  }
0x46a: {  	v39 =	vor.u32 $0x3, v2;
	v32 =	vld.idx.msk [tilespmem:v32+s3+$0x0], $0xffff;
	[tilespmem:s24+$0x0] =	vst v38  }
0x46b: {  	v36 =	vor.u32 $0x8, v1;
	[tilespmem:s4+$0x0] =	vst v41;
	v31 =	vld.idx.msk [tilespmem:v4+s3+$0x0], $0xffff;
	v4 =	vmovc v7;
	v7 =	vmov v12;
	v12 =	vmov v48  }
0x46c: {  	s1 =	sadd.s32 $0x20, s1;
	s24 =	sadd.s32 $0x4F80, s19;
	v38 =	vld.idx.msk [tilespmem:v33+s3+$0x0], $0xffff;
	[tilespmem:s20+$0x0] =	vst v42;
	v33 =	vor.u32 $0xD, v0  }
0x46d: {  	_ =	sdelay $0x1  }
0x46e: {  	s1 =	sor.u32 s18, s24  }
0x46f: {  	s4 =	sor.u32 s5, s24;
	[tilespmem:s1+$0x0] =	vst v37  }
0x470: {  	v37 =	vld.idx.msk [tilespmem:v39+s3+$0x0], $0xffff;
	[tilespmem:s4+$0x0] =	vst v38  }
0x471: {  	v58 =	vor.u32 $0x4, v2;
	v29 =	vld.idx.msk [tilespmem:v29+s3+$0x0], $0xffff;
	_ =	sdelay $0x1  }
0x472: {  	s17 =	sadd.s32 $0x5000, s19  }
0x473: {  	s4 =	sor.u32 s18, s17  }
0x474: {  	s1 =	sor.u32 s5, s17;
	[tilespmem:s4+$0x0] =	vst v37  }
0x475: {  	v37 =	vld.idx.msk [tilespmem:v58+s3+$0x0], $0xffff;
	[tilespmem:s1+$0x0] =	vst v29  }
0x476: {  	v59 =	vor.u32 $0x5, v2;
	v26 =	vld.idx.msk [tilespmem:v26+s3+$0x0], $0xffff;
	_ =	sdelay $0x1  }
0x477: {  	s20 =	sadd.s32 $0x5080, s19  }
0x478: {  	s21 =	sor.u32 s18, s20  }
0x479: {  	s1 =	sor.u32 s5, s20;
	[tilespmem:s21+$0x0] =	vst v37  }
0x47a: {  	v29 =	vld.idx.msk [tilespmem:v59+s3+$0x0], $0xffff;
	[tilespmem:s1+$0x0] =	vst v26  }
0x47b: {  	v60 =	vor.u32 $0x6, v2;
	v25 =	vld.idx.msk [tilespmem:v25+s3+$0x0], $0xffff;
	_ =	sdelay $0x1  }
0x47c: {  	s23 =	sadd.s32 $0x5100, s19  }
0x47d: {  	s24 =	sor.u32 s18, s23  }
0x47e: {  	s1 =	sor.u32 s5, s23;
	[tilespmem:s24+$0x0] =	vst v29  }
0x47f: {  	v26 =	vld.idx.msk [tilespmem:v60+s3+$0x0], $0xffff;
	[tilespmem:s1+$0x0] =	vst v25  }
0x480: {  	v61 =	vor.u32 $0x7, v2;
	v24 =	vld.idx.msk [tilespmem:v24+s3+$0x0], $0xffff;
	_ =	sdelay $0x1  }
0x481: {  	s25 =	sadd.s32 $0x5180, s19  }
0x482: {  	[tilespmem:s15+$0x0] =	vst v35;
	s26 =	sor.u32 s18, s25  }
0x483: {  	v22 =	vld.idx.msk [tilespmem:v22+s3+$0x0], $0xffff;
	s1 =	sor.u32 s5, s25;
	[tilespmem:s26+$0x0] =	vst v26  }
0x484: {  	v25 =	vld.idx.msk [tilespmem:v61+s3+$0x0], $0xffff;
	[tilespmem:s1+$0x0] =	vst v24  }
0x485: {  	s28 =	sadd.s32 $0x5200, s16;
	v62 =	vor.u32 $0x8, v2;
	v63 =	vld.idx.msk [tilespmem:v30+s3+$0x0], $0xffff  }
0x486: {  	s29 =	sor.u32 s14, s28  }
0x487: {  	s31 =	sadd.s32 $0x5200, s19;
	[tilespmem:s29+$0x0] =	vst v34;
	s1 =	sor.u32 s13, s28  }
0x488: {  	s0 =	sor.u32 s18, s31;
	v35 =	vld.idx.msk [tilespmem:v36+s3+$0x0], $0xffff;
	[tilespmem:s1+$0x0] =	vst v22  }
0x489: {  	v36 =	vor.u32 $0x9, v1;
	s4 =	sor.u32 s5, s31;
	v21 =	vld.idx.msk [tilespmem:v21+s3+$0x0], $0xffff;
	[tilespmem:s0+$0x0] =	vst v25  }
0x48a: {  	v24 =	vld.idx.msk [tilespmem:v62+s3+$0x0], $0xffff;
	[tilespmem:s4+$0x0] =	vst v63  }
0x48b: {  	s15 =	sadd.s32 $0x5280, s16;
	v37 =	vor.u32 $0x9, v2;
	v26 =	vld.idx.msk [tilespmem:v27+s3+$0x0], $0xffff  }
0x48c: {  	s17 =	sor.u32 s14, s15  }
0x48d: {  	[tilespmem:s17+$0x0] =	vst v35;
	s20 =	sadd.s32 $0x5280, s19;
	s1 =	sor.u32 s13, s15  }
0x48e: {  	s21 =	sor.u32 s18, s20;
	v22 =	vld.idx.msk [tilespmem:v36+s3+$0x0], $0xffff;
	[tilespmem:s1+$0x0] =	vst v21  }
0x48f: {  	v38 =	vor.u32 $0xA, v1;
	s4 =	sor.u32 s5, s20;
	v18 =	vld.idx.msk [tilespmem:v18+s3+$0x0], $0xffff;
	[tilespmem:s21+$0x0] =	vst v24  }
0x490: {  	v24 =	vld.idx.msk [tilespmem:v37+s3+$0x0], $0xffff;
	[tilespmem:s4+$0x0] =	vst v26  }
0x491: {  	v39 =	vor.u32 $0xA, v2;
	s23 =	sadd.s32 $0x5300, s16;
	v23 =	vld.idx.msk [tilespmem:v23+s3+$0x0], $0xffff  }
0x492: {  	s24 =	sor.u32 s14, s23  }
0x493: {  	s25 =	sadd.s32 $0x5300, s19;
	[tilespmem:s24+$0x0] =	vst v22;
	s1 =	sor.u32 s13, s23  }
0x494: {  	s26 =	sor.u32 s18, s25;
	v21 =	vld.idx.msk [tilespmem:v38+s3+$0x0], $0xffff;
	[tilespmem:s1+$0x0] =	vst v18  }
0x495: {  	v40 =	vor.u32 $0xB, v1;
	s4 =	sor.u32 s5, s25;
	v17 =	vld.idx.msk [tilespmem:v17+s3+$0x0], $0xffff;
	[tilespmem:s26+$0x0] =	vst v24  }
0x496: {  	v41 =	vld.idx.msk [tilespmem:v39+s3+$0x0], $0xffff;
	[tilespmem:s4+$0x0] =	vst v23  }
0x497: {  	v42 =	vor.u32 $0xB, v2;
	s29 =	sadd.s32 $0x5380, s16;
	v20 =	vld.idx.msk [tilespmem:v20+s3+$0x0], $0xffff  }
0x498: {  	v13 =	vld.idx.msk [tilespmem:v13+s3+$0x0], $0xffff;
	[tilespmem:s2+$0x0] =	vst v31;
	s31 =	sor.u32 s14, s29  }
0x499: {  	v6 =	vld.idx.msk [tilespmem:v6+s3+$0x0], $0xffff;
	s15 =	sor.u32 s13, s29;
	s0 =	sadd.s32 $0x5380, s19;
	[tilespmem:s31+$0x0] =	vst v21  }
0x49a: {  	s17 =	sor.u32 s18, s0;
	v18 =	vld.idx.msk [tilespmem:v40+s3+$0x0], $0xffff;
	[tilespmem:s15+$0x0] =	vst v17  }
0x49b: {  	v43 =	vor.u32 $0xC, v1;
	s4 =	sor.u32 s5, s0;
	v16 =	vld.idx.msk [tilespmem:v16+s3+$0x0], $0xffff;
	[tilespmem:s17+$0x0] =	vst v41  }
0x49c: {  	v44 =	vld.idx.msk [tilespmem:v42+s3+$0x0], $0xffff;
	[tilespmem:s4+$0x0] =	vst v20  }
0x49d: {  	v45 =	vor.u32 $0xC, v2;
	[tilespmem:s9+$0x0] =	vst v13;
	s20 =	sadd.s32 $0x5400, s16;
	v46 =	vld.idx.msk [tilespmem:v28+s3+$0x0], $0xffff  }
0x49e: {  	[tilespmem:s22+$0x0] =	vst v6;
	s21 =	sor.u32 s14, s20  }
0x49f: {  	v11 =	vld.idx.msk [tilespmem:v11+s3+$0x0], $0xffff;
	s2 =	sor.u32 s13, s20;
	s23 =	sadd.s32 $0x5400, s19;
	[tilespmem:s21+$0x0] =	vst v18  }
0x4a0: {  	s24 =	sor.u32 s18, s23;
	v17 =	vld.idx.msk [tilespmem:v43+s3+$0x0], $0xffff;
	[tilespmem:s2+$0x0] =	vst v16  }
0x4a1: {  	v49 =	vor.u32 $0xD, v1;
	s1 =	sadd.s32 $0x5480, s12;
	s4 =	sor.u32 s5, s23;
	v14 =	vld.idx.msk [tilespmem:v14+s3+$0x0], $0xffff;
	[tilespmem:s24+$0x0] =	vst v44  }
0x4a2: {  	s28 =	sor.u32 s11, s1;
	v50 =	vld.idx.msk [tilespmem:v45+s3+$0x0], $0xffff;
	[tilespmem:s4+$0x0] =	vst v46  }
0x4a3: {  	v51 =	vor.u32 $0xD, v2;
	s1 =	sor.u32 s10, s1;
	[tilespmem:s28+$0x0] =	vst v32;
	s28 =	sadd.s32 $0x5480, s16;
	v19 =	vld.idx.msk [tilespmem:v19+s3+$0x0], $0xffff  }
0x4a4: {  	[tilespmem:s1+$0x0] =	vst v11;
	v47 =	vld.idx.msk [tilespmem:v33+s3+$0x0], $0xffff;
	s29 =	sor.u32 s14, s28  }
0x4a5: {  	v48 =	vor.u32 $0xE, v0;
	v8 =	vld.idx.msk [tilespmem:v8+s3+$0x0], $0xffff;
	s31 =	sor.u32 s13, s28;
	s0 =	sadd.s32 $0x5480, s19;
	[tilespmem:s29+$0x0] =	vst v17  }
0x4a6: {  	v52 =	vld.idx.msk [tilespmem:v49+s3+$0x0], $0xffff;
	s4 =	sor.u32 s18, s0;
	[tilespmem:s31+$0x0] =	vst v14  }
0x4a7: {  	v53 =	vor.u32 $0xE, v1;
	s25 =	sadd.s32 $0x5500, s12;
	s17 =	sor.u32 s5, s0;
	v10 =	vld.idx.msk [tilespmem:v10+s3+$0x0], $0xffff;
	[tilespmem:s4+$0x0] =	vst v50  }
0x4a8: {  	s26 =	sor.u32 s11, s25;
	v54 =	vld.idx.msk [tilespmem:v51+s3+$0x0], $0xffff;
	[tilespmem:s17+$0x0] =	vst v19  }
0x4a9: {  	v55 =	vor.u32 $0xE, v2;
	s21 =	sor.u32 s10, s25;
	[tilespmem:s26+$0x0] =	vst v47;
	s23 =	sadd.s32 $0x5500, s16;
	v15 =	vld.idx.msk [tilespmem:v15+s3+$0x0], $0xffff  }
0x4aa: {  	[tilespmem:s21+$0x0] =	vst v8;
	v13 =	vld.idx.msk [tilespmem:v48+s3+$0x0], $0xffff;
	s24 =	sor.u32 s14, s23  }
0x4ab: {  	v56 =	vor.u32 $0xF, v0;
	s25 =	sadd.s32 $0x5500, s19;
	v4 =	vld.idx.msk [tilespmem:v4+s3+$0x0], $0xffff;
	s2 =	sor.u32 s13, s23;
	[tilespmem:s24+$0x0] =	vst v52  }
0x4ac: {  	s26 =	sor.u32 s18, s25;
	v57 =	vld.idx.msk [tilespmem:v53+s3+$0x0], $0xffff;
	[tilespmem:s2+$0x0] =	vst v10  }
0x4ad: {  	v58 =	vor.u32 $0xF, v1;
	s15 =	sadd.s32 $0x5580, s12;
	s1 =	sor.u32 s5, s25;
	v7 =	vld.idx.msk [tilespmem:v7+s3+$0x0], $0xffff;
	[tilespmem:s26+$0x0] =	vst v54  }
0x4ae: {  	s20 =	sor.u32 s11, s15;
	v59 =	vld.idx.msk [tilespmem:v55+s3+$0x0], $0xffff;
	[tilespmem:s1+$0x0] =	vst v15  }
0x4af: {  	v60 =	vor.u32 $0xF, v2;
	s28 =	sor.u32 s10, s15;
	s29 =	sadd.s32 $0x5580, s16;
	[tilespmem:s20+$0x0] =	vst v13;
	v61 =	vld.idx.msk [tilespmem:v12+s3+$0x0], $0xffff  }
0x4b0: {  	[tilespmem:s28+$0x0] =	vst v4;
	v0 =	vld.idx.msk [tilespmem:v56+s3+$0x0], $0xffff;
	s31 =	sor.u32 s14, s29  }
0x4b1: {  	v3 =	vld.idx.msk [tilespmem:v3+s3+$0x0], $0xffff;
	s0 =	sadd.s32 $0x5580, s19;
	[tilespmem:s31+$0x0] =	vst v57;
	s2 =	sor.u32 s13, s29  }
0x4b2: {  	s4 =	sor.u32 s18, s0;
	v1 =	vld.idx.msk [tilespmem:v58+s3+$0x0], $0xffff;
	[tilespmem:s2+$0x0] =	vst v7  }
0x4b3: {  	s9 =	sadd.s32 $0x5600, s12;
	s1 =	sor.u32 s5, s0;
	v62 =	vld.idx.msk [tilespmem:v5+s3+$0x0], $0xffff;
	[tilespmem:s4+$0x0] =	vst v59  }
0x4b4: {  	s12 =	sor.u32 s11, s9;
	v2 =	vld.idx.msk [tilespmem:v60+s3+$0x0], $0xffff;
	[tilespmem:s1+$0x0] =	vst v61  }
0x4b5: {  	s15 =	sor.u32 s10, s9;
	s16 =	sadd.s32 $0x5600, s16;
	[tilespmem:s12+$0x0] =	vst v0;
	v63 =	vld.idx.msk [tilespmem:v9+s3+$0x0], $0xffff  }
0x4b6: {  	[tilespmem:s15+$0x0] =	vst v3;
	s17 =	sor.u32 s14, s16  }
0x4b7: {  	s20 =	sadd.s32 $0x5600, s19;
	[tilespmem:s17+$0x0] =	vst v1;
	s2 =	sor.u32 s13, s16  }
0x4b8: {  	s21 =	sor.u32 s18, s20;
	[tilespmem:s2+$0x0] =	vst v62  }
0x4b9: {  	s1 =	sor.u32 s5, s20;
	[tilespmem:s21+$0x0] =	vst v2  }
0x4ba: {  	s22 =	simm.s32 $0x400;
	s25 =	simm.s32 $0x4;
	[tilespmem:s1+$0x0] =	vst v63  }
0x4bb: {  	s23 =	simm.s32 $0x2000;
	s24 =	simm.s32 $0x4E80;
	s0 =	rddreg [dreg:$0xe]  }
0x4bc: {  	[hbm4b:s0+s22] =	stream.strided.scatter [tilespmem:s24], [sflag:$0x4], $0x6800, s23, s22, $0x38;
	[tilespmem:$0x11E80] =	vst v63  }
0x4bd: {  	_ =	swait.ge [sflag:s25], $0x6800  }
0x4be: {  	[sflag:s25] =	ssyncset.done $0x0  }
0x4bf: {  	s26 =	simm.s32 $0x5;
	[sflag:s25] =	ssyncadd.s32 $0xFFFF9800  }
0x4c0: {  	_ =	swait.ge [sflag:s26], $0x6800  }
0x4c1: {  	[sflag:s26] =	ssyncset.done $0x0  }
0x4c2: {  	s28 =	simm.s32 $0x3;
	[sflag:s26] =	ssyncadd.s32 $0xFFFF9800  }
0x4c3: {  	_ =	swait.ge [sflag:s28], $0x680  }
0x4c4: {  	s29 =	rddreg [dreg:$0x10]  }
0x4c5: {  	s31 =	rddreg [dreg:$0xf];
	s2 =	sadd.s32 $0x1, s29  }
0x4c6: {  	p0 =	sne.s32 s2, s31  }
.Ltmp6:
0x4c7: {  	_ = 	snop;
	(pc) =	sbr.rel @p0 .LBB2_1-.Ltmp6, $3  }
0x4c8: {  	_ =	sdelay $0x1  }
0x4c9: {  	[sflag:s28] =	ssyncset.done $0x0  }
0x4ca: {  	[sflag:s28] =	ssyncadd.s32 $0xFFFFF980  }
0x4cb: {  	_ =	sfence.sel $0x180000  }
0x4cc: {  	[bflag:$0x0] =	sbarrier.arrive $0xFFFF  }
0x4cd: {  	_ =	strace $0x90000047  }
0x4ce: {  	s0 =	stileid.u32;
	[bflag:$0x2] =	sbarrier.arrive $0xFFFF  }
0x4cf: {  	p0 =	sne.s32 s0, $0x0;
	s0 =	rddreg [dreg:$0x3]  }
0x4d0: {  	s0 =	sadd.s32 @!p0 $0x100000, s0  }
0x4d1: {  	[sflag:s0] =	ssyncadd.tile.s32 @!p0 $0x1;
	_ =	shalt  }
.Lfunc_end2:
_tile_overlayer_lowered:
.L_overlay_start_2:
0x4d2: {  	(tag) =	ssettag $0x2  }
0x4d3: {  	s0 =	rddreg [dreg:$0x0];
	s2 =	stileid.u32  }
0x4d4: {  	s1 =	rddreg [dreg:$0x1];
	p0 =	sne.s32 s2, $0x0  }
0x4d5: {  	s3 =	rddreg [dreg:$0x2];
	[bflag:$0x3] =	sbarrier.arrive $0xFFFF;
	s2 =	simm.s32 @!p0 $0x1C06  }
0x4d6: {  	[timem:s3], [sflag:s2] =	dma.local @!p0 [hbm:s0], s1  }
0x4d7: {  	s0 =	simm.s32 @!p0 $0x6  }
0x4d8: {  	_ =	swait.ge @!p0 [sflag:s0], s1  }
0x4d9: {  	s1 =	ssub.s32 @!p0 $0x0, s1;
	[sflag:s0] =	ssyncset.done @!p0 $0x0  }
0x4da: {  	[sflag:s0] =	ssyncadd.s32 @!p0 s1  }
0x4db: {  	[bflag:$0x3] =	sbarrier.arrive $0xFFFF  }
0x4dc: {  	_ =	shalt  }

</sc_bundles>
